<compile_context>
chip_gen: v7x
topology: tpu7x:2x2x1
jax: 0.10.2.dev20260603
libtpu: 0.0.44.dev20260713+nightly
codegen_flags: <defaults>
</compile_context>

<pallas_src>
import functools

import jax
import jax.numpy as jnp
from jax import lax
from jax.experimental import pallas as pl
from jax.experimental.pallas import tpu as pltpu
from jax.experimental.pallas import tpu_sc as plsc

VOCAB = 100000
DIM = 32
B = 4096
T = 200

_INFO = plsc.get_sparse_core_info()
NC = _INFO.num_cores
NS = _INFO.num_subcores
NW = NC * NS
LANES = 16

B_PER_W = B // NW
NG = B_PER_W // LANES
TT = T // 8
DH = DIM // 8

_mesh = plsc.VectorSubcoreMesh(core_axis_name="c", subcore_axis_name="s")


@functools.partial(
    pl.kernel,
    mesh=_mesh,
    compiler_params=pltpu.CompilerParams(
        use_tc_tiling_on_sc=False, needs_layout_passes=False
    ),
    out_type=jax.ShapeDtypeStruct((T, DH, NW, 8, B_PER_W), jnp.float32),
    scratch_types=[
        pltpu.VMEM((TT, 8, B_PER_W), jnp.int32),
        pltpu.VMEM((2 * B_PER_W, DIM), jnp.float32),
        pltpu.VMEM((2 * DH, 8, B_PER_W), jnp.float32),
        pltpu.SemaphoreType.DMA,
        pltpu.SemaphoreType.DMA,
    ],
)
def _gather_kernel(idx_hbm, table_hbm, out_hbm, idx_v, grow_v, tbuf_v, gsem, osem):
    wid = lax.axis_index("s") * NC + lax.axis_index("c")

    pltpu.sync_copy(idx_hbm.at[:, wid], idx_v)

    def fire_gather(t, buf):
        pltpu.async_copy(
            table_hbm.at[idx_v.at[t // 8, t % 8]],
            grow_v.at[pl.ds(buf * B_PER_W, B_PER_W)],
            gsem,
        )

    def drain_gather():
        pltpu.make_async_copy(
            table_hbm.at[pl.ds(0, B_PER_W)],
            grow_v.at[pl.ds(0, B_PER_W)],
            gsem,
        ).wait()

    def drain_store():
        pltpu.make_async_copy(
            tbuf_v.at[pl.ds(0, DH)],
            out_hbm.at[0].at[:, 0],
            osem,
        ).wait()

    row_ids = [lax.iota(jnp.int32, LANES) + g * LANES for g in range(NG)]

    fire_gather(0, 0)

    def step(t, carry):
        cur = t % 2

        @pl.when(t >= 2)
        def _():
            drain_store()

        drain_gather()

        @pl.when(t + 1 < T)
        def _():
            fire_gather(t + 1, 1 - cur)

        row_base = cur * B_PER_W
        trow_base = cur * DH
        for d in range(DIM):
            col = jnp.full((LANES,), d, jnp.int32)
            for g in range(NG):
                vals = plsc.load_gather(grow_v, [row_ids[g] + row_base, col])
                tbuf_v[trow_base + d // 8, d % 8, pl.ds(g * LANES, LANES)] = vals

        pltpu.async_copy(
            tbuf_v.at[pl.ds(trow_base, DH)],
            out_hbm.at[t].at[:, wid],
            osem,
        )
        return carry

    lax.fori_loop(0, T, step, 0)
    drain_store()
    drain_store()


def kernel(indices, table):
    idx4 = (
        indices.astype(jnp.int32)
        .T.reshape(TT, 8, NW, B_PER_W)
        .transpose(0, 2, 1, 3)
    )
    out5 = _gather_kernel(idx4, table)
    return out5.transpose(2, 4, 0, 1, 3).reshape(B, T, DIM)

# --- scband reference (transcript-rebuilt; emitter-appended) ---
"""Pipeline reference for scband-trx-encoder-base-25031069401189 (READ-ONLY COPY).

The authoritative reference and input builder live on the scoring server;
editing this copy changes nothing except your own understanding.
"""

import jax, jax.numpy as jnp
import numpy as np

VOCAB = 100000
DIM = 32
B = 4096
T = 200


def setup_inputs(seed: int = 0) -> dict:
    key = jax.random.key(seed)
    k1, k2 = jax.random.split(key)
    indices = jax.random.randint(k1, (B, T), 0, VOCAB)
    table = jax.random.normal(k2, (VOCAB, DIM), dtype=jnp.float32)
    # padding_idx=0 -> row 0 is zeros, as in torch.nn.Embedding(padding_idx=0)
    table = table.at[0].set(0.0)
    return {"indices": indices, "table": table}


def reference(indices, table):
    # get_category_indexes with out_of_index='clip': clip to [0, num_embeddings-1]
    idx = jnp.clip(indices, 0, table.shape[0] - 1)
    # enforce padding row = 0 (torch padding_idx semantics)
    tbl = table.at[0].set(0.0)
    # embedding lookup (gather)
    out = jnp.take(tbl, idx, axis=0)
    return out

if __name__ == "__main__":
    import jax
    _d = setup_inputs()
    print(jax.jit(kernel)(*tuple(_d.values())))

</pallas_src>

<mosaic_0001>
#map = affine_map<(d0, d1) -> (0, 0, 0, 0)>
#map1 = affine_map<(d0, d1) -> (0, 0)>
#map2 = affine_map<(d0, d1) -> (0, 0, 0, 0, 0)>
module attributes {stable_mosaic.version = 14 : i64} {
  func.func @_gather_kernel(%arg0: i32, %arg1: i32, %arg2: memref<25x32x8x128xi32, #tpu.memory_space<hbm>>, %arg3: memref<100000x32xf32, #tpu.memory_space<hbm>>, %arg4: memref<200x4x32x8x128xf32, #tpu.memory_space<hbm>>, %arg5: memref<25x8x128xi32, #tpu.memory_space<vmem>>, %arg6: memref<256x32xf32, #tpu.memory_space<vmem>>, %arg7: memref<8x8x128xf32, #tpu.memory_space<vmem>>, %arg8: memref<!tpu.dma_semaphore, #tpu.memory_space<semaphore_mem>>, %arg9: memref<!tpu.dma_semaphore, #tpu.memory_space<semaphore_mem>>) attributes {dimension_semantics = [#tpu.dimension_semantics<core_parallel>, #tpu.dimension_semantics<subcore_parallel>], iteration_bounds = array<i64: 2, 16>, scalar_prefetch = 0 : i64, scratch_operands = 5 : i64, tpu.core_type = #tpu.core_type<sc_vector_subcore>, window_params = [{transform_indices = #map}, {transform_indices = #map1}, {transform_indices = #map2}]} {
    %mul3A = arith.constant 2 : i32
    %mul3A_0 = arith.muli %arg1, %mul3A : i32
    %add3A = arith.addi %mul3A_0, %arg0 : i32
    "tpu.region"() ({
      %run_scoped3A = tpu.sem_alloc : memref<!tpu.dma_semaphore, #tpu.memory_space<semaphore_mem>>
      %dma_start3A_110 = arith.constant 0 : i32
      %dma_start3A_111 = arith.constant 0 : i32
      %dma_start3A_112 = arith.constant 0 : i32
      %dma_start3A_113 = tpu.memref_slice %arg2[%dma_start3A_110, %add3A, %dma_start3A_111, %dma_start3A_112] : memref<25x32x8x128xi32, #tpu.memory_space<hbm>> -> memref<25x1x8x128xi32, #tpu.memory_space<hbm>>
      %dma_start3A_114 = tpu.memref_squeeze %dma_start3A_113 : memref<25x1x8x128xi32, #tpu.memory_space<hbm>> -> memref<25x8x128xi32, #tpu.memory_space<hbm>>
      %dma_start3A_115 = arith.constant 0 : i32
      %dma_start3A_116 = arith.constant 0 : i32
      %dma_start3A_117 = arith.constant 0 : i32
      %dma_start3A_118 = tpu.memref_slice %arg2[%dma_start3A_115, %add3A, %dma_start3A_116, %dma_start3A_117] : memref<25x32x8x128xi32, #tpu.memory_space<hbm>> -> memref<25x1x8x128xi32, #tpu.memory_space<hbm>>
      %dma_start3A_119 = tpu.memref_squeeze %dma_start3A_118 : memref<25x1x8x128xi32, #tpu.memory_space<hbm>> -> memref<25x8x128xi32, #tpu.memory_space<hbm>>
      tpu.enqueue_dma source(%dma_start3A_119 : memref<25x8x128xi32, #tpu.memory_space<hbm>>) target(%arg5 : memref<25x8x128xi32, #tpu.memory_space<vmem>>) target_semaphore(%run_scoped3A : memref<!tpu.dma_semaphore, #tpu.memory_space<semaphore_mem>>)
      %dma_wait3A_120 = arith.constant 0 : i32
      %dma_wait3A_121 = arith.constant 0 : i32
      %dma_wait3A_122 = arith.constant 0 : i32
      %dma_wait3A_123 = tpu.memref_slice %arg2[%dma_wait3A_120, %add3A, %dma_wait3A_121, %dma_wait3A_122] : memref<25x32x8x128xi32, #tpu.memory_space<hbm>> -> memref<25x1x8x128xi32, #tpu.memory_space<hbm>>
      %dma_wait3A_124 = tpu.memref_squeeze %dma_wait3A_123 : memref<25x1x8x128xi32, #tpu.memory_space<hbm>> -> memref<25x8x128xi32, #tpu.memory_space<hbm>>
      %dma_wait3A_125 = arith.constant 0 : i32
      %dma_wait3A_126 = arith.constant 0 : i32
      %dma_wait3A_127 = arith.constant 0 : i32
      %dma_wait3A_128 = tpu.memref_slice %arg2[%dma_wait3A_125, %add3A, %dma_wait3A_126, %dma_wait3A_127] : memref<25x32x8x128xi32, #tpu.memory_space<hbm>> -> memref<25x1x8x128xi32, #tpu.memory_space<hbm>>
      %dma_wait3A_129 = tpu.memref_squeeze %dma_wait3A_128 : memref<25x1x8x128xi32, #tpu.memory_space<hbm>> -> memref<25x8x128xi32, #tpu.memory_space<hbm>>
      tpu.wait_dma2 semaphore(%run_scoped3A : memref<!tpu.dma_semaphore, #tpu.memory_space<semaphore_mem>>) src(%dma_wait3A_129 : memref<25x8x128xi32, #tpu.memory_space<hbm>>) dst(%arg5 : memref<25x8x128xi32, #tpu.memory_space<vmem>>)
      tpu.yield
    }) : () -> ()
    %iota3A = tpu.iota {dimensions = array<i32: 0>} : vector<16xi32>
    %add3A_1 = arith.constant 0 : i32
    %add3A_2 = vector.broadcast %add3A_1 : i32 to vector<16xi32>
    %add3A_3 = arith.addi %iota3A, %add3A_2 : vector<16xi32>
    %iota3A_4 = tpu.iota {dimensions = array<i32: 0>} : vector<16xi32>
    %add3A_5 = arith.constant 16 : i32
    %add3A_6 = vector.broadcast %add3A_5 : i32 to vector<16xi32>
    %add3A_7 = arith.addi %iota3A_4, %add3A_6 : vector<16xi32>
    %iota3A_8 = tpu.iota {dimensions = array<i32: 0>} : vector<16xi32>
    %add3A_9 = arith.constant 32 : i32
    %add3A_10 = vector.broadcast %add3A_9 : i32 to vector<16xi32>
    %add3A_11 = arith.addi %iota3A_8, %add3A_10 : vector<16xi32>
    %iota3A_12 = tpu.iota {dimensions = array<i32: 0>} : vector<16xi32>
    %add3A_13 = arith.constant 48 : i32
    %add3A_14 = vector.broadcast %add3A_13 : i32 to vector<16xi32>
    %add3A_15 = arith.addi %iota3A_12, %add3A_14 : vector<16xi32>
    %iota3A_16 = tpu.iota {dimensions = array<i32: 0>} : vector<16xi32>
    %add3A_17 = arith.constant 64 : i32
    %add3A_18 = vector.broadcast %add3A_17 : i32 to vector<16xi32>
    %add3A_19 = arith.addi %iota3A_16, %add3A_18 : vector<16xi32>
    %iota3A_20 = tpu.iota {dimensions = array<i32: 0>} : vector<16xi32>
    %add3A_21 = arith.constant 80 : i32
    %add3A_22 = vector.broadcast %add3A_21 : i32 to vector<16xi32>
    %add3A_23 = arith.addi %iota3A_20, %add3A_22 : vector<16xi32>
    %iota3A_24 = tpu.iota {dimensions = array<i32: 0>} : vector<16xi32>
    %add3A_25 = arith.constant 96 : i32
    %add3A_26 = vector.broadcast %add3A_25 : i32 to vector<16xi32>
    %add3A_27 = arith.addi %iota3A_24, %add3A_26 : vector<16xi32>
    %iota3A_28 = tpu.iota {dimensions = array<i32: 0>} : vector<16xi32>
    %add3A_29 = arith.constant 112 : i32
    %add3A_30 = vector.broadcast %add3A_29 : i32 to vector<16xi32>
    %add3A_31 = arith.addi %iota3A_28, %add3A_30 : vector<16xi32>
    %dma_start3A = arith.constant 0 : i32
    %dma_start3A_32 = arith.constant 0 : i32
    %dma_start3A_33 = arith.constant 0 : i32
    %dma_start3A_34 = arith.constant 0 : i32
    %dma_start3A_35 = tpu.memref_slice %arg6[%dma_start3A_33, %dma_start3A_34] : memref<256x32xf32, #tpu.memory_space<vmem>> -> memref<128x32xf32, #tpu.memory_space<vmem>>
    %dma_start3A_36 = arith.constant 0 : i32
    %dma_start3A_37 = tpu.memref_slice %arg5[%dma_start3A, %dma_start3A_32, %dma_start3A_36] : memref<25x8x128xi32, #tpu.memory_space<vmem>> -> memref<1x1x128xi32, #tpu.memory_space<vmem>>
    %dma_start3A_38 = tpu.memref_squeeze %dma_start3A_37 : memref<1x1x128xi32, #tpu.memory_space<vmem>> -> memref<128xi32, #tpu.memory_space<vmem>>
    %dma_start3A_39 = arith.constant 0 : i32
    %dma_start3A_40 = arith.constant 0 : i32
    %dma_start3A_41 = tpu.memref_slice %arg3[%dma_start3A_39, %dma_start3A_40] : memref<100000x32xf32, #tpu.memory_space<hbm>> -> memref<100000x32xf32, #tpu.memory_space<hbm>>
    tpu.enqueue_indirect_dma source(%dma_start3A_41 : memref<100000x32xf32, #tpu.memory_space<hbm>>) target(%dma_start3A_35 : memref<128x32xf32, #tpu.memory_space<vmem>>) offsets(%dma_start3A_38 : memref<128xi32, #tpu.memory_space<vmem>>) semaphore(%arg8 : memref<!tpu.dma_semaphore, #tpu.memory_space<semaphore_mem>>)
    %scan3A = arith.constant 0 : i32
    %scan3A_42 = arith.constant 0 : i32
    %scan3A_43 = arith.constant 200 : i32
    %scan3A_44 = arith.addi %scan3A_42, %scan3A_43 : i32
    %scan3A_45 = arith.constant 1 : i32
    scf.for %scan3A_110 = %scan3A_42 to %scan3A_44 step %scan3A_45  : i32 {
      %jit3A = arith.constant 2 : i32
      %eq3A = arith.constant 0 : i32
      %eq3A_111 = arith.cmpi eq, %jit3A, %eq3A : i32
      %jit3A_112 = arith.constant 1 : i32
      %select_n3A = arith.select %eq3A_111, %jit3A_112, %jit3A : i32
      %rem3A = arith.remsi %scan3A_110, %select_n3A : i32
      %ne3A = arith.constant 0 : i32
      %ne3A_113 = arith.cmpi ne, %rem3A, %ne3A : i32
      %lt3A = arith.constant 0 : i32
      %lt3A_114 = arith.cmpi slt, %rem3A, %lt3A : i32
      %lt3A_115 = arith.constant 0 : i32
      %lt3A_116 = arith.cmpi slt, %select_n3A, %lt3A_115 : i32
      %ne3A_117 = arith.xori %lt3A_114, %lt3A_116 : i1
      %and3A = arith.andi %ne3A_117, %ne3A_113 : i1
      %add3A_118 = arith.addi %rem3A, %select_n3A : i32
      %select_n3A_119 = arith.select %and3A, %add3A_118, %rem3A : i32
      %ge3A = arith.constant 2 : i32
      %ge3A_120 = arith.cmpi sge, %scan3A_110, %ge3A : i32
      %convert_element_type3A = arith.extui %ge3A_120 : i1 to i32
      %cond3A = arith.constant 0 : i32
      %cond3A_121 = arith.cmpi ne, %convert_element_type3A, %cond3A : i32
      scf.if %cond3A_121 {
        %dma_wait3A_2794 = arith.constant 0 : i32
        %dma_wait3A_2795 = arith.constant 0 : i32
        %dma_wait3A_2796 = arith.constant 0 : i32
        %dma_wait3A_2797 = arith.constant 0 : i32
        %dma_wait3A_2798 = arith.constant 0 : i32
        %dma_wait3A_2799 = tpu.memref_slice %arg7[%dma_wait3A_2796, %dma_wait3A_2797, %dma_wait3A_2798] : memref<8x8x128xf32, #tpu.memory_space<vmem>> -> memref<4x8x128xf32, #tpu.memory_space<vmem>>
        %dma_wait3A_2800 = arith.constant 0 : i32
        %dma_wait3A_2801 = arith.constant 0 : i32
        %dma_wait3A_2802 = arith.constant 0 : i32
        %dma_wait3A_2803 = arith.constant 0 : i32
        %dma_wait3A_2804 = tpu.memref_slice %arg4[%dma_wait3A_2794, %dma_wait3A_2800, %dma_wait3A_2801, %dma_wait3A_2802, %dma_wait3A_2803] : memref<200x4x32x8x128xf32, #tpu.memory_space<hbm>> -> memref<1x4x32x8x128xf32, #tpu.memory_space<hbm>>
        %dma_wait3A_2805 = tpu.memref_squeeze %dma_wait3A_2804 : memref<1x4x32x8x128xf32, #tpu.memory_space<hbm>> -> memref<4x32x8x128xf32, #tpu.memory_space<hbm>>
        %dma_wait3A_2806 = arith.constant 0 : i32
        %dma_wait3A_2807 = arith.constant 0 : i32
        %dma_wait3A_2808 = arith.constant 0 : i32
        %dma_wait3A_2809 = tpu.memref_slice %dma_wait3A_2805[%dma_wait3A_2806, %dma_wait3A_2795, %dma_wait3A_2807, %dma_wait3A_2808] : memref<4x32x8x128xf32, #tpu.memory_space<hbm>> -> memref<4x1x8x128xf32, #tpu.memory_space<hbm>>
        %dma_wait3A_2810 = tpu.memref_squeeze %dma_wait3A_2809 : memref<4x1x8x128xf32, #tpu.memory_space<hbm>> -> memref<4x8x128xf32, #tpu.memory_space<hbm>>
        %dma_wait3A_2811 = arith.constant 0 : i32
        %dma_wait3A_2812 = arith.constant 0 : i32
        %dma_wait3A_2813 = arith.constant 0 : i32
        %dma_wait3A_2814 = arith.constant 0 : i32
        %dma_wait3A_2815 = tpu.memref_slice %arg4[%dma_wait3A_2794, %dma_wait3A_2811, %dma_wait3A_2812, %dma_wait3A_2813, %dma_wait3A_2814] : memref<200x4x32x8x128xf32, #tpu.memory_space<hbm>> -> memref<1x4x32x8x128xf32, #tpu.memory_space<hbm>>
        %dma_wait3A_2816 = tpu.memref_squeeze %dma_wait3A_2815 : memref<1x4x32x8x128xf32, #tpu.memory_space<hbm>> -> memref<4x32x8x128xf32, #tpu.memory_space<hbm>>
        %dma_wait3A_2817 = arith.constant 0 : i32
        %dma_wait3A_2818 = arith.constant 0 : i32
        %dma_wait3A_2819 = arith.constant 0 : i32
        %dma_wait3A_2820 = tpu.memref_slice %dma_wait3A_2816[%dma_wait3A_2817, %dma_wait3A_2795, %dma_wait3A_2818, %dma_wait3A_2819] : memref<4x32x8x128xf32, #tpu.memory_space<hbm>> -> memref<4x1x8x128xf32, #tpu.memory_space<hbm>>
        %dma_wait3A_2821 = tpu.memref_squeeze %dma_wait3A_2820 : memref<4x1x8x128xf32, #tpu.memory_space<hbm>> -> memref<4x8x128xf32, #tpu.memory_space<hbm>>
        %dma_wait3A_2822 = arith.constant 0 : i32
        %dma_wait3A_2823 = arith.constant 0 : i32
        %dma_wait3A_2824 = arith.constant 0 : i32
        %dma_wait3A_2825 = tpu.memref_slice %arg7[%dma_wait3A_2822, %dma_wait3A_2823, %dma_wait3A_2824] : memref<8x8x128xf32, #tpu.memory_space<vmem>> -> memref<4x8x128xf32, #tpu.memory_space<vmem>>
        tpu.wait_dma2 semaphore(%arg9 : memref<!tpu.dma_semaphore, #tpu.memory_space<semaphore_mem>>) src(%dma_wait3A_2825 : memref<4x8x128xf32, #tpu.memory_space<vmem>>) dst(%dma_wait3A_2821 : memref<4x8x128xf32, #tpu.memory_space<hbm>>)
      } else {
      }
      %dma_wait3A_122 = arith.constant 0 : i32
      %dma_wait3A_123 = arith.constant 0 : i32
      %dma_wait3A_124 = tpu.memref_slice %arg6[%dma_wait3A_122, %dma_wait3A_123] : memref<256x32xf32, #tpu.memory_space<vmem>> -> memref<128x32xf32, #tpu.memory_space<vmem>>
      %dma_wait3A_125 = arith.constant 0 : i32
      %dma_wait3A_126 = arith.constant 0 : i32
      %dma_wait3A_127 = tpu.memref_slice %arg3[%dma_wait3A_125, %dma_wait3A_126] : memref<100000x32xf32, #tpu.memory_space<hbm>> -> memref<128x32xf32, #tpu.memory_space<hbm>>
      %dma_wait3A_128 = arith.constant 0 : i32
      %dma_wait3A_129 = arith.constant 0 : i32
      %dma_wait3A_130 = tpu.memref_slice %arg6[%dma_wait3A_128, %dma_wait3A_129] : memref<256x32xf32, #tpu.memory_space<vmem>> -> memref<128x32xf32, #tpu.memory_space<vmem>>
      %dma_wait3A_131 = arith.constant 0 : i32
      %dma_wait3A_132 = arith.constant 0 : i32
      %dma_wait3A_133 = tpu.memref_slice %arg3[%dma_wait3A_131, %dma_wait3A_132] : memref<100000x32xf32, #tpu.memory_space<hbm>> -> memref<128x32xf32, #tpu.memory_space<hbm>>
      tpu.wait_dma2 semaphore(%arg8 : memref<!tpu.dma_semaphore, #tpu.memory_space<semaphore_mem>>) src(%dma_wait3A_133 : memref<128x32xf32, #tpu.memory_space<hbm>>) dst(%dma_wait3A_130 : memref<128x32xf32, #tpu.memory_space<vmem>>)
      %add3A_134 = arith.constant 1 : i32
      %add3A_135 = arith.addi %scan3A_110, %add3A_134 : i32
      %lt3A_136 = arith.constant 200 : i32
      %lt3A_137 = arith.cmpi slt, %add3A_135, %lt3A_136 : i32
      %convert_element_type3A_138 = arith.extui %lt3A_137 : i1 to i32
      %cond3A_139 = arith.constant 0 : i32
      %cond3A_140 = arith.cmpi ne, %convert_element_type3A_138, %cond3A_139 : i32
      scf.if %cond3A_140 {
        %add3A_2794 = arith.constant 1 : i32
        %add3A_2795 = arith.addi %scan3A_110, %add3A_2794 : i32
        %sub3A = arith.constant 1 : i32
        %sub3A_2796 = arith.subi %sub3A, %select_n3A_119 : i32
        %jit3A_2797 = arith.constant 8 : i32
        %div3A = arith.divsi %add3A_2795, %jit3A_2797 : i32
        %sign3A = arith.constant 0 : i32
        %sign3A_2798 = arith.cmpi sgt, %add3A_2795, %sign3A : i32
        %sign3A_2799 = arith.extui %sign3A_2798 : i1 to i32
        %sign3A_2800 = arith.constant 0 : i32
        %sign3A_2801 = arith.cmpi slt, %add3A_2795, %sign3A_2800 : i32
        %sign3A_2802 = arith.extui %sign3A_2801 : i1 to i32
        %sign3A_2803 = arith.subi %sign3A_2799, %sign3A_2802 : i32
        %sign3A_2804 = arith.constant 0 : i32
        %sign3A_2805 = arith.cmpi sgt, %jit3A_2797, %sign3A_2804 : i32
        %sign3A_2806 = arith.extui %sign3A_2805 : i1 to i32
        %sign3A_2807 = arith.constant 0 : i32
        %sign3A_2808 = arith.cmpi slt, %jit3A_2797, %sign3A_2807 : i32
        %sign3A_2809 = arith.extui %sign3A_2808 : i1 to i32
        %sign3A_2810 = arith.subi %sign3A_2806, %sign3A_2809 : i32
        %ne3A_2811 = arith.cmpi ne, %sign3A_2803, %sign3A_2810 : i32
        %rem3A_2812 = arith.remsi %add3A_2795, %jit3A_2797 : i32
        %ne3A_2813 = arith.constant 0 : i32
        %ne3A_2814 = arith.cmpi ne, %rem3A_2812, %ne3A_2813 : i32
        %and3A_2815 = arith.andi %ne3A_2811, %ne3A_2814 : i1
        %sub3A_2816 = arith.constant 1 : i32
        %sub3A_2817 = arith.subi %div3A, %sub3A_2816 : i32
        %select_n3A_2818 = arith.select %and3A_2815, %sub3A_2817, %div3A : i32
        %jit3A_2819 = arith.constant 8 : i32
        %eq3A_2820 = arith.constant 0 : i32
        %eq3A_2821 = arith.cmpi eq, %jit3A_2819, %eq3A_2820 : i32
        %jit3A_2822 = arith.constant 1 : i32
        %select_n3A_2823 = arith.select %eq3A_2821, %jit3A_2822, %jit3A_2819 : i32
        %rem3A_2824 = arith.remsi %add3A_2795, %select_n3A_2823 : i32
        %ne3A_2825 = arith.constant 0 : i32
        %ne3A_2826 = arith.cmpi ne, %rem3A_2824, %ne3A_2825 : i32
        %lt3A_2827 = arith.constant 0 : i32
        %lt3A_2828 = arith.cmpi slt, %rem3A_2824, %lt3A_2827 : i32
        %lt3A_2829 = arith.constant 0 : i32
        %lt3A_2830 = arith.cmpi slt, %select_n3A_2823, %lt3A_2829 : i32
        %ne3A_2831 = arith.xori %lt3A_2828, %lt3A_2830 : i1
        %and3A_2832 = arith.andi %ne3A_2831, %ne3A_2826 : i1
        %add3A_2833 = arith.addi %rem3A_2824, %select_n3A_2823 : i32
        %select_n3A_2834 = arith.select %and3A_2832, %add3A_2833, %rem3A_2824 : i32
        %mul3A_2835 = arith.constant 128 : i32
        %mul3A_2836 = arith.muli %sub3A_2796, %mul3A_2835 : i32
        %dma_start3A_2837 = arith.constant 0 : i32
        %dma_start3A_2838 = tpu.memref_slice %arg6[%mul3A_2836, %dma_start3A_2837] : memref<256x32xf32, #tpu.memory_space<vmem>> -> memref<128x32xf32, #tpu.memory_space<vmem>>
        %dma_start3A_2839 = arith.constant 0 : i32
        %dma_start3A_2840 = tpu.memref_slice %arg5[%select_n3A_2818, %select_n3A_2834, %dma_start3A_2839] : memref<25x8x128xi32, #tpu.memory_space<vmem>> -> memref<1x1x128xi32, #tpu.memory_space<vmem>>
        %dma_start3A_2841 = tpu.memref_squeeze %dma_start3A_2840 : memref<1x1x128xi32, #tpu.memory_space<vmem>> -> memref<128xi32, #tpu.memory_space<vmem>>
        %dma_start3A_2842 = arith.constant 0 : i32
        %dma_start3A_2843 = arith.constant 0 : i32
        %dma_start3A_2844 = tpu.memref_slice %arg3[%dma_start3A_2842, %dma_start3A_2843] : memref<100000x32xf32, #tpu.memory_space<hbm>> -> memref<100000x32xf32, #tpu.memory_space<hbm>>
        tpu.enqueue_indirect_dma source(%dma_start3A_2844 : memref<100000x32xf32, #tpu.memory_space<hbm>>) target(%dma_start3A_2838 : memref<128x32xf32, #tpu.memory_space<vmem>>) offsets(%dma_start3A_2841 : memref<128xi32, #tpu.memory_space<vmem>>) semaphore(%arg8 : memref<!tpu.dma_semaphore, #tpu.memory_space<semaphore_mem>>)
      } else {
      }
      %mul3A_141 = arith.constant 128 : i32
      %mul3A_142 = arith.muli %select_n3A_119, %mul3A_141 : i32
      %mul3A_143 = arith.constant 4 : i32
      %mul3A_144 = arith.muli %select_n3A_119, %mul3A_143 : i32
      %broadcast_in_dim3A = arith.constant 0 : i32
      %broadcast_in_dim3A_145 = vector.broadcast %broadcast_in_dim3A : i32 to vector<16xi32>
      %add3A_146 = vector.broadcast %mul3A_142 : i32 to vector<16xi32>
      %add3A_147 = arith.addi %add3A_3, %add3A_146 : vector<16xi32>
      %gather3A = tpu.vector_load_idx %arg6[%add3A_147, %broadcast_in_dim3A_145] : memref<256x32xf32, #tpu.memory_space<vmem>>[vector<16xi32>, vector<16xi32>], vector<16xf32>,
      %add3A_148 = arith.constant 0 : i32
      %add3A_149 = arith.addi %mul3A_144, %add3A_148 : i32
      %swap3A = arith.constant 0 : i32
      %swap3A_150 = arith.index_cast %add3A_149 : i32 to index
      %swap3A_151 = arith.index_cast %swap3A : i32 to index
      %swap3A_152 = arith.constant 0 : index
      %swap3A_153 = tpu.vector_load %arg7[%swap3A_150, %swap3A_151, %swap3A_152] {strides = array<i32>} : memref<8x8x128xf32, #tpu.memory_space<vmem>>, vector<16xf32>,
      tpu.vector_store %arg7[%swap3A_150, %swap3A_151, %swap3A_152], %gather3A {strides = array<i32>} : memref<8x8x128xf32, #tpu.memory_space<vmem>>, vector<16xf32>,
      %add3A_154 = vector.broadcast %mul3A_142 : i32 to vector<16xi32>
      %add3A_155 = arith.addi %add3A_7, %add3A_154 : vector<16xi32>
      %gather3A_156 = tpu.vector_load_idx %arg6[%add3A_155, %broadcast_in_dim3A_145] : memref<256x32xf32, #tpu.memory_space<vmem>>[vector<16xi32>, vector<16xi32>], vector<16xf32>,
      %add3A_157 = arith.constant 0 : i32
      %add3A_158 = arith.addi %mul3A_144, %add3A_157 : i32
      %swap3A_159 = arith.constant 0 : i32
      %swap3A_160 = arith.index_cast %add3A_158 : i32 to index
      %swap3A_161 = arith.index_cast %swap3A_159 : i32 to index
      %swap3A_162 = arith.constant 16 : index
      %swap3A_163 = tpu.vector_load %arg7[%swap3A_160, %swap3A_161, %swap3A_162] {strides = array<i32>} : memref<8x8x128xf32, #tpu.memory_space<vmem>>, vector<16xf32>,
      tpu.vector_store %arg7[%swap3A_160, %swap3A_161, %swap3A_162], %gather3A_156 {strides = array<i32>} : memref<8x8x128xf32, #tpu.memory_space<vmem>>, vector<16xf32>,
      %add3A_164 = vector.broadcast %mul3A_142 : i32 to vector<16xi32>
      %add3A_165 = arith.addi %add3A_11, %add3A_164 : vector<16xi32>
      %gather3A_166 = tpu.vector_load_idx %arg6[%add3A_165, %broadcast_in_dim3A_145] : memref<256x32xf32, #tpu.memory_space<vmem>>[vector<16xi32>, vector<16xi32>], vector<16xf32>,
      %add3A_167 = arith.constant 0 : i32
      %add3A_168 = arith.addi %mul3A_144, %add3A_167 : i32
      %swap3A_169 = arith.constant 0 : i32
      %swap3A_170 = arith.index_cast %add3A_168 : i32 to index
      %swap3A_171 = arith.index_cast %swap3A_169 : i32 to index
      %swap3A_172 = arith.constant 32 : index
      %swap3A_173 = tpu.vector_load %arg7[%swap3A_170, %swap3A_171, %swap3A_172] {strides = array<i32>} : memref<8x8x128xf32, #tpu.memory_space<vmem>>, vector<16xf32>,
      tpu.vector_store %arg7[%swap3A_170, %swap3A_171, %swap3A_172], %gather3A_166 {strides = array<i32>} : memref<8x8x128xf32, #tpu.memory_space<vmem>>, vector<16xf32>,
      %add3A_174 = vector.broadcast %mul3A_142 : i32 to vector<16xi32>
      %add3A_175 = arith.addi %add3A_15, %add3A_174 : vector<16xi32>
      %gather3A_176 = tpu.vector_load_idx %arg6[%add3A_175, %broadcast_in_dim3A_145] : memref<256x32xf32, #tpu.memory_space<vmem>>[vector<16xi32>, vector<16xi32>], vector<16xf32>,
      %add3A_177 = arith.constant 0 : i32
      %add3A_178 = arith.addi %mul3A_144, %add3A_177 : i32
      %swap3A_179 = arith.constant 0 : i32
      %swap3A_180 = arith.index_cast %add3A_178 : i32 to index
      %swap3A_181 = arith.index_cast %swap3A_179 : i32 to index
      %swap3A_182 = arith.constant 48 : index
      %swap3A_183 = tpu.vector_load %arg7[%swap3A_180, %swap3A_181, %swap3A_182] {strides = array<i32>} : memref<8x8x128xf32, #tpu.memory_space<vmem>>, vector<16xf32>,
      tpu.vector_store %arg7[%swap3A_180, %swap3A_181, %swap3A_182], %gather3A_176 {strides = array<i32>} : memref<8x8x128xf32, #tpu.memory_space<vmem>>, vector<16xf32>,
      %add3A_184 = vector.broadcast %mul3A_142 : i32 to vector<16xi32>
      %add3A_185 = arith.addi %add3A_19, %add3A_184 : vector<16xi32>
      %gather3A_186 = tpu.vector_load_idx %arg6[%add3A_185, %broadcast_in_dim3A_145] : memref<256x32xf32, #tpu.memory_space<vmem>>[vector<16xi32>, vector<16xi32>], vector<16xf32>,
      %add3A_187 = arith.constant 0 : i32
      %add3A_188 = arith.addi %mul3A_144, %add3A_187 : i32
      %swap3A_189 = arith.constant 0 : i32
      %swap3A_190 = arith.index_cast %add3A_188 : i32 to index
      %swap3A_191 = arith.index_cast %swap3A_189 : i32 to index
      %swap3A_192 = arith.constant 64 : index
      %swap3A_193 = tpu.vector_load %arg7[%swap3A_190, %swap3A_191, %swap3A_192] {strides = array<i32>} : memref<8x8x128xf32, #tpu.memory_space<vmem>>, vector<16xf32>,
      tpu.vector_store %arg7[%swap3A_190, %swap3A_191, %swap3A_192], %gather3A_186 {strides = array<i32>} : memref<8x8x128xf32, #tpu.memory_space<vmem>>, vector<16xf32>,
      %add3A_194 = vector.broadcast %mul3A_142 : i32 to vector<16xi32>
      %add3A_195 = arith.addi %add3A_23, %add3A_194 : vector<16xi32>
      %gather3A_196 = tpu.vector_load_idx %arg6[%add3A_195, %broadcast_in_dim3A_145] : memref<256x32xf32, #tpu.memory_space<vmem>>[vector<16xi32>, vector<16xi32>], vector<16xf32>,
      %add3A_197 = arith.constant 0 : i32
      %add3A_198 = arith.addi %mul3A_144, %add3A_197 : i32
      %swap3A_199 = arith.constant 0 : i32
      %swap3A_200 = arith.index_cast %add3A_198 : i32 to index
      %swap3A_201 = arith.index_cast %swap3A_199 : i32 to index
      %swap3A_202 = arith.constant 80 : index
      %swap3A_203 = tpu.vector_load %arg7[%swap3A_200, %swap3A_201, %swap3A_202] {strides = array<i32>} : memref<8x8x128xf32, #tpu.memory_space<vmem>>, vector<16xf32>,
      tpu.vector_store %arg7[%swap3A_200, %swap3A_201, %swap3A_202], %gather3A_196 {strides = array<i32>} : memref<8x8x128xf32, #tpu.memory_space<vmem>>, vector<16xf32>,
      %add3A_204 = vector.broadcast %mul3A_142 : i32 to vector<16xi32>
      %add3A_205 = arith.addi %add3A_27, %add3A_204 : vector<16xi32>
      %gather3A_206 = tpu.vector_load_idx %arg6[%add3A_205, %broadcast_in_dim3A_145] : memref<256x32xf32, #tpu.memory_space<vmem>>[vector<16xi32>, vector<16xi32>], vector<16xf32>,
      %add3A_207 = arith.constant 0 : i32
      %add3A_208 = arith.addi %mul3A_144, %add3A_207 : i32
      %swap3A_209 = arith.constant 0 : i32
      %swap3A_210 = arith.index_cast %add3A_208 : i32 to index
      %swap3A_211 = arith.index_cast %swap3A_209 : i32 to index
      %swap3A_212 = arith.constant 96 : index
      %swap3A_213 = tpu.vector_load %arg7[%swap3A_210, %swap3A_211, %swap3A_212] {strides = array<i32>} : memref<8x8x128xf32, #tpu.memory_space<vmem>>, vector<16xf32>,
      tpu.vector_store %arg7[%swap3A_210, %swap3A_211, %swap3A_212], %gather3A_206 {strides = array<i32>} : memref<8x8x128xf32, #tpu.memory_space<vmem>>, vector<16xf32>,
      %add3A_214 = vector.broadcast %mul3A_142 : i32 to vector<16xi32>
      %add3A_215 = arith.addi %add3A_31, %add3A_214 : vector<16xi32>
      %gather3A_216 = tpu.vector_load_idx %arg6[%add3A_215, %broadcast_in_dim3A_145] : memref<256x32xf32, #tpu.memory_space<vmem>>[vector<16xi32>, vector<16xi32>], vector<16xf32>,
      %add3A_217 = arith.constant 0 : i32
      %add3A_218 = arith.addi %mul3A_144, %add3A_217 : i32
      %swap3A_219 = arith.constant 0 : i32
      %swap3A_220 = arith.index_cast %add3A_218 : i32 to index
      %swap3A_221 = arith.index_cast %swap3A_219 : i32 to index
      %swap3A_222 = arith.constant 112 : index
      %swap3A_223 = tpu.vector_load %arg7[%swap3A_220, %swap3A_221, %swap3A_222] {strides = array<i32>} : memref<8x8x128xf32, #tpu.memory_space<vmem>>, vector<16xf32>,
      tpu.vector_store %arg7[%swap3A_220, %swap3A_221, %swap3A_222], %gather3A_216 {strides = array<i32>} : memref<8x8x128xf32, #tpu.memory_space<vmem>>, vector<16xf32>,
      %broadcast_in_dim3A_224 = arith.constant 1 : i32
      %broadcast_in_dim3A_225 = vector.broadcast %broadcast_in_dim3A_224 : i32 to vector<16xi32>
      %add3A_226 = vector.broadcast %mul3A_142 : i32 to vector<16xi32>
      %add3A_227 = arith.addi %add3A_3, %add3A_226 : vector<16xi32>
      %gather3A_228 = tpu.vector_load_idx %arg6[%add3A_227, %broadcast_in_dim3A_225] : memref<256x32xf32, #tpu.memory_space<vmem>>[vector<16xi32>, vector<16xi32>], vector<16xf32>,
      %add3A_229 = arith.constant 0 : i32
      %add3A_230 = arith.addi %mul3A_144, %add3A_229 : i32
      %swap3A_231 = arith.constant 1 : i32
      %swap3A_232 = arith.index_cast %add3A_230 : i32 to index
      %swap3A_233 = arith.index_cast %swap3A_231 : i32 to index
      %swap3A_234 = arith.constant 0 : index
      %swap3A_235 = tpu.vector_load %arg7[%swap3A_232, %swap3A_233, %swap3A_234] {strides = array<i32>} : memref<8x8x128xf32, #tpu.memory_space<vmem>>, vector<16xf32>,
      tpu.vector_store %arg7[%swap3A_232, %swap3A_233, %swap3A_234], %gather3A_228 {strides = array<i32>} : memref<8x8x128xf32, #tpu.memory_space<vmem>>, vector<16xf32>,
      %add3A_236 = vector.broadcast %mul3A_142 : i32 to vector<16xi32>
      %add3A_237 = arith.addi %add3A_7, %add3A_236 : vector<16xi32>
      %gather3A_238 = tpu.vector_load_idx %arg6[%add3A_237, %broadcast_in_dim3A_225] : memref<256x32xf32, #tpu.memory_space<vmem>>[vector<16xi32>, vector<16xi32>], vector<16xf32>,
      %add3A_239 = arith.constant 0 : i32
      %add3A_240 = arith.addi %mul3A_144, %add3A_239 : i32
      %swap3A_241 = arith.constant 1 : i32
      %swap3A_242 = arith.index_cast %add3A_240 : i32 to index
      %swap3A_243 = arith.index_cast %swap3A_241 : i32 to index
      %swap3A_244 = arith.constant 16 : index
      %swap3A_245 = tpu.vector_load %arg7[%swap3A_242, %swap3A_243, %swap3A_244] {strides = array<i32>} : memref<8x8x128xf32, #tpu.memory_space<vmem>>, vector<16xf32>,
      tpu.vector_store %arg7[%swap3A_242, %swap3A_243, %swap3A_244], %gather3A_238 {strides = array<i32>} : memref<8x8x128xf32, #tpu.memory_space<vmem>>, vector<16xf32>,
      %add3A_246 = vector.broadcast %mul3A_142 : i32 to vector<16xi32>
      %add3A_247 = arith.addi %add3A_11, %add3A_246 : vector<16xi32>
      %gather3A_248 = tpu.vector_load_idx %arg6[%add3A_247, %broadcast_in_dim3A_225] : memref<256x32xf32, #tpu.memory_space<vmem>>[vector<16xi32>, vector<16xi32>], vector<16xf32>,
      %add3A_249 = arith.constant 0 : i32
      %add3A_250 = arith.addi %mul3A_144, %add3A_249 : i32
      %swap3A_251 = arith.constant 1 : i32
      %swap3A_252 = arith.index_cast %add3A_250 : i32 to index
      %swap3A_253 = arith.index_cast %swap3A_251 : i32 to index
      %swap3A_254 = arith.constant 32 : index
      %swap3A_255 = tpu.vector_load %arg7[%swap3A_252, %swap3A_253, %swap3A_254] {strides = array<i32>} : memref<8x8x128xf32, #tpu.memory_space<vmem>>, vector<16xf32>,
      tpu.vector_store %arg7[%swap3A_252, %swap3A_253, %swap3A_254], %gather3A_248 {strides = array<i32>} : memref<8x8x128xf32, #tpu.memory_space<vmem>>, vector<16xf32>,
      %add3A_256 = vector.broadcast %mul3A_142 : i32 to vector<16xi32>
      %add3A_257 = arith.addi %add3A_15, %add3A_256 : vector<16xi32>
      %gather3A_258 = tpu.vector_load_idx %arg6[%add3A_257, %broadcast_in_dim3A_225] : memref<256x32xf32, #tpu.memory_space<vmem>>[vector<16xi32>, vector<16xi32>], vector<16xf32>,
      %add3A_259 = arith.constant 0 : i32
      %add3A_260 = arith.addi %mul3A_144, %add3A_259 : i32
      %swap3A_261 = arith.constant 1 : i32
      %swap3A_262 = arith.index_cast %add3A_260 : i32 to index
      %swap3A_263 = arith.index_cast %swap3A_261 : i32 to index
      %swap3A_264 = arith.constant 48 : index
      %swap3A_265 = tpu.vector_load %arg7[%swap3A_262, %swap3A_263, %swap3A_264] {strides = array<i32>} : memref<8x8x128xf32, #tpu.memory_space<vmem>>, vector<16xf32>,
      tpu.vector_store %arg7[%swap3A_262, %swap3A_263, %swap3A_264], %gather3A_258 {strides = array<i32>} : memref<8x8x128xf32, #tpu.memory_space<vmem>>, vector<16xf32>,
      %add3A_266 = vector.broadcast %mul3A_142 : i32 to vector<16xi32>
      %add3A_267 = arith.addi %add3A_19, %add3A_266 : vector<16xi32>
      %gather3A_268 = tpu.vector_load_idx %arg6[%add3A_267, %broadcast_in_dim3A_225] : memref<256x32xf32, #tpu.memory_space<vmem>>[vector<16xi32>, vector<16xi32>], vector<16xf32>,
      %add3A_269 = arith.constant 0 : i32
      %add3A_270 = arith.addi %mul3A_144, %add3A_269 : i32
      %swap3A_271 = arith.constant 1 : i32
      %swap3A_272 = arith.index_cast %add3A_270 : i32 to index
      %swap3A_273 = arith.index_cast %swap3A_271 : i32 to index
      %swap3A_274 = arith.constant 64 : index
      %swap3A_275 = tpu.vector_load %arg7[%swap3A_272, %swap3A_273, %swap3A_274] {strides = array<i32>} : memref<8x8x128xf32, #tpu.memory_space<vmem>>, vector<16xf32>,
      tpu.vector_store %arg7[%swap3A_272, %swap3A_273, %swap3A_274], %gather3A_268 {strides = array<i32>} : memref<8x8x128xf32, #tpu.memory_space<vmem>>, vector<16xf32>,
      %add3A_276 = vector.broadcast %mul3A_142 : i32 to vector<16xi32>
      %add3A_277 = arith.addi %add3A_23, %add3A_276 : vector<16xi32>
      %gather3A_278 = tpu.vector_load_idx %arg6[%add3A_277, %broadcast_in_dim3A_225] : memref<256x32xf32, #tpu.memory_space<vmem>>[vector<16xi32>, vector<16xi32>], vector<16xf32>,
      %add3A_279 = arith.constant 0 : i32
      %add3A_280 = arith.addi %mul3A_144, %add3A_279 : i32
      %swap3A_281 = arith.constant 1 : i32
      %swap3A_282 = arith.index_cast %add3A_280 : i32 to index
      %swap3A_283 = arith.index_cast %swap3A_281 : i32 to index
      %swap3A_284 = arith.constant 80 : index
      %swap3A_285 = tpu.vector_load %arg7[%swap3A_282, %swap3A_283, %swap3A_284] {strides = array<i32>} : memref<8x8x128xf32, #tpu.memory_space<vmem>>, vector<16xf32>,
      tpu.vector_store %arg7[%swap3A_282, %swap3A_283, %swap3A_284], %gather3A_278 {strides = array<i32>} : memref<8x8x128xf32, #tpu.memory_space<vmem>>, vector<16xf32>,
      %add3A_286 = vector.broadcast %mul3A_142 : i32 to vector<16xi32>
      %add3A_287 = arith.addi %add3A_27, %add3A_286 : vector<16xi32>
      %gather3A_288 = tpu.vector_load_idx %arg6[%add3A_287, %broadcast_in_dim3A_225] : memref<256x32xf32, #tpu.memory_space<vmem>>[vector<16xi32>, vector<16xi32>], vector<16xf32>,
      %add3A_289 = arith.constant 0 : i32
      %add3A_290 = arith.addi %mul3A_144, %add3A_289 : i32
      %swap3A_291 = arith.constant 1 : i32
      %swap3A_292 = arith.index_cast %add3A_290 : i32 to index
      %swap3A_293 = arith.index_cast %swap3A_291 : i32 to index
      %swap3A_294 = arith.constant 96 : index
      %swap3A_295 = tpu.vector_load %arg7[%swap3A_292, %swap3A_293, %swap3A_294] {strides = array<i32>} : memref<8x8x128xf32, #tpu.memory_space<vmem>>, vector<16xf32>,
      tpu.vector_store %arg7[%swap3A_292, %swap3A_293, %swap3A_294], %gather3A_288 {strides = array<i32>} : memref<8x8x128xf32, #tpu.memory_space<vmem>>, vector<16xf32>,
      %add3A_296 = vector.broadcast %mul3A_142 : i32 to vector<16xi32>
      %add3A_297 = arith.addi %add3A_31, %add3A_296 : vector<16xi32>
      %gather3A_298 = tpu.vector_load_idx %arg6[%add3A_297, %broadcast_in_dim3A_225] : memref<256x32xf32, #tpu.memory_space<vmem>>[vector<16xi32>, vector<16xi32>], vector<16xf32>,
      %add3A_299 = arith.constant 0 : i32
      %add3A_300 = arith.addi %mul3A_144, %add3A_299 : i32
      %swap3A_301 = arith.constant 1 : i32
      %swap3A_302 = arith.index_cast %add3A_300 : i32 to index
      %swap3A_303 = arith.index_cast %swap3A_301 : i32 to index
      %swap3A_304 = arith.constant 112 : index
      %swap3A_305 = tpu.vector_load %arg7[%swap3A_302, %swap3A_303, %swap3A_304] {strides = array<i32>} : memref<8x8x128xf32, #tpu.memory_space<vmem>>, vector<16xf32>,
      tpu.vector_store %arg7[%swap3A_302, %swap3A_303, %swap3A_304], %gather3A_298 {strides = array<i32>} : memref<8x8x128xf32, #tpu.memory_space<vmem>>, vector<16xf32>,
      %broadcast_in_dim3A_306 = arith.constant 2 : i32
      %broadcast_in_dim3A_307 = vector.broadcast %broadcast_in_dim3A_306 : i32 to vector<16xi32>
      %add3A_308 = vector.broadcast %mul3A_142 : i32 to vector<16xi32>
      %add3A_309 = arith.addi %add3A_3, %add3A_308 : vector<16xi32>
      %gather3A_310 = tpu.vector_load_idx %arg6[%add3A_309, %broadcast_in_dim3A_307] : memref<256x32xf32, #tpu.memory_space<vmem>>[vector<16xi32>, vector<16xi32>], vector<16xf32>,
      %add3A_311 = arith.constant 0 : i32
      %add3A_312 = arith.addi %mul3A_144, %add3A_311 : i32
      %swap3A_313 = arith.constant 2 : i32
      %swap3A_314 = arith.index_cast %add3A_312 : i32 to index
      %swap3A_315 = arith.index_cast %swap3A_313 : i32 to index
      %swap3A_316 = arith.constant 0 : index
      %swap3A_317 = tpu.vector_load %arg7[%swap3A_314, %swap3A_315, %swap3A_316] {strides = array<i32>} : memref<8x8x128xf32, #tpu.memory_space<vmem>>, vector<16xf32>,
      tpu.vector_store %arg7[%swap3A_314, %swap3A_315, %swap3A_316], %gather3A_310 {strides = array<i32>} : memref<8x8x128xf32, #tpu.memory_space<vmem>>, vector<16xf32>,
      %add3A_318 = vector.broadcast %mul3A_142 : i32 to vector<16xi32>
      %add3A_319 = arith.addi %add3A_7, %add3A_318 : vector<16xi32>
      %gather3A_320 = tpu.vector_load_idx %arg6[%add3A_319, %broadcast_in_dim3A_307] : memref<256x32xf32, #tpu.memory_space<vmem>>[vector<16xi32>, vector<16xi32>], vector<16xf32>,
      %add3A_321 = arith.constant 0 : i32
      %add3A_322 = arith.addi %mul3A_144, %add3A_321 : i32
      %swap3A_323 = arith.constant 2 : i32
      %swap3A_324 = arith.index_cast %add3A_322 : i32 to index
      %swap3A_325 = arith.index_cast %swap3A_323 : i32 to index
      %swap3A_326 = arith.constant 16 : index
      %swap3A_327 = tpu.vector_load %arg7[%swap3A_324, %swap3A_325, %swap3A_326] {strides = array<i32>} : memref<8x8x128xf32, #tpu.memory_space<vmem>>, vector<16xf32>,
      tpu.vector_store %arg7[%swap3A_324, %swap3A_325, %swap3A_326], %gather3A_320 {strides = array<i32>} : memref<8x8x128xf32, #tpu.memory_space<vmem>>, vector<16xf32>,
      %add3A_328 = vector.broadcast %mul3A_142 : i32 to vector<16xi32>
      %add3A_329 = arith.addi %add3A_11, %add3A_328 : vector<16xi32>
      %gather3A_330 = tpu.vector_load_idx %arg6[%add3A_329, %broadcast_in_dim3A_307] : memref<256x32xf32, #tpu.memory_space<vmem>>[vector<16xi32>, vector<16xi32>], vector<16xf32>,
      %add3A_331 = arith.constant 0 : i32
      %add3A_332 = arith.addi %mul3A_144, %add3A_331 : i32
      %swap3A_333 = arith.constant 2 : i32
      %swap3A_334 = arith.index_cast %add3A_332 : i32 to index
      %swap3A_335 = arith.index_cast %swap3A_333 : i32 to index
      %swap3A_336 = arith.constant 32 : index
      %swap3A_337 = tpu.vector_load %arg7[%swap3A_334, %swap3A_335, %swap3A_336] {strides = array<i32>} : memref<8x8x128xf32, #tpu.memory_space<vmem>>, vector<16xf32>,
      tpu.vector_store %arg7[%swap3A_334, %swap3A_335, %swap3A_336], %gather3A_330 {strides = array<i32>} : memref<8x8x128xf32, #tpu.memory_space<vmem>>, vector<16xf32>,
      %add3A_338 = vector.broadcast %mul3A_142 : i32 to vector<16xi32>
      %add3A_339 = arith.addi %add3A_15, %add3A_338 : vector<16xi32>
      %gather3A_340 = tpu.vector_load_idx %arg6[%add3A_339, %broadcast_in_dim3A_307] : memref<256x32xf32, #tpu.memory_space<vmem>>[vector<16xi32>, vector<16xi32>], vector<16xf32>,
      %add3A_341 = arith.constant 0 : i32
      %add3A_342 = arith.addi %mul3A_144, %add3A_341 : i32
      %swap3A_343 = arith.constant 2 : i32
      %swap3A_344 = arith.index_cast %add3A_342 : i32 to index
      %swap3A_345 = arith.index_cast %swap3A_343 : i32 to index
      %swap3A_346 = arith.constant 48 : index
      %swap3A_347 = tpu.vector_load %arg7[%swap3A_344, %swap3A_345, %swap3A_346] {strides = array<i32>} : memref<8x8x128xf32, #tpu.memory_space<vmem>>, vector<16xf32>,
      tpu.vector_store %arg7[%swap3A_344, %swap3A_345, %swap3A_346], %gather3A_340 {strides = array<i32>} : memref<8x8x128xf32, #tpu.memory_space<vmem>>, vector<16xf32>,
      %add3A_348 = vector.broadcast %mul3A_142 : i32 to vector<16xi32>
      %add3A_349 = arith.addi %add3A_19, %add3A_348 : vector<16xi32>
      %gather3A_350 = tpu.vector_load_idx %arg6[%add3A_349, %broadcast_in_dim3A_307] : memref<256x32xf32, #tpu.memory_space<vmem>>[vector<16xi32>, vector<16xi32>], vector<16xf32>,
      %add3A_351 = arith.constant 0 : i32
      %add3A_352 = arith.addi %mul3A_144, %add3A_351 : i32
      %swap3A_353 = arith.constant 2 : i32
      %swap3A_354 = arith.index_cast %add3A_352 : i32 to index
      %swap3A_355 = arith.index_cast %swap3A_353 : i32 to index
      %swap3A_356 = arith.constant 64 : index
      %swap3A_357 = tpu.vector_load %arg7[%swap3A_354, %swap3A_355, %swap3A_356] {strides = array<i32>} : memref<8x8x128xf32, #tpu.memory_space<vmem>>, vector<16xf32>,
      tpu.vector_store %arg7[%swap3A_354, %swap3A_355, %swap3A_356], %gather3A_350 {strides = array<i32>} : memref<8x8x128xf32, #tpu.memory_space<vmem>>, vector<16xf32>,
      %add3A_358 = vector.broadcast %mul3A_142 : i32 to vector<16xi32>
      %add3A_359 = arith.addi %add3A_23, %add3A_358 : vector<16xi32>
      %gather3A_360 = tpu.vector_load_idx %arg6[%add3A_359, %broadcast_in_dim3A_307] : memref<256x32xf32, #tpu.memory_space<vmem>>[vector<16xi32>, vector<16xi32>], vector<16xf32>,
      %add3A_361 = arith.constant 0 : i32
      %add3A_362 = arith.addi %mul3A_144, %add3A_361 : i32
      %swap3A_363 = arith.constant 2 : i32
      %swap3A_364 = arith.index_cast %add3A_362 : i32 to index
      %swap3A_365 = arith.index_cast %swap3A_363 : i32 to index
      %swap3A_366 = arith.constant 80 : index
      %swap3A_367 = tpu.vector_load %arg7[%swap3A_364, %swap3A_365, %swap3A_366] {strides = array<i32>} : memref<8x8x128xf32, #tpu.memory_space<vmem>>, vector<16xf32>,
      tpu.vector_store %arg7[%swap3A_364, %swap3A_365, %swap3A_366], %gather3A_360 {strides = array<i32>} : memref<8x8x128xf32, #tpu.memory_space<vmem>>, vector<16xf32>,
      %add3A_368 = vector.broadcast %mul3A_142 : i32 to vector<16xi32>
      %add3A_369 = arith.addi %add3A_27, %add3A_368 : vector<16xi32>
      %gather3A_370 = tpu.vector_load_idx %arg6[%add3A_369, %broadcast_in_dim3A_307] : memref<256x32xf32, #tpu.memory_space<vmem>>[vector<16xi32>, vector<16xi32>], vector<16xf32>,
      %add3A_371 = arith.constant 0 : i32
      %add3A_372 = arith.addi %mul3A_144, %add3A_371 : i32
      %swap3A_373 = arith.constant 2 : i32
      %swap3A_374 = arith.index_cast %add3A_372 : i32 to index
      %swap3A_375 = arith.index_cast %swap3A_373 : i32 to index
      %swap3A_376 = arith.constant 96 : index
      %swap3A_377 = tpu.vector_load %arg7[%swap3A_374, %swap3A_375, %swap3A_376] {strides = array<i32>} : memref<8x8x128xf32, #tpu.memory_space<vmem>>, vector<16xf32>,
      tpu.vector_store %arg7[%swap3A_374, %swap3A_375, %swap3A_376], %gather3A_370 {strides = array<i32>} : memref<8x8x128xf32, #tpu.memory_space<vmem>>, vector<16xf32>,
      %add3A_378 = vector.broadcast %mul3A_142 : i32 to vector<16xi32>
      %add3A_379 = arith.addi %add3A_31, %add3A_378 : vector<16xi32>
      %gather3A_380 = tpu.vector_load_idx %arg6[%add3A_379, %broadcast_in_dim3A_307] : memref<256x32xf32, #tpu.memory_space<vmem>>[vector<16xi32>, vector<16xi32>], vector<16xf32>,
      %add3A_381 = arith.constant 0 : i32
      %add3A_382 = arith.addi %mul3A_144, %add3A_381 : i32
      %swap3A_383 = arith.constant 2 : i32
      %swap3A_384 = arith.index_cast %add3A_382 : i32 to index
      %swap3A_385 = arith.index_cast %swap3A_383 : i32 to index
      %swap3A_386 = arith.constant 112 : index
      %swap3A_387 = tpu.vector_load %arg7[%swap3A_384, %swap3A_385, %swap3A_386] {strides = array<i32>} : memref<8x8x128xf32, #tpu.memory_space<vmem>>, vector<16xf32>,
      tpu.vector_store %arg7[%swap3A_384, %swap3A_385, %swap3A_386], %gather3A_380 {strides = array<i32>} : memref<8x8x128xf32, #tpu.memory_space<vmem>>, vector<16xf32>,
      %broadcast_in_dim3A_388 = arith.constant 3 : i32
      %broadcast_in_dim3A_389 = vector.broadcast %broadcast_in_dim3A_388 : i32 to vector<16xi32>
      %add3A_390 = vector.broadcast %mul3A_142 : i32 to vector<16xi32>
      %add3A_391 = arith.addi %add3A_3, %add3A_390 : vector<16xi32>
      %gather3A_392 = tpu.vector_load_idx %arg6[%add3A_391, %broadcast_in_dim3A_389] : memref<256x32xf32, #tpu.memory_space<vmem>>[vector<16xi32>, vector<16xi32>], vector<16xf32>,
      %add3A_393 = arith.constant 0 : i32
      %add3A_394 = arith.addi %mul3A_144, %add3A_393 : i32
      %swap3A_395 = arith.constant 3 : i32
      %swap3A_396 = arith.index_cast %add3A_394 : i32 to index
      %swap3A_397 = arith.index_cast %swap3A_395 : i32 to index
      %swap3A_398 = arith.constant 0 : index
      %swap3A_399 = tpu.vector_load %arg7[%swap3A_396, %swap3A_397, %swap3A_398] {strides = array<i32>} : memref<8x8x128xf32, #tpu.memory_space<vmem>>, vector<16xf32>,
      tpu.vector_store %arg7[%swap3A_396, %swap3A_397, %swap3A_398], %gather3A_392 {strides = array<i32>} : memref<8x8x128xf32, #tpu.memory_space<vmem>>, vector<16xf32>,
      %add3A_400 = vector.broadcast %mul3A_142 : i32 to vector<16xi32>
      %add3A_401 = arith.addi %add3A_7, %add3A_400 : vector<16xi32>
      %gather3A_402 = tpu.vector_load_idx %arg6[%add3A_401, %broadcast_in_dim3A_389] : memref<256x32xf32, #tpu.memory_space<vmem>>[vector<16xi32>, vector<16xi32>], vector<16xf32>,
      %add3A_403 = arith.constant 0 : i32
      %add3A_404 = arith.addi %mul3A_144, %add3A_403 : i32
      %swap3A_405 = arith.constant 3 : i32
      %swap3A_406 = arith.index_cast %add3A_404 : i32 to index
      %swap3A_407 = arith.index_cast %swap3A_405 : i32 to index
      %swap3A_408 = arith.constant 16 : index
      %swap3A_409 = tpu.vector_load %arg7[%swap3A_406, %swap3A_407, %swap3A_408] {strides = array<i32>} : memref<8x8x128xf32, #tpu.memory_space<vmem>>, vector<16xf32>,
      tpu.vector_store %arg7[%swap3A_406, %swap3A_407, %swap3A_408], %gather3A_402 {strides = array<i32>} : memref<8x8x128xf32, #tpu.memory_space<vmem>>, vector<16xf32>,
      %add3A_410 = vector.broadcast %mul3A_142 : i32 to vector<16xi32>
      %add3A_411 = arith.addi %add3A_11, %add3A_410 : vector<16xi32>
      %gather3A_412 = tpu.vector_load_idx %arg6[%add3A_411, %broadcast_in_dim3A_389] : memref<256x32xf32, #tpu.memory_space<vmem>>[vector<16xi32>, vector<16xi32>], vector<16xf32>,
      %add3A_413 = arith.constant 0 : i32
      %add3A_414 = arith.addi %mul3A_144, %add3A_413 : i32
      %swap3A_415 = arith.constant 3 : i32
      %swap3A_416 = arith.index_cast %add3A_414 : i32 to index
      %swap3A_417 = arith.index_cast %swap3A_415 : i32 to index
      %swap3A_418 = arith.constant 32 : index
      %swap3A_419 = tpu.vector_load %arg7[%swap3A_416, %swap3A_417, %swap3A_418] {strides = array<i32>} : memref<8x8x128xf32, #tpu.memory_space<vmem>>, vector<16xf32>,
      tpu.vector_store %arg7[%swap3A_416, %swap3A_417, %swap3A_418], %gather3A_412 {strides = array<i32>} : memref<8x8x128xf32, #tpu.memory_space<vmem>>, vector<16xf32>,
      %add3A_420 = vector.broadcast %mul3A_142 : i32 to vector<16xi32>
      %add3A_421 = arith.addi %add3A_15, %add3A_420 : vector<16xi32>
      %gather3A_422 = tpu.vector_load_idx %arg6[%add3A_421, %broadcast_in_dim3A_389] : memref<256x32xf32, #tpu.memory_space<vmem>>[vector<16xi32>, vector<16xi32>], vector<16xf32>,
      %add3A_423 = arith.constant 0 : i32
      %add3A_424 = arith.addi %mul3A_144, %add3A_423 : i32
      %swap3A_425 = arith.constant 3 : i32
      %swap3A_426 = arith.index_cast %add3A_424 : i32 to index
      %swap3A_427 = arith.index_cast %swap3A_425 : i32 to index
      %swap3A_428 = arith.constant 48 : index
      %swap3A_429 = tpu.vector_load %arg7[%swap3A_426, %swap3A_427, %swap3A_428] {strides = array<i32>} : memref<8x8x128xf32, #tpu.memory_space<vmem>>, vector<16xf32>,
      tpu.vector_store %arg7[%swap3A_426, %swap3A_427, %swap3A_428], %gather3A_422 {strides = array<i32>} : memref<8x8x128xf32, #tpu.memory_space<vmem>>, vector<16xf32>,
      %add3A_430 = vector.broadcast %mul3A_142 : i32 to vector<16xi32>
      %add3A_431 = arith.addi %add3A_19, %add3A_430 : vector<16xi32>
      %gather3A_432 = tpu.vector_load_idx %arg6[%add3A_431, %broadcast_in_dim3A_389] : memref<256x32xf32, #tpu.memory_space<vmem>>[vector<16xi32>, vector<16xi32>], vector<16xf32>,
      %add3A_433 = arith.constant 0 : i32
      %add3A_434 = arith.addi %mul3A_144, %add3A_433 : i32
      %swap3A_435 = arith.constant 3 : i32
      %swap3A_436 = arith.index_cast %add3A_434 : i32 to index
      %swap3A_437 = arith.index_cast %swap3A_435 : i32 to index
      %swap3A_438 = arith.constant 64 : index
      %swap3A_439 = tpu.vector_load %arg7[%swap3A_436, %swap3A_437, %swap3A_438] {strides = array<i32>} : memref<8x8x128xf32, #tpu.memory_space<vmem>>, vector<16xf32>,
      tpu.vector_store %arg7[%swap3A_436, %swap3A_437, %swap3A_438], %gather3A_432 {strides = array<i32>} : memref<8x8x128xf32, #tpu.memory_space<vmem>>, vector<16xf32>,
      %add3A_440 = vector.broadcast %mul3A_142 : i32 to vector<16xi32>
      %add3A_441 = arith.addi %add3A_23, %add3A_440 : vector<16xi32>
      %gather3A_442 = tpu.vector_load_idx %arg6[%add3A_441, %broadcast_in_dim3A_389] : memref<256x32xf32, #tpu.memory_space<vmem>>[vector<16xi32>, vector<16xi32>], vector<16xf32>,
      %add3A_443 = arith.constant 0 : i32
      %add3A_444 = arith.addi %mul3A_144, %add3A_443 : i32
      %swap3A_445 = arith.constant 3 : i32
      %swap3A_446 = arith.index_cast %add3A_444 : i32 to index
      %swap3A_447 = arith.index_cast %swap3A_445 : i32 to index
      %swap3A_448 = arith.constant 80 : index
      %swap3A_449 = tpu.vector_load %arg7[%swap3A_446, %swap3A_447, %swap3A_448] {strides = array<i32>} : memref<8x8x128xf32, #tpu.memory_space<vmem>>, vector<16xf32>,
      tpu.vector_store %arg7[%swap3A_446, %swap3A_447, %swap3A_448], %gather3A_442 {strides = array<i32>} : memref<8x8x128xf32, #tpu.memory_space<vmem>>, vector<16xf32>,
      %add3A_450 = vector.broadcast %mul3A_142 : i32 to vector<16xi32>
      %add3A_451 = arith.addi %add3A_27, %add3A_450 : vector<16xi32>
      %gather3A_452 = tpu.vector_load_idx %arg6[%add3A_451, %broadcast_in_dim3A_389] : memref<256x32xf32, #tpu.memory_space<vmem>>[vector<16xi32>, vector<16xi32>], vector<16xf32>,
      %add3A_453 = arith.constant 0 : i32
      %add3A_454 = arith.addi %mul3A_144, %add3A_453 : i32
      %swap3A_455 = arith.constant 3 : i32
      %swap3A_456 = arith.index_cast %add3A_454 : i32 to index
      %swap3A_457 = arith.index_cast %swap3A_455 : i32 to index
      %swap3A_458 = arith.constant 96 : index
      %swap3A_459 = tpu.vector_load %arg7[%swap3A_456, %swap3A_457, %swap3A_458] {strides = array<i32>} : memref<8x8x128xf32, #tpu.memory_space<vmem>>, vector<16xf32>,
      tpu.vector_store %arg7[%swap3A_456, %swap3A_457, %swap3A_458], %gather3A_452 {strides = array<i32>} : memref<8x8x128xf32, #tpu.memory_space<vmem>>, vector<16xf32>,
      %add3A_460 = vector.broadcast %mul3A_142 : i32 to vector<16xi32>
      %add3A_461 = arith.addi %add3A_31, %add3A_460 : vector<16xi32>
      %gather3A_462 = tpu.vector_load_idx %arg6[%add3A_461, %broadcast_in_dim3A_389] : memref<256x32xf32, #tpu.memory_space<vmem>>[vector<16xi32>, vector<16xi32>], vector<16xf32>,
      %add3A_463 = arith.constant 0 : i32
      %add3A_464 = arith.addi %mul3A_144, %add3A_463 : i32
      %swap3A_465 = arith.constant 3 : i32
      %swap3A_466 = arith.index_cast %add3A_464 : i32 to index
      %swap3A_467 = arith.index_cast %swap3A_465 : i32 to index
      %swap3A_468 = arith.constant 112 : index
      %swap3A_469 = tpu.vector_load %arg7[%swap3A_466, %swap3A_467, %swap3A_468] {strides = array<i32>} : memref<8x8x128xf32, #tpu.memory_space<vmem>>, vector<16xf32>,
      tpu.vector_store %arg7[%swap3A_466, %swap3A_467, %swap3A_468], %gather3A_462 {strides = array<i32>} : memref<8x8x128xf32, #tpu.memory_space<vmem>>, vector<16xf32>,
      %broadcast_in_dim3A_470 = arith.constant 4 : i32
      %broadcast_in_dim3A_471 = vector.broadcast %broadcast_in_dim3A_470 : i32 to vector<16xi32>
      %add3A_472 = vector.broadcast %mul3A_142 : i32 to vector<16xi32>
      %add3A_473 = arith.addi %add3A_3, %add3A_472 : vector<16xi32>
      %gather3A_474 = tpu.vector_load_idx %arg6[%add3A_473, %broadcast_in_dim3A_471] : memref<256x32xf32, #tpu.memory_space<vmem>>[vector<16xi32>, vector<16xi32>], vector<16xf32>,
      %add3A_475 = arith.constant 0 : i32
      %add3A_476 = arith.addi %mul3A_144, %add3A_475 : i32
      %swap3A_477 = arith.constant 4 : i32
      %swap3A_478 = arith.index_cast %add3A_476 : i32 to index
      %swap3A_479 = arith.index_cast %swap3A_477 : i32 to index
      %swap3A_480 = arith.constant 0 : index
      %swap3A_481 = tpu.vector_load %arg7[%swap3A_478, %swap3A_479, %swap3A_480] {strides = array<i32>} : memref<8x8x128xf32, #tpu.memory_space<vmem>>, vector<16xf32>,
      tpu.vector_store %arg7[%swap3A_478, %swap3A_479, %swap3A_480], %gather3A_474 {strides = array<i32>} : memref<8x8x128xf32, #tpu.memory_space<vmem>>, vector<16xf32>,
      %add3A_482 = vector.broadcast %mul3A_142 : i32 to vector<16xi32>
      %add3A_483 = arith.addi %add3A_7, %add3A_482 : vector<16xi32>
      %gather3A_484 = tpu.vector_load_idx %arg6[%add3A_483, %broadcast_in_dim3A_471] : memref<256x32xf32, #tpu.memory_space<vmem>>[vector<16xi32>, vector<16xi32>], vector<16xf32>,
      %add3A_485 = arith.constant 0 : i32
      %add3A_486 = arith.addi %mul3A_144, %add3A_485 : i32
      %swap3A_487 = arith.constant 4 : i32
      %swap3A_488 = arith.index_cast %add3A_486 : i32 to index
      %swap3A_489 = arith.index_cast %swap3A_487 : i32 to index
      %swap3A_490 = arith.constant 16 : index
      %swap3A_491 = tpu.vector_load %arg7[%swap3A_488, %swap3A_489, %swap3A_490] {strides = array<i32>} : memref<8x8x128xf32, #tpu.memory_space<vmem>>, vector<16xf32>,
      tpu.vector_store %arg7[%swap3A_488, %swap3A_489, %swap3A_490], %gather3A_484 {strides = array<i32>} : memref<8x8x128xf32, #tpu.memory_space<vmem>>, vector<16xf32>,
      %add3A_492 = vector.broadcast %mul3A_142 : i32 to vector<16xi32>
      %add3A_493 = arith.addi %add3A_11, %add3A_492 : vector<16xi32>
      %gather3A_494 = tpu.vector_load_idx %arg6[%add3A_493, %broadcast_in_dim3A_471] : memref<256x32xf32, #tpu.memory_space<vmem>>[vector<16xi32>, vector<16xi32>], vector<16xf32>,
      %add3A_495 = arith.constant 0 : i32
      %add3A_496 = arith.addi %mul3A_144, %add3A_495 : i32
      %swap3A_497 = arith.constant 4 : i32
      %swap3A_498 = arith.index_cast %add3A_496 : i32 to index
      %swap3A_499 = arith.index_cast %swap3A_497 : i32 to index
      %swap3A_500 = arith.constant 32 : index
      %swap3A_501 = tpu.vector_load %arg7[%swap3A_498, %swap3A_499, %swap3A_500] {strides = array<i32>} : memref<8x8x128xf32, #tpu.memory_space<vmem>>, vector<16xf32>,
      tpu.vector_store %arg7[%swap3A_498, %swap3A_499, %swap3A_500], %gather3A_494 {strides = array<i32>} : memref<8x8x128xf32, #tpu.memory_space<vmem>>, vector<16xf32>,
      %add3A_502 = vector.broadcast %mul3A_142 : i32 to vector<16xi32>
      %add3A_503 = arith.addi %add3A_15, %add3A_502 : vector<16xi32>
      %gather3A_504 = tpu.vector_load_idx %arg6[%add3A_503, %broadcast_in_dim3A_471] : memref<256x32xf32, #tpu.memory_space<vmem>>[vector<16xi32>, vector<16xi32>], vector<16xf32>,
      %add3A_505 = arith.constant 0 : i32
      %add3A_506 = arith.addi %mul3A_144, %add3A_505 : i32
      %swap3A_507 = arith.constant 4 : i32
      %swap3A_508 = arith.index_cast %add3A_506 : i32 to index
      %swap3A_509 = arith.index_cast %swap3A_507 : i32 to index
      %swap3A_510 = arith.constant 48 : index
      %swap3A_511 = tpu.vector_load %arg7[%swap3A_508, %swap3A_509, %swap3A_510] {strides = array<i32>} : memref<8x8x128xf32, #tpu.memory_space<vmem>>, vector<16xf32>,
      tpu.vector_store %arg7[%swap3A_508, %swap3A_509, %swap3A_510], %gather3A_504 {strides = array<i32>} : memref<8x8x128xf32, #tpu.memory_space<vmem>>, vector<16xf32>,
      %add3A_512 = vector.broadcast %mul3A_142 : i32 to vector<16xi32>
      %add3A_513 = arith.addi %add3A_19, %add3A_512 : vector<16xi32>
      %gather3A_514 = tpu.vector_load_idx %arg6[%add3A_513, %broadcast_in_dim3A_471] : memref<256x32xf32, #tpu.memory_space<vmem>>[vector<16xi32>, vector<16xi32>], vector<16xf32>,
      %add3A_515 = arith.constant 0 : i32
      %add3A_516 = arith.addi %mul3A_144, %add3A_515 : i32
      %swap3A_517 = arith.constant 4 : i32
      %swap3A_518 = arith.index_cast %add3A_516 : i32 to index
      %swap3A_519 = arith.index_cast %swap3A_517 : i32 to index
      %swap3A_520 = arith.constant 64 : index
      %swap3A_521 = tpu.vector_load %arg7[%swap3A_518, %swap3A_519, %swap3A_520] {strides = array<i32>} : memref<8x8x128xf32, #tpu.memory_space<vmem>>, vector<16xf32>,
      tpu.vector_store %arg7[%swap3A_518, %swap3A_519, %swap3A_520], %gather3A_514 {strides = array<i32>} : memref<8x8x128xf32, #tpu.memory_space<vmem>>, vector<16xf32>,
      %add3A_522 = vector.broadcast %mul3A_142 : i32 to vector<16xi32>
      %add3A_523 = arith.addi %add3A_23, %add3A_522 : vector<16xi32>
      %gather3A_524 = tpu.vector_load_idx %arg6[%add3A_523, %broadcast_in_dim3A_471] : memref<256x32xf32, #tpu.memory_space<vmem>>[vector<16xi32>, vector<16xi32>], vector<16xf32>,
      %add3A_525 = arith.constant 0 : i32
      %add3A_526 = arith.addi %mul3A_144, %add3A_525 : i32
      %swap3A_527 = arith.constant 4 : i32
      %swap3A_528 = arith.index_cast %add3A_526 : i32 to index
      %swap3A_529 = arith.index_cast %swap3A_527 : i32 to index
      %swap3A_530 = arith.constant 80 : index
      %swap3A_531 = tpu.vector_load %arg7[%swap3A_528, %swap3A_529, %swap3A_530] {strides = array<i32>} : memref<8x8x128xf32, #tpu.memory_space<vmem>>, vector<16xf32>,
      tpu.vector_store %arg7[%swap3A_528, %swap3A_529, %swap3A_530], %gather3A_524 {strides = array<i32>} : memref<8x8x128xf32, #tpu.memory_space<vmem>>, vector<16xf32>,
      %add3A_532 = vector.broadcast %mul3A_142 : i32 to vector<16xi32>
      %add3A_533 = arith.addi %add3A_27, %add3A_532 : vector<16xi32>
      %gather3A_534 = tpu.vector_load_idx %arg6[%add3A_533, %broadcast_in_dim3A_471] : memref<256x32xf32, #tpu.memory_space<vmem>>[vector<16xi32>, vector<16xi32>], vector<16xf32>,
      %add3A_535 = arith.constant 0 : i32
      %add3A_536 = arith.addi %mul3A_144, %add3A_535 : i32
      %swap3A_537 = arith.constant 4 : i32
      %swap3A_538 = arith.index_cast %add3A_536 : i32 to index
      %swap3A_539 = arith.index_cast %swap3A_537 : i32 to index
      %swap3A_540 = arith.constant 96 : index
      %swap3A_541 = tpu.vector_load %arg7[%swap3A_538, %swap3A_539, %swap3A_540] {strides = array<i32>} : memref<8x8x128xf32, #tpu.memory_space<vmem>>, vector<16xf32>,
      tpu.vector_store %arg7[%swap3A_538, %swap3A_539, %swap3A_540], %gather3A_534 {strides = array<i32>} : memref<8x8x128xf32, #tpu.memory_space<vmem>>, vector<16xf32>,
      %add3A_542 = vector.broadcast %mul3A_142 : i32 to vector<16xi32>
      %add3A_543 = arith.addi %add3A_31, %add3A_542 : vector<16xi32>
      %gather3A_544 = tpu.vector_load_idx %arg6[%add3A_543, %broadcast_in_dim3A_471] : memref<256x32xf32, #tpu.memory_space<vmem>>[vector<16xi32>, vector<16xi32>], vector<16xf32>,
      %add3A_545 = arith.constant 0 : i32
      %add3A_546 = arith.addi %mul3A_144, %add3A_545 : i32
      %swap3A_547 = arith.constant 4 : i32
      %swap3A_548 = arith.index_cast %add3A_546 : i32 to index
      %swap3A_549 = arith.index_cast %swap3A_547 : i32 to index
      %swap3A_550 = arith.constant 112 : index
      %swap3A_551 = tpu.vector_load %arg7[%swap3A_548, %swap3A_549, %swap3A_550] {strides = array<i32>} : memref<8x8x128xf32, #tpu.memory_space<vmem>>, vector<16xf32>,
      tpu.vector_store %arg7[%swap3A_548, %swap3A_549, %swap3A_550], %gather3A_544 {strides = array<i32>} : memref<8x8x128xf32, #tpu.memory_space<vmem>>, vector<16xf32>,
      %broadcast_in_dim3A_552 = arith.constant 5 : i32
      %broadcast_in_dim3A_553 = vector.broadcast %broadcast_in_dim3A_552 : i32 to vector<16xi32>
      %add3A_554 = vector.broadcast %mul3A_142 : i32 to vector<16xi32>
      %add3A_555 = arith.addi %add3A_3, %add3A_554 : vector<16xi32>
      %gather3A_556 = tpu.vector_load_idx %arg6[%add3A_555, %broadcast_in_dim3A_553] : memref<256x32xf32, #tpu.memory_space<vmem>>[vector<16xi32>, vector<16xi32>], vector<16xf32>,
      %add3A_557 = arith.constant 0 : i32
      %add3A_558 = arith.addi %mul3A_144, %add3A_557 : i32
      %swap3A_559 = arith.constant 5 : i32
      %swap3A_560 = arith.index_cast %add3A_558 : i32 to index
      %swap3A_561 = arith.index_cast %swap3A_559 : i32 to index
      %swap3A_562 = arith.constant 0 : index
      %swap3A_563 = tpu.vector_load %arg7[%swap3A_560, %swap3A_561, %swap3A_562] {strides = array<i32>} : memref<8x8x128xf32, #tpu.memory_space<vmem>>, vector<16xf32>,
      tpu.vector_store %arg7[%swap3A_560, %swap3A_561, %swap3A_562], %gather3A_556 {strides = array<i32>} : memref<8x8x128xf32, #tpu.memory_space<vmem>>, vector<16xf32>,
      %add3A_564 = vector.broadcast %mul3A_142 : i32 to vector<16xi32>
      %add3A_565 = arith.addi %add3A_7, %add3A_564 : vector<16xi32>
      %gather3A_566 = tpu.vector_load_idx %arg6[%add3A_565, %broadcast_in_dim3A_553] : memref<256x32xf32, #tpu.memory_space<vmem>>[vector<16xi32>, vector<16xi32>], vector<16xf32>,
      %add3A_567 = arith.constant 0 : i32
      %add3A_568 = arith.addi %mul3A_144, %add3A_567 : i32
      %swap3A_569 = arith.constant 5 : i32
      %swap3A_570 = arith.index_cast %add3A_568 : i32 to index
      %swap3A_571 = arith.index_cast %swap3A_569 : i32 to index
      %swap3A_572 = arith.constant 16 : index
      %swap3A_573 = tpu.vector_load %arg7[%swap3A_570, %swap3A_571, %swap3A_572] {strides = array<i32>} : memref<8x8x128xf32, #tpu.memory_space<vmem>>, vector<16xf32>,
      tpu.vector_store %arg7[%swap3A_570, %swap3A_571, %swap3A_572], %gather3A_566 {strides = array<i32>} : memref<8x8x128xf32, #tpu.memory_space<vmem>>, vector<16xf32>,
      %add3A_574 = vector.broadcast %mul3A_142 : i32 to vector<16xi32>
      %add3A_575 = arith.addi %add3A_11, %add3A_574 : vector<16xi32>
      %gather3A_576 = tpu.vector_load_idx %arg6[%add3A_575, %broadcast_in_dim3A_553] : memref<256x32xf32, #tpu.memory_space<vmem>>[vector<16xi32>, vector<16xi32>], vector<16xf32>,
      %add3A_577 = arith.constant 0 : i32
      %add3A_578 = arith.addi %mul3A_144, %add3A_577 : i32
      %swap3A_579 = arith.constant 5 : i32
      %swap3A_580 = arith.index_cast %add3A_578 : i32 to index
      %swap3A_581 = arith.index_cast %swap3A_579 : i32 to index
      %swap3A_582 = arith.constant 32 : index
      %swap3A_583 = tpu.vector_load %arg7[%swap3A_580, %swap3A_581, %swap3A_582] {strides = array<i32>} : memref<8x8x128xf32, #tpu.memory_space<vmem>>, vector<16xf32>,
      tpu.vector_store %arg7[%swap3A_580, %swap3A_581, %swap3A_582], %gather3A_576 {strides = array<i32>} : memref<8x8x128xf32, #tpu.memory_space<vmem>>, vector<16xf32>,
      %add3A_584 = vector.broadcast %mul3A_142 : i32 to vector<16xi32>
      %add3A_585 = arith.addi %add3A_15, %add3A_584 : vector<16xi32>
      %gather3A_586 = tpu.vector_load_idx %arg6[%add3A_585, %broadcast_in_dim3A_553] : memref<256x32xf32, #tpu.memory_space<vmem>>[vector<16xi32>, vector<16xi32>], vector<16xf32>,
      %add3A_587 = arith.constant 0 : i32
      %add3A_588 = arith.addi %mul3A_144, %add3A_587 : i32
      %swap3A_589 = arith.constant 5 : i32
      %swap3A_590 = arith.index_cast %add3A_588 : i32 to index
      %swap3A_591 = arith.index_cast %swap3A_589 : i32 to index
      %swap3A_592 = arith.constant 48 : index
      %swap3A_593 = tpu.vector_load %arg7[%swap3A_590, %swap3A_591, %swap3A_592] {strides = array<i32>} : memref<8x8x128xf32, #tpu.memory_space<vmem>>, vector<16xf32>,
      tpu.vector_store %arg7[%swap3A_590, %swap3A_591, %swap3A_592], %gather3A_586 {strides = array<i32>} : memref<8x8x128xf32, #tpu.memory_space<vmem>>, vector<16xf32>,
      %add3A_594 = vector.broadcast %mul3A_142 : i32 to vector<16xi32>
      %add3A_595 = arith.addi %add3A_19, %add3A_594 : vector<16xi32>
      %gather3A_596 = tpu.vector_load_idx %arg6[%add3A_595, %broadcast_in_dim3A_553] : memref<256x32xf32, #tpu.memory_space<vmem>>[vector<16xi32>, vector<16xi32>], vector<16xf32>,
      %add3A_597 = arith.constant 0 : i32
      %add3A_598 = arith.addi %mul3A_144, %add3A_597 : i32
      %swap3A_599 = arith.constant 5 : i32
      %swap3A_600 = arith.index_cast %add3A_598 : i32 to index
      %swap3A_601 = arith.index_cast %swap3A_599 : i32 to index
      %swap3A_602 = arith.constant 64 : index
      %swap3A_603 = tpu.vector_load %arg7[%swap3A_600, %swap3A_601, %swap3A_602] {strides = array<i32>} : memref<8x8x128xf32, #tpu.memory_space<vmem>>, vector<16xf32>,
      tpu.vector_store %arg7[%swap3A_600, %swap3A_601, %swap3A_602], %gather3A_596 {strides = array<i32>} : memref<8x8x128xf32, #tpu.memory_space<vmem>>, vector<16xf32>,
      %add3A_604 = vector.broadcast %mul3A_142 : i32 to vector<16xi32>
      %add3A_605 = arith.addi %add3A_23, %add3A_604 : vector<16xi32>
      %gather3A_606 = tpu.vector_load_idx %arg6[%add3A_605, %broadcast_in_dim3A_553] : memref<256x32xf32, #tpu.memory_space<vmem>>[vector<16xi32>, vector<16xi32>], vector<16xf32>,
      %add3A_607 = arith.constant 0 : i32
      %add3A_608 = arith.addi %mul3A_144, %add3A_607 : i32
      %swap3A_609 = arith.constant 5 : i32
      %swap3A_610 = arith.index_cast %add3A_608 : i32 to index
      %swap3A_611 = arith.index_cast %swap3A_609 : i32 to index
      %swap3A_612 = arith.constant 80 : index
      %swap3A_613 = tpu.vector_load %arg7[%swap3A_610, %swap3A_611, %swap3A_612] {strides = array<i32>} : memref<8x8x128xf32, #tpu.memory_space<vmem>>, vector<16xf32>,
      tpu.vector_store %arg7[%swap3A_610, %swap3A_611, %swap3A_612], %gather3A_606 {strides = array<i32>} : memref<8x8x128xf32, #tpu.memory_space<vmem>>, vector<16xf32>,
      %add3A_614 = vector.broadcast %mul3A_142 : i32 to vector<16xi32>
      %add3A_615 = arith.addi %add3A_27, %add3A_614 : vector<16xi32>
      %gather3A_616 = tpu.vector_load_idx %arg6[%add3A_615, %broadcast_in_dim3A_553] : memref<256x32xf32, #tpu.memory_space<vmem>>[vector<16xi32>, vector<16xi32>], vector<16xf32>,
      %add3A_617 = arith.constant 0 : i32
      %add3A_618 = arith.addi %mul3A_144, %add3A_617 : i32
      %swap3A_619 = arith.constant 5 : i32
      %swap3A_620 = arith.index_cast %add3A_618 : i32 to index
      %swap3A_621 = arith.index_cast %swap3A_619 : i32 to index
      %swap3A_622 = arith.constant 96 : index
      %swap3A_623 = tpu.vector_load %arg7[%swap3A_620, %swap3A_621, %swap3A_622] {strides = array<i32>} : memref<8x8x128xf32, #tpu.memory_space<vmem>>, vector<16xf32>,
      tpu.vector_store %arg7[%swap3A_620, %swap3A_621, %swap3A_622], %gather3A_616 {strides = array<i32>} : memref<8x8x128xf32, #tpu.memory_space<vmem>>, vector<16xf32>,
      %add3A_624 = vector.broadcast %mul3A_142 : i32 to vector<16xi32>
      %add3A_625 = arith.addi %add3A_31, %add3A_624 : vector<16xi32>
      %gather3A_626 = tpu.vector_load_idx %arg6[%add3A_625, %broadcast_in_dim3A_553] : memref<256x32xf32, #tpu.memory_space<vmem>>[vector<16xi32>, vector<16xi32>], vector<16xf32>,
      %add3A_627 = arith.constant 0 : i32
      %add3A_628 = arith.addi %mul3A_144, %add3A_627 : i32
      %swap3A_629 = arith.constant 5 : i32
      %swap3A_630 = arith.index_cast %add3A_628 : i32 to index
      %swap3A_631 = arith.index_cast %swap3A_629 : i32 to index
      %swap3A_632 = arith.constant 112 : index
      %swap3A_633 = tpu.vector_load %arg7[%swap3A_630, %swap3A_631, %swap3A_632] {strides = array<i32>} : memref<8x8x128xf32, #tpu.memory_space<vmem>>, vector<16xf32>,
      tpu.vector_store %arg7[%swap3A_630, %swap3A_631, %swap3A_632], %gather3A_626 {strides = array<i32>} : memref<8x8x128xf32, #tpu.memory_space<vmem>>, vector<16xf32>,
      %broadcast_in_dim3A_634 = arith.constant 6 : i32
      %broadcast_in_dim3A_635 = vector.broadcast %broadcast_in_dim3A_634 : i32 to vector<16xi32>
      %add3A_636 = vector.broadcast %mul3A_142 : i32 to vector<16xi32>
      %add3A_637 = arith.addi %add3A_3, %add3A_636 : vector<16xi32>
      %gather3A_638 = tpu.vector_load_idx %arg6[%add3A_637, %broadcast_in_dim3A_635] : memref<256x32xf32, #tpu.memory_space<vmem>>[vector<16xi32>, vector<16xi32>], vector<16xf32>,
      %add3A_639 = arith.constant 0 : i32
      %add3A_640 = arith.addi %mul3A_144, %add3A_639 : i32
      %swap3A_641 = arith.constant 6 : i32
      %swap3A_642 = arith.index_cast %add3A_640 : i32 to index
      %swap3A_643 = arith.index_cast %swap3A_641 : i32 to index
      %swap3A_644 = arith.constant 0 : index
      %swap3A_645 = tpu.vector_load %arg7[%swap3A_642, %swap3A_643, %swap3A_644] {strides = array<i32>} : memref<8x8x128xf32, #tpu.memory_space<vmem>>, vector<16xf32>,
      tpu.vector_store %arg7[%swap3A_642, %swap3A_643, %swap3A_644], %gather3A_638 {strides = array<i32>} : memref<8x8x128xf32, #tpu.memory_space<vmem>>, vector<16xf32>,
      %add3A_646 = vector.broadcast %mul3A_142 : i32 to vector<16xi32>
      %add3A_647 = arith.addi %add3A_7, %add3A_646 : vector<16xi32>
      %gather3A_648 = tpu.vector_load_idx %arg6[%add3A_647, %broadcast_in_dim3A_635] : memref<256x32xf32, #tpu.memory_space<vmem>>[vector<16xi32>, vector<16xi32>], vector<16xf32>,
      %add3A_649 = arith.constant 0 : i32
      %add3A_650 = arith.addi %mul3A_144, %add3A_649 : i32
      %swap3A_651 = arith.constant 6 : i32
      %swap3A_652 = arith.index_cast %add3A_650 : i32 to index
      %swap3A_653 = arith.index_cast %swap3A_651 : i32 to index
      %swap3A_654 = arith.constant 16 : index
      %swap3A_655 = tpu.vector_load %arg7[%swap3A_652, %swap3A_653, %swap3A_654] {strides = array<i32>} : memref<8x8x128xf32, #tpu.memory_space<vmem>>, vector<16xf32>,
      tpu.vector_store %arg7[%swap3A_652, %swap3A_653, %swap3A_654], %gather3A_648 {strides = array<i32>} : memref<8x8x128xf32, #tpu.memory_space<vmem>>, vector<16xf32>,
      %add3A_656 = vector.broadcast %mul3A_142 : i32 to vector<16xi32>
      %add3A_657 = arith.addi %add3A_11, %add3A_656 : vector<16xi32>
      %gather3A_658 = tpu.vector_load_idx %arg6[%add3A_657, %broadcast_in_dim3A_635] : memref<256x32xf32, #tpu.memory_space<vmem>>[vector<16xi32>, vector<16xi32>], vector<16xf32>,
      %add3A_659 = arith.constant 0 : i32
      %add3A_660 = arith.addi %mul3A_144, %add3A_659 : i32
      %swap3A_661 = arith.constant 6 : i32
      %swap3A_662 = arith.index_cast %add3A_660 : i32 to index
      %swap3A_663 = arith.index_cast %swap3A_661 : i32 to index
      %swap3A_664 = arith.constant 32 : index
      %swap3A_665 = tpu.vector_load %arg7[%swap3A_662, %swap3A_663, %swap3A_664] {strides = array<i32>} : memref<8x8x128xf32, #tpu.memory_space<vmem>>, vector<16xf32>,
      tpu.vector_store %arg7[%swap3A_662, %swap3A_663, %swap3A_664], %gather3A_658 {strides = array<i32>} : memref<8x8x128xf32, #tpu.memory_space<vmem>>, vector<16xf32>,
      %add3A_666 = vector.broadcast %mul3A_142 : i32 to vector<16xi32>
      %add3A_667 = arith.addi %add3A_15, %add3A_666 : vector<16xi32>
      %gather3A_668 = tpu.vector_load_idx %arg6[%add3A_667, %broadcast_in_dim3A_635] : memref<256x32xf32, #tpu.memory_space<vmem>>[vector<16xi32>, vector<16xi32>], vector<16xf32>,
      %add3A_669 = arith.constant 0 : i32
      %add3A_670 = arith.addi %mul3A_144, %add3A_669 : i32
      %swap3A_671 = arith.constant 6 : i32
      %swap3A_672 = arith.index_cast %add3A_670 : i32 to index
      %swap3A_673 = arith.index_cast %swap3A_671 : i32 to index
      %swap3A_674 = arith.constant 48 : index
      %swap3A_675 = tpu.vector_load %arg7[%swap3A_672, %swap3A_673, %swap3A_674] {strides = array<i32>} : memref<8x8x128xf32, #tpu.memory_space<vmem>>, vector<16xf32>,
      tpu.vector_store %arg7[%swap3A_672, %swap3A_673, %swap3A_674], %gather3A_668 {strides = array<i32>} : memref<8x8x128xf32, #tpu.memory_space<vmem>>, vector<16xf32>,
      %add3A_676 = vector.broadcast %mul3A_142 : i32 to vector<16xi32>
      %add3A_677 = arith.addi %add3A_19, %add3A_676 : vector<16xi32>
      %gather3A_678 = tpu.vector_load_idx %arg6[%add3A_677, %broadcast_in_dim3A_635] : memref<256x32xf32, #tpu.memory_space<vmem>>[vector<16xi32>, vector<16xi32>], vector<16xf32>,
      %add3A_679 = arith.constant 0 : i32
      %add3A_680 = arith.addi %mul3A_144, %add3A_679 : i32
      %swap3A_681 = arith.constant 6 : i32
      %swap3A_682 = arith.index_cast %add3A_680 : i32 to index
      %swap3A_683 = arith.index_cast %swap3A_681 : i32 to index
      %swap3A_684 = arith.constant 64 : index
      %swap3A_685 = tpu.vector_load %arg7[%swap3A_682, %swap3A_683, %swap3A_684] {strides = array<i32>} : memref<8x8x128xf32, #tpu.memory_space<vmem>>, vector<16xf32>,
      tpu.vector_store %arg7[%swap3A_682, %swap3A_683, %swap3A_684], %gather3A_678 {strides = array<i32>} : memref<8x8x128xf32, #tpu.memory_space<vmem>>, vector<16xf32>,
      %add3A_686 = vector.broadcast %mul3A_142 : i32 to vector<16xi32>
      %add3A_687 = arith.addi %add3A_23, %add3A_686 : vector<16xi32>
      %gather3A_688 = tpu.vector_load_idx %arg6[%add3A_687, %broadcast_in_dim3A_635] : memref<256x32xf32, #tpu.memory_space<vmem>>[vector<16xi32>, vector<16xi32>], vector<16xf32>,
      %add3A_689 = arith.constant 0 : i32
      %add3A_690 = arith.addi %mul3A_144, %add3A_689 : i32
      %swap3A_691 = arith.constant 6 : i32
      %swap3A_692 = arith.index_cast %add3A_690 : i32 to index
      %swap3A_693 = arith.index_cast %swap3A_691 : i32 to index
      %swap3A_694 = arith.constant 80 : index
      %swap3A_695 = tpu.vector_load %arg7[%swap3A_692, %swap3A_693, %swap3A_694] {strides = array<i32>} : memref<8x8x128xf32, #tpu.memory_space<vmem>>, vector<16xf32>,
      tpu.vector_store %arg7[%swap3A_692, %swap3A_693, %swap3A_694], %gather3A_688 {strides = array<i32>} : memref<8x8x128xf32, #tpu.memory_space<vmem>>, vector<16xf32>,
      %add3A_696 = vector.broadcast %mul3A_142 : i32 to vector<16xi32>
      %add3A_697 = arith.addi %add3A_27, %add3A_696 : vector<16xi32>
      %gather3A_698 = tpu.vector_load_idx %arg6[%add3A_697, %broadcast_in_dim3A_635] : memref<256x32xf32, #tpu.memory_space<vmem>>[vector<16xi32>, vector<16xi32>], vector<16xf32>,
      %add3A_699 = arith.constant 0 : i32
      %add3A_700 = arith.addi %mul3A_144, %add3A_699 : i32
      %swap3A_701 = arith.constant 6 : i32
      %swap3A_702 = arith.index_cast %add3A_700 : i32 to index
      %swap3A_703 = arith.index_cast %swap3A_701 : i32 to index
      %swap3A_704 = arith.constant 96 : index
      %swap3A_705 = tpu.vector_load %arg7[%swap3A_702, %swap3A_703, %swap3A_704] {strides = array<i32>} : memref<8x8x128xf32, #tpu.memory_space<vmem>>, vector<16xf32>,
      tpu.vector_store %arg7[%swap3A_702, %swap3A_703, %swap3A_704], %gather3A_698 {strides = array<i32>} : memref<8x8x128xf32, #tpu.memory_space<vmem>>, vector<16xf32>,
      %add3A_706 = vector.broadcast %mul3A_142 : i32 to vector<16xi32>
      %add3A_707 = arith.addi %add3A_31, %add3A_706 : vector<16xi32>
      %gather3A_708 = tpu.vector_load_idx %arg6[%add3A_707, %broadcast_in_dim3A_635] : memref<256x32xf32, #tpu.memory_space<vmem>>[vector<16xi32>, vector<16xi32>], vector<16xf32>,
      %add3A_709 = arith.constant 0 : i32
      %add3A_710 = arith.addi %mul3A_144, %add3A_709 : i32
      %swap3A_711 = arith.constant 6 : i32
      %swap3A_712 = arith.index_cast %add3A_710 : i32 to index
      %swap3A_713 = arith.index_cast %swap3A_711 : i32 to index
      %swap3A_714 = arith.constant 112 : index
      %swap3A_715 = tpu.vector_load %arg7[%swap3A_712, %swap3A_713, %swap3A_714] {strides = array<i32>} : memref<8x8x128xf32, #tpu.memory_space<vmem>>, vector<16xf32>,
      tpu.vector_store %arg7[%swap3A_712, %swap3A_713, %swap3A_714], %gather3A_708 {strides = array<i32>} : memref<8x8x128xf32, #tpu.memory_space<vmem>>, vector<16xf32>,
      %broadcast_in_dim3A_716 = arith.constant 7 : i32
      %broadcast_in_dim3A_717 = vector.broadcast %broadcast_in_dim3A_716 : i32 to vector<16xi32>
      %add3A_718 = vector.broadcast %mul3A_142 : i32 to vector<16xi32>
      %add3A_719 = arith.addi %add3A_3, %add3A_718 : vector<16xi32>
      %gather3A_720 = tpu.vector_load_idx %arg6[%add3A_719, %broadcast_in_dim3A_717] : memref<256x32xf32, #tpu.memory_space<vmem>>[vector<16xi32>, vector<16xi32>], vector<16xf32>,
      %add3A_721 = arith.constant 0 : i32
      %add3A_722 = arith.addi %mul3A_144, %add3A_721 : i32
      %swap3A_723 = arith.constant 7 : i32
      %swap3A_724 = arith.index_cast %add3A_722 : i32 to index
      %swap3A_725 = arith.index_cast %swap3A_723 : i32 to index
      %swap3A_726 = arith.constant 0 : index
      %swap3A_727 = tpu.vector_load %arg7[%swap3A_724, %swap3A_725, %swap3A_726] {strides = array<i32>} : memref<8x8x128xf32, #tpu.memory_space<vmem>>, vector<16xf32>,
      tpu.vector_store %arg7[%swap3A_724, %swap3A_725, %swap3A_726], %gather3A_720 {strides = array<i32>} : memref<8x8x128xf32, #tpu.memory_space<vmem>>, vector<16xf32>,
      %add3A_728 = vector.broadcast %mul3A_142 : i32 to vector<16xi32>
      %add3A_729 = arith.addi %add3A_7, %add3A_728 : vector<16xi32>
      %gather3A_730 = tpu.vector_load_idx %arg6[%add3A_729, %broadcast_in_dim3A_717] : memref<256x32xf32, #tpu.memory_space<vmem>>[vector<16xi32>, vector<16xi32>], vector<16xf32>,
      %add3A_731 = arith.constant 0 : i32
      %add3A_732 = arith.addi %mul3A_144, %add3A_731 : i32
      %swap3A_733 = arith.constant 7 : i32
      %swap3A_734 = arith.index_cast %add3A_732 : i32 to index
      %swap3A_735 = arith.index_cast %swap3A_733 : i32 to index
      %swap3A_736 = arith.constant 16 : index
      %swap3A_737 = tpu.vector_load %arg7[%swap3A_734, %swap3A_735, %swap3A_736] {strides = array<i32>} : memref<8x8x128xf32, #tpu.memory_space<vmem>>, vector<16xf32>,
      tpu.vector_store %arg7[%swap3A_734, %swap3A_735, %swap3A_736], %gather3A_730 {strides = array<i32>} : memref<8x8x128xf32, #tpu.memory_space<vmem>>, vector<16xf32>,
      %add3A_738 = vector.broadcast %mul3A_142 : i32 to vector<16xi32>
      %add3A_739 = arith.addi %add3A_11, %add3A_738 : vector<16xi32>
      %gather3A_740 = tpu.vector_load_idx %arg6[%add3A_739, %broadcast_in_dim3A_717] : memref<256x32xf32, #tpu.memory_space<vmem>>[vector<16xi32>, vector<16xi32>], vector<16xf32>,
      %add3A_741 = arith.constant 0 : i32
      %add3A_742 = arith.addi %mul3A_144, %add3A_741 : i32
      %swap3A_743 = arith.constant 7 : i32
      %swap3A_744 = arith.index_cast %add3A_742 : i32 to index
      %swap3A_745 = arith.index_cast %swap3A_743 : i32 to index
      %swap3A_746 = arith.constant 32 : index
      %swap3A_747 = tpu.vector_load %arg7[%swap3A_744, %swap3A_745, %swap3A_746] {strides = array<i32>} : memref<8x8x128xf32, #tpu.memory_space<vmem>>, vector<16xf32>,
      tpu.vector_store %arg7[%swap3A_744, %swap3A_745, %swap3A_746], %gather3A_740 {strides = array<i32>} : memref<8x8x128xf32, #tpu.memory_space<vmem>>, vector<16xf32>,
      %add3A_748 = vector.broadcast %mul3A_142 : i32 to vector<16xi32>
      %add3A_749 = arith.addi %add3A_15, %add3A_748 : vector<16xi32>
      %gather3A_750 = tpu.vector_load_idx %arg6[%add3A_749, %broadcast_in_dim3A_717] : memref<256x32xf32, #tpu.memory_space<vmem>>[vector<16xi32>, vector<16xi32>], vector<16xf32>,
      %add3A_751 = arith.constant 0 : i32
      %add3A_752 = arith.addi %mul3A_144, %add3A_751 : i32
      %swap3A_753 = arith.constant 7 : i32
      %swap3A_754 = arith.index_cast %add3A_752 : i32 to index
      %swap3A_755 = arith.index_cast %swap3A_753 : i32 to index
      %swap3A_756 = arith.constant 48 : index
      %swap3A_757 = tpu.vector_load %arg7[%swap3A_754, %swap3A_755, %swap3A_756] {strides = array<i32>} : memref<8x8x128xf32, #tpu.memory_space<vmem>>, vector<16xf32>,
      tpu.vector_store %arg7[%swap3A_754, %swap3A_755, %swap3A_756], %gather3A_750 {strides = array<i32>} : memref<8x8x128xf32, #tpu.memory_space<vmem>>, vector<16xf32>,
      %add3A_758 = vector.broadcast %mul3A_142 : i32 to vector<16xi32>
      %add3A_759 = arith.addi %add3A_19, %add3A_758 : vector<16xi32>
      %gather3A_760 = tpu.vector_load_idx %arg6[%add3A_759, %broadcast_in_dim3A_717] : memref<256x32xf32, #tpu.memory_space<vmem>>[vector<16xi32>, vector<16xi32>], vector<16xf32>,
      %add3A_761 = arith.constant 0 : i32
      %add3A_762 = arith.addi %mul3A_144, %add3A_761 : i32
      %swap3A_763 = arith.constant 7 : i32
      %swap3A_764 = arith.index_cast %add3A_762 : i32 to index
      %swap3A_765 = arith.index_cast %swap3A_763 : i32 to index
      %swap3A_766 = arith.constant 64 : index
      %swap3A_767 = tpu.vector_load %arg7[%swap3A_764, %swap3A_765, %swap3A_766] {strides = array<i32>} : memref<8x8x128xf32, #tpu.memory_space<vmem>>, vector<16xf32>,
      tpu.vector_store %arg7[%swap3A_764, %swap3A_765, %swap3A_766], %gather3A_760 {strides = array<i32>} : memref<8x8x128xf32, #tpu.memory_space<vmem>>, vector<16xf32>,
      %add3A_768 = vector.broadcast %mul3A_142 : i32 to vector<16xi32>
      %add3A_769 = arith.addi %add3A_23, %add3A_768 : vector<16xi32>
      %gather3A_770 = tpu.vector_load_idx %arg6[%add3A_769, %broadcast_in_dim3A_717] : memref<256x32xf32, #tpu.memory_space<vmem>>[vector<16xi32>, vector<16xi32>], vector<16xf32>,
      %add3A_771 = arith.constant 0 : i32
      %add3A_772 = arith.addi %mul3A_144, %add3A_771 : i32
      %swap3A_773 = arith.constant 7 : i32
      %swap3A_774 = arith.index_cast %add3A_772 : i32 to index
      %swap3A_775 = arith.index_cast %swap3A_773 : i32 to index
      %swap3A_776 = arith.constant 80 : index
      %swap3A_777 = tpu.vector_load %arg7[%swap3A_774, %swap3A_775, %swap3A_776] {strides = array<i32>} : memref<8x8x128xf32, #tpu.memory_space<vmem>>, vector<16xf32>,
      tpu.vector_store %arg7[%swap3A_774, %swap3A_775, %swap3A_776], %gather3A_770 {strides = array<i32>} : memref<8x8x128xf32, #tpu.memory_space<vmem>>, vector<16xf32>,
      %add3A_778 = vector.broadcast %mul3A_142 : i32 to vector<16xi32>
      %add3A_779 = arith.addi %add3A_27, %add3A_778 : vector<16xi32>
      %gather3A_780 = tpu.vector_load_idx %arg6[%add3A_779, %broadcast_in_dim3A_717] : memref<256x32xf32, #tpu.memory_space<vmem>>[vector<16xi32>, vector<16xi32>], vector<16xf32>,
      %add3A_781 = arith.constant 0 : i32
      %add3A_782 = arith.addi %mul3A_144, %add3A_781 : i32
      %swap3A_783 = arith.constant 7 : i32
      %swap3A_784 = arith.index_cast %add3A_782 : i32 to index
      %swap3A_785 = arith.index_cast %swap3A_783 : i32 to index
      %swap3A_786 = arith.constant 96 : index
      %swap3A_787 = tpu.vector_load %arg7[%swap3A_784, %swap3A_785, %swap3A_786] {strides = array<i32>} : memref<8x8x128xf32, #tpu.memory_space<vmem>>, vector<16xf32>,
      tpu.vector_store %arg7[%swap3A_784, %swap3A_785, %swap3A_786], %gather3A_780 {strides = array<i32>} : memref<8x8x128xf32, #tpu.memory_space<vmem>>, vector<16xf32>,
      %add3A_788 = vector.broadcast %mul3A_142 : i32 to vector<16xi32>
      %add3A_789 = arith.addi %add3A_31, %add3A_788 : vector<16xi32>
      %gather3A_790 = tpu.vector_load_idx %arg6[%add3A_789, %broadcast_in_dim3A_717] : memref<256x32xf32, #tpu.memory_space<vmem>>[vector<16xi32>, vector<16xi32>], vector<16xf32>,
      %add3A_791 = arith.constant 0 : i32
      %add3A_792 = arith.addi %mul3A_144, %add3A_791 : i32
      %swap3A_793 = arith.constant 7 : i32
      %swap3A_794 = arith.index_cast %add3A_792 : i32 to index
      %swap3A_795 = arith.index_cast %swap3A_793 : i32 to index
      %swap3A_796 = arith.constant 112 : index
      %swap3A_797 = tpu.vector_load %arg7[%swap3A_794, %swap3A_795, %swap3A_796] {strides = array<i32>} : memref<8x8x128xf32, #tpu.memory_space<vmem>>, vector<16xf32>,
      tpu.vector_store %arg7[%swap3A_794, %swap3A_795, %swap3A_796], %gather3A_790 {strides = array<i32>} : memref<8x8x128xf32, #tpu.memory_space<vmem>>, vector<16xf32>,
      %broadcast_in_dim3A_798 = arith.constant 8 : i32
      %broadcast_in_dim3A_799 = vector.broadcast %broadcast_in_dim3A_798 : i32 to vector<16xi32>
      %add3A_800 = vector.broadcast %mul3A_142 : i32 to vector<16xi32>
      %add3A_801 = arith.addi %add3A_3, %add3A_800 : vector<16xi32>
      %gather3A_802 = tpu.vector_load_idx %arg6[%add3A_801, %broadcast_in_dim3A_799] : memref<256x32xf32, #tpu.memory_space<vmem>>[vector<16xi32>, vector<16xi32>], vector<16xf32>,
      %add3A_803 = arith.constant 1 : i32
      %add3A_804 = arith.addi %mul3A_144, %add3A_803 : i32
      %swap3A_805 = arith.constant 0 : i32
      %swap3A_806 = arith.index_cast %add3A_804 : i32 to index
      %swap3A_807 = arith.index_cast %swap3A_805 : i32 to index
      %swap3A_808 = arith.constant 0 : index
      %swap3A_809 = tpu.vector_load %arg7[%swap3A_806, %swap3A_807, %swap3A_808] {strides = array<i32>} : memref<8x8x128xf32, #tpu.memory_space<vmem>>, vector<16xf32>,
      tpu.vector_store %arg7[%swap3A_806, %swap3A_807, %swap3A_808], %gather3A_802 {strides = array<i32>} : memref<8x8x128xf32, #tpu.memory_space<vmem>>, vector<16xf32>,
      %add3A_810 = vector.broadcast %mul3A_142 : i32 to vector<16xi32>
      %add3A_811 = arith.addi %add3A_7, %add3A_810 : vector<16xi32>
      %gather3A_812 = tpu.vector_load_idx %arg6[%add3A_811, %broadcast_in_dim3A_799] : memref<256x32xf32, #tpu.memory_space<vmem>>[vector<16xi32>, vector<16xi32>], vector<16xf32>,
      %add3A_813 = arith.constant 1 : i32
      %add3A_814 = arith.addi %mul3A_144, %add3A_813 : i32
      %swap3A_815 = arith.constant 0 : i32
      %swap3A_816 = arith.index_cast %add3A_814 : i32 to index
      %swap3A_817 = arith.index_cast %swap3A_815 : i32 to index
      %swap3A_818 = arith.constant 16 : index
      %swap3A_819 = tpu.vector_load %arg7[%swap3A_816, %swap3A_817, %swap3A_818] {strides = array<i32>} : memref<8x8x128xf32, #tpu.memory_space<vmem>>, vector<16xf32>,
      tpu.vector_store %arg7[%swap3A_816, %swap3A_817, %swap3A_818], %gather3A_812 {strides = array<i32>} : memref<8x8x128xf32, #tpu.memory_space<vmem>>, vector<16xf32>,
      %add3A_820 = vector.broadcast %mul3A_142 : i32 to vector<16xi32>
      %add3A_821 = arith.addi %add3A_11, %add3A_820 : vector<16xi32>
      %gather3A_822 = tpu.vector_load_idx %arg6[%add3A_821, %broadcast_in_dim3A_799] : memref<256x32xf32, #tpu.memory_space<vmem>>[vector<16xi32>, vector<16xi32>], vector<16xf32>,
      %add3A_823 = arith.constant 1 : i32
      %add3A_824 = arith.addi %mul3A_144, %add3A_823 : i32
      %swap3A_825 = arith.constant 0 : i32
      %swap3A_826 = arith.index_cast %add3A_824 : i32 to index
      %swap3A_827 = arith.index_cast %swap3A_825 : i32 to index
      %swap3A_828 = arith.constant 32 : index
      %swap3A_829 = tpu.vector_load %arg7[%swap3A_826, %swap3A_827, %swap3A_828] {strides = array<i32>} : memref<8x8x128xf32, #tpu.memory_space<vmem>>, vector<16xf32>,
      tpu.vector_store %arg7[%swap3A_826, %swap3A_827, %swap3A_828], %gather3A_822 {strides = array<i32>} : memref<8x8x128xf32, #tpu.memory_space<vmem>>, vector<16xf32>,
      %add3A_830 = vector.broadcast %mul3A_142 : i32 to vector<16xi32>
      %add3A_831 = arith.addi %add3A_15, %add3A_830 : vector<16xi32>
      %gather3A_832 = tpu.vector_load_idx %arg6[%add3A_831, %broadcast_in_dim3A_799] : memref<256x32xf32, #tpu.memory_space<vmem>>[vector<16xi32>, vector<16xi32>], vector<16xf32>,
      %add3A_833 = arith.constant 1 : i32
      %add3A_834 = arith.addi %mul3A_144, %add3A_833 : i32
      %swap3A_835 = arith.constant 0 : i32
      %swap3A_836 = arith.index_cast %add3A_834 : i32 to index
      %swap3A_837 = arith.index_cast %swap3A_835 : i32 to index
      %swap3A_838 = arith.constant 48 : index
      %swap3A_839 = tpu.vector_load %arg7[%swap3A_836, %swap3A_837, %swap3A_838] {strides = array<i32>} : memref<8x8x128xf32, #tpu.memory_space<vmem>>, vector<16xf32>,
      tpu.vector_store %arg7[%swap3A_836, %swap3A_837, %swap3A_838], %gather3A_832 {strides = array<i32>} : memref<8x8x128xf32, #tpu.memory_space<vmem>>, vector<16xf32>,
      %add3A_840 = vector.broadcast %mul3A_142 : i32 to vector<16xi32>
      %add3A_841 = arith.addi %add3A_19, %add3A_840 : vector<16xi32>
      %gather3A_842 = tpu.vector_load_idx %arg6[%add3A_841, %broadcast_in_dim3A_799] : memref<256x32xf32, #tpu.memory_space<vmem>>[vector<16xi32>, vector<16xi32>], vector<16xf32>,
      %add3A_843 = arith.constant 1 : i32
      %add3A_844 = arith.addi %mul3A_144, %add3A_843 : i32
      %swap3A_845 = arith.constant 0 : i32
      %swap3A_846 = arith.index_cast %add3A_844 : i32 to index
      %swap3A_847 = arith.index_cast %swap3A_845 : i32 to index
      %swap3A_848 = arith.constant 64 : index
      %swap3A_849 = tpu.vector_load %arg7[%swap3A_846, %swap3A_847, %swap3A_848] {strides = array<i32>} : memref<8x8x128xf32, #tpu.memory_space<vmem>>, vector<16xf32>,
      tpu.vector_store %arg7[%swap3A_846, %swap3A_847, %swap3A_848], %gather3A_842 {strides = array<i32>} : memref<8x8x128xf32, #tpu.memory_space<vmem>>, vector<16xf32>,
      %add3A_850 = vector.broadcast %mul3A_142 : i32 to vector<16xi32>
      %add3A_851 = arith.addi %add3A_23, %add3A_850 : vector<16xi32>
      %gather3A_852 = tpu.vector_load_idx %arg6[%add3A_851, %broadcast_in_dim3A_799] : memref<256x32xf32, #tpu.memory_space<vmem>>[vector<16xi32>, vector<16xi32>], vector<16xf32>,
      %add3A_853 = arith.constant 1 : i32
      %add3A_854 = arith.addi %mul3A_144, %add3A_853 : i32
      %swap3A_855 = arith.constant 0 : i32
      %swap3A_856 = arith.index_cast %add3A_854 : i32 to index
      %swap3A_857 = arith.index_cast %swap3A_855 : i32 to index
      %swap3A_858 = arith.constant 80 : index
      %swap3A_859 = tpu.vector_load %arg7[%swap3A_856, %swap3A_857, %swap3A_858] {strides = array<i32>} : memref<8x8x128xf32, #tpu.memory_space<vmem>>, vector<16xf32>,
      tpu.vector_store %arg7[%swap3A_856, %swap3A_857, %swap3A_858], %gather3A_852 {strides = array<i32>} : memref<8x8x128xf32, #tpu.memory_space<vmem>>, vector<16xf32>,
      %add3A_860 = vector.broadcast %mul3A_142 : i32 to vector<16xi32>
      %add3A_861 = arith.addi %add3A_27, %add3A_860 : vector<16xi32>
      %gather3A_862 = tpu.vector_load_idx %arg6[%add3A_861, %broadcast_in_dim3A_799] : memref<256x32xf32, #tpu.memory_space<vmem>>[vector<16xi32>, vector<16xi32>], vector<16xf32>,
      %add3A_863 = arith.constant 1 : i32
      %add3A_864 = arith.addi %mul3A_144, %add3A_863 : i32
      %swap3A_865 = arith.constant 0 : i32
      %swap3A_866 = arith.index_cast %add3A_864 : i32 to index
      %swap3A_867 = arith.index_cast %swap3A_865 : i32 to index
      %swap3A_868 = arith.constant 96 : index
      %swap3A_869 = tpu.vector_load %arg7[%swap3A_866, %swap3A_867, %swap3A_868] {strides = array<i32>} : memref<8x8x128xf32, #tpu.memory_space<vmem>>, vector<16xf32>,
      tpu.vector_store %arg7[%swap3A_866, %swap3A_867, %swap3A_868], %gather3A_862 {strides = array<i32>} : memref<8x8x128xf32, #tpu.memory_space<vmem>>, vector<16xf32>,
      %add3A_870 = vector.broadcast %mul3A_142 : i32 to vector<16xi32>
      %add3A_871 = arith.addi %add3A_31, %add3A_870 : vector<16xi32>
      %gather3A_872 = tpu.vector_load_idx %arg6[%add3A_871, %broadcast_in_dim3A_799] : memref<256x32xf32, #tpu.memory_space<vmem>>[vector<16xi32>, vector<16xi32>], vector<16xf32>,
      %add3A_873 = arith.constant 1 : i32
      %add3A_874 = arith.addi %mul3A_144, %add3A_873 : i32
      %swap3A_875 = arith.constant 0 : i32
      %swap3A_876 = arith.index_cast %add3A_874 : i32 to index
      %swap3A_877 = arith.index_cast %swap3A_875 : i32 to index
      %swap3A_878 = arith.constant 112 : index
      %swap3A_879 = tpu.vector_load %arg7[%swap3A_876, %swap3A_877, %swap3A_878] {strides = array<i32>} : memref<8x8x128xf32, #tpu.memory_space<vmem>>, vector<16xf32>,
      tpu.vector_store %arg7[%swap3A_876, %swap3A_877, %swap3A_878], %gather3A_872 {strides = array<i32>} : memref<8x8x128xf32, #tpu.memory_space<vmem>>, vector<16xf32>,
      %broadcast_in_dim3A_880 = arith.constant 9 : i32
      %broadcast_in_dim3A_881 = vector.broadcast %broadcast_in_dim3A_880 : i32 to vector<16xi32>
      %add3A_882 = vector.broadcast %mul3A_142 : i32 to vector<16xi32>
      %add3A_883 = arith.addi %add3A_3, %add3A_882 : vector<16xi32>
      %gather3A_884 = tpu.vector_load_idx %arg6[%add3A_883, %broadcast_in_dim3A_881] : memref<256x32xf32, #tpu.memory_space<vmem>>[vector<16xi32>, vector<16xi32>], vector<16xf32>,
      %add3A_885 = arith.constant 1 : i32
      %add3A_886 = arith.addi %mul3A_144, %add3A_885 : i32
      %swap3A_887 = arith.constant 1 : i32
      %swap3A_888 = arith.index_cast %add3A_886 : i32 to index
      %swap3A_889 = arith.index_cast %swap3A_887 : i32 to index
      %swap3A_890 = arith.constant 0 : index
      %swap3A_891 = tpu.vector_load %arg7[%swap3A_888, %swap3A_889, %swap3A_890] {strides = array<i32>} : memref<8x8x128xf32, #tpu.memory_space<vmem>>, vector<16xf32>,
      tpu.vector_store %arg7[%swap3A_888, %swap3A_889, %swap3A_890], %gather3A_884 {strides = array<i32>} : memref<8x8x128xf32, #tpu.memory_space<vmem>>, vector<16xf32>,
      %add3A_892 = vector.broadcast %mul3A_142 : i32 to vector<16xi32>
      %add3A_893 = arith.addi %add3A_7, %add3A_892 : vector<16xi32>
      %gather3A_894 = tpu.vector_load_idx %arg6[%add3A_893, %broadcast_in_dim3A_881] : memref<256x32xf32, #tpu.memory_space<vmem>>[vector<16xi32>, vector<16xi32>], vector<16xf32>,
      %add3A_895 = arith.constant 1 : i32
      %add3A_896 = arith.addi %mul3A_144, %add3A_895 : i32
      %swap3A_897 = arith.constant 1 : i32
      %swap3A_898 = arith.index_cast %add3A_896 : i32 to index
      %swap3A_899 = arith.index_cast %swap3A_897 : i32 to index
      %swap3A_900 = arith.constant 16 : index
      %swap3A_901 = tpu.vector_load %arg7[%swap3A_898, %swap3A_899, %swap3A_900] {strides = array<i32>} : memref<8x8x128xf32, #tpu.memory_space<vmem>>, vector<16xf32>,
      tpu.vector_store %arg7[%swap3A_898, %swap3A_899, %swap3A_900], %gather3A_894 {strides = array<i32>} : memref<8x8x128xf32, #tpu.memory_space<vmem>>, vector<16xf32>,
      %add3A_902 = vector.broadcast %mul3A_142 : i32 to vector<16xi32>
      %add3A_903 = arith.addi %add3A_11, %add3A_902 : vector<16xi32>
      %gather3A_904 = tpu.vector_load_idx %arg6[%add3A_903, %broadcast_in_dim3A_881] : memref<256x32xf32, #tpu.memory_space<vmem>>[vector<16xi32>, vector<16xi32>], vector<16xf32>,
      %add3A_905 = arith.constant 1 : i32
      %add3A_906 = arith.addi %mul3A_144, %add3A_905 : i32
      %swap3A_907 = arith.constant 1 : i32
      %swap3A_908 = arith.index_cast %add3A_906 : i32 to index
      %swap3A_909 = arith.index_cast %swap3A_907 : i32 to index
      %swap3A_910 = arith.constant 32 : index
      %swap3A_911 = tpu.vector_load %arg7[%swap3A_908, %swap3A_909, %swap3A_910] {strides = array<i32>} : memref<8x8x128xf32, #tpu.memory_space<vmem>>, vector<16xf32>,
      tpu.vector_store %arg7[%swap3A_908, %swap3A_909, %swap3A_910], %gather3A_904 {strides = array<i32>} : memref<8x8x128xf32, #tpu.memory_space<vmem>>, vector<16xf32>,
      %add3A_912 = vector.broadcast %mul3A_142 : i32 to vector<16xi32>
      %add3A_913 = arith.addi %add3A_15, %add3A_912 : vector<16xi32>
      %gather3A_914 = tpu.vector_load_idx %arg6[%add3A_913, %broadcast_in_dim3A_881] : memref<256x32xf32, #tpu.memory_space<vmem>>[vector<16xi32>, vector<16xi32>], vector<16xf32>,
      %add3A_915 = arith.constant 1 : i32
      %add3A_916 = arith.addi %mul3A_144, %add3A_915 : i32
      %swap3A_917 = arith.constant 1 : i32
      %swap3A_918 = arith.index_cast %add3A_916 : i32 to index
      %swap3A_919 = arith.index_cast %swap3A_917 : i32 to index
      %swap3A_920 = arith.constant 48 : index
      %swap3A_921 = tpu.vector_load %arg7[%swap3A_918, %swap3A_919, %swap3A_920] {strides = array<i32>} : memref<8x8x128xf32, #tpu.memory_space<vmem>>, vector<16xf32>,
      tpu.vector_store %arg7[%swap3A_918, %swap3A_919, %swap3A_920], %gather3A_914 {strides = array<i32>} : memref<8x8x128xf32, #tpu.memory_space<vmem>>, vector<16xf32>,
      %add3A_922 = vector.broadcast %mul3A_142 : i32 to vector<16xi32>
      %add3A_923 = arith.addi %add3A_19, %add3A_922 : vector<16xi32>
      %gather3A_924 = tpu.vector_load_idx %arg6[%add3A_923, %broadcast_in_dim3A_881] : memref<256x32xf32, #tpu.memory_space<vmem>>[vector<16xi32>, vector<16xi32>], vector<16xf32>,
      %add3A_925 = arith.constant 1 : i32
      %add3A_926 = arith.addi %mul3A_144, %add3A_925 : i32
      %swap3A_927 = arith.constant 1 : i32
      %swap3A_928 = arith.index_cast %add3A_926 : i32 to index
      %swap3A_929 = arith.index_cast %swap3A_927 : i32 to index
      %swap3A_930 = arith.constant 64 : index
      %swap3A_931 = tpu.vector_load %arg7[%swap3A_928, %swap3A_929, %swap3A_930] {strides = array<i32>} : memref<8x8x128xf32, #tpu.memory_space<vmem>>, vector<16xf32>,
      tpu.vector_store %arg7[%swap3A_928, %swap3A_929, %swap3A_930], %gather3A_924 {strides = array<i32>} : memref<8x8x128xf32, #tpu.memory_space<vmem>>, vector<16xf32>,
      %add3A_932 = vector.broadcast %mul3A_142 : i32 to vector<16xi32>
      %add3A_933 = arith.addi %add3A_23, %add3A_932 : vector<16xi32>
      %gather3A_934 = tpu.vector_load_idx %arg6[%add3A_933, %broadcast_in_dim3A_881] : memref<256x32xf32, #tpu.memory_space<vmem>>[vector<16xi32>, vector<16xi32>], vector<16xf32>,
      %add3A_935 = arith.constant 1 : i32
      %add3A_936 = arith.addi %mul3A_144, %add3A_935 : i32
      %swap3A_937 = arith.constant 1 : i32
      %swap3A_938 = arith.index_cast %add3A_936 : i32 to index
      %swap3A_939 = arith.index_cast %swap3A_937 : i32 to index
      %swap3A_940 = arith.constant 80 : index
      %swap3A_941 = tpu.vector_load %arg7[%swap3A_938, %swap3A_939, %swap3A_940] {strides = array<i32>} : memref<8x8x128xf32, #tpu.memory_space<vmem>>, vector<16xf32>,
      tpu.vector_store %arg7[%swap3A_938, %swap3A_939, %swap3A_940], %gather3A_934 {strides = array<i32>} : memref<8x8x128xf32, #tpu.memory_space<vmem>>, vector<16xf32>,
      %add3A_942 = vector.broadcast %mul3A_142 : i32 to vector<16xi32>
      %add3A_943 = arith.addi %add3A_27, %add3A_942 : vector<16xi32>
      %gather3A_944 = tpu.vector_load_idx %arg6[%add3A_943, %broadcast_in_dim3A_881] : memref<256x32xf32, #tpu.memory_space<vmem>>[vector<16xi32>, vector<16xi32>], vector<16xf32>,
      %add3A_945 = arith.constant 1 : i32
      %add3A_946 = arith.addi %mul3A_144, %add3A_945 : i32
      %swap3A_947 = arith.constant 1 : i32
      %swap3A_948 = arith.index_cast %add3A_946 : i32 to index
      %swap3A_949 = arith.index_cast %swap3A_947 : i32 to index
      %swap3A_950 = arith.constant 96 : index
      %swap3A_951 = tpu.vector_load %arg7[%swap3A_948, %swap3A_949, %swap3A_950] {strides = array<i32>} : memref<8x8x128xf32, #tpu.memory_space<vmem>>, vector<16xf32>,
      tpu.vector_store %arg7[%swap3A_948, %swap3A_949, %swap3A_950], %gather3A_944 {strides = array<i32>} : memref<8x8x128xf32, #tpu.memory_space<vmem>>, vector<16xf32>,
      %add3A_952 = vector.broadcast %mul3A_142 : i32 to vector<16xi32>
      %add3A_953 = arith.addi %add3A_31, %add3A_952 : vector<16xi32>
      %gather3A_954 = tpu.vector_load_idx %arg6[%add3A_953, %broadcast_in_dim3A_881] : memref<256x32xf32, #tpu.memory_space<vmem>>[vector<16xi32>, vector<16xi32>], vector<16xf32>,
      %add3A_955 = arith.constant 1 : i32
      %add3A_956 = arith.addi %mul3A_144, %add3A_955 : i32
      %swap3A_957 = arith.constant 1 : i32
      %swap3A_958 = arith.index_cast %add3A_956 : i32 to index
      %swap3A_959 = arith.index_cast %swap3A_957 : i32 to index
      %swap3A_960 = arith.constant 112 : index
      %swap3A_961 = tpu.vector_load %arg7[%swap3A_958, %swap3A_959, %swap3A_960] {strides = array<i32>} : memref<8x8x128xf32, #tpu.memory_space<vmem>>, vector<16xf32>,
      tpu.vector_store %arg7[%swap3A_958, %swap3A_959, %swap3A_960], %gather3A_954 {strides = array<i32>} : memref<8x8x128xf32, #tpu.memory_space<vmem>>, vector<16xf32>,
      %broadcast_in_dim3A_962 = arith.constant 10 : i32
      %broadcast_in_dim3A_963 = vector.broadcast %broadcast_in_dim3A_962 : i32 to vector<16xi32>
      %add3A_964 = vector.broadcast %mul3A_142 : i32 to vector<16xi32>
      %add3A_965 = arith.addi %add3A_3, %add3A_964 : vector<16xi32>
      %gather3A_966 = tpu.vector_load_idx %arg6[%add3A_965, %broadcast_in_dim3A_963] : memref<256x32xf32, #tpu.memory_space<vmem>>[vector<16xi32>, vector<16xi32>], vector<16xf32>,
      %add3A_967 = arith.constant 1 : i32
      %add3A_968 = arith.addi %mul3A_144, %add3A_967 : i32
      %swap3A_969 = arith.constant 2 : i32
      %swap3A_970 = arith.index_cast %add3A_968 : i32 to index
      %swap3A_971 = arith.index_cast %swap3A_969 : i32 to index
      %swap3A_972 = arith.constant 0 : index
      %swap3A_973 = tpu.vector_load %arg7[%swap3A_970, %swap3A_971, %swap3A_972] {strides = array<i32>} : memref<8x8x128xf32, #tpu.memory_space<vmem>>, vector<16xf32>,
      tpu.vector_store %arg7[%swap3A_970, %swap3A_971, %swap3A_972], %gather3A_966 {strides = array<i32>} : memref<8x8x128xf32, #tpu.memory_space<vmem>>, vector<16xf32>,
      %add3A_974 = vector.broadcast %mul3A_142 : i32 to vector<16xi32>
      %add3A_975 = arith.addi %add3A_7, %add3A_974 : vector<16xi32>
      %gather3A_976 = tpu.vector_load_idx %arg6[%add3A_975, %broadcast_in_dim3A_963] : memref<256x32xf32, #tpu.memory_space<vmem>>[vector<16xi32>, vector<16xi32>], vector<16xf32>,
      %add3A_977 = arith.constant 1 : i32
      %add3A_978 = arith.addi %mul3A_144, %add3A_977 : i32
      %swap3A_979 = arith.constant 2 : i32
      %swap3A_980 = arith.index_cast %add3A_978 : i32 to index
      %swap3A_981 = arith.index_cast %swap3A_979 : i32 to index
      %swap3A_982 = arith.constant 16 : index
      %swap3A_983 = tpu.vector_load %arg7[%swap3A_980, %swap3A_981, %swap3A_982] {strides = array<i32>} : memref<8x8x128xf32, #tpu.memory_space<vmem>>, vector<16xf32>,
      tpu.vector_store %arg7[%swap3A_980, %swap3A_981, %swap3A_982], %gather3A_976 {strides = array<i32>} : memref<8x8x128xf32, #tpu.memory_space<vmem>>, vector<16xf32>,
      %add3A_984 = vector.broadcast %mul3A_142 : i32 to vector<16xi32>
      %add3A_985 = arith.addi %add3A_11, %add3A_984 : vector<16xi32>
      %gather3A_986 = tpu.vector_load_idx %arg6[%add3A_985, %broadcast_in_dim3A_963] : memref<256x32xf32, #tpu.memory_space<vmem>>[vector<16xi32>, vector<16xi32>], vector<16xf32>,
      %add3A_987 = arith.constant 1 : i32
      %add3A_988 = arith.addi %mul3A_144, %add3A_987 : i32
      %swap3A_989 = arith.constant 2 : i32
      %swap3A_990 = arith.index_cast %add3A_988 : i32 to index
      %swap3A_991 = arith.index_cast %swap3A_989 : i32 to index
      %swap3A_992 = arith.constant 32 : index
      %swap3A_993 = tpu.vector_load %arg7[%swap3A_990, %swap3A_991, %swap3A_992] {strides = array<i32>} : memref<8x8x128xf32, #tpu.memory_space<vmem>>, vector<16xf32>,
      tpu.vector_store %arg7[%swap3A_990, %swap3A_991, %swap3A_992], %gather3A_986 {strides = array<i32>} : memref<8x8x128xf32, #tpu.memory_space<vmem>>, vector<16xf32>,
      %add3A_994 = vector.broadcast %mul3A_142 : i32 to vector<16xi32>
      %add3A_995 = arith.addi %add3A_15, %add3A_994 : vector<16xi32>
      %gather3A_996 = tpu.vector_load_idx %arg6[%add3A_995, %broadcast_in_dim3A_963] : memref<256x32xf32, #tpu.memory_space<vmem>>[vector<16xi32>, vector<16xi32>], vector<16xf32>,
      %add3A_997 = arith.constant 1 : i32
      %add3A_998 = arith.addi %mul3A_144, %add3A_997 : i32
      %swap3A_999 = arith.constant 2 : i32
      %swap3A_1000 = arith.index_cast %add3A_998 : i32 to index
      %swap3A_1001 = arith.index_cast %swap3A_999 : i32 to index
      %swap3A_1002 = arith.constant 48 : index
      %swap3A_1003 = tpu.vector_load %arg7[%swap3A_1000, %swap3A_1001, %swap3A_1002] {strides = array<i32>} : memref<8x8x128xf32, #tpu.memory_space<vmem>>, vector<16xf32>,
      tpu.vector_store %arg7[%swap3A_1000, %swap3A_1001, %swap3A_1002], %gather3A_996 {strides = array<i32>} : memref<8x8x128xf32, #tpu.memory_space<vmem>>, vector<16xf32>,
      %add3A_1004 = vector.broadcast %mul3A_142 : i32 to vector<16xi32>
      %add3A_1005 = arith.addi %add3A_19, %add3A_1004 : vector<16xi32>
      %gather3A_1006 = tpu.vector_load_idx %arg6[%add3A_1005, %broadcast_in_dim3A_963] : memref<256x32xf32, #tpu.memory_space<vmem>>[vector<16xi32>, vector<16xi32>], vector<16xf32>,
      %add3A_1007 = arith.constant 1 : i32
      %add3A_1008 = arith.addi %mul3A_144, %add3A_1007 : i32
      %swap3A_1009 = arith.constant 2 : i32
      %swap3A_1010 = arith.index_cast %add3A_1008 : i32 to index
      %swap3A_1011 = arith.index_cast %swap3A_1009 : i32 to index
      %swap3A_1012 = arith.constant 64 : index
      %swap3A_1013 = tpu.vector_load %arg7[%swap3A_1010, %swap3A_1011, %swap3A_1012] {strides = array<i32>} : memref<8x8x128xf32, #tpu.memory_space<vmem>>, vector<16xf32>,
      tpu.vector_store %arg7[%swap3A_1010, %swap3A_1011, %swap3A_1012], %gather3A_1006 {strides = array<i32>} : memref<8x8x128xf32, #tpu.memory_space<vmem>>, vector<16xf32>,
      %add3A_1014 = vector.broadcast %mul3A_142 : i32 to vector<16xi32>
      %add3A_1015 = arith.addi %add3A_23, %add3A_1014 : vector<16xi32>
      %gather3A_1016 = tpu.vector_load_idx %arg6[%add3A_1015, %broadcast_in_dim3A_963] : memref<256x32xf32, #tpu.memory_space<vmem>>[vector<16xi32>, vector<16xi32>], vector<16xf32>,
      %add3A_1017 = arith.constant 1 : i32
      %add3A_1018 = arith.addi %mul3A_144, %add3A_1017 : i32
      %swap3A_1019 = arith.constant 2 : i32
      %swap3A_1020 = arith.index_cast %add3A_1018 : i32 to index
      %swap3A_1021 = arith.index_cast %swap3A_1019 : i32 to index
      %swap3A_1022 = arith.constant 80 : index
      %swap3A_1023 = tpu.vector_load %arg7[%swap3A_1020, %swap3A_1021, %swap3A_1022] {strides = array<i32>} : memref<8x8x128xf32, #tpu.memory_space<vmem>>, vector<16xf32>,
      tpu.vector_store %arg7[%swap3A_1020, %swap3A_1021, %swap3A_1022], %gather3A_1016 {strides = array<i32>} : memref<8x8x128xf32, #tpu.memory_space<vmem>>, vector<16xf32>,
      %add3A_1024 = vector.broadcast %mul3A_142 : i32 to vector<16xi32>
      %add3A_1025 = arith.addi %add3A_27, %add3A_1024 : vector<16xi32>
      %gather3A_1026 = tpu.vector_load_idx %arg6[%add3A_1025, %broadcast_in_dim3A_963] : memref<256x32xf32, #tpu.memory_space<vmem>>[vector<16xi32>, vector<16xi32>], vector<16xf32>,
      %add3A_1027 = arith.constant 1 : i32
      %add3A_1028 = arith.addi %mul3A_144, %add3A_1027 : i32
      %swap3A_1029 = arith.constant 2 : i32
      %swap3A_1030 = arith.index_cast %add3A_1028 : i32 to index
      %swap3A_1031 = arith.index_cast %swap3A_1029 : i32 to index
      %swap3A_1032 = arith.constant 96 : index
      %swap3A_1033 = tpu.vector_load %arg7[%swap3A_1030, %swap3A_1031, %swap3A_1032] {strides = array<i32>} : memref<8x8x128xf32, #tpu.memory_space<vmem>>, vector<16xf32>,
      tpu.vector_store %arg7[%swap3A_1030, %swap3A_1031, %swap3A_1032], %gather3A_1026 {strides = array<i32>} : memref<8x8x128xf32, #tpu.memory_space<vmem>>, vector<16xf32>,
      %add3A_1034 = vector.broadcast %mul3A_142 : i32 to vector<16xi32>
      %add3A_1035 = arith.addi %add3A_31, %add3A_1034 : vector<16xi32>
      %gather3A_1036 = tpu.vector_load_idx %arg6[%add3A_1035, %broadcast_in_dim3A_963] : memref<256x32xf32, #tpu.memory_space<vmem>>[vector<16xi32>, vector<16xi32>], vector<16xf32>,
      %add3A_1037 = arith.constant 1 : i32
      %add3A_1038 = arith.addi %mul3A_144, %add3A_1037 : i32
      %swap3A_1039 = arith.constant 2 : i32
      %swap3A_1040 = arith.index_cast %add3A_1038 : i32 to index
      %swap3A_1041 = arith.index_cast %swap3A_1039 : i32 to index
      %swap3A_1042 = arith.constant 112 : index
      %swap3A_1043 = tpu.vector_load %arg7[%swap3A_1040, %swap3A_1041, %swap3A_1042] {strides = array<i32>} : memref<8x8x128xf32, #tpu.memory_space<vmem>>, vector<16xf32>,
      tpu.vector_store %arg7[%swap3A_1040, %swap3A_1041, %swap3A_1042], %gather3A_1036 {strides = array<i32>} : memref<8x8x128xf32, #tpu.memory_space<vmem>>, vector<16xf32>,
      %broadcast_in_dim3A_1044 = arith.constant 11 : i32
      %broadcast_in_dim3A_1045 = vector.broadcast %broadcast_in_dim3A_1044 : i32 to vector<16xi32>
      %add3A_1046 = vector.broadcast %mul3A_142 : i32 to vector<16xi32>
      %add3A_1047 = arith.addi %add3A_3, %add3A_1046 : vector<16xi32>
      %gather3A_1048 = tpu.vector_load_idx %arg6[%add3A_1047, %broadcast_in_dim3A_1045] : memref<256x32xf32, #tpu.memory_space<vmem>>[vector<16xi32>, vector<16xi32>], vector<16xf32>,
      %add3A_1049 = arith.constant 1 : i32
      %add3A_1050 = arith.addi %mul3A_144, %add3A_1049 : i32
      %swap3A_1051 = arith.constant 3 : i32
      %swap3A_1052 = arith.index_cast %add3A_1050 : i32 to index
      %swap3A_1053 = arith.index_cast %swap3A_1051 : i32 to index
      %swap3A_1054 = arith.constant 0 : index
      %swap3A_1055 = tpu.vector_load %arg7[%swap3A_1052, %swap3A_1053, %swap3A_1054] {strides = array<i32>} : memref<8x8x128xf32, #tpu.memory_space<vmem>>, vector<16xf32>,
      tpu.vector_store %arg7[%swap3A_1052, %swap3A_1053, %swap3A_1054], %gather3A_1048 {strides = array<i32>} : memref<8x8x128xf32, #tpu.memory_space<vmem>>, vector<16xf32>,
      %add3A_1056 = vector.broadcast %mul3A_142 : i32 to vector<16xi32>
      %add3A_1057 = arith.addi %add3A_7, %add3A_1056 : vector<16xi32>
      %gather3A_1058 = tpu.vector_load_idx %arg6[%add3A_1057, %broadcast_in_dim3A_1045] : memref<256x32xf32, #tpu.memory_space<vmem>>[vector<16xi32>, vector<16xi32>], vector<16xf32>,
      %add3A_1059 = arith.constant 1 : i32
      %add3A_1060 = arith.addi %mul3A_144, %add3A_1059 : i32
      %swap3A_1061 = arith.constant 3 : i32
      %swap3A_1062 = arith.index_cast %add3A_1060 : i32 to index
      %swap3A_1063 = arith.index_cast %swap3A_1061 : i32 to index
      %swap3A_1064 = arith.constant 16 : index
      %swap3A_1065 = tpu.vector_load %arg7[%swap3A_1062, %swap3A_1063, %swap3A_1064] {strides = array<i32>} : memref<8x8x128xf32, #tpu.memory_space<vmem>>, vector<16xf32>,
      tpu.vector_store %arg7[%swap3A_1062, %swap3A_1063, %swap3A_1064], %gather3A_1058 {strides = array<i32>} : memref<8x8x128xf32, #tpu.memory_space<vmem>>, vector<16xf32>,
      %add3A_1066 = vector.broadcast %mul3A_142 : i32 to vector<16xi32>
      %add3A_1067 = arith.addi %add3A_11, %add3A_1066 : vector<16xi32>
      %gather3A_1068 = tpu.vector_load_idx %arg6[%add3A_1067, %broadcast_in_dim3A_1045] : memref<256x32xf32, #tpu.memory_space<vmem>>[vector<16xi32>, vector<16xi32>], vector<16xf32>,
      %add3A_1069 = arith.constant 1 : i32
      %add3A_1070 = arith.addi %mul3A_144, %add3A_1069 : i32
      %swap3A_1071 = arith.constant 3 : i32
      %swap3A_1072 = arith.index_cast %add3A_1070 : i32 to index
      %swap3A_1073 = arith.index_cast %swap3A_1071 : i32 to index
      %swap3A_1074 = arith.constant 32 : index
      %swap3A_1075 = tpu.vector_load %arg7[%swap3A_1072, %swap3A_1073, %swap3A_1074] {strides = array<i32>} : memref<8x8x128xf32, #tpu.memory_space<vmem>>, vector<16xf32>,
      tpu.vector_store %arg7[%swap3A_1072, %swap3A_1073, %swap3A_1074], %gather3A_1068 {strides = array<i32>} : memref<8x8x128xf32, #tpu.memory_space<vmem>>, vector<16xf32>,
      %add3A_1076 = vector.broadcast %mul3A_142 : i32 to vector<16xi32>
      %add3A_1077 = arith.addi %add3A_15, %add3A_1076 : vector<16xi32>
      %gather3A_1078 = tpu.vector_load_idx %arg6[%add3A_1077, %broadcast_in_dim3A_1045] : memref<256x32xf32, #tpu.memory_space<vmem>>[vector<16xi32>, vector<16xi32>], vector<16xf32>,
      %add3A_1079 = arith.constant 1 : i32
      %add3A_1080 = arith.addi %mul3A_144, %add3A_1079 : i32
      %swap3A_1081 = arith.constant 3 : i32
      %swap3A_1082 = arith.index_cast %add3A_1080 : i32 to index
      %swap3A_1083 = arith.index_cast %swap3A_1081 : i32 to index
      %swap3A_1084 = arith.constant 48 : index
      %swap3A_1085 = tpu.vector_load %arg7[%swap3A_1082, %swap3A_1083, %swap3A_1084] {strides = array<i32>} : memref<8x8x128xf32, #tpu.memory_space<vmem>>, vector<16xf32>,
      tpu.vector_store %arg7[%swap3A_1082, %swap3A_1083, %swap3A_1084], %gather3A_1078 {strides = array<i32>} : memref<8x8x128xf32, #tpu.memory_space<vmem>>, vector<16xf32>,
      %add3A_1086 = vector.broadcast %mul3A_142 : i32 to vector<16xi32>
      %add3A_1087 = arith.addi %add3A_19, %add3A_1086 : vector<16xi32>
      %gather3A_1088 = tpu.vector_load_idx %arg6[%add3A_1087, %broadcast_in_dim3A_1045] : memref<256x32xf32, #tpu.memory_space<vmem>>[vector<16xi32>, vector<16xi32>], vector<16xf32>,
      %add3A_1089 = arith.constant 1 : i32
      %add3A_1090 = arith.addi %mul3A_144, %add3A_1089 : i32
      %swap3A_1091 = arith.constant 3 : i32
      %swap3A_1092 = arith.index_cast %add3A_1090 : i32 to index
      %swap3A_1093 = arith.index_cast %swap3A_1091 : i32 to index
      %swap3A_1094 = arith.constant 64 : index
      %swap3A_1095 = tpu.vector_load %arg7[%swap3A_1092, %swap3A_1093, %swap3A_1094] {strides = array<i32>} : memref<8x8x128xf32, #tpu.memory_space<vmem>>, vector<16xf32>,
      tpu.vector_store %arg7[%swap3A_1092, %swap3A_1093, %swap3A_1094], %gather3A_1088 {strides = array<i32>} : memref<8x8x128xf32, #tpu.memory_space<vmem>>, vector<16xf32>,
      %add3A_1096 = vector.broadcast %mul3A_142 : i32 to vector<16xi32>
      %add3A_1097 = arith.addi %add3A_23, %add3A_1096 : vector<16xi32>
      %gather3A_1098 = tpu.vector_load_idx %arg6[%add3A_1097, %broadcast_in_dim3A_1045] : memref<256x32xf32, #tpu.memory_space<vmem>>[vector<16xi32>, vector<16xi32>], vector<16xf32>,
      %add3A_1099 = arith.constant 1 : i32
      %add3A_1100 = arith.addi %mul3A_144, %add3A_1099 : i32
      %swap3A_1101 = arith.constant 3 : i32
      %swap3A_1102 = arith.index_cast %add3A_1100 : i32 to index
      %swap3A_1103 = arith.index_cast %swap3A_1101 : i32 to index
      %swap3A_1104 = arith.constant 80 : index
      %swap3A_1105 = tpu.vector_load %arg7[%swap3A_1102, %swap3A_1103, %swap3A_1104] {strides = array<i32>} : memref<8x8x128xf32, #tpu.memory_space<vmem>>, vector<16xf32>,
      tpu.vector_store %arg7[%swap3A_1102, %swap3A_1103, %swap3A_1104], %gather3A_1098 {strides = array<i32>} : memref<8x8x128xf32, #tpu.memory_space<vmem>>, vector<16xf32>,
      %add3A_1106 = vector.broadcast %mul3A_142 : i32 to vector<16xi32>
      %add3A_1107 = arith.addi %add3A_27, %add3A_1106 : vector<16xi32>
      %gather3A_1108 = tpu.vector_load_idx %arg6[%add3A_1107, %broadcast_in_dim3A_1045] : memref<256x32xf32, #tpu.memory_space<vmem>>[vector<16xi32>, vector<16xi32>], vector<16xf32>,
      %add3A_1109 = arith.constant 1 : i32
      %add3A_1110 = arith.addi %mul3A_144, %add3A_1109 : i32
      %swap3A_1111 = arith.constant 3 : i32
      %swap3A_1112 = arith.index_cast %add3A_1110 : i32 to index
      %swap3A_1113 = arith.index_cast %swap3A_1111 : i32 to index
      %swap3A_1114 = arith.constant 96 : index
      %swap3A_1115 = tpu.vector_load %arg7[%swap3A_1112, %swap3A_1113, %swap3A_1114] {strides = array<i32>} : memref<8x8x128xf32, #tpu.memory_space<vmem>>, vector<16xf32>,
      tpu.vector_store %arg7[%swap3A_1112, %swap3A_1113, %swap3A_1114], %gather3A_1108 {strides = array<i32>} : memref<8x8x128xf32, #tpu.memory_space<vmem>>, vector<16xf32>,
      %add3A_1116 = vector.broadcast %mul3A_142 : i32 to vector<16xi32>
      %add3A_1117 = arith.addi %add3A_31, %add3A_1116 : vector<16xi32>
      %gather3A_1118 = tpu.vector_load_idx %arg6[%add3A_1117, %broadcast_in_dim3A_1045] : memref<256x32xf32, #tpu.memory_space<vmem>>[vector<16xi32>, vector<16xi32>], vector<16xf32>,
      %add3A_1119 = arith.constant 1 : i32
      %add3A_1120 = arith.addi %mul3A_144, %add3A_1119 : i32
      %swap3A_1121 = arith.constant 3 : i32
      %swap3A_1122 = arith.index_cast %add3A_1120 : i32 to index
      %swap3A_1123 = arith.index_cast %swap3A_1121 : i32 to index
      %swap3A_1124 = arith.constant 112 : index
      %swap3A_1125 = tpu.vector_load %arg7[%swap3A_1122, %swap3A_1123, %swap3A_1124] {strides = array<i32>} : memref<8x8x128xf32, #tpu.memory_space<vmem>>, vector<16xf32>,
      tpu.vector_store %arg7[%swap3A_1122, %swap3A_1123, %swap3A_1124], %gather3A_1118 {strides = array<i32>} : memref<8x8x128xf32, #tpu.memory_space<vmem>>, vector<16xf32>,
      %broadcast_in_dim3A_1126 = arith.constant 12 : i32
      %broadcast_in_dim3A_1127 = vector.broadcast %broadcast_in_dim3A_1126 : i32 to vector<16xi32>
      %add3A_1128 = vector.broadcast %mul3A_142 : i32 to vector<16xi32>
      %add3A_1129 = arith.addi %add3A_3, %add3A_1128 : vector<16xi32>
      %gather3A_1130 = tpu.vector_load_idx %arg6[%add3A_1129, %broadcast_in_dim3A_1127] : memref<256x32xf32, #tpu.memory_space<vmem>>[vector<16xi32>, vector<16xi32>], vector<16xf32>,
      %add3A_1131 = arith.constant 1 : i32
      %add3A_1132 = arith.addi %mul3A_144, %add3A_1131 : i32
      %swap3A_1133 = arith.constant 4 : i32
      %swap3A_1134 = arith.index_cast %add3A_1132 : i32 to index
      %swap3A_1135 = arith.index_cast %swap3A_1133 : i32 to index
      %swap3A_1136 = arith.constant 0 : index
      %swap3A_1137 = tpu.vector_load %arg7[%swap3A_1134, %swap3A_1135, %swap3A_1136] {strides = array<i32>} : memref<8x8x128xf32, #tpu.memory_space<vmem>>, vector<16xf32>,
      tpu.vector_store %arg7[%swap3A_1134, %swap3A_1135, %swap3A_1136], %gather3A_1130 {strides = array<i32>} : memref<8x8x128xf32, #tpu.memory_space<vmem>>, vector<16xf32>,
      %add3A_1138 = vector.broadcast %mul3A_142 : i32 to vector<16xi32>
      %add3A_1139 = arith.addi %add3A_7, %add3A_1138 : vector<16xi32>
      %gather3A_1140 = tpu.vector_load_idx %arg6[%add3A_1139, %broadcast_in_dim3A_1127] : memref<256x32xf32, #tpu.memory_space<vmem>>[vector<16xi32>, vector<16xi32>], vector<16xf32>,
      %add3A_1141 = arith.constant 1 : i32
      %add3A_1142 = arith.addi %mul3A_144, %add3A_1141 : i32
      %swap3A_1143 = arith.constant 4 : i32
      %swap3A_1144 = arith.index_cast %add3A_1142 : i32 to index
      %swap3A_1145 = arith.index_cast %swap3A_1143 : i32 to index
      %swap3A_1146 = arith.constant 16 : index
      %swap3A_1147 = tpu.vector_load %arg7[%swap3A_1144, %swap3A_1145, %swap3A_1146] {strides = array<i32>} : memref<8x8x128xf32, #tpu.memory_space<vmem>>, vector<16xf32>,
      tpu.vector_store %arg7[%swap3A_1144, %swap3A_1145, %swap3A_1146], %gather3A_1140 {strides = array<i32>} : memref<8x8x128xf32, #tpu.memory_space<vmem>>, vector<16xf32>,
      %add3A_1148 = vector.broadcast %mul3A_142 : i32 to vector<16xi32>
      %add3A_1149 = arith.addi %add3A_11, %add3A_1148 : vector<16xi32>
      %gather3A_1150 = tpu.vector_load_idx %arg6[%add3A_1149, %broadcast_in_dim3A_1127] : memref<256x32xf32, #tpu.memory_space<vmem>>[vector<16xi32>, vector<16xi32>], vector<16xf32>,
      %add3A_1151 = arith.constant 1 : i32
      %add3A_1152 = arith.addi %mul3A_144, %add3A_1151 : i32
      %swap3A_1153 = arith.constant 4 : i32
      %swap3A_1154 = arith.index_cast %add3A_1152 : i32 to index
      %swap3A_1155 = arith.index_cast %swap3A_1153 : i32 to index
      %swap3A_1156 = arith.constant 32 : index
      %swap3A_1157 = tpu.vector_load %arg7[%swap3A_1154, %swap3A_1155, %swap3A_1156] {strides = array<i32>} : memref<8x8x128xf32, #tpu.memory_space<vmem>>, vector<16xf32>,
      tpu.vector_store %arg7[%swap3A_1154, %swap3A_1155, %swap3A_1156], %gather3A_1150 {strides = array<i32>} : memref<8x8x128xf32, #tpu.memory_space<vmem>>, vector<16xf32>,
      %add3A_1158 = vector.broadcast %mul3A_142 : i32 to vector<16xi32>
      %add3A_1159 = arith.addi %add3A_15, %add3A_1158 : vector<16xi32>
      %gather3A_1160 = tpu.vector_load_idx %arg6[%add3A_1159, %broadcast_in_dim3A_1127] : memref<256x32xf32, #tpu.memory_space<vmem>>[vector<16xi32>, vector<16xi32>], vector<16xf32>,
      %add3A_1161 = arith.constant 1 : i32
      %add3A_1162 = arith.addi %mul3A_144, %add3A_1161 : i32
      %swap3A_1163 = arith.constant 4 : i32
      %swap3A_1164 = arith.index_cast %add3A_1162 : i32 to index
      %swap3A_1165 = arith.index_cast %swap3A_1163 : i32 to index
      %swap3A_1166 = arith.constant 48 : index
      %swap3A_1167 = tpu.vector_load %arg7[%swap3A_1164, %swap3A_1165, %swap3A_1166] {strides = array<i32>} : memref<8x8x128xf32, #tpu.memory_space<vmem>>, vector<16xf32>,
      tpu.vector_store %arg7[%swap3A_1164, %swap3A_1165, %swap3A_1166], %gather3A_1160 {strides = array<i32>} : memref<8x8x128xf32, #tpu.memory_space<vmem>>, vector<16xf32>,
      %add3A_1168 = vector.broadcast %mul3A_142 : i32 to vector<16xi32>
      %add3A_1169 = arith.addi %add3A_19, %add3A_1168 : vector<16xi32>
      %gather3A_1170 = tpu.vector_load_idx %arg6[%add3A_1169, %broadcast_in_dim3A_1127] : memref<256x32xf32, #tpu.memory_space<vmem>>[vector<16xi32>, vector<16xi32>], vector<16xf32>,
      %add3A_1171 = arith.constant 1 : i32
      %add3A_1172 = arith.addi %mul3A_144, %add3A_1171 : i32
      %swap3A_1173 = arith.constant 4 : i32
      %swap3A_1174 = arith.index_cast %add3A_1172 : i32 to index
      %swap3A_1175 = arith.index_cast %swap3A_1173 : i32 to index
      %swap3A_1176 = arith.constant 64 : index
      %swap3A_1177 = tpu.vector_load %arg7[%swap3A_1174, %swap3A_1175, %swap3A_1176] {strides = array<i32>} : memref<8x8x128xf32, #tpu.memory_space<vmem>>, vector<16xf32>,
      tpu.vector_store %arg7[%swap3A_1174, %swap3A_1175, %swap3A_1176], %gather3A_1170 {strides = array<i32>} : memref<8x8x128xf32, #tpu.memory_space<vmem>>, vector<16xf32>,
      %add3A_1178 = vector.broadcast %mul3A_142 : i32 to vector<16xi32>
      %add3A_1179 = arith.addi %add3A_23, %add3A_1178 : vector<16xi32>
      %gather3A_1180 = tpu.vector_load_idx %arg6[%add3A_1179, %broadcast_in_dim3A_1127] : memref<256x32xf32, #tpu.memory_space<vmem>>[vector<16xi32>, vector<16xi32>], vector<16xf32>,
      %add3A_1181 = arith.constant 1 : i32
      %add3A_1182 = arith.addi %mul3A_144, %add3A_1181 : i32
      %swap3A_1183 = arith.constant 4 : i32
      %swap3A_1184 = arith.index_cast %add3A_1182 : i32 to index
      %swap3A_1185 = arith.index_cast %swap3A_1183 : i32 to index
      %swap3A_1186 = arith.constant 80 : index
      %swap3A_1187 = tpu.vector_load %arg7[%swap3A_1184, %swap3A_1185, %swap3A_1186] {strides = array<i32>} : memref<8x8x128xf32, #tpu.memory_space<vmem>>, vector<16xf32>,
      tpu.vector_store %arg7[%swap3A_1184, %swap3A_1185, %swap3A_1186], %gather3A_1180 {strides = array<i32>} : memref<8x8x128xf32, #tpu.memory_space<vmem>>, vector<16xf32>,
      %add3A_1188 = vector.broadcast %mul3A_142 : i32 to vector<16xi32>
      %add3A_1189 = arith.addi %add3A_27, %add3A_1188 : vector<16xi32>
      %gather3A_1190 = tpu.vector_load_idx %arg6[%add3A_1189, %broadcast_in_dim3A_1127] : memref<256x32xf32, #tpu.memory_space<vmem>>[vector<16xi32>, vector<16xi32>], vector<16xf32>,
      %add3A_1191 = arith.constant 1 : i32
      %add3A_1192 = arith.addi %mul3A_144, %add3A_1191 : i32
      %swap3A_1193 = arith.constant 4 : i32
      %swap3A_1194 = arith.index_cast %add3A_1192 : i32 to index
      %swap3A_1195 = arith.index_cast %swap3A_1193 : i32 to index
      %swap3A_1196 = arith.constant 96 : index
      %swap3A_1197 = tpu.vector_load %arg7[%swap3A_1194, %swap3A_1195, %swap3A_1196] {strides = array<i32>} : memref<8x8x128xf32, #tpu.memory_space<vmem>>, vector<16xf32>,
      tpu.vector_store %arg7[%swap3A_1194, %swap3A_1195, %swap3A_1196], %gather3A_1190 {strides = array<i32>} : memref<8x8x128xf32, #tpu.memory_space<vmem>>, vector<16xf32>,
      %add3A_1198 = vector.broadcast %mul3A_142 : i32 to vector<16xi32>
      %add3A_1199 = arith.addi %add3A_31, %add3A_1198 : vector<16xi32>
      %gather3A_1200 = tpu.vector_load_idx %arg6[%add3A_1199, %broadcast_in_dim3A_1127] : memref<256x32xf32, #tpu.memory_space<vmem>>[vector<16xi32>, vector<16xi32>], vector<16xf32>,
      %add3A_1201 = arith.constant 1 : i32
      %add3A_1202 = arith.addi %mul3A_144, %add3A_1201 : i32
      %swap3A_1203 = arith.constant 4 : i32
      %swap3A_1204 = arith.index_cast %add3A_1202 : i32 to index
      %swap3A_1205 = arith.index_cast %swap3A_1203 : i32 to index
      %swap3A_1206 = arith.constant 112 : index
      %swap3A_1207 = tpu.vector_load %arg7[%swap3A_1204, %swap3A_1205, %swap3A_1206] {strides = array<i32>} : memref<8x8x128xf32, #tpu.memory_space<vmem>>, vector<16xf32>,
      tpu.vector_store %arg7[%swap3A_1204, %swap3A_1205, %swap3A_1206], %gather3A_1200 {strides = array<i32>} : memref<8x8x128xf32, #tpu.memory_space<vmem>>, vector<16xf32>,
      %broadcast_in_dim3A_1208 = arith.constant 13 : i32
      %broadcast_in_dim3A_1209 = vector.broadcast %broadcast_in_dim3A_1208 : i32 to vector<16xi32>
      %add3A_1210 = vector.broadcast %mul3A_142 : i32 to vector<16xi32>
      %add3A_1211 = arith.addi %add3A_3, %add3A_1210 : vector<16xi32>
      %gather3A_1212 = tpu.vector_load_idx %arg6[%add3A_1211, %broadcast_in_dim3A_1209] : memref<256x32xf32, #tpu.memory_space<vmem>>[vector<16xi32>, vector<16xi32>], vector<16xf32>,
      %add3A_1213 = arith.constant 1 : i32
      %add3A_1214 = arith.addi %mul3A_144, %add3A_1213 : i32
      %swap3A_1215 = arith.constant 5 : i32
      %swap3A_1216 = arith.index_cast %add3A_1214 : i32 to index
      %swap3A_1217 = arith.index_cast %swap3A_1215 : i32 to index
      %swap3A_1218 = arith.constant 0 : index
      %swap3A_1219 = tpu.vector_load %arg7[%swap3A_1216, %swap3A_1217, %swap3A_1218] {strides = array<i32>} : memref<8x8x128xf32, #tpu.memory_space<vmem>>, vector<16xf32>,
      tpu.vector_store %arg7[%swap3A_1216, %swap3A_1217, %swap3A_1218], %gather3A_1212 {strides = array<i32>} : memref<8x8x128xf32, #tpu.memory_space<vmem>>, vector<16xf32>,
      %add3A_1220 = vector.broadcast %mul3A_142 : i32 to vector<16xi32>
      %add3A_1221 = arith.addi %add3A_7, %add3A_1220 : vector<16xi32>
      %gather3A_1222 = tpu.vector_load_idx %arg6[%add3A_1221, %broadcast_in_dim3A_1209] : memref<256x32xf32, #tpu.memory_space<vmem>>[vector<16xi32>, vector<16xi32>], vector<16xf32>,
      %add3A_1223 = arith.constant 1 : i32
      %add3A_1224 = arith.addi %mul3A_144, %add3A_1223 : i32
      %swap3A_1225 = arith.constant 5 : i32
      %swap3A_1226 = arith.index_cast %add3A_1224 : i32 to index
      %swap3A_1227 = arith.index_cast %swap3A_1225 : i32 to index
      %swap3A_1228 = arith.constant 16 : index
      %swap3A_1229 = tpu.vector_load %arg7[%swap3A_1226, %swap3A_1227, %swap3A_1228] {strides = array<i32>} : memref<8x8x128xf32, #tpu.memory_space<vmem>>, vector<16xf32>,
      tpu.vector_store %arg7[%swap3A_1226, %swap3A_1227, %swap3A_1228], %gather3A_1222 {strides = array<i32>} : memref<8x8x128xf32, #tpu.memory_space<vmem>>, vector<16xf32>,
      %add3A_1230 = vector.broadcast %mul3A_142 : i32 to vector<16xi32>
      %add3A_1231 = arith.addi %add3A_11, %add3A_1230 : vector<16xi32>
      %gather3A_1232 = tpu.vector_load_idx %arg6[%add3A_1231, %broadcast_in_dim3A_1209] : memref<256x32xf32, #tpu.memory_space<vmem>>[vector<16xi32>, vector<16xi32>], vector<16xf32>,
      %add3A_1233 = arith.constant 1 : i32
      %add3A_1234 = arith.addi %mul3A_144, %add3A_1233 : i32
      %swap3A_1235 = arith.constant 5 : i32
      %swap3A_1236 = arith.index_cast %add3A_1234 : i32 to index
      %swap3A_1237 = arith.index_cast %swap3A_1235 : i32 to index
      %swap3A_1238 = arith.constant 32 : index
      %swap3A_1239 = tpu.vector_load %arg7[%swap3A_1236, %swap3A_1237, %swap3A_1238] {strides = array<i32>} : memref<8x8x128xf32, #tpu.memory_space<vmem>>, vector<16xf32>,
      tpu.vector_store %arg7[%swap3A_1236, %swap3A_1237, %swap3A_1238], %gather3A_1232 {strides = array<i32>} : memref<8x8x128xf32, #tpu.memory_space<vmem>>, vector<16xf32>,
      %add3A_1240 = vector.broadcast %mul3A_142 : i32 to vector<16xi32>
      %add3A_1241 = arith.addi %add3A_15, %add3A_1240 : vector<16xi32>
      %gather3A_1242 = tpu.vector_load_idx %arg6[%add3A_1241, %broadcast_in_dim3A_1209] : memref<256x32xf32, #tpu.memory_space<vmem>>[vector<16xi32>, vector<16xi32>], vector<16xf32>,
      %add3A_1243 = arith.constant 1 : i32
      %add3A_1244 = arith.addi %mul3A_144, %add3A_1243 : i32
      %swap3A_1245 = arith.constant 5 : i32
      %swap3A_1246 = arith.index_cast %add3A_1244 : i32 to index
      %swap3A_1247 = arith.index_cast %swap3A_1245 : i32 to index
      %swap3A_1248 = arith.constant 48 : index
      %swap3A_1249 = tpu.vector_load %arg7[%swap3A_1246, %swap3A_1247, %swap3A_1248] {strides = array<i32>} : memref<8x8x128xf32, #tpu.memory_space<vmem>>, vector<16xf32>,
      tpu.vector_store %arg7[%swap3A_1246, %swap3A_1247, %swap3A_1248], %gather3A_1242 {strides = array<i32>} : memref<8x8x128xf32, #tpu.memory_space<vmem>>, vector<16xf32>,
      %add3A_1250 = vector.broadcast %mul3A_142 : i32 to vector<16xi32>
      %add3A_1251 = arith.addi %add3A_19, %add3A_1250 : vector<16xi32>
      %gather3A_1252 = tpu.vector_load_idx %arg6[%add3A_1251, %broadcast_in_dim3A_1209] : memref<256x32xf32, #tpu.memory_space<vmem>>[vector<16xi32>, vector<16xi32>], vector<16xf32>,
      %add3A_1253 = arith.constant 1 : i32
      %add3A_1254 = arith.addi %mul3A_144, %add3A_1253 : i32
      %swap3A_1255 = arith.constant 5 : i32
      %swap3A_1256 = arith.index_cast %add3A_1254 : i32 to index
      %swap3A_1257 = arith.index_cast %swap3A_1255 : i32 to index
      %swap3A_1258 = arith.constant 64 : index
      %swap3A_1259 = tpu.vector_load %arg7[%swap3A_1256, %swap3A_1257, %swap3A_1258] {strides = array<i32>} : memref<8x8x128xf32, #tpu.memory_space<vmem>>, vector<16xf32>,
      tpu.vector_store %arg7[%swap3A_1256, %swap3A_1257, %swap3A_1258], %gather3A_1252 {strides = array<i32>} : memref<8x8x128xf32, #tpu.memory_space<vmem>>, vector<16xf32>,
      %add3A_1260 = vector.broadcast %mul3A_142 : i32 to vector<16xi32>
      %add3A_1261 = arith.addi %add3A_23, %add3A_1260 : vector<16xi32>
      %gather3A_1262 = tpu.vector_load_idx %arg6[%add3A_1261, %broadcast_in_dim3A_1209] : memref<256x32xf32, #tpu.memory_space<vmem>>[vector<16xi32>, vector<16xi32>], vector<16xf32>,
      %add3A_1263 = arith.constant 1 : i32
      %add3A_1264 = arith.addi %mul3A_144, %add3A_1263 : i32
      %swap3A_1265 = arith.constant 5 : i32
      %swap3A_1266 = arith.index_cast %add3A_1264 : i32 to index
      %swap3A_1267 = arith.index_cast %swap3A_1265 : i32 to index
      %swap3A_1268 = arith.constant 80 : index
      %swap3A_1269 = tpu.vector_load %arg7[%swap3A_1266, %swap3A_1267, %swap3A_1268] {strides = array<i32>} : memref<8x8x128xf32, #tpu.memory_space<vmem>>, vector<16xf32>,
      tpu.vector_store %arg7[%swap3A_1266, %swap3A_1267, %swap3A_1268], %gather3A_1262 {strides = array<i32>} : memref<8x8x128xf32, #tpu.memory_space<vmem>>, vector<16xf32>,
      %add3A_1270 = vector.broadcast %mul3A_142 : i32 to vector<16xi32>
      %add3A_1271 = arith.addi %add3A_27, %add3A_1270 : vector<16xi32>
      %gather3A_1272 = tpu.vector_load_idx %arg6[%add3A_1271, %broadcast_in_dim3A_1209] : memref<256x32xf32, #tpu.memory_space<vmem>>[vector<16xi32>, vector<16xi32>], vector<16xf32>,
      %add3A_1273 = arith.constant 1 : i32
      %add3A_1274 = arith.addi %mul3A_144, %add3A_1273 : i32
      %swap3A_1275 = arith.constant 5 : i32
      %swap3A_1276 = arith.index_cast %add3A_1274 : i32 to index
      %swap3A_1277 = arith.index_cast %swap3A_1275 : i32 to index
      %swap3A_1278 = arith.constant 96 : index
      %swap3A_1279 = tpu.vector_load %arg7[%swap3A_1276, %swap3A_1277, %swap3A_1278] {strides = array<i32>} : memref<8x8x128xf32, #tpu.memory_space<vmem>>, vector<16xf32>,
      tpu.vector_store %arg7[%swap3A_1276, %swap3A_1277, %swap3A_1278], %gather3A_1272 {strides = array<i32>} : memref<8x8x128xf32, #tpu.memory_space<vmem>>, vector<16xf32>,
      %add3A_1280 = vector.broadcast %mul3A_142 : i32 to vector<16xi32>
      %add3A_1281 = arith.addi %add3A_31, %add3A_1280 : vector<16xi32>
      %gather3A_1282 = tpu.vector_load_idx %arg6[%add3A_1281, %broadcast_in_dim3A_1209] : memref<256x32xf32, #tpu.memory_space<vmem>>[vector<16xi32>, vector<16xi32>], vector<16xf32>,
      %add3A_1283 = arith.constant 1 : i32
      %add3A_1284 = arith.addi %mul3A_144, %add3A_1283 : i32
      %swap3A_1285 = arith.constant 5 : i32
      %swap3A_1286 = arith.index_cast %add3A_1284 : i32 to index
      %swap3A_1287 = arith.index_cast %swap3A_1285 : i32 to index
      %swap3A_1288 = arith.constant 112 : index
      %swap3A_1289 = tpu.vector_load %arg7[%swap3A_1286, %swap3A_1287, %swap3A_1288] {strides = array<i32>} : memref<8x8x128xf32, #tpu.memory_space<vmem>>, vector<16xf32>,
      tpu.vector_store %arg7[%swap3A_1286, %swap3A_1287, %swap3A_1288], %gather3A_1282 {strides = array<i32>} : memref<8x8x128xf32, #tpu.memory_space<vmem>>, vector<16xf32>,
      %broadcast_in_dim3A_1290 = arith.constant 14 : i32
      %broadcast_in_dim3A_1291 = vector.broadcast %broadcast_in_dim3A_1290 : i32 to vector<16xi32>
      %add3A_1292 = vector.broadcast %mul3A_142 : i32 to vector<16xi32>
      %add3A_1293 = arith.addi %add3A_3, %add3A_1292 : vector<16xi32>
      %gather3A_1294 = tpu.vector_load_idx %arg6[%add3A_1293, %broadcast_in_dim3A_1291] : memref<256x32xf32, #tpu.memory_space<vmem>>[vector<16xi32>, vector<16xi32>], vector<16xf32>,
      %add3A_1295 = arith.constant 1 : i32
      %add3A_1296 = arith.addi %mul3A_144, %add3A_1295 : i32
      %swap3A_1297 = arith.constant 6 : i32
      %swap3A_1298 = arith.index_cast %add3A_1296 : i32 to index
      %swap3A_1299 = arith.index_cast %swap3A_1297 : i32 to index
      %swap3A_1300 = arith.constant 0 : index
      %swap3A_1301 = tpu.vector_load %arg7[%swap3A_1298, %swap3A_1299, %swap3A_1300] {strides = array<i32>} : memref<8x8x128xf32, #tpu.memory_space<vmem>>, vector<16xf32>,
      tpu.vector_store %arg7[%swap3A_1298, %swap3A_1299, %swap3A_1300], %gather3A_1294 {strides = array<i32>} : memref<8x8x128xf32, #tpu.memory_space<vmem>>, vector<16xf32>,
      %add3A_1302 = vector.broadcast %mul3A_142 : i32 to vector<16xi32>
      %add3A_1303 = arith.addi %add3A_7, %add3A_1302 : vector<16xi32>
      %gather3A_1304 = tpu.vector_load_idx %arg6[%add3A_1303, %broadcast_in_dim3A_1291] : memref<256x32xf32, #tpu.memory_space<vmem>>[vector<16xi32>, vector<16xi32>], vector<16xf32>,
      %add3A_1305 = arith.constant 1 : i32
      %add3A_1306 = arith.addi %mul3A_144, %add3A_1305 : i32
      %swap3A_1307 = arith.constant 6 : i32
      %swap3A_1308 = arith.index_cast %add3A_1306 : i32 to index
      %swap3A_1309 = arith.index_cast %swap3A_1307 : i32 to index
      %swap3A_1310 = arith.constant 16 : index
      %swap3A_1311 = tpu.vector_load %arg7[%swap3A_1308, %swap3A_1309, %swap3A_1310] {strides = array<i32>} : memref<8x8x128xf32, #tpu.memory_space<vmem>>, vector<16xf32>,
      tpu.vector_store %arg7[%swap3A_1308, %swap3A_1309, %swap3A_1310], %gather3A_1304 {strides = array<i32>} : memref<8x8x128xf32, #tpu.memory_space<vmem>>, vector<16xf32>,
      %add3A_1312 = vector.broadcast %mul3A_142 : i32 to vector<16xi32>
      %add3A_1313 = arith.addi %add3A_11, %add3A_1312 : vector<16xi32>
      %gather3A_1314 = tpu.vector_load_idx %arg6[%add3A_1313, %broadcast_in_dim3A_1291] : memref<256x32xf32, #tpu.memory_space<vmem>>[vector<16xi32>, vector<16xi32>], vector<16xf32>,
      %add3A_1315 = arith.constant 1 : i32
      %add3A_1316 = arith.addi %mul3A_144, %add3A_1315 : i32
      %swap3A_1317 = arith.constant 6 : i32
      %swap3A_1318 = arith.index_cast %add3A_1316 : i32 to index
      %swap3A_1319 = arith.index_cast %swap3A_1317 : i32 to index
      %swap3A_1320 = arith.constant 32 : index
      %swap3A_1321 = tpu.vector_load %arg7[%swap3A_1318, %swap3A_1319, %swap3A_1320] {strides = array<i32>} : memref<8x8x128xf32, #tpu.memory_space<vmem>>, vector<16xf32>,
      tpu.vector_store %arg7[%swap3A_1318, %swap3A_1319, %swap3A_1320], %gather3A_1314 {strides = array<i32>} : memref<8x8x128xf32, #tpu.memory_space<vmem>>, vector<16xf32>,
      %add3A_1322 = vector.broadcast %mul3A_142 : i32 to vector<16xi32>
      %add3A_1323 = arith.addi %add3A_15, %add3A_1322 : vector<16xi32>
      %gather3A_1324 = tpu.vector_load_idx %arg6[%add3A_1323, %broadcast_in_dim3A_1291] : memref<256x32xf32, #tpu.memory_space<vmem>>[vector<16xi32>, vector<16xi32>], vector<16xf32>,
      %add3A_1325 = arith.constant 1 : i32
      %add3A_1326 = arith.addi %mul3A_144, %add3A_1325 : i32
      %swap3A_1327 = arith.constant 6 : i32
      %swap3A_1328 = arith.index_cast %add3A_1326 : i32 to index
      %swap3A_1329 = arith.index_cast %swap3A_1327 : i32 to index
      %swap3A_1330 = arith.constant 48 : index
      %swap3A_1331 = tpu.vector_load %arg7[%swap3A_1328, %swap3A_1329, %swap3A_1330] {strides = array<i32>} : memref<8x8x128xf32, #tpu.memory_space<vmem>>, vector<16xf32>,
      tpu.vector_store %arg7[%swap3A_1328, %swap3A_1329, %swap3A_1330], %gather3A_1324 {strides = array<i32>} : memref<8x8x128xf32, #tpu.memory_space<vmem>>, vector<16xf32>,
      %add3A_1332 = vector.broadcast %mul3A_142 : i32 to vector<16xi32>
      %add3A_1333 = arith.addi %add3A_19, %add3A_1332 : vector<16xi32>
      %gather3A_1334 = tpu.vector_load_idx %arg6[%add3A_1333, %broadcast_in_dim3A_1291] : memref<256x32xf32, #tpu.memory_space<vmem>>[vector<16xi32>, vector<16xi32>], vector<16xf32>,
      %add3A_1335 = arith.constant 1 : i32
      %add3A_1336 = arith.addi %mul3A_144, %add3A_1335 : i32
      %swap3A_1337 = arith.constant 6 : i32
      %swap3A_1338 = arith.index_cast %add3A_1336 : i32 to index
      %swap3A_1339 = arith.index_cast %swap3A_1337 : i32 to index
      %swap3A_1340 = arith.constant 64 : index
      %swap3A_1341 = tpu.vector_load %arg7[%swap3A_1338, %swap3A_1339, %swap3A_1340] {strides = array<i32>} : memref<8x8x128xf32, #tpu.memory_space<vmem>>, vector<16xf32>,
      tpu.vector_store %arg7[%swap3A_1338, %swap3A_1339, %swap3A_1340], %gather3A_1334 {strides = array<i32>} : memref<8x8x128xf32, #tpu.memory_space<vmem>>, vector<16xf32>,
      %add3A_1342 = vector.broadcast %mul3A_142 : i32 to vector<16xi32>
      %add3A_1343 = arith.addi %add3A_23, %add3A_1342 : vector<16xi32>
      %gather3A_1344 = tpu.vector_load_idx %arg6[%add3A_1343, %broadcast_in_dim3A_1291] : memref<256x32xf32, #tpu.memory_space<vmem>>[vector<16xi32>, vector<16xi32>], vector<16xf32>,
      %add3A_1345 = arith.constant 1 : i32
      %add3A_1346 = arith.addi %mul3A_144, %add3A_1345 : i32
      %swap3A_1347 = arith.constant 6 : i32
      %swap3A_1348 = arith.index_cast %add3A_1346 : i32 to index
      %swap3A_1349 = arith.index_cast %swap3A_1347 : i32 to index
      %swap3A_1350 = arith.constant 80 : index
      %swap3A_1351 = tpu.vector_load %arg7[%swap3A_1348, %swap3A_1349, %swap3A_1350] {strides = array<i32>} : memref<8x8x128xf32, #tpu.memory_space<vmem>>, vector<16xf32>,
      tpu.vector_store %arg7[%swap3A_1348, %swap3A_1349, %swap3A_1350], %gather3A_1344 {strides = array<i32>} : memref<8x8x128xf32, #tpu.memory_space<vmem>>, vector<16xf32>,
      %add3A_1352 = vector.broadcast %mul3A_142 : i32 to vector<16xi32>
      %add3A_1353 = arith.addi %add3A_27, %add3A_1352 : vector<16xi32>
      %gather3A_1354 = tpu.vector_load_idx %arg6[%add3A_1353, %broadcast_in_dim3A_1291] : memref<256x32xf32, #tpu.memory_space<vmem>>[vector<16xi32>, vector<16xi32>], vector<16xf32>,
      %add3A_1355 = arith.constant 1 : i32
      %add3A_1356 = arith.addi %mul3A_144, %add3A_1355 : i32
      %swap3A_1357 = arith.constant 6 : i32
      %swap3A_1358 = arith.index_cast %add3A_1356 : i32 to index
      %swap3A_1359 = arith.index_cast %swap3A_1357 : i32 to index
      %swap3A_1360 = arith.constant 96 : index
      %swap3A_1361 = tpu.vector_load %arg7[%swap3A_1358, %swap3A_1359, %swap3A_1360] {strides = array<i32>} : memref<8x8x128xf32, #tpu.memory_space<vmem>>, vector<16xf32>,
      tpu.vector_store %arg7[%swap3A_1358, %swap3A_1359, %swap3A_1360], %gather3A_1354 {strides = array<i32>} : memref<8x8x128xf32, #tpu.memory_space<vmem>>, vector<16xf32>,
      %add3A_1362 = vector.broadcast %mul3A_142 : i32 to vector<16xi32>
      %add3A_1363 = arith.addi %add3A_31, %add3A_1362 : vector<16xi32>
      %gather3A_1364 = tpu.vector_load_idx %arg6[%add3A_1363, %broadcast_in_dim3A_1291] : memref<256x32xf32, #tpu.memory_space<vmem>>[vector<16xi32>, vector<16xi32>], vector<16xf32>,
      %add3A_1365 = arith.constant 1 : i32
      %add3A_1366 = arith.addi %mul3A_144, %add3A_1365 : i32
      %swap3A_1367 = arith.constant 6 : i32
      %swap3A_1368 = arith.index_cast %add3A_1366 : i32 to index
      %swap3A_1369 = arith.index_cast %swap3A_1367 : i32 to index
      %swap3A_1370 = arith.constant 112 : index
      %swap3A_1371 = tpu.vector_load %arg7[%swap3A_1368, %swap3A_1369, %swap3A_1370] {strides = array<i32>} : memref<8x8x128xf32, #tpu.memory_space<vmem>>, vector<16xf32>,
      tpu.vector_store %arg7[%swap3A_1368, %swap3A_1369, %swap3A_1370], %gather3A_1364 {strides = array<i32>} : memref<8x8x128xf32, #tpu.memory_space<vmem>>, vector<16xf32>,
      %broadcast_in_dim3A_1372 = arith.constant 15 : i32
      %broadcast_in_dim3A_1373 = vector.broadcast %broadcast_in_dim3A_1372 : i32 to vector<16xi32>
      %add3A_1374 = vector.broadcast %mul3A_142 : i32 to vector<16xi32>
      %add3A_1375 = arith.addi %add3A_3, %add3A_1374 : vector<16xi32>
      %gather3A_1376 = tpu.vector_load_idx %arg6[%add3A_1375, %broadcast_in_dim3A_1373] : memref<256x32xf32, #tpu.memory_space<vmem>>[vector<16xi32>, vector<16xi32>], vector<16xf32>,
      %add3A_1377 = arith.constant 1 : i32
      %add3A_1378 = arith.addi %mul3A_144, %add3A_1377 : i32
      %swap3A_1379 = arith.constant 7 : i32
      %swap3A_1380 = arith.index_cast %add3A_1378 : i32 to index
      %swap3A_1381 = arith.index_cast %swap3A_1379 : i32 to index
      %swap3A_1382 = arith.constant 0 : index
      %swap3A_1383 = tpu.vector_load %arg7[%swap3A_1380, %swap3A_1381, %swap3A_1382] {strides = array<i32>} : memref<8x8x128xf32, #tpu.memory_space<vmem>>, vector<16xf32>,
      tpu.vector_store %arg7[%swap3A_1380, %swap3A_1381, %swap3A_1382], %gather3A_1376 {strides = array<i32>} : memref<8x8x128xf32, #tpu.memory_space<vmem>>, vector<16xf32>,
      %add3A_1384 = vector.broadcast %mul3A_142 : i32 to vector<16xi32>
      %add3A_1385 = arith.addi %add3A_7, %add3A_1384 : vector<16xi32>
      %gather3A_1386 = tpu.vector_load_idx %arg6[%add3A_1385, %broadcast_in_dim3A_1373] : memref<256x32xf32, #tpu.memory_space<vmem>>[vector<16xi32>, vector<16xi32>], vector<16xf32>,
      %add3A_1387 = arith.constant 1 : i32
      %add3A_1388 = arith.addi %mul3A_144, %add3A_1387 : i32
      %swap3A_1389 = arith.constant 7 : i32
      %swap3A_1390 = arith.index_cast %add3A_1388 : i32 to index
      %swap3A_1391 = arith.index_cast %swap3A_1389 : i32 to index
      %swap3A_1392 = arith.constant 16 : index
      %swap3A_1393 = tpu.vector_load %arg7[%swap3A_1390, %swap3A_1391, %swap3A_1392] {strides = array<i32>} : memref<8x8x128xf32, #tpu.memory_space<vmem>>, vector<16xf32>,
      tpu.vector_store %arg7[%swap3A_1390, %swap3A_1391, %swap3A_1392], %gather3A_1386 {strides = array<i32>} : memref<8x8x128xf32, #tpu.memory_space<vmem>>, vector<16xf32>,
      %add3A_1394 = vector.broadcast %mul3A_142 : i32 to vector<16xi32>
      %add3A_1395 = arith.addi %add3A_11, %add3A_1394 : vector<16xi32>
      %gather3A_1396 = tpu.vector_load_idx %arg6[%add3A_1395, %broadcast_in_dim3A_1373] : memref<256x32xf32, #tpu.memory_space<vmem>>[vector<16xi32>, vector<16xi32>], vector<16xf32>,
      %add3A_1397 = arith.constant 1 : i32
      %add3A_1398 = arith.addi %mul3A_144, %add3A_1397 : i32
      %swap3A_1399 = arith.constant 7 : i32
      %swap3A_1400 = arith.index_cast %add3A_1398 : i32 to index
      %swap3A_1401 = arith.index_cast %swap3A_1399 : i32 to index
      %swap3A_1402 = arith.constant 32 : index
      %swap3A_1403 = tpu.vector_load %arg7[%swap3A_1400, %swap3A_1401, %swap3A_1402] {strides = array<i32>} : memref<8x8x128xf32, #tpu.memory_space<vmem>>, vector<16xf32>,
      tpu.vector_store %arg7[%swap3A_1400, %swap3A_1401, %swap3A_1402], %gather3A_1396 {strides = array<i32>} : memref<8x8x128xf32, #tpu.memory_space<vmem>>, vector<16xf32>,
      %add3A_1404 = vector.broadcast %mul3A_142 : i32 to vector<16xi32>
      %add3A_1405 = arith.addi %add3A_15, %add3A_1404 : vector<16xi32>
      %gather3A_1406 = tpu.vector_load_idx %arg6[%add3A_1405, %broadcast_in_dim3A_1373] : memref<256x32xf32, #tpu.memory_space<vmem>>[vector<16xi32>, vector<16xi32>], vector<16xf32>,
      %add3A_1407 = arith.constant 1 : i32
      %add3A_1408 = arith.addi %mul3A_144, %add3A_1407 : i32
      %swap3A_1409 = arith.constant 7 : i32
      %swap3A_1410 = arith.index_cast %add3A_1408 : i32 to index
      %swap3A_1411 = arith.index_cast %swap3A_1409 : i32 to index
      %swap3A_1412 = arith.constant 48 : index
      %swap3A_1413 = tpu.vector_load %arg7[%swap3A_1410, %swap3A_1411, %swap3A_1412] {strides = array<i32>} : memref<8x8x128xf32, #tpu.memory_space<vmem>>, vector<16xf32>,
      tpu.vector_store %arg7[%swap3A_1410, %swap3A_1411, %swap3A_1412], %gather3A_1406 {strides = array<i32>} : memref<8x8x128xf32, #tpu.memory_space<vmem>>, vector<16xf32>,
      %add3A_1414 = vector.broadcast %mul3A_142 : i32 to vector<16xi32>
      %add3A_1415 = arith.addi %add3A_19, %add3A_1414 : vector<16xi32>
      %gather3A_1416 = tpu.vector_load_idx %arg6[%add3A_1415, %broadcast_in_dim3A_1373] : memref<256x32xf32, #tpu.memory_space<vmem>>[vector<16xi32>, vector<16xi32>], vector<16xf32>,
      %add3A_1417 = arith.constant 1 : i32
      %add3A_1418 = arith.addi %mul3A_144, %add3A_1417 : i32
      %swap3A_1419 = arith.constant 7 : i32
      %swap3A_1420 = arith.index_cast %add3A_1418 : i32 to index
      %swap3A_1421 = arith.index_cast %swap3A_1419 : i32 to index
      %swap3A_1422 = arith.constant 64 : index
      %swap3A_1423 = tpu.vector_load %arg7[%swap3A_1420, %swap3A_1421, %swap3A_1422] {strides = array<i32>} : memref<8x8x128xf32, #tpu.memory_space<vmem>>, vector<16xf32>,
      tpu.vector_store %arg7[%swap3A_1420, %swap3A_1421, %swap3A_1422], %gather3A_1416 {strides = array<i32>} : memref<8x8x128xf32, #tpu.memory_space<vmem>>, vector<16xf32>,
      %add3A_1424 = vector.broadcast %mul3A_142 : i32 to vector<16xi32>
      %add3A_1425 = arith.addi %add3A_23, %add3A_1424 : vector<16xi32>
      %gather3A_1426 = tpu.vector_load_idx %arg6[%add3A_1425, %broadcast_in_dim3A_1373] : memref<256x32xf32, #tpu.memory_space<vmem>>[vector<16xi32>, vector<16xi32>], vector<16xf32>,
      %add3A_1427 = arith.constant 1 : i32
      %add3A_1428 = arith.addi %mul3A_144, %add3A_1427 : i32
      %swap3A_1429 = arith.constant 7 : i32
      %swap3A_1430 = arith.index_cast %add3A_1428 : i32 to index
      %swap3A_1431 = arith.index_cast %swap3A_1429 : i32 to index
      %swap3A_1432 = arith.constant 80 : index
      %swap3A_1433 = tpu.vector_load %arg7[%swap3A_1430, %swap3A_1431, %swap3A_1432] {strides = array<i32>} : memref<8x8x128xf32, #tpu.memory_space<vmem>>, vector<16xf32>,
      tpu.vector_store %arg7[%swap3A_1430, %swap3A_1431, %swap3A_1432], %gather3A_1426 {strides = array<i32>} : memref<8x8x128xf32, #tpu.memory_space<vmem>>, vector<16xf32>,
      %add3A_1434 = vector.broadcast %mul3A_142 : i32 to vector<16xi32>
      %add3A_1435 = arith.addi %add3A_27, %add3A_1434 : vector<16xi32>
      %gather3A_1436 = tpu.vector_load_idx %arg6[%add3A_1435, %broadcast_in_dim3A_1373] : memref<256x32xf32, #tpu.memory_space<vmem>>[vector<16xi32>, vector<16xi32>], vector<16xf32>,
      %add3A_1437 = arith.constant 1 : i32
      %add3A_1438 = arith.addi %mul3A_144, %add3A_1437 : i32
      %swap3A_1439 = arith.constant 7 : i32
      %swap3A_1440 = arith.index_cast %add3A_1438 : i32 to index
      %swap3A_1441 = arith.index_cast %swap3A_1439 : i32 to index
      %swap3A_1442 = arith.constant 96 : index
      %swap3A_1443 = tpu.vector_load %arg7[%swap3A_1440, %swap3A_1441, %swap3A_1442] {strides = array<i32>} : memref<8x8x128xf32, #tpu.memory_space<vmem>>, vector<16xf32>,
      tpu.vector_store %arg7[%swap3A_1440, %swap3A_1441, %swap3A_1442], %gather3A_1436 {strides = array<i32>} : memref<8x8x128xf32, #tpu.memory_space<vmem>>, vector<16xf32>,
      %add3A_1444 = vector.broadcast %mul3A_142 : i32 to vector<16xi32>
      %add3A_1445 = arith.addi %add3A_31, %add3A_1444 : vector<16xi32>
      %gather3A_1446 = tpu.vector_load_idx %arg6[%add3A_1445, %broadcast_in_dim3A_1373] : memref<256x32xf32, #tpu.memory_space<vmem>>[vector<16xi32>, vector<16xi32>], vector<16xf32>,
      %add3A_1447 = arith.constant 1 : i32
      %add3A_1448 = arith.addi %mul3A_144, %add3A_1447 : i32
      %swap3A_1449 = arith.constant 7 : i32
      %swap3A_1450 = arith.index_cast %add3A_1448 : i32 to index
      %swap3A_1451 = arith.index_cast %swap3A_1449 : i32 to index
      %swap3A_1452 = arith.constant 112 : index
      %swap3A_1453 = tpu.vector_load %arg7[%swap3A_1450, %swap3A_1451, %swap3A_1452] {strides = array<i32>} : memref<8x8x128xf32, #tpu.memory_space<vmem>>, vector<16xf32>,
      tpu.vector_store %arg7[%swap3A_1450, %swap3A_1451, %swap3A_1452], %gather3A_1446 {strides = array<i32>} : memref<8x8x128xf32, #tpu.memory_space<vmem>>, vector<16xf32>,
      %broadcast_in_dim3A_1454 = arith.constant 16 : i32
      %broadcast_in_dim3A_1455 = vector.broadcast %broadcast_in_dim3A_1454 : i32 to vector<16xi32>
      %add3A_1456 = vector.broadcast %mul3A_142 : i32 to vector<16xi32>
      %add3A_1457 = arith.addi %add3A_3, %add3A_1456 : vector<16xi32>
      %gather3A_1458 = tpu.vector_load_idx %arg6[%add3A_1457, %broadcast_in_dim3A_1455] : memref<256x32xf32, #tpu.memory_space<vmem>>[vector<16xi32>, vector<16xi32>], vector<16xf32>,
      %add3A_1459 = arith.constant 2 : i32
      %add3A_1460 = arith.addi %mul3A_144, %add3A_1459 : i32
      %swap3A_1461 = arith.constant 0 : i32
      %swap3A_1462 = arith.index_cast %add3A_1460 : i32 to index
      %swap3A_1463 = arith.index_cast %swap3A_1461 : i32 to index
      %swap3A_1464 = arith.constant 0 : index
      %swap3A_1465 = tpu.vector_load %arg7[%swap3A_1462, %swap3A_1463, %swap3A_1464] {strides = array<i32>} : memref<8x8x128xf32, #tpu.memory_space<vmem>>, vector<16xf32>,
      tpu.vector_store %arg7[%swap3A_1462, %swap3A_1463, %swap3A_1464], %gather3A_1458 {strides = array<i32>} : memref<8x8x128xf32, #tpu.memory_space<vmem>>, vector<16xf32>,
      %add3A_1466 = vector.broadcast %mul3A_142 : i32 to vector<16xi32>
      %add3A_1467 = arith.addi %add3A_7, %add3A_1466 : vector<16xi32>
      %gather3A_1468 = tpu.vector_load_idx %arg6[%add3A_1467, %broadcast_in_dim3A_1455] : memref<256x32xf32, #tpu.memory_space<vmem>>[vector<16xi32>, vector<16xi32>], vector<16xf32>,
      %add3A_1469 = arith.constant 2 : i32
      %add3A_1470 = arith.addi %mul3A_144, %add3A_1469 : i32
      %swap3A_1471 = arith.constant 0 : i32
      %swap3A_1472 = arith.index_cast %add3A_1470 : i32 to index
      %swap3A_1473 = arith.index_cast %swap3A_1471 : i32 to index
      %swap3A_1474 = arith.constant 16 : index
      %swap3A_1475 = tpu.vector_load %arg7[%swap3A_1472, %swap3A_1473, %swap3A_1474] {strides = array<i32>} : memref<8x8x128xf32, #tpu.memory_space<vmem>>, vector<16xf32>,
      tpu.vector_store %arg7[%swap3A_1472, %swap3A_1473, %swap3A_1474], %gather3A_1468 {strides = array<i32>} : memref<8x8x128xf32, #tpu.memory_space<vmem>>, vector<16xf32>,
      %add3A_1476 = vector.broadcast %mul3A_142 : i32 to vector<16xi32>
      %add3A_1477 = arith.addi %add3A_11, %add3A_1476 : vector<16xi32>
      %gather3A_1478 = tpu.vector_load_idx %arg6[%add3A_1477, %broadcast_in_dim3A_1455] : memref<256x32xf32, #tpu.memory_space<vmem>>[vector<16xi32>, vector<16xi32>], vector<16xf32>,
      %add3A_1479 = arith.constant 2 : i32
      %add3A_1480 = arith.addi %mul3A_144, %add3A_1479 : i32
      %swap3A_1481 = arith.constant 0 : i32
      %swap3A_1482 = arith.index_cast %add3A_1480 : i32 to index
      %swap3A_1483 = arith.index_cast %swap3A_1481 : i32 to index
      %swap3A_1484 = arith.constant 32 : index
      %swap3A_1485 = tpu.vector_load %arg7[%swap3A_1482, %swap3A_1483, %swap3A_1484] {strides = array<i32>} : memref<8x8x128xf32, #tpu.memory_space<vmem>>, vector<16xf32>,
      tpu.vector_store %arg7[%swap3A_1482, %swap3A_1483, %swap3A_1484], %gather3A_1478 {strides = array<i32>} : memref<8x8x128xf32, #tpu.memory_space<vmem>>, vector<16xf32>,
      %add3A_1486 = vector.broadcast %mul3A_142 : i32 to vector<16xi32>
      %add3A_1487 = arith.addi %add3A_15, %add3A_1486 : vector<16xi32>
      %gather3A_1488 = tpu.vector_load_idx %arg6[%add3A_1487, %broadcast_in_dim3A_1455] : memref<256x32xf32, #tpu.memory_space<vmem>>[vector<16xi32>, vector<16xi32>], vector<16xf32>,
      %add3A_1489 = arith.constant 2 : i32
      %add3A_1490 = arith.addi %mul3A_144, %add3A_1489 : i32
      %swap3A_1491 = arith.constant 0 : i32
      %swap3A_1492 = arith.index_cast %add3A_1490 : i32 to index
      %swap3A_1493 = arith.index_cast %swap3A_1491 : i32 to index
      %swap3A_1494 = arith.constant 48 : index
      %swap3A_1495 = tpu.vector_load %arg7[%swap3A_1492, %swap3A_1493, %swap3A_1494] {strides = array<i32>} : memref<8x8x128xf32, #tpu.memory_space<vmem>>, vector<16xf32>,
      tpu.vector_store %arg7[%swap3A_1492, %swap3A_1493, %swap3A_1494], %gather3A_1488 {strides = array<i32>} : memref<8x8x128xf32, #tpu.memory_space<vmem>>, vector<16xf32>,
      %add3A_1496 = vector.broadcast %mul3A_142 : i32 to vector<16xi32>
      %add3A_1497 = arith.addi %add3A_19, %add3A_1496 : vector<16xi32>
      %gather3A_1498 = tpu.vector_load_idx %arg6[%add3A_1497, %broadcast_in_dim3A_1455] : memref<256x32xf32, #tpu.memory_space<vmem>>[vector<16xi32>, vector<16xi32>], vector<16xf32>,
      %add3A_1499 = arith.constant 2 : i32
      %add3A_1500 = arith.addi %mul3A_144, %add3A_1499 : i32
      %swap3A_1501 = arith.constant 0 : i32
      %swap3A_1502 = arith.index_cast %add3A_1500 : i32 to index
      %swap3A_1503 = arith.index_cast %swap3A_1501 : i32 to index
      %swap3A_1504 = arith.constant 64 : index
      %swap3A_1505 = tpu.vector_load %arg7[%swap3A_1502, %swap3A_1503, %swap3A_1504] {strides = array<i32>} : memref<8x8x128xf32, #tpu.memory_space<vmem>>, vector<16xf32>,
      tpu.vector_store %arg7[%swap3A_1502, %swap3A_1503, %swap3A_1504], %gather3A_1498 {strides = array<i32>} : memref<8x8x128xf32, #tpu.memory_space<vmem>>, vector<16xf32>,
      %add3A_1506 = vector.broadcast %mul3A_142 : i32 to vector<16xi32>
      %add3A_1507 = arith.addi %add3A_23, %add3A_1506 : vector<16xi32>
      %gather3A_1508 = tpu.vector_load_idx %arg6[%add3A_1507, %broadcast_in_dim3A_1455] : memref<256x32xf32, #tpu.memory_space<vmem>>[vector<16xi32>, vector<16xi32>], vector<16xf32>,
      %add3A_1509 = arith.constant 2 : i32
      %add3A_1510 = arith.addi %mul3A_144, %add3A_1509 : i32
      %swap3A_1511 = arith.constant 0 : i32
      %swap3A_1512 = arith.index_cast %add3A_1510 : i32 to index
      %swap3A_1513 = arith.index_cast %swap3A_1511 : i32 to index
      %swap3A_1514 = arith.constant 80 : index
      %swap3A_1515 = tpu.vector_load %arg7[%swap3A_1512, %swap3A_1513, %swap3A_1514] {strides = array<i32>} : memref<8x8x128xf32, #tpu.memory_space<vmem>>, vector<16xf32>,
      tpu.vector_store %arg7[%swap3A_1512, %swap3A_1513, %swap3A_1514], %gather3A_1508 {strides = array<i32>} : memref<8x8x128xf32, #tpu.memory_space<vmem>>, vector<16xf32>,
      %add3A_1516 = vector.broadcast %mul3A_142 : i32 to vector<16xi32>
      %add3A_1517 = arith.addi %add3A_27, %add3A_1516 : vector<16xi32>
      %gather3A_1518 = tpu.vector_load_idx %arg6[%add3A_1517, %broadcast_in_dim3A_1455] : memref<256x32xf32, #tpu.memory_space<vmem>>[vector<16xi32>, vector<16xi32>], vector<16xf32>,
      %add3A_1519 = arith.constant 2 : i32
      %add3A_1520 = arith.addi %mul3A_144, %add3A_1519 : i32
      %swap3A_1521 = arith.constant 0 : i32
      %swap3A_1522 = arith.index_cast %add3A_1520 : i32 to index
      %swap3A_1523 = arith.index_cast %swap3A_1521 : i32 to index
      %swap3A_1524 = arith.constant 96 : index
      %swap3A_1525 = tpu.vector_load %arg7[%swap3A_1522, %swap3A_1523, %swap3A_1524] {strides = array<i32>} : memref<8x8x128xf32, #tpu.memory_space<vmem>>, vector<16xf32>,
      tpu.vector_store %arg7[%swap3A_1522, %swap3A_1523, %swap3A_1524], %gather3A_1518 {strides = array<i32>} : memref<8x8x128xf32, #tpu.memory_space<vmem>>, vector<16xf32>,
      %add3A_1526 = vector.broadcast %mul3A_142 : i32 to vector<16xi32>
      %add3A_1527 = arith.addi %add3A_31, %add3A_1526 : vector<16xi32>
      %gather3A_1528 = tpu.vector_load_idx %arg6[%add3A_1527, %broadcast_in_dim3A_1455] : memref<256x32xf32, #tpu.memory_space<vmem>>[vector<16xi32>, vector<16xi32>], vector<16xf32>,
      %add3A_1529 = arith.constant 2 : i32
      %add3A_1530 = arith.addi %mul3A_144, %add3A_1529 : i32
      %swap3A_1531 = arith.constant 0 : i32
      %swap3A_1532 = arith.index_cast %add3A_1530 : i32 to index
      %swap3A_1533 = arith.index_cast %swap3A_1531 : i32 to index
      %swap3A_1534 = arith.constant 112 : index
      %swap3A_1535 = tpu.vector_load %arg7[%swap3A_1532, %swap3A_1533, %swap3A_1534] {strides = array<i32>} : memref<8x8x128xf32, #tpu.memory_space<vmem>>, vector<16xf32>,
      tpu.vector_store %arg7[%swap3A_1532, %swap3A_1533, %swap3A_1534], %gather3A_1528 {strides = array<i32>} : memref<8x8x128xf32, #tpu.memory_space<vmem>>, vector<16xf32>,
      %broadcast_in_dim3A_1536 = arith.constant 17 : i32
      %broadcast_in_dim3A_1537 = vector.broadcast %broadcast_in_dim3A_1536 : i32 to vector<16xi32>
      %add3A_1538 = vector.broadcast %mul3A_142 : i32 to vector<16xi32>
      %add3A_1539 = arith.addi %add3A_3, %add3A_1538 : vector<16xi32>
      %gather3A_1540 = tpu.vector_load_idx %arg6[%add3A_1539, %broadcast_in_dim3A_1537] : memref<256x32xf32, #tpu.memory_space<vmem>>[vector<16xi32>, vector<16xi32>], vector<16xf32>,
      %add3A_1541 = arith.constant 2 : i32
      %add3A_1542 = arith.addi %mul3A_144, %add3A_1541 : i32
      %swap3A_1543 = arith.constant 1 : i32
      %swap3A_1544 = arith.index_cast %add3A_1542 : i32 to index
      %swap3A_1545 = arith.index_cast %swap3A_1543 : i32 to index
      %swap3A_1546 = arith.constant 0 : index
      %swap3A_1547 = tpu.vector_load %arg7[%swap3A_1544, %swap3A_1545, %swap3A_1546] {strides = array<i32>} : memref<8x8x128xf32, #tpu.memory_space<vmem>>, vector<16xf32>,
      tpu.vector_store %arg7[%swap3A_1544, %swap3A_1545, %swap3A_1546], %gather3A_1540 {strides = array<i32>} : memref<8x8x128xf32, #tpu.memory_space<vmem>>, vector<16xf32>,
      %add3A_1548 = vector.broadcast %mul3A_142 : i32 to vector<16xi32>
      %add3A_1549 = arith.addi %add3A_7, %add3A_1548 : vector<16xi32>
      %gather3A_1550 = tpu.vector_load_idx %arg6[%add3A_1549, %broadcast_in_dim3A_1537] : memref<256x32xf32, #tpu.memory_space<vmem>>[vector<16xi32>, vector<16xi32>], vector<16xf32>,
      %add3A_1551 = arith.constant 2 : i32
      %add3A_1552 = arith.addi %mul3A_144, %add3A_1551 : i32
      %swap3A_1553 = arith.constant 1 : i32
      %swap3A_1554 = arith.index_cast %add3A_1552 : i32 to index
      %swap3A_1555 = arith.index_cast %swap3A_1553 : i32 to index
      %swap3A_1556 = arith.constant 16 : index
      %swap3A_1557 = tpu.vector_load %arg7[%swap3A_1554, %swap3A_1555, %swap3A_1556] {strides = array<i32>} : memref<8x8x128xf32, #tpu.memory_space<vmem>>, vector<16xf32>,
      tpu.vector_store %arg7[%swap3A_1554, %swap3A_1555, %swap3A_1556], %gather3A_1550 {strides = array<i32>} : memref<8x8x128xf32, #tpu.memory_space<vmem>>, vector<16xf32>,
      %add3A_1558 = vector.broadcast %mul3A_142 : i32 to vector<16xi32>
      %add3A_1559 = arith.addi %add3A_11, %add3A_1558 : vector<16xi32>
      %gather3A_1560 = tpu.vector_load_idx %arg6[%add3A_1559, %broadcast_in_dim3A_1537] : memref<256x32xf32, #tpu.memory_space<vmem>>[vector<16xi32>, vector<16xi32>], vector<16xf32>,
      %add3A_1561 = arith.constant 2 : i32
      %add3A_1562 = arith.addi %mul3A_144, %add3A_1561 : i32
      %swap3A_1563 = arith.constant 1 : i32
      %swap3A_1564 = arith.index_cast %add3A_1562 : i32 to index
      %swap3A_1565 = arith.index_cast %swap3A_1563 : i32 to index
      %swap3A_1566 = arith.constant 32 : index
      %swap3A_1567 = tpu.vector_load %arg7[%swap3A_1564, %swap3A_1565, %swap3A_1566] {strides = array<i32>} : memref<8x8x128xf32, #tpu.memory_space<vmem>>, vector<16xf32>,
      tpu.vector_store %arg7[%swap3A_1564, %swap3A_1565, %swap3A_1566], %gather3A_1560 {strides = array<i32>} : memref<8x8x128xf32, #tpu.memory_space<vmem>>, vector<16xf32>,
      %add3A_1568 = vector.broadcast %mul3A_142 : i32 to vector<16xi32>
      %add3A_1569 = arith.addi %add3A_15, %add3A_1568 : vector<16xi32>
      %gather3A_1570 = tpu.vector_load_idx %arg6[%add3A_1569, %broadcast_in_dim3A_1537] : memref<256x32xf32, #tpu.memory_space<vmem>>[vector<16xi32>, vector<16xi32>], vector<16xf32>,
      %add3A_1571 = arith.constant 2 : i32
      %add3A_1572 = arith.addi %mul3A_144, %add3A_1571 : i32
      %swap3A_1573 = arith.constant 1 : i32
      %swap3A_1574 = arith.index_cast %add3A_1572 : i32 to index
      %swap3A_1575 = arith.index_cast %swap3A_1573 : i32 to index
      %swap3A_1576 = arith.constant 48 : index
      %swap3A_1577 = tpu.vector_load %arg7[%swap3A_1574, %swap3A_1575, %swap3A_1576] {strides = array<i32>} : memref<8x8x128xf32, #tpu.memory_space<vmem>>, vector<16xf32>,
      tpu.vector_store %arg7[%swap3A_1574, %swap3A_1575, %swap3A_1576], %gather3A_1570 {strides = array<i32>} : memref<8x8x128xf32, #tpu.memory_space<vmem>>, vector<16xf32>,
      %add3A_1578 = vector.broadcast %mul3A_142 : i32 to vector<16xi32>
      %add3A_1579 = arith.addi %add3A_19, %add3A_1578 : vector<16xi32>
      %gather3A_1580 = tpu.vector_load_idx %arg6[%add3A_1579, %broadcast_in_dim3A_1537] : memref<256x32xf32, #tpu.memory_space<vmem>>[vector<16xi32>, vector<16xi32>], vector<16xf32>,
      %add3A_1581 = arith.constant 2 : i32
      %add3A_1582 = arith.addi %mul3A_144, %add3A_1581 : i32
      %swap3A_1583 = arith.constant 1 : i32
      %swap3A_1584 = arith.index_cast %add3A_1582 : i32 to index
      %swap3A_1585 = arith.index_cast %swap3A_1583 : i32 to index
      %swap3A_1586 = arith.constant 64 : index
      %swap3A_1587 = tpu.vector_load %arg7[%swap3A_1584, %swap3A_1585, %swap3A_1586] {strides = array<i32>} : memref<8x8x128xf32, #tpu.memory_space<vmem>>, vector<16xf32>,
      tpu.vector_store %arg7[%swap3A_1584, %swap3A_1585, %swap3A_1586], %gather3A_1580 {strides = array<i32>} : memref<8x8x128xf32, #tpu.memory_space<vmem>>, vector<16xf32>,
      %add3A_1588 = vector.broadcast %mul3A_142 : i32 to vector<16xi32>
      %add3A_1589 = arith.addi %add3A_23, %add3A_1588 : vector<16xi32>
      %gather3A_1590 = tpu.vector_load_idx %arg6[%add3A_1589, %broadcast_in_dim3A_1537] : memref<256x32xf32, #tpu.memory_space<vmem>>[vector<16xi32>, vector<16xi32>], vector<16xf32>,
      %add3A_1591 = arith.constant 2 : i32
      %add3A_1592 = arith.addi %mul3A_144, %add3A_1591 : i32
      %swap3A_1593 = arith.constant 1 : i32
      %swap3A_1594 = arith.index_cast %add3A_1592 : i32 to index
      %swap3A_1595 = arith.index_cast %swap3A_1593 : i32 to index
      %swap3A_1596 = arith.constant 80 : index
      %swap3A_1597 = tpu.vector_load %arg7[%swap3A_1594, %swap3A_1595, %swap3A_1596] {strides = array<i32>} : memref<8x8x128xf32, #tpu.memory_space<vmem>>, vector<16xf32>,
      tpu.vector_store %arg7[%swap3A_1594, %swap3A_1595, %swap3A_1596], %gather3A_1590 {strides = array<i32>} : memref<8x8x128xf32, #tpu.memory_space<vmem>>, vector<16xf32>,
      %add3A_1598 = vector.broadcast %mul3A_142 : i32 to vector<16xi32>
      %add3A_1599 = arith.addi %add3A_27, %add3A_1598 : vector<16xi32>
      %gather3A_1600 = tpu.vector_load_idx %arg6[%add3A_1599, %broadcast_in_dim3A_1537] : memref<256x32xf32, #tpu.memory_space<vmem>>[vector<16xi32>, vector<16xi32>], vector<16xf32>,
      %add3A_1601 = arith.constant 2 : i32
      %add3A_1602 = arith.addi %mul3A_144, %add3A_1601 : i32
      %swap3A_1603 = arith.constant 1 : i32
      %swap3A_1604 = arith.index_cast %add3A_1602 : i32 to index
      %swap3A_1605 = arith.index_cast %swap3A_1603 : i32 to index
      %swap3A_1606 = arith.constant 96 : index
      %swap3A_1607 = tpu.vector_load %arg7[%swap3A_1604, %swap3A_1605, %swap3A_1606] {strides = array<i32>} : memref<8x8x128xf32, #tpu.memory_space<vmem>>, vector<16xf32>,
      tpu.vector_store %arg7[%swap3A_1604, %swap3A_1605, %swap3A_1606], %gather3A_1600 {strides = array<i32>} : memref<8x8x128xf32, #tpu.memory_space<vmem>>, vector<16xf32>,
      %add3A_1608 = vector.broadcast %mul3A_142 : i32 to vector<16xi32>
      %add3A_1609 = arith.addi %add3A_31, %add3A_1608 : vector<16xi32>
      %gather3A_1610 = tpu.vector_load_idx %arg6[%add3A_1609, %broadcast_in_dim3A_1537] : memref<256x32xf32, #tpu.memory_space<vmem>>[vector<16xi32>, vector<16xi32>], vector<16xf32>,
      %add3A_1611 = arith.constant 2 : i32
      %add3A_1612 = arith.addi %mul3A_144, %add3A_1611 : i32
      %swap3A_1613 = arith.constant 1 : i32
      %swap3A_1614 = arith.index_cast %add3A_1612 : i32 to index
      %swap3A_1615 = arith.index_cast %swap3A_1613 : i32 to index
      %swap3A_1616 = arith.constant 112 : index
      %swap3A_1617 = tpu.vector_load %arg7[%swap3A_1614, %swap3A_1615, %swap3A_1616] {strides = array<i32>} : memref<8x8x128xf32, #tpu.memory_space<vmem>>, vector<16xf32>,
      tpu.vector_store %arg7[%swap3A_1614, %swap3A_1615, %swap3A_1616], %gather3A_1610 {strides = array<i32>} : memref<8x8x128xf32, #tpu.memory_space<vmem>>, vector<16xf32>,
      %broadcast_in_dim3A_1618 = arith.constant 18 : i32
      %broadcast_in_dim3A_1619 = vector.broadcast %broadcast_in_dim3A_1618 : i32 to vector<16xi32>
      %add3A_1620 = vector.broadcast %mul3A_142 : i32 to vector<16xi32>
      %add3A_1621 = arith.addi %add3A_3, %add3A_1620 : vector<16xi32>
      %gather3A_1622 = tpu.vector_load_idx %arg6[%add3A_1621, %broadcast_in_dim3A_1619] : memref<256x32xf32, #tpu.memory_space<vmem>>[vector<16xi32>, vector<16xi32>], vector<16xf32>,
      %add3A_1623 = arith.constant 2 : i32
      %add3A_1624 = arith.addi %mul3A_144, %add3A_1623 : i32
      %swap3A_1625 = arith.constant 2 : i32
      %swap3A_1626 = arith.index_cast %add3A_1624 : i32 to index
      %swap3A_1627 = arith.index_cast %swap3A_1625 : i32 to index
      %swap3A_1628 = arith.constant 0 : index
      %swap3A_1629 = tpu.vector_load %arg7[%swap3A_1626, %swap3A_1627, %swap3A_1628] {strides = array<i32>} : memref<8x8x128xf32, #tpu.memory_space<vmem>>, vector<16xf32>,
      tpu.vector_store %arg7[%swap3A_1626, %swap3A_1627, %swap3A_1628], %gather3A_1622 {strides = array<i32>} : memref<8x8x128xf32, #tpu.memory_space<vmem>>, vector<16xf32>,
      %add3A_1630 = vector.broadcast %mul3A_142 : i32 to vector<16xi32>
      %add3A_1631 = arith.addi %add3A_7, %add3A_1630 : vector<16xi32>
      %gather3A_1632 = tpu.vector_load_idx %arg6[%add3A_1631, %broadcast_in_dim3A_1619] : memref<256x32xf32, #tpu.memory_space<vmem>>[vector<16xi32>, vector<16xi32>], vector<16xf32>,
      %add3A_1633 = arith.constant 2 : i32
      %add3A_1634 = arith.addi %mul3A_144, %add3A_1633 : i32
      %swap3A_1635 = arith.constant 2 : i32
      %swap3A_1636 = arith.index_cast %add3A_1634 : i32 to index
      %swap3A_1637 = arith.index_cast %swap3A_1635 : i32 to index
      %swap3A_1638 = arith.constant 16 : index
      %swap3A_1639 = tpu.vector_load %arg7[%swap3A_1636, %swap3A_1637, %swap3A_1638] {strides = array<i32>} : memref<8x8x128xf32, #tpu.memory_space<vmem>>, vector<16xf32>,
      tpu.vector_store %arg7[%swap3A_1636, %swap3A_1637, %swap3A_1638], %gather3A_1632 {strides = array<i32>} : memref<8x8x128xf32, #tpu.memory_space<vmem>>, vector<16xf32>,
      %add3A_1640 = vector.broadcast %mul3A_142 : i32 to vector<16xi32>
      %add3A_1641 = arith.addi %add3A_11, %add3A_1640 : vector<16xi32>
      %gather3A_1642 = tpu.vector_load_idx %arg6[%add3A_1641, %broadcast_in_dim3A_1619] : memref<256x32xf32, #tpu.memory_space<vmem>>[vector<16xi32>, vector<16xi32>], vector<16xf32>,
      %add3A_1643 = arith.constant 2 : i32
      %add3A_1644 = arith.addi %mul3A_144, %add3A_1643 : i32
      %swap3A_1645 = arith.constant 2 : i32
      %swap3A_1646 = arith.index_cast %add3A_1644 : i32 to index
      %swap3A_1647 = arith.index_cast %swap3A_1645 : i32 to index
      %swap3A_1648 = arith.constant 32 : index
      %swap3A_1649 = tpu.vector_load %arg7[%swap3A_1646, %swap3A_1647, %swap3A_1648] {strides = array<i32>} : memref<8x8x128xf32, #tpu.memory_space<vmem>>, vector<16xf32>,
      tpu.vector_store %arg7[%swap3A_1646, %swap3A_1647, %swap3A_1648], %gather3A_1642 {strides = array<i32>} : memref<8x8x128xf32, #tpu.memory_space<vmem>>, vector<16xf32>,
      %add3A_1650 = vector.broadcast %mul3A_142 : i32 to vector<16xi32>
      %add3A_1651 = arith.addi %add3A_15, %add3A_1650 : vector<16xi32>
      %gather3A_1652 = tpu.vector_load_idx %arg6[%add3A_1651, %broadcast_in_dim3A_1619] : memref<256x32xf32, #tpu.memory_space<vmem>>[vector<16xi32>, vector<16xi32>], vector<16xf32>,
      %add3A_1653 = arith.constant 2 : i32
      %add3A_1654 = arith.addi %mul3A_144, %add3A_1653 : i32
      %swap3A_1655 = arith.constant 2 : i32
      %swap3A_1656 = arith.index_cast %add3A_1654 : i32 to index
      %swap3A_1657 = arith.index_cast %swap3A_1655 : i32 to index
      %swap3A_1658 = arith.constant 48 : index
      %swap3A_1659 = tpu.vector_load %arg7[%swap3A_1656, %swap3A_1657, %swap3A_1658] {strides = array<i32>} : memref<8x8x128xf32, #tpu.memory_space<vmem>>, vector<16xf32>,
      tpu.vector_store %arg7[%swap3A_1656, %swap3A_1657, %swap3A_1658], %gather3A_1652 {strides = array<i32>} : memref<8x8x128xf32, #tpu.memory_space<vmem>>, vector<16xf32>,
      %add3A_1660 = vector.broadcast %mul3A_142 : i32 to vector<16xi32>
      %add3A_1661 = arith.addi %add3A_19, %add3A_1660 : vector<16xi32>
      %gather3A_1662 = tpu.vector_load_idx %arg6[%add3A_1661, %broadcast_in_dim3A_1619] : memref<256x32xf32, #tpu.memory_space<vmem>>[vector<16xi32>, vector<16xi32>], vector<16xf32>,
      %add3A_1663 = arith.constant 2 : i32
      %add3A_1664 = arith.addi %mul3A_144, %add3A_1663 : i32
      %swap3A_1665 = arith.constant 2 : i32
      %swap3A_1666 = arith.index_cast %add3A_1664 : i32 to index
      %swap3A_1667 = arith.index_cast %swap3A_1665 : i32 to index
      %swap3A_1668 = arith.constant 64 : index
      %swap3A_1669 = tpu.vector_load %arg7[%swap3A_1666, %swap3A_1667, %swap3A_1668] {strides = array<i32>} : memref<8x8x128xf32, #tpu.memory_space<vmem>>, vector<16xf32>,
      tpu.vector_store %arg7[%swap3A_1666, %swap3A_1667, %swap3A_1668], %gather3A_1662 {strides = array<i32>} : memref<8x8x128xf32, #tpu.memory_space<vmem>>, vector<16xf32>,
      %add3A_1670 = vector.broadcast %mul3A_142 : i32 to vector<16xi32>
      %add3A_1671 = arith.addi %add3A_23, %add3A_1670 : vector<16xi32>
      %gather3A_1672 = tpu.vector_load_idx %arg6[%add3A_1671, %broadcast_in_dim3A_1619] : memref<256x32xf32, #tpu.memory_space<vmem>>[vector<16xi32>, vector<16xi32>], vector<16xf32>,
      %add3A_1673 = arith.constant 2 : i32
      %add3A_1674 = arith.addi %mul3A_144, %add3A_1673 : i32
      %swap3A_1675 = arith.constant 2 : i32
      %swap3A_1676 = arith.index_cast %add3A_1674 : i32 to index
      %swap3A_1677 = arith.index_cast %swap3A_1675 : i32 to index
      %swap3A_1678 = arith.constant 80 : index
      %swap3A_1679 = tpu.vector_load %arg7[%swap3A_1676, %swap3A_1677, %swap3A_1678] {strides = array<i32>} : memref<8x8x128xf32, #tpu.memory_space<vmem>>, vector<16xf32>,
      tpu.vector_store %arg7[%swap3A_1676, %swap3A_1677, %swap3A_1678], %gather3A_1672 {strides = array<i32>} : memref<8x8x128xf32, #tpu.memory_space<vmem>>, vector<16xf32>,
      %add3A_1680 = vector.broadcast %mul3A_142 : i32 to vector<16xi32>
      %add3A_1681 = arith.addi %add3A_27, %add3A_1680 : vector<16xi32>
      %gather3A_1682 = tpu.vector_load_idx %arg6[%add3A_1681, %broadcast_in_dim3A_1619] : memref<256x32xf32, #tpu.memory_space<vmem>>[vector<16xi32>, vector<16xi32>], vector<16xf32>,
      %add3A_1683 = arith.constant 2 : i32
      %add3A_1684 = arith.addi %mul3A_144, %add3A_1683 : i32
      %swap3A_1685 = arith.constant 2 : i32
      %swap3A_1686 = arith.index_cast %add3A_1684 : i32 to index
      %swap3A_1687 = arith.index_cast %swap3A_1685 : i32 to index
      %swap3A_1688 = arith.constant 96 : index
      %swap3A_1689 = tpu.vector_load %arg7[%swap3A_1686, %swap3A_1687, %swap3A_1688] {strides = array<i32>} : memref<8x8x128xf32, #tpu.memory_space<vmem>>, vector<16xf32>,
      tpu.vector_store %arg7[%swap3A_1686, %swap3A_1687, %swap3A_1688], %gather3A_1682 {strides = array<i32>} : memref<8x8x128xf32, #tpu.memory_space<vmem>>, vector<16xf32>,
      %add3A_1690 = vector.broadcast %mul3A_142 : i32 to vector<16xi32>
      %add3A_1691 = arith.addi %add3A_31, %add3A_1690 : vector<16xi32>
      %gather3A_1692 = tpu.vector_load_idx %arg6[%add3A_1691, %broadcast_in_dim3A_1619] : memref<256x32xf32, #tpu.memory_space<vmem>>[vector<16xi32>, vector<16xi32>], vector<16xf32>,
      %add3A_1693 = arith.constant 2 : i32
      %add3A_1694 = arith.addi %mul3A_144, %add3A_1693 : i32
      %swap3A_1695 = arith.constant 2 : i32
      %swap3A_1696 = arith.index_cast %add3A_1694 : i32 to index
      %swap3A_1697 = arith.index_cast %swap3A_1695 : i32 to index
      %swap3A_1698 = arith.constant 112 : index
      %swap3A_1699 = tpu.vector_load %arg7[%swap3A_1696, %swap3A_1697, %swap3A_1698] {strides = array<i32>} : memref<8x8x128xf32, #tpu.memory_space<vmem>>, vector<16xf32>,
      tpu.vector_store %arg7[%swap3A_1696, %swap3A_1697, %swap3A_1698], %gather3A_1692 {strides = array<i32>} : memref<8x8x128xf32, #tpu.memory_space<vmem>>, vector<16xf32>,
      %broadcast_in_dim3A_1700 = arith.constant 19 : i32
      %broadcast_in_dim3A_1701 = vector.broadcast %broadcast_in_dim3A_1700 : i32 to vector<16xi32>
      %add3A_1702 = vector.broadcast %mul3A_142 : i32 to vector<16xi32>
      %add3A_1703 = arith.addi %add3A_3, %add3A_1702 : vector<16xi32>
      %gather3A_1704 = tpu.vector_load_idx %arg6[%add3A_1703, %broadcast_in_dim3A_1701] : memref<256x32xf32, #tpu.memory_space<vmem>>[vector<16xi32>, vector<16xi32>], vector<16xf32>,
      %add3A_1705 = arith.constant 2 : i32
      %add3A_1706 = arith.addi %mul3A_144, %add3A_1705 : i32
      %swap3A_1707 = arith.constant 3 : i32
      %swap3A_1708 = arith.index_cast %add3A_1706 : i32 to index
      %swap3A_1709 = arith.index_cast %swap3A_1707 : i32 to index
      %swap3A_1710 = arith.constant 0 : index
      %swap3A_1711 = tpu.vector_load %arg7[%swap3A_1708, %swap3A_1709, %swap3A_1710] {strides = array<i32>} : memref<8x8x128xf32, #tpu.memory_space<vmem>>, vector<16xf32>,
      tpu.vector_store %arg7[%swap3A_1708, %swap3A_1709, %swap3A_1710], %gather3A_1704 {strides = array<i32>} : memref<8x8x128xf32, #tpu.memory_space<vmem>>, vector<16xf32>,
      %add3A_1712 = vector.broadcast %mul3A_142 : i32 to vector<16xi32>
      %add3A_1713 = arith.addi %add3A_7, %add3A_1712 : vector<16xi32>
      %gather3A_1714 = tpu.vector_load_idx %arg6[%add3A_1713, %broadcast_in_dim3A_1701] : memref<256x32xf32, #tpu.memory_space<vmem>>[vector<16xi32>, vector<16xi32>], vector<16xf32>,
      %add3A_1715 = arith.constant 2 : i32
      %add3A_1716 = arith.addi %mul3A_144, %add3A_1715 : i32
      %swap3A_1717 = arith.constant 3 : i32
      %swap3A_1718 = arith.index_cast %add3A_1716 : i32 to index
      %swap3A_1719 = arith.index_cast %swap3A_1717 : i32 to index
      %swap3A_1720 = arith.constant 16 : index
      %swap3A_1721 = tpu.vector_load %arg7[%swap3A_1718, %swap3A_1719, %swap3A_1720] {strides = array<i32>} : memref<8x8x128xf32, #tpu.memory_space<vmem>>, vector<16xf32>,
      tpu.vector_store %arg7[%swap3A_1718, %swap3A_1719, %swap3A_1720], %gather3A_1714 {strides = array<i32>} : memref<8x8x128xf32, #tpu.memory_space<vmem>>, vector<16xf32>,
      %add3A_1722 = vector.broadcast %mul3A_142 : i32 to vector<16xi32>
      %add3A_1723 = arith.addi %add3A_11, %add3A_1722 : vector<16xi32>
      %gather3A_1724 = tpu.vector_load_idx %arg6[%add3A_1723, %broadcast_in_dim3A_1701] : memref<256x32xf32, #tpu.memory_space<vmem>>[vector<16xi32>, vector<16xi32>], vector<16xf32>,
      %add3A_1725 = arith.constant 2 : i32
      %add3A_1726 = arith.addi %mul3A_144, %add3A_1725 : i32
      %swap3A_1727 = arith.constant 3 : i32
      %swap3A_1728 = arith.index_cast %add3A_1726 : i32 to index
      %swap3A_1729 = arith.index_cast %swap3A_1727 : i32 to index
      %swap3A_1730 = arith.constant 32 : index
      %swap3A_1731 = tpu.vector_load %arg7[%swap3A_1728, %swap3A_1729, %swap3A_1730] {strides = array<i32>} : memref<8x8x128xf32, #tpu.memory_space<vmem>>, vector<16xf32>,
      tpu.vector_store %arg7[%swap3A_1728, %swap3A_1729, %swap3A_1730], %gather3A_1724 {strides = array<i32>} : memref<8x8x128xf32, #tpu.memory_space<vmem>>, vector<16xf32>,
      %add3A_1732 = vector.broadcast %mul3A_142 : i32 to vector<16xi32>
      %add3A_1733 = arith.addi %add3A_15, %add3A_1732 : vector<16xi32>
      %gather3A_1734 = tpu.vector_load_idx %arg6[%add3A_1733, %broadcast_in_dim3A_1701] : memref<256x32xf32, #tpu.memory_space<vmem>>[vector<16xi32>, vector<16xi32>], vector<16xf32>,
      %add3A_1735 = arith.constant 2 : i32
      %add3A_1736 = arith.addi %mul3A_144, %add3A_1735 : i32
      %swap3A_1737 = arith.constant 3 : i32
      %swap3A_1738 = arith.index_cast %add3A_1736 : i32 to index
      %swap3A_1739 = arith.index_cast %swap3A_1737 : i32 to index
      %swap3A_1740 = arith.constant 48 : index
      %swap3A_1741 = tpu.vector_load %arg7[%swap3A_1738, %swap3A_1739, %swap3A_1740] {strides = array<i32>} : memref<8x8x128xf32, #tpu.memory_space<vmem>>, vector<16xf32>,
      tpu.vector_store %arg7[%swap3A_1738, %swap3A_1739, %swap3A_1740], %gather3A_1734 {strides = array<i32>} : memref<8x8x128xf32, #tpu.memory_space<vmem>>, vector<16xf32>,
      %add3A_1742 = vector.broadcast %mul3A_142 : i32 to vector<16xi32>
      %add3A_1743 = arith.addi %add3A_19, %add3A_1742 : vector<16xi32>
      %gather3A_1744 = tpu.vector_load_idx %arg6[%add3A_1743, %broadcast_in_dim3A_1701] : memref<256x32xf32, #tpu.memory_space<vmem>>[vector<16xi32>, vector<16xi32>], vector<16xf32>,
      %add3A_1745 = arith.constant 2 : i32
      %add3A_1746 = arith.addi %mul3A_144, %add3A_1745 : i32
      %swap3A_1747 = arith.constant 3 : i32
      %swap3A_1748 = arith.index_cast %add3A_1746 : i32 to index
      %swap3A_1749 = arith.index_cast %swap3A_1747 : i32 to index
      %swap3A_1750 = arith.constant 64 : index
      %swap3A_1751 = tpu.vector_load %arg7[%swap3A_1748, %swap3A_1749, %swap3A_1750] {strides = array<i32>} : memref<8x8x128xf32, #tpu.memory_space<vmem>>, vector<16xf32>,
      tpu.vector_store %arg7[%swap3A_1748, %swap3A_1749, %swap3A_1750], %gather3A_1744 {strides = array<i32>} : memref<8x8x128xf32, #tpu.memory_space<vmem>>, vector<16xf32>,
      %add3A_1752 = vector.broadcast %mul3A_142 : i32 to vector<16xi32>
      %add3A_1753 = arith.addi %add3A_23, %add3A_1752 : vector<16xi32>
      %gather3A_1754 = tpu.vector_load_idx %arg6[%add3A_1753, %broadcast_in_dim3A_1701] : memref<256x32xf32, #tpu.memory_space<vmem>>[vector<16xi32>, vector<16xi32>], vector<16xf32>,
      %add3A_1755 = arith.constant 2 : i32
      %add3A_1756 = arith.addi %mul3A_144, %add3A_1755 : i32
      %swap3A_1757 = arith.constant 3 : i32
      %swap3A_1758 = arith.index_cast %add3A_1756 : i32 to index
      %swap3A_1759 = arith.index_cast %swap3A_1757 : i32 to index
      %swap3A_1760 = arith.constant 80 : index
      %swap3A_1761 = tpu.vector_load %arg7[%swap3A_1758, %swap3A_1759, %swap3A_1760] {strides = array<i32>} : memref<8x8x128xf32, #tpu.memory_space<vmem>>, vector<16xf32>,
      tpu.vector_store %arg7[%swap3A_1758, %swap3A_1759, %swap3A_1760], %gather3A_1754 {strides = array<i32>} : memref<8x8x128xf32, #tpu.memory_space<vmem>>, vector<16xf32>,
      %add3A_1762 = vector.broadcast %mul3A_142 : i32 to vector<16xi32>
      %add3A_1763 = arith.addi %add3A_27, %add3A_1762 : vector<16xi32>
      %gather3A_1764 = tpu.vector_load_idx %arg6[%add3A_1763, %broadcast_in_dim3A_1701] : memref<256x32xf32, #tpu.memory_space<vmem>>[vector<16xi32>, vector<16xi32>], vector<16xf32>,
      %add3A_1765 = arith.constant 2 : i32
      %add3A_1766 = arith.addi %mul3A_144, %add3A_1765 : i32
      %swap3A_1767 = arith.constant 3 : i32
      %swap3A_1768 = arith.index_cast %add3A_1766 : i32 to index
      %swap3A_1769 = arith.index_cast %swap3A_1767 : i32 to index
      %swap3A_1770 = arith.constant 96 : index
      %swap3A_1771 = tpu.vector_load %arg7[%swap3A_1768, %swap3A_1769, %swap3A_1770] {strides = array<i32>} : memref<8x8x128xf32, #tpu.memory_space<vmem>>, vector<16xf32>,
      tpu.vector_store %arg7[%swap3A_1768, %swap3A_1769, %swap3A_1770], %gather3A_1764 {strides = array<i32>} : memref<8x8x128xf32, #tpu.memory_space<vmem>>, vector<16xf32>,
      %add3A_1772 = vector.broadcast %mul3A_142 : i32 to vector<16xi32>
      %add3A_1773 = arith.addi %add3A_31, %add3A_1772 : vector<16xi32>
      %gather3A_1774 = tpu.vector_load_idx %arg6[%add3A_1773, %broadcast_in_dim3A_1701] : memref<256x32xf32, #tpu.memory_space<vmem>>[vector<16xi32>, vector<16xi32>], vector<16xf32>,
      %add3A_1775 = arith.constant 2 : i32
      %add3A_1776 = arith.addi %mul3A_144, %add3A_1775 : i32
      %swap3A_1777 = arith.constant 3 : i32
      %swap3A_1778 = arith.index_cast %add3A_1776 : i32 to index
      %swap3A_1779 = arith.index_cast %swap3A_1777 : i32 to index
      %swap3A_1780 = arith.constant 112 : index
      %swap3A_1781 = tpu.vector_load %arg7[%swap3A_1778, %swap3A_1779, %swap3A_1780] {strides = array<i32>} : memref<8x8x128xf32, #tpu.memory_space<vmem>>, vector<16xf32>,
      tpu.vector_store %arg7[%swap3A_1778, %swap3A_1779, %swap3A_1780], %gather3A_1774 {strides = array<i32>} : memref<8x8x128xf32, #tpu.memory_space<vmem>>, vector<16xf32>,
      %broadcast_in_dim3A_1782 = arith.constant 20 : i32
      %broadcast_in_dim3A_1783 = vector.broadcast %broadcast_in_dim3A_1782 : i32 to vector<16xi32>
      %add3A_1784 = vector.broadcast %mul3A_142 : i32 to vector<16xi32>
      %add3A_1785 = arith.addi %add3A_3, %add3A_1784 : vector<16xi32>
      %gather3A_1786 = tpu.vector_load_idx %arg6[%add3A_1785, %broadcast_in_dim3A_1783] : memref<256x32xf32, #tpu.memory_space<vmem>>[vector<16xi32>, vector<16xi32>], vector<16xf32>,
      %add3A_1787 = arith.constant 2 : i32
      %add3A_1788 = arith.addi %mul3A_144, %add3A_1787 : i32
      %swap3A_1789 = arith.constant 4 : i32
      %swap3A_1790 = arith.index_cast %add3A_1788 : i32 to index
      %swap3A_1791 = arith.index_cast %swap3A_1789 : i32 to index
      %swap3A_1792 = arith.constant 0 : index
      %swap3A_1793 = tpu.vector_load %arg7[%swap3A_1790, %swap3A_1791, %swap3A_1792] {strides = array<i32>} : memref<8x8x128xf32, #tpu.memory_space<vmem>>, vector<16xf32>,
      tpu.vector_store %arg7[%swap3A_1790, %swap3A_1791, %swap3A_1792], %gather3A_1786 {strides = array<i32>} : memref<8x8x128xf32, #tpu.memory_space<vmem>>, vector<16xf32>,
      %add3A_1794 = vector.broadcast %mul3A_142 : i32 to vector<16xi32>
      %add3A_1795 = arith.addi %add3A_7, %add3A_1794 : vector<16xi32>
      %gather3A_1796 = tpu.vector_load_idx %arg6[%add3A_1795, %broadcast_in_dim3A_1783] : memref<256x32xf32, #tpu.memory_space<vmem>>[vector<16xi32>, vector<16xi32>], vector<16xf32>,
      %add3A_1797 = arith.constant 2 : i32
      %add3A_1798 = arith.addi %mul3A_144, %add3A_1797 : i32
      %swap3A_1799 = arith.constant 4 : i32
      %swap3A_1800 = arith.index_cast %add3A_1798 : i32 to index
      %swap3A_1801 = arith.index_cast %swap3A_1799 : i32 to index
      %swap3A_1802 = arith.constant 16 : index
      %swap3A_1803 = tpu.vector_load %arg7[%swap3A_1800, %swap3A_1801, %swap3A_1802] {strides = array<i32>} : memref<8x8x128xf32, #tpu.memory_space<vmem>>, vector<16xf32>,
      tpu.vector_store %arg7[%swap3A_1800, %swap3A_1801, %swap3A_1802], %gather3A_1796 {strides = array<i32>} : memref<8x8x128xf32, #tpu.memory_space<vmem>>, vector<16xf32>,
      %add3A_1804 = vector.broadcast %mul3A_142 : i32 to vector<16xi32>
      %add3A_1805 = arith.addi %add3A_11, %add3A_1804 : vector<16xi32>
      %gather3A_1806 = tpu.vector_load_idx %arg6[%add3A_1805, %broadcast_in_dim3A_1783] : memref<256x32xf32, #tpu.memory_space<vmem>>[vector<16xi32>, vector<16xi32>], vector<16xf32>,
      %add3A_1807 = arith.constant 2 : i32
      %add3A_1808 = arith.addi %mul3A_144, %add3A_1807 : i32
      %swap3A_1809 = arith.constant 4 : i32
      %swap3A_1810 = arith.index_cast %add3A_1808 : i32 to index
      %swap3A_1811 = arith.index_cast %swap3A_1809 : i32 to index
      %swap3A_1812 = arith.constant 32 : index
      %swap3A_1813 = tpu.vector_load %arg7[%swap3A_1810, %swap3A_1811, %swap3A_1812] {strides = array<i32>} : memref<8x8x128xf32, #tpu.memory_space<vmem>>, vector<16xf32>,
      tpu.vector_store %arg7[%swap3A_1810, %swap3A_1811, %swap3A_1812], %gather3A_1806 {strides = array<i32>} : memref<8x8x128xf32, #tpu.memory_space<vmem>>, vector<16xf32>,
      %add3A_1814 = vector.broadcast %mul3A_142 : i32 to vector<16xi32>
      %add3A_1815 = arith.addi %add3A_15, %add3A_1814 : vector<16xi32>
      %gather3A_1816 = tpu.vector_load_idx %arg6[%add3A_1815, %broadcast_in_dim3A_1783] : memref<256x32xf32, #tpu.memory_space<vmem>>[vector<16xi32>, vector<16xi32>], vector<16xf32>,
      %add3A_1817 = arith.constant 2 : i32
      %add3A_1818 = arith.addi %mul3A_144, %add3A_1817 : i32
      %swap3A_1819 = arith.constant 4 : i32
      %swap3A_1820 = arith.index_cast %add3A_1818 : i32 to index
      %swap3A_1821 = arith.index_cast %swap3A_1819 : i32 to index
      %swap3A_1822 = arith.constant 48 : index
      %swap3A_1823 = tpu.vector_load %arg7[%swap3A_1820, %swap3A_1821, %swap3A_1822] {strides = array<i32>} : memref<8x8x128xf32, #tpu.memory_space<vmem>>, vector<16xf32>,
      tpu.vector_store %arg7[%swap3A_1820, %swap3A_1821, %swap3A_1822], %gather3A_1816 {strides = array<i32>} : memref<8x8x128xf32, #tpu.memory_space<vmem>>, vector<16xf32>,
      %add3A_1824 = vector.broadcast %mul3A_142 : i32 to vector<16xi32>
      %add3A_1825 = arith.addi %add3A_19, %add3A_1824 : vector<16xi32>
      %gather3A_1826 = tpu.vector_load_idx %arg6[%add3A_1825, %broadcast_in_dim3A_1783] : memref<256x32xf32, #tpu.memory_space<vmem>>[vector<16xi32>, vector<16xi32>], vector<16xf32>,
      %add3A_1827 = arith.constant 2 : i32
      %add3A_1828 = arith.addi %mul3A_144, %add3A_1827 : i32
      %swap3A_1829 = arith.constant 4 : i32
      %swap3A_1830 = arith.index_cast %add3A_1828 : i32 to index
      %swap3A_1831 = arith.index_cast %swap3A_1829 : i32 to index
      %swap3A_1832 = arith.constant 64 : index
      %swap3A_1833 = tpu.vector_load %arg7[%swap3A_1830, %swap3A_1831, %swap3A_1832] {strides = array<i32>} : memref<8x8x128xf32, #tpu.memory_space<vmem>>, vector<16xf32>,
      tpu.vector_store %arg7[%swap3A_1830, %swap3A_1831, %swap3A_1832], %gather3A_1826 {strides = array<i32>} : memref<8x8x128xf32, #tpu.memory_space<vmem>>, vector<16xf32>,
      %add3A_1834 = vector.broadcast %mul3A_142 : i32 to vector<16xi32>
      %add3A_1835 = arith.addi %add3A_23, %add3A_1834 : vector<16xi32>
      %gather3A_1836 = tpu.vector_load_idx %arg6[%add3A_1835, %broadcast_in_dim3A_1783] : memref<256x32xf32, #tpu.memory_space<vmem>>[vector<16xi32>, vector<16xi32>], vector<16xf32>,
      %add3A_1837 = arith.constant 2 : i32
      %add3A_1838 = arith.addi %mul3A_144, %add3A_1837 : i32
      %swap3A_1839 = arith.constant 4 : i32
      %swap3A_1840 = arith.index_cast %add3A_1838 : i32 to index
      %swap3A_1841 = arith.index_cast %swap3A_1839 : i32 to index
      %swap3A_1842 = arith.constant 80 : index
      %swap3A_1843 = tpu.vector_load %arg7[%swap3A_1840, %swap3A_1841, %swap3A_1842] {strides = array<i32>} : memref<8x8x128xf32, #tpu.memory_space<vmem>>, vector<16xf32>,
      tpu.vector_store %arg7[%swap3A_1840, %swap3A_1841, %swap3A_1842], %gather3A_1836 {strides = array<i32>} : memref<8x8x128xf32, #tpu.memory_space<vmem>>, vector<16xf32>,
      %add3A_1844 = vector.broadcast %mul3A_142 : i32 to vector<16xi32>
      %add3A_1845 = arith.addi %add3A_27, %add3A_1844 : vector<16xi32>
      %gather3A_1846 = tpu.vector_load_idx %arg6[%add3A_1845, %broadcast_in_dim3A_1783] : memref<256x32xf32, #tpu.memory_space<vmem>>[vector<16xi32>, vector<16xi32>], vector<16xf32>,
      %add3A_1847 = arith.constant 2 : i32
      %add3A_1848 = arith.addi %mul3A_144, %add3A_1847 : i32
      %swap3A_1849 = arith.constant 4 : i32
      %swap3A_1850 = arith.index_cast %add3A_1848 : i32 to index
      %swap3A_1851 = arith.index_cast %swap3A_1849 : i32 to index
      %swap3A_1852 = arith.constant 96 : index
      %swap3A_1853 = tpu.vector_load %arg7[%swap3A_1850, %swap3A_1851, %swap3A_1852] {strides = array<i32>} : memref<8x8x128xf32, #tpu.memory_space<vmem>>, vector<16xf32>,
      tpu.vector_store %arg7[%swap3A_1850, %swap3A_1851, %swap3A_1852], %gather3A_1846 {strides = array<i32>} : memref<8x8x128xf32, #tpu.memory_space<vmem>>, vector<16xf32>,
      %add3A_1854 = vector.broadcast %mul3A_142 : i32 to vector<16xi32>
      %add3A_1855 = arith.addi %add3A_31, %add3A_1854 : vector<16xi32>
      %gather3A_1856 = tpu.vector_load_idx %arg6[%add3A_1855, %broadcast_in_dim3A_1783] : memref<256x32xf32, #tpu.memory_space<vmem>>[vector<16xi32>, vector<16xi32>], vector<16xf32>,
      %add3A_1857 = arith.constant 2 : i32
      %add3A_1858 = arith.addi %mul3A_144, %add3A_1857 : i32
      %swap3A_1859 = arith.constant 4 : i32
      %swap3A_1860 = arith.index_cast %add3A_1858 : i32 to index
      %swap3A_1861 = arith.index_cast %swap3A_1859 : i32 to index
      %swap3A_1862 = arith.constant 112 : index
      %swap3A_1863 = tpu.vector_load %arg7[%swap3A_1860, %swap3A_1861, %swap3A_1862] {strides = array<i32>} : memref<8x8x128xf32, #tpu.memory_space<vmem>>, vector<16xf32>,
      tpu.vector_store %arg7[%swap3A_1860, %swap3A_1861, %swap3A_1862], %gather3A_1856 {strides = array<i32>} : memref<8x8x128xf32, #tpu.memory_space<vmem>>, vector<16xf32>,
      %broadcast_in_dim3A_1864 = arith.constant 21 : i32
      %broadcast_in_dim3A_1865 = vector.broadcast %broadcast_in_dim3A_1864 : i32 to vector<16xi32>
      %add3A_1866 = vector.broadcast %mul3A_142 : i32 to vector<16xi32>
      %add3A_1867 = arith.addi %add3A_3, %add3A_1866 : vector<16xi32>
      %gather3A_1868 = tpu.vector_load_idx %arg6[%add3A_1867, %broadcast_in_dim3A_1865] : memref<256x32xf32, #tpu.memory_space<vmem>>[vector<16xi32>, vector<16xi32>], vector<16xf32>,
      %add3A_1869 = arith.constant 2 : i32
      %add3A_1870 = arith.addi %mul3A_144, %add3A_1869 : i32
      %swap3A_1871 = arith.constant 5 : i32
      %swap3A_1872 = arith.index_cast %add3A_1870 : i32 to index
      %swap3A_1873 = arith.index_cast %swap3A_1871 : i32 to index
      %swap3A_1874 = arith.constant 0 : index
      %swap3A_1875 = tpu.vector_load %arg7[%swap3A_1872, %swap3A_1873, %swap3A_1874] {strides = array<i32>} : memref<8x8x128xf32, #tpu.memory_space<vmem>>, vector<16xf32>,
      tpu.vector_store %arg7[%swap3A_1872, %swap3A_1873, %swap3A_1874], %gather3A_1868 {strides = array<i32>} : memref<8x8x128xf32, #tpu.memory_space<vmem>>, vector<16xf32>,
      %add3A_1876 = vector.broadcast %mul3A_142 : i32 to vector<16xi32>
      %add3A_1877 = arith.addi %add3A_7, %add3A_1876 : vector<16xi32>
      %gather3A_1878 = tpu.vector_load_idx %arg6[%add3A_1877, %broadcast_in_dim3A_1865] : memref<256x32xf32, #tpu.memory_space<vmem>>[vector<16xi32>, vector<16xi32>], vector<16xf32>,
      %add3A_1879 = arith.constant 2 : i32
      %add3A_1880 = arith.addi %mul3A_144, %add3A_1879 : i32
      %swap3A_1881 = arith.constant 5 : i32
      %swap3A_1882 = arith.index_cast %add3A_1880 : i32 to index
      %swap3A_1883 = arith.index_cast %swap3A_1881 : i32 to index
      %swap3A_1884 = arith.constant 16 : index
      %swap3A_1885 = tpu.vector_load %arg7[%swap3A_1882, %swap3A_1883, %swap3A_1884] {strides = array<i32>} : memref<8x8x128xf32, #tpu.memory_space<vmem>>, vector<16xf32>,
      tpu.vector_store %arg7[%swap3A_1882, %swap3A_1883, %swap3A_1884], %gather3A_1878 {strides = array<i32>} : memref<8x8x128xf32, #tpu.memory_space<vmem>>, vector<16xf32>,
      %add3A_1886 = vector.broadcast %mul3A_142 : i32 to vector<16xi32>
      %add3A_1887 = arith.addi %add3A_11, %add3A_1886 : vector<16xi32>
      %gather3A_1888 = tpu.vector_load_idx %arg6[%add3A_1887, %broadcast_in_dim3A_1865] : memref<256x32xf32, #tpu.memory_space<vmem>>[vector<16xi32>, vector<16xi32>], vector<16xf32>,
      %add3A_1889 = arith.constant 2 : i32
      %add3A_1890 = arith.addi %mul3A_144, %add3A_1889 : i32
      %swap3A_1891 = arith.constant 5 : i32
      %swap3A_1892 = arith.index_cast %add3A_1890 : i32 to index
      %swap3A_1893 = arith.index_cast %swap3A_1891 : i32 to index
      %swap3A_1894 = arith.constant 32 : index
      %swap3A_1895 = tpu.vector_load %arg7[%swap3A_1892, %swap3A_1893, %swap3A_1894] {strides = array<i32>} : memref<8x8x128xf32, #tpu.memory_space<vmem>>, vector<16xf32>,
      tpu.vector_store %arg7[%swap3A_1892, %swap3A_1893, %swap3A_1894], %gather3A_1888 {strides = array<i32>} : memref<8x8x128xf32, #tpu.memory_space<vmem>>, vector<16xf32>,
      %add3A_1896 = vector.broadcast %mul3A_142 : i32 to vector<16xi32>
      %add3A_1897 = arith.addi %add3A_15, %add3A_1896 : vector<16xi32>
      %gather3A_1898 = tpu.vector_load_idx %arg6[%add3A_1897, %broadcast_in_dim3A_1865] : memref<256x32xf32, #tpu.memory_space<vmem>>[vector<16xi32>, vector<16xi32>], vector<16xf32>,
      %add3A_1899 = arith.constant 2 : i32
      %add3A_1900 = arith.addi %mul3A_144, %add3A_1899 : i32
      %swap3A_1901 = arith.constant 5 : i32
      %swap3A_1902 = arith.index_cast %add3A_1900 : i32 to index
      %swap3A_1903 = arith.index_cast %swap3A_1901 : i32 to index
      %swap3A_1904 = arith.constant 48 : index
      %swap3A_1905 = tpu.vector_load %arg7[%swap3A_1902, %swap3A_1903, %swap3A_1904] {strides = array<i32>} : memref<8x8x128xf32, #tpu.memory_space<vmem>>, vector<16xf32>,
      tpu.vector_store %arg7[%swap3A_1902, %swap3A_1903, %swap3A_1904], %gather3A_1898 {strides = array<i32>} : memref<8x8x128xf32, #tpu.memory_space<vmem>>, vector<16xf32>,
      %add3A_1906 = vector.broadcast %mul3A_142 : i32 to vector<16xi32>
      %add3A_1907 = arith.addi %add3A_19, %add3A_1906 : vector<16xi32>
      %gather3A_1908 = tpu.vector_load_idx %arg6[%add3A_1907, %broadcast_in_dim3A_1865] : memref<256x32xf32, #tpu.memory_space<vmem>>[vector<16xi32>, vector<16xi32>], vector<16xf32>,
      %add3A_1909 = arith.constant 2 : i32
      %add3A_1910 = arith.addi %mul3A_144, %add3A_1909 : i32
      %swap3A_1911 = arith.constant 5 : i32
      %swap3A_1912 = arith.index_cast %add3A_1910 : i32 to index
      %swap3A_1913 = arith.index_cast %swap3A_1911 : i32 to index
      %swap3A_1914 = arith.constant 64 : index
      %swap3A_1915 = tpu.vector_load %arg7[%swap3A_1912, %swap3A_1913, %swap3A_1914] {strides = array<i32>} : memref<8x8x128xf32, #tpu.memory_space<vmem>>, vector<16xf32>,
      tpu.vector_store %arg7[%swap3A_1912, %swap3A_1913, %swap3A_1914], %gather3A_1908 {strides = array<i32>} : memref<8x8x128xf32, #tpu.memory_space<vmem>>, vector<16xf32>,
      %add3A_1916 = vector.broadcast %mul3A_142 : i32 to vector<16xi32>
      %add3A_1917 = arith.addi %add3A_23, %add3A_1916 : vector<16xi32>
      %gather3A_1918 = tpu.vector_load_idx %arg6[%add3A_1917, %broadcast_in_dim3A_1865] : memref<256x32xf32, #tpu.memory_space<vmem>>[vector<16xi32>, vector<16xi32>], vector<16xf32>,
      %add3A_1919 = arith.constant 2 : i32
      %add3A_1920 = arith.addi %mul3A_144, %add3A_1919 : i32
      %swap3A_1921 = arith.constant 5 : i32
      %swap3A_1922 = arith.index_cast %add3A_1920 : i32 to index
      %swap3A_1923 = arith.index_cast %swap3A_1921 : i32 to index
      %swap3A_1924 = arith.constant 80 : index
      %swap3A_1925 = tpu.vector_load %arg7[%swap3A_1922, %swap3A_1923, %swap3A_1924] {strides = array<i32>} : memref<8x8x128xf32, #tpu.memory_space<vmem>>, vector<16xf32>,
      tpu.vector_store %arg7[%swap3A_1922, %swap3A_1923, %swap3A_1924], %gather3A_1918 {strides = array<i32>} : memref<8x8x128xf32, #tpu.memory_space<vmem>>, vector<16xf32>,
      %add3A_1926 = vector.broadcast %mul3A_142 : i32 to vector<16xi32>
      %add3A_1927 = arith.addi %add3A_27, %add3A_1926 : vector<16xi32>
      %gather3A_1928 = tpu.vector_load_idx %arg6[%add3A_1927, %broadcast_in_dim3A_1865] : memref<256x32xf32, #tpu.memory_space<vmem>>[vector<16xi32>, vector<16xi32>], vector<16xf32>,
      %add3A_1929 = arith.constant 2 : i32
      %add3A_1930 = arith.addi %mul3A_144, %add3A_1929 : i32
      %swap3A_1931 = arith.constant 5 : i32
      %swap3A_1932 = arith.index_cast %add3A_1930 : i32 to index
      %swap3A_1933 = arith.index_cast %swap3A_1931 : i32 to index
      %swap3A_1934 = arith.constant 96 : index
      %swap3A_1935 = tpu.vector_load %arg7[%swap3A_1932, %swap3A_1933, %swap3A_1934] {strides = array<i32>} : memref<8x8x128xf32, #tpu.memory_space<vmem>>, vector<16xf32>,
      tpu.vector_store %arg7[%swap3A_1932, %swap3A_1933, %swap3A_1934], %gather3A_1928 {strides = array<i32>} : memref<8x8x128xf32, #tpu.memory_space<vmem>>, vector<16xf32>,
      %add3A_1936 = vector.broadcast %mul3A_142 : i32 to vector<16xi32>
      %add3A_1937 = arith.addi %add3A_31, %add3A_1936 : vector<16xi32>
      %gather3A_1938 = tpu.vector_load_idx %arg6[%add3A_1937, %broadcast_in_dim3A_1865] : memref<256x32xf32, #tpu.memory_space<vmem>>[vector<16xi32>, vector<16xi32>], vector<16xf32>,
      %add3A_1939 = arith.constant 2 : i32
      %add3A_1940 = arith.addi %mul3A_144, %add3A_1939 : i32
      %swap3A_1941 = arith.constant 5 : i32
      %swap3A_1942 = arith.index_cast %add3A_1940 : i32 to index
      %swap3A_1943 = arith.index_cast %swap3A_1941 : i32 to index
      %swap3A_1944 = arith.constant 112 : index
      %swap3A_1945 = tpu.vector_load %arg7[%swap3A_1942, %swap3A_1943, %swap3A_1944] {strides = array<i32>} : memref<8x8x128xf32, #tpu.memory_space<vmem>>, vector<16xf32>,
      tpu.vector_store %arg7[%swap3A_1942, %swap3A_1943, %swap3A_1944], %gather3A_1938 {strides = array<i32>} : memref<8x8x128xf32, #tpu.memory_space<vmem>>, vector<16xf32>,
      %broadcast_in_dim3A_1946 = arith.constant 22 : i32
      %broadcast_in_dim3A_1947 = vector.broadcast %broadcast_in_dim3A_1946 : i32 to vector<16xi32>
      %add3A_1948 = vector.broadcast %mul3A_142 : i32 to vector<16xi32>
      %add3A_1949 = arith.addi %add3A_3, %add3A_1948 : vector<16xi32>
      %gather3A_1950 = tpu.vector_load_idx %arg6[%add3A_1949, %broadcast_in_dim3A_1947] : memref<256x32xf32, #tpu.memory_space<vmem>>[vector<16xi32>, vector<16xi32>], vector<16xf32>,
      %add3A_1951 = arith.constant 2 : i32
      %add3A_1952 = arith.addi %mul3A_144, %add3A_1951 : i32
      %swap3A_1953 = arith.constant 6 : i32
      %swap3A_1954 = arith.index_cast %add3A_1952 : i32 to index
      %swap3A_1955 = arith.index_cast %swap3A_1953 : i32 to index
      %swap3A_1956 = arith.constant 0 : index
      %swap3A_1957 = tpu.vector_load %arg7[%swap3A_1954, %swap3A_1955, %swap3A_1956] {strides = array<i32>} : memref<8x8x128xf32, #tpu.memory_space<vmem>>, vector<16xf32>,
      tpu.vector_store %arg7[%swap3A_1954, %swap3A_1955, %swap3A_1956], %gather3A_1950 {strides = array<i32>} : memref<8x8x128xf32, #tpu.memory_space<vmem>>, vector<16xf32>,
      %add3A_1958 = vector.broadcast %mul3A_142 : i32 to vector<16xi32>
      %add3A_1959 = arith.addi %add3A_7, %add3A_1958 : vector<16xi32>
      %gather3A_1960 = tpu.vector_load_idx %arg6[%add3A_1959, %broadcast_in_dim3A_1947] : memref<256x32xf32, #tpu.memory_space<vmem>>[vector<16xi32>, vector<16xi32>], vector<16xf32>,
      %add3A_1961 = arith.constant 2 : i32
      %add3A_1962 = arith.addi %mul3A_144, %add3A_1961 : i32
      %swap3A_1963 = arith.constant 6 : i32
      %swap3A_1964 = arith.index_cast %add3A_1962 : i32 to index
      %swap3A_1965 = arith.index_cast %swap3A_1963 : i32 to index
      %swap3A_1966 = arith.constant 16 : index
      %swap3A_1967 = tpu.vector_load %arg7[%swap3A_1964, %swap3A_1965, %swap3A_1966] {strides = array<i32>} : memref<8x8x128xf32, #tpu.memory_space<vmem>>, vector<16xf32>,
      tpu.vector_store %arg7[%swap3A_1964, %swap3A_1965, %swap3A_1966], %gather3A_1960 {strides = array<i32>} : memref<8x8x128xf32, #tpu.memory_space<vmem>>, vector<16xf32>,
      %add3A_1968 = vector.broadcast %mul3A_142 : i32 to vector<16xi32>
      %add3A_1969 = arith.addi %add3A_11, %add3A_1968 : vector<16xi32>
      %gather3A_1970 = tpu.vector_load_idx %arg6[%add3A_1969, %broadcast_in_dim3A_1947] : memref<256x32xf32, #tpu.memory_space<vmem>>[vector<16xi32>, vector<16xi32>], vector<16xf32>,
      %add3A_1971 = arith.constant 2 : i32
      %add3A_1972 = arith.addi %mul3A_144, %add3A_1971 : i32
      %swap3A_1973 = arith.constant 6 : i32
      %swap3A_1974 = arith.index_cast %add3A_1972 : i32 to index
      %swap3A_1975 = arith.index_cast %swap3A_1973 : i32 to index
      %swap3A_1976 = arith.constant 32 : index
      %swap3A_1977 = tpu.vector_load %arg7[%swap3A_1974, %swap3A_1975, %swap3A_1976] {strides = array<i32>} : memref<8x8x128xf32, #tpu.memory_space<vmem>>, vector<16xf32>,
      tpu.vector_store %arg7[%swap3A_1974, %swap3A_1975, %swap3A_1976], %gather3A_1970 {strides = array<i32>} : memref<8x8x128xf32, #tpu.memory_space<vmem>>, vector<16xf32>,
      %add3A_1978 = vector.broadcast %mul3A_142 : i32 to vector<16xi32>
      %add3A_1979 = arith.addi %add3A_15, %add3A_1978 : vector<16xi32>
      %gather3A_1980 = tpu.vector_load_idx %arg6[%add3A_1979, %broadcast_in_dim3A_1947] : memref<256x32xf32, #tpu.memory_space<vmem>>[vector<16xi32>, vector<16xi32>], vector<16xf32>,
      %add3A_1981 = arith.constant 2 : i32
      %add3A_1982 = arith.addi %mul3A_144, %add3A_1981 : i32
      %swap3A_1983 = arith.constant 6 : i32
      %swap3A_1984 = arith.index_cast %add3A_1982 : i32 to index
      %swap3A_1985 = arith.index_cast %swap3A_1983 : i32 to index
      %swap3A_1986 = arith.constant 48 : index
      %swap3A_1987 = tpu.vector_load %arg7[%swap3A_1984, %swap3A_1985, %swap3A_1986] {strides = array<i32>} : memref<8x8x128xf32, #tpu.memory_space<vmem>>, vector<16xf32>,
      tpu.vector_store %arg7[%swap3A_1984, %swap3A_1985, %swap3A_1986], %gather3A_1980 {strides = array<i32>} : memref<8x8x128xf32, #tpu.memory_space<vmem>>, vector<16xf32>,
      %add3A_1988 = vector.broadcast %mul3A_142 : i32 to vector<16xi32>
      %add3A_1989 = arith.addi %add3A_19, %add3A_1988 : vector<16xi32>
      %gather3A_1990 = tpu.vector_load_idx %arg6[%add3A_1989, %broadcast_in_dim3A_1947] : memref<256x32xf32, #tpu.memory_space<vmem>>[vector<16xi32>, vector<16xi32>], vector<16xf32>,
      %add3A_1991 = arith.constant 2 : i32
      %add3A_1992 = arith.addi %mul3A_144, %add3A_1991 : i32
      %swap3A_1993 = arith.constant 6 : i32
      %swap3A_1994 = arith.index_cast %add3A_1992 : i32 to index
      %swap3A_1995 = arith.index_cast %swap3A_1993 : i32 to index
      %swap3A_1996 = arith.constant 64 : index
      %swap3A_1997 = tpu.vector_load %arg7[%swap3A_1994, %swap3A_1995, %swap3A_1996] {strides = array<i32>} : memref<8x8x128xf32, #tpu.memory_space<vmem>>, vector<16xf32>,
      tpu.vector_store %arg7[%swap3A_1994, %swap3A_1995, %swap3A_1996], %gather3A_1990 {strides = array<i32>} : memref<8x8x128xf32, #tpu.memory_space<vmem>>, vector<16xf32>,
      %add3A_1998 = vector.broadcast %mul3A_142 : i32 to vector<16xi32>
      %add3A_1999 = arith.addi %add3A_23, %add3A_1998 : vector<16xi32>
      %gather3A_2000 = tpu.vector_load_idx %arg6[%add3A_1999, %broadcast_in_dim3A_1947] : memref<256x32xf32, #tpu.memory_space<vmem>>[vector<16xi32>, vector<16xi32>], vector<16xf32>,
      %add3A_2001 = arith.constant 2 : i32
      %add3A_2002 = arith.addi %mul3A_144, %add3A_2001 : i32
      %swap3A_2003 = arith.constant 6 : i32
      %swap3A_2004 = arith.index_cast %add3A_2002 : i32 to index
      %swap3A_2005 = arith.index_cast %swap3A_2003 : i32 to index
      %swap3A_2006 = arith.constant 80 : index
      %swap3A_2007 = tpu.vector_load %arg7[%swap3A_2004, %swap3A_2005, %swap3A_2006] {strides = array<i32>} : memref<8x8x128xf32, #tpu.memory_space<vmem>>, vector<16xf32>,
      tpu.vector_store %arg7[%swap3A_2004, %swap3A_2005, %swap3A_2006], %gather3A_2000 {strides = array<i32>} : memref<8x8x128xf32, #tpu.memory_space<vmem>>, vector<16xf32>,
      %add3A_2008 = vector.broadcast %mul3A_142 : i32 to vector<16xi32>
      %add3A_2009 = arith.addi %add3A_27, %add3A_2008 : vector<16xi32>
      %gather3A_2010 = tpu.vector_load_idx %arg6[%add3A_2009, %broadcast_in_dim3A_1947] : memref<256x32xf32, #tpu.memory_space<vmem>>[vector<16xi32>, vector<16xi32>], vector<16xf32>,
      %add3A_2011 = arith.constant 2 : i32
      %add3A_2012 = arith.addi %mul3A_144, %add3A_2011 : i32
      %swap3A_2013 = arith.constant 6 : i32
      %swap3A_2014 = arith.index_cast %add3A_2012 : i32 to index
      %swap3A_2015 = arith.index_cast %swap3A_2013 : i32 to index
      %swap3A_2016 = arith.constant 96 : index
      %swap3A_2017 = tpu.vector_load %arg7[%swap3A_2014, %swap3A_2015, %swap3A_2016] {strides = array<i32>} : memref<8x8x128xf32, #tpu.memory_space<vmem>>, vector<16xf32>,
      tpu.vector_store %arg7[%swap3A_2014, %swap3A_2015, %swap3A_2016], %gather3A_2010 {strides = array<i32>} : memref<8x8x128xf32, #tpu.memory_space<vmem>>, vector<16xf32>,
      %add3A_2018 = vector.broadcast %mul3A_142 : i32 to vector<16xi32>
      %add3A_2019 = arith.addi %add3A_31, %add3A_2018 : vector<16xi32>
      %gather3A_2020 = tpu.vector_load_idx %arg6[%add3A_2019, %broadcast_in_dim3A_1947] : memref<256x32xf32, #tpu.memory_space<vmem>>[vector<16xi32>, vector<16xi32>], vector<16xf32>,
      %add3A_2021 = arith.constant 2 : i32
      %add3A_2022 = arith.addi %mul3A_144, %add3A_2021 : i32
      %swap3A_2023 = arith.constant 6 : i32
      %swap3A_2024 = arith.index_cast %add3A_2022 : i32 to index
      %swap3A_2025 = arith.index_cast %swap3A_2023 : i32 to index
      %swap3A_2026 = arith.constant 112 : index
      %swap3A_2027 = tpu.vector_load %arg7[%swap3A_2024, %swap3A_2025, %swap3A_2026] {strides = array<i32>} : memref<8x8x128xf32, #tpu.memory_space<vmem>>, vector<16xf32>,
      tpu.vector_store %arg7[%swap3A_2024, %swap3A_2025, %swap3A_2026], %gather3A_2020 {strides = array<i32>} : memref<8x8x128xf32, #tpu.memory_space<vmem>>, vector<16xf32>,
      %broadcast_in_dim3A_2028 = arith.constant 23 : i32
      %broadcast_in_dim3A_2029 = vector.broadcast %broadcast_in_dim3A_2028 : i32 to vector<16xi32>
      %add3A_2030 = vector.broadcast %mul3A_142 : i32 to vector<16xi32>
      %add3A_2031 = arith.addi %add3A_3, %add3A_2030 : vector<16xi32>
      %gather3A_2032 = tpu.vector_load_idx %arg6[%add3A_2031, %broadcast_in_dim3A_2029] : memref<256x32xf32, #tpu.memory_space<vmem>>[vector<16xi32>, vector<16xi32>], vector<16xf32>,
      %add3A_2033 = arith.constant 2 : i32
      %add3A_2034 = arith.addi %mul3A_144, %add3A_2033 : i32
      %swap3A_2035 = arith.constant 7 : i32
      %swap3A_2036 = arith.index_cast %add3A_2034 : i32 to index
      %swap3A_2037 = arith.index_cast %swap3A_2035 : i32 to index
      %swap3A_2038 = arith.constant 0 : index
      %swap3A_2039 = tpu.vector_load %arg7[%swap3A_2036, %swap3A_2037, %swap3A_2038] {strides = array<i32>} : memref<8x8x128xf32, #tpu.memory_space<vmem>>, vector<16xf32>,
      tpu.vector_store %arg7[%swap3A_2036, %swap3A_2037, %swap3A_2038], %gather3A_2032 {strides = array<i32>} : memref<8x8x128xf32, #tpu.memory_space<vmem>>, vector<16xf32>,
      %add3A_2040 = vector.broadcast %mul3A_142 : i32 to vector<16xi32>
      %add3A_2041 = arith.addi %add3A_7, %add3A_2040 : vector<16xi32>
      %gather3A_2042 = tpu.vector_load_idx %arg6[%add3A_2041, %broadcast_in_dim3A_2029] : memref<256x32xf32, #tpu.memory_space<vmem>>[vector<16xi32>, vector<16xi32>], vector<16xf32>,
      %add3A_2043 = arith.constant 2 : i32
      %add3A_2044 = arith.addi %mul3A_144, %add3A_2043 : i32
      %swap3A_2045 = arith.constant 7 : i32
      %swap3A_2046 = arith.index_cast %add3A_2044 : i32 to index
      %swap3A_2047 = arith.index_cast %swap3A_2045 : i32 to index
      %swap3A_2048 = arith.constant 16 : index
      %swap3A_2049 = tpu.vector_load %arg7[%swap3A_2046, %swap3A_2047, %swap3A_2048] {strides = array<i32>} : memref<8x8x128xf32, #tpu.memory_space<vmem>>, vector<16xf32>,
      tpu.vector_store %arg7[%swap3A_2046, %swap3A_2047, %swap3A_2048], %gather3A_2042 {strides = array<i32>} : memref<8x8x128xf32, #tpu.memory_space<vmem>>, vector<16xf32>,
      %add3A_2050 = vector.broadcast %mul3A_142 : i32 to vector<16xi32>
      %add3A_2051 = arith.addi %add3A_11, %add3A_2050 : vector<16xi32>
      %gather3A_2052 = tpu.vector_load_idx %arg6[%add3A_2051, %broadcast_in_dim3A_2029] : memref<256x32xf32, #tpu.memory_space<vmem>>[vector<16xi32>, vector<16xi32>], vector<16xf32>,
      %add3A_2053 = arith.constant 2 : i32
      %add3A_2054 = arith.addi %mul3A_144, %add3A_2053 : i32
      %swap3A_2055 = arith.constant 7 : i32
      %swap3A_2056 = arith.index_cast %add3A_2054 : i32 to index
      %swap3A_2057 = arith.index_cast %swap3A_2055 : i32 to index
      %swap3A_2058 = arith.constant 32 : index
      %swap3A_2059 = tpu.vector_load %arg7[%swap3A_2056, %swap3A_2057, %swap3A_2058] {strides = array<i32>} : memref<8x8x128xf32, #tpu.memory_space<vmem>>, vector<16xf32>,
      tpu.vector_store %arg7[%swap3A_2056, %swap3A_2057, %swap3A_2058], %gather3A_2052 {strides = array<i32>} : memref<8x8x128xf32, #tpu.memory_space<vmem>>, vector<16xf32>,
      %add3A_2060 = vector.broadcast %mul3A_142 : i32 to vector<16xi32>
      %add3A_2061 = arith.addi %add3A_15, %add3A_2060 : vector<16xi32>
      %gather3A_2062 = tpu.vector_load_idx %arg6[%add3A_2061, %broadcast_in_dim3A_2029] : memref<256x32xf32, #tpu.memory_space<vmem>>[vector<16xi32>, vector<16xi32>], vector<16xf32>,
      %add3A_2063 = arith.constant 2 : i32
      %add3A_2064 = arith.addi %mul3A_144, %add3A_2063 : i32
      %swap3A_2065 = arith.constant 7 : i32
      %swap3A_2066 = arith.index_cast %add3A_2064 : i32 to index
      %swap3A_2067 = arith.index_cast %swap3A_2065 : i32 to index
      %swap3A_2068 = arith.constant 48 : index
      %swap3A_2069 = tpu.vector_load %arg7[%swap3A_2066, %swap3A_2067, %swap3A_2068] {strides = array<i32>} : memref<8x8x128xf32, #tpu.memory_space<vmem>>, vector<16xf32>,
      tpu.vector_store %arg7[%swap3A_2066, %swap3A_2067, %swap3A_2068], %gather3A_2062 {strides = array<i32>} : memref<8x8x128xf32, #tpu.memory_space<vmem>>, vector<16xf32>,
      %add3A_2070 = vector.broadcast %mul3A_142 : i32 to vector<16xi32>
      %add3A_2071 = arith.addi %add3A_19, %add3A_2070 : vector<16xi32>
      %gather3A_2072 = tpu.vector_load_idx %arg6[%add3A_2071, %broadcast_in_dim3A_2029] : memref<256x32xf32, #tpu.memory_space<vmem>>[vector<16xi32>, vector<16xi32>], vector<16xf32>,
      %add3A_2073 = arith.constant 2 : i32
      %add3A_2074 = arith.addi %mul3A_144, %add3A_2073 : i32
      %swap3A_2075 = arith.constant 7 : i32
      %swap3A_2076 = arith.index_cast %add3A_2074 : i32 to index
      %swap3A_2077 = arith.index_cast %swap3A_2075 : i32 to index
      %swap3A_2078 = arith.constant 64 : index
      %swap3A_2079 = tpu.vector_load %arg7[%swap3A_2076, %swap3A_2077, %swap3A_2078] {strides = array<i32>} : memref<8x8x128xf32, #tpu.memory_space<vmem>>, vector<16xf32>,
      tpu.vector_store %arg7[%swap3A_2076, %swap3A_2077, %swap3A_2078], %gather3A_2072 {strides = array<i32>} : memref<8x8x128xf32, #tpu.memory_space<vmem>>, vector<16xf32>,
      %add3A_2080 = vector.broadcast %mul3A_142 : i32 to vector<16xi32>
      %add3A_2081 = arith.addi %add3A_23, %add3A_2080 : vector<16xi32>
      %gather3A_2082 = tpu.vector_load_idx %arg6[%add3A_2081, %broadcast_in_dim3A_2029] : memref<256x32xf32, #tpu.memory_space<vmem>>[vector<16xi32>, vector<16xi32>], vector<16xf32>,
      %add3A_2083 = arith.constant 2 : i32
      %add3A_2084 = arith.addi %mul3A_144, %add3A_2083 : i32
      %swap3A_2085 = arith.constant 7 : i32
      %swap3A_2086 = arith.index_cast %add3A_2084 : i32 to index
      %swap3A_2087 = arith.index_cast %swap3A_2085 : i32 to index
      %swap3A_2088 = arith.constant 80 : index
      %swap3A_2089 = tpu.vector_load %arg7[%swap3A_2086, %swap3A_2087, %swap3A_2088] {strides = array<i32>} : memref<8x8x128xf32, #tpu.memory_space<vmem>>, vector<16xf32>,
      tpu.vector_store %arg7[%swap3A_2086, %swap3A_2087, %swap3A_2088], %gather3A_2082 {strides = array<i32>} : memref<8x8x128xf32, #tpu.memory_space<vmem>>, vector<16xf32>,
      %add3A_2090 = vector.broadcast %mul3A_142 : i32 to vector<16xi32>
      %add3A_2091 = arith.addi %add3A_27, %add3A_2090 : vector<16xi32>
      %gather3A_2092 = tpu.vector_load_idx %arg6[%add3A_2091, %broadcast_in_dim3A_2029] : memref<256x32xf32, #tpu.memory_space<vmem>>[vector<16xi32>, vector<16xi32>], vector<16xf32>,
      %add3A_2093 = arith.constant 2 : i32
      %add3A_2094 = arith.addi %mul3A_144, %add3A_2093 : i32
      %swap3A_2095 = arith.constant 7 : i32
      %swap3A_2096 = arith.index_cast %add3A_2094 : i32 to index
      %swap3A_2097 = arith.index_cast %swap3A_2095 : i32 to index
      %swap3A_2098 = arith.constant 96 : index
      %swap3A_2099 = tpu.vector_load %arg7[%swap3A_2096, %swap3A_2097, %swap3A_2098] {strides = array<i32>} : memref<8x8x128xf32, #tpu.memory_space<vmem>>, vector<16xf32>,
      tpu.vector_store %arg7[%swap3A_2096, %swap3A_2097, %swap3A_2098], %gather3A_2092 {strides = array<i32>} : memref<8x8x128xf32, #tpu.memory_space<vmem>>, vector<16xf32>,
      %add3A_2100 = vector.broadcast %mul3A_142 : i32 to vector<16xi32>
      %add3A_2101 = arith.addi %add3A_31, %add3A_2100 : vector<16xi32>
      %gather3A_2102 = tpu.vector_load_idx %arg6[%add3A_2101, %broadcast_in_dim3A_2029] : memref<256x32xf32, #tpu.memory_space<vmem>>[vector<16xi32>, vector<16xi32>], vector<16xf32>,
      %add3A_2103 = arith.constant 2 : i32
      %add3A_2104 = arith.addi %mul3A_144, %add3A_2103 : i32
      %swap3A_2105 = arith.constant 7 : i32
      %swap3A_2106 = arith.index_cast %add3A_2104 : i32 to index
      %swap3A_2107 = arith.index_cast %swap3A_2105 : i32 to index
      %swap3A_2108 = arith.constant 112 : index
      %swap3A_2109 = tpu.vector_load %arg7[%swap3A_2106, %swap3A_2107, %swap3A_2108] {strides = array<i32>} : memref<8x8x128xf32, #tpu.memory_space<vmem>>, vector<16xf32>,
      tpu.vector_store %arg7[%swap3A_2106, %swap3A_2107, %swap3A_2108], %gather3A_2102 {strides = array<i32>} : memref<8x8x128xf32, #tpu.memory_space<vmem>>, vector<16xf32>,
      %broadcast_in_dim3A_2110 = arith.constant 24 : i32
      %broadcast_in_dim3A_2111 = vector.broadcast %broadcast_in_dim3A_2110 : i32 to vector<16xi32>
      %add3A_2112 = vector.broadcast %mul3A_142 : i32 to vector<16xi32>
      %add3A_2113 = arith.addi %add3A_3, %add3A_2112 : vector<16xi32>
      %gather3A_2114 = tpu.vector_load_idx %arg6[%add3A_2113, %broadcast_in_dim3A_2111] : memref<256x32xf32, #tpu.memory_space<vmem>>[vector<16xi32>, vector<16xi32>], vector<16xf32>,
      %add3A_2115 = arith.constant 3 : i32
      %add3A_2116 = arith.addi %mul3A_144, %add3A_2115 : i32
      %swap3A_2117 = arith.constant 0 : i32
      %swap3A_2118 = arith.index_cast %add3A_2116 : i32 to index
      %swap3A_2119 = arith.index_cast %swap3A_2117 : i32 to index
      %swap3A_2120 = arith.constant 0 : index
      %swap3A_2121 = tpu.vector_load %arg7[%swap3A_2118, %swap3A_2119, %swap3A_2120] {strides = array<i32>} : memref<8x8x128xf32, #tpu.memory_space<vmem>>, vector<16xf32>,
      tpu.vector_store %arg7[%swap3A_2118, %swap3A_2119, %swap3A_2120], %gather3A_2114 {strides = array<i32>} : memref<8x8x128xf32, #tpu.memory_space<vmem>>, vector<16xf32>,
      %add3A_2122 = vector.broadcast %mul3A_142 : i32 to vector<16xi32>
      %add3A_2123 = arith.addi %add3A_7, %add3A_2122 : vector<16xi32>
      %gather3A_2124 = tpu.vector_load_idx %arg6[%add3A_2123, %broadcast_in_dim3A_2111] : memref<256x32xf32, #tpu.memory_space<vmem>>[vector<16xi32>, vector<16xi32>], vector<16xf32>,
      %add3A_2125 = arith.constant 3 : i32
      %add3A_2126 = arith.addi %mul3A_144, %add3A_2125 : i32
      %swap3A_2127 = arith.constant 0 : i32
      %swap3A_2128 = arith.index_cast %add3A_2126 : i32 to index
      %swap3A_2129 = arith.index_cast %swap3A_2127 : i32 to index
      %swap3A_2130 = arith.constant 16 : index
      %swap3A_2131 = tpu.vector_load %arg7[%swap3A_2128, %swap3A_2129, %swap3A_2130] {strides = array<i32>} : memref<8x8x128xf32, #tpu.memory_space<vmem>>, vector<16xf32>,
      tpu.vector_store %arg7[%swap3A_2128, %swap3A_2129, %swap3A_2130], %gather3A_2124 {strides = array<i32>} : memref<8x8x128xf32, #tpu.memory_space<vmem>>, vector<16xf32>,
      %add3A_2132 = vector.broadcast %mul3A_142 : i32 to vector<16xi32>
      %add3A_2133 = arith.addi %add3A_11, %add3A_2132 : vector<16xi32>
      %gather3A_2134 = tpu.vector_load_idx %arg6[%add3A_2133, %broadcast_in_dim3A_2111] : memref<256x32xf32, #tpu.memory_space<vmem>>[vector<16xi32>, vector<16xi32>], vector<16xf32>,
      %add3A_2135 = arith.constant 3 : i32
      %add3A_2136 = arith.addi %mul3A_144, %add3A_2135 : i32
      %swap3A_2137 = arith.constant 0 : i32
      %swap3A_2138 = arith.index_cast %add3A_2136 : i32 to index
      %swap3A_2139 = arith.index_cast %swap3A_2137 : i32 to index
      %swap3A_2140 = arith.constant 32 : index
      %swap3A_2141 = tpu.vector_load %arg7[%swap3A_2138, %swap3A_2139, %swap3A_2140] {strides = array<i32>} : memref<8x8x128xf32, #tpu.memory_space<vmem>>, vector<16xf32>,
      tpu.vector_store %arg7[%swap3A_2138, %swap3A_2139, %swap3A_2140], %gather3A_2134 {strides = array<i32>} : memref<8x8x128xf32, #tpu.memory_space<vmem>>, vector<16xf32>,
      %add3A_2142 = vector.broadcast %mul3A_142 : i32 to vector<16xi32>
      %add3A_2143 = arith.addi %add3A_15, %add3A_2142 : vector<16xi32>
      %gather3A_2144 = tpu.vector_load_idx %arg6[%add3A_2143, %broadcast_in_dim3A_2111] : memref<256x32xf32, #tpu.memory_space<vmem>>[vector<16xi32>, vector<16xi32>], vector<16xf32>,
      %add3A_2145 = arith.constant 3 : i32
      %add3A_2146 = arith.addi %mul3A_144, %add3A_2145 : i32
      %swap3A_2147 = arith.constant 0 : i32
      %swap3A_2148 = arith.index_cast %add3A_2146 : i32 to index
      %swap3A_2149 = arith.index_cast %swap3A_2147 : i32 to index
      %swap3A_2150 = arith.constant 48 : index
      %swap3A_2151 = tpu.vector_load %arg7[%swap3A_2148, %swap3A_2149, %swap3A_2150] {strides = array<i32>} : memref<8x8x128xf32, #tpu.memory_space<vmem>>, vector<16xf32>,
      tpu.vector_store %arg7[%swap3A_2148, %swap3A_2149, %swap3A_2150], %gather3A_2144 {strides = array<i32>} : memref<8x8x128xf32, #tpu.memory_space<vmem>>, vector<16xf32>,
      %add3A_2152 = vector.broadcast %mul3A_142 : i32 to vector<16xi32>
      %add3A_2153 = arith.addi %add3A_19, %add3A_2152 : vector<16xi32>
      %gather3A_2154 = tpu.vector_load_idx %arg6[%add3A_2153, %broadcast_in_dim3A_2111] : memref<256x32xf32, #tpu.memory_space<vmem>>[vector<16xi32>, vector<16xi32>], vector<16xf32>,
      %add3A_2155 = arith.constant 3 : i32
      %add3A_2156 = arith.addi %mul3A_144, %add3A_2155 : i32
      %swap3A_2157 = arith.constant 0 : i32
      %swap3A_2158 = arith.index_cast %add3A_2156 : i32 to index
      %swap3A_2159 = arith.index_cast %swap3A_2157 : i32 to index
      %swap3A_2160 = arith.constant 64 : index
      %swap3A_2161 = tpu.vector_load %arg7[%swap3A_2158, %swap3A_2159, %swap3A_2160] {strides = array<i32>} : memref<8x8x128xf32, #tpu.memory_space<vmem>>, vector<16xf32>,
      tpu.vector_store %arg7[%swap3A_2158, %swap3A_2159, %swap3A_2160], %gather3A_2154 {strides = array<i32>} : memref<8x8x128xf32, #tpu.memory_space<vmem>>, vector<16xf32>,
      %add3A_2162 = vector.broadcast %mul3A_142 : i32 to vector<16xi32>
      %add3A_2163 = arith.addi %add3A_23, %add3A_2162 : vector<16xi32>
      %gather3A_2164 = tpu.vector_load_idx %arg6[%add3A_2163, %broadcast_in_dim3A_2111] : memref<256x32xf32, #tpu.memory_space<vmem>>[vector<16xi32>, vector<16xi32>], vector<16xf32>,
      %add3A_2165 = arith.constant 3 : i32
      %add3A_2166 = arith.addi %mul3A_144, %add3A_2165 : i32
      %swap3A_2167 = arith.constant 0 : i32
      %swap3A_2168 = arith.index_cast %add3A_2166 : i32 to index
      %swap3A_2169 = arith.index_cast %swap3A_2167 : i32 to index
      %swap3A_2170 = arith.constant 80 : index
      %swap3A_2171 = tpu.vector_load %arg7[%swap3A_2168, %swap3A_2169, %swap3A_2170] {strides = array<i32>} : memref<8x8x128xf32, #tpu.memory_space<vmem>>, vector<16xf32>,
      tpu.vector_store %arg7[%swap3A_2168, %swap3A_2169, %swap3A_2170], %gather3A_2164 {strides = array<i32>} : memref<8x8x128xf32, #tpu.memory_space<vmem>>, vector<16xf32>,
      %add3A_2172 = vector.broadcast %mul3A_142 : i32 to vector<16xi32>
      %add3A_2173 = arith.addi %add3A_27, %add3A_2172 : vector<16xi32>
      %gather3A_2174 = tpu.vector_load_idx %arg6[%add3A_2173, %broadcast_in_dim3A_2111] : memref<256x32xf32, #tpu.memory_space<vmem>>[vector<16xi32>, vector<16xi32>], vector<16xf32>,
      %add3A_2175 = arith.constant 3 : i32
      %add3A_2176 = arith.addi %mul3A_144, %add3A_2175 : i32
      %swap3A_2177 = arith.constant 0 : i32
      %swap3A_2178 = arith.index_cast %add3A_2176 : i32 to index
      %swap3A_2179 = arith.index_cast %swap3A_2177 : i32 to index
      %swap3A_2180 = arith.constant 96 : index
      %swap3A_2181 = tpu.vector_load %arg7[%swap3A_2178, %swap3A_2179, %swap3A_2180] {strides = array<i32>} : memref<8x8x128xf32, #tpu.memory_space<vmem>>, vector<16xf32>,
      tpu.vector_store %arg7[%swap3A_2178, %swap3A_2179, %swap3A_2180], %gather3A_2174 {strides = array<i32>} : memref<8x8x128xf32, #tpu.memory_space<vmem>>, vector<16xf32>,
      %add3A_2182 = vector.broadcast %mul3A_142 : i32 to vector<16xi32>
      %add3A_2183 = arith.addi %add3A_31, %add3A_2182 : vector<16xi32>
      %gather3A_2184 = tpu.vector_load_idx %arg6[%add3A_2183, %broadcast_in_dim3A_2111] : memref<256x32xf32, #tpu.memory_space<vmem>>[vector<16xi32>, vector<16xi32>], vector<16xf32>,
      %add3A_2185 = arith.constant 3 : i32
      %add3A_2186 = arith.addi %mul3A_144, %add3A_2185 : i32
      %swap3A_2187 = arith.constant 0 : i32
      %swap3A_2188 = arith.index_cast %add3A_2186 : i32 to index
      %swap3A_2189 = arith.index_cast %swap3A_2187 : i32 to index
      %swap3A_2190 = arith.constant 112 : index
      %swap3A_2191 = tpu.vector_load %arg7[%swap3A_2188, %swap3A_2189, %swap3A_2190] {strides = array<i32>} : memref<8x8x128xf32, #tpu.memory_space<vmem>>, vector<16xf32>,
      tpu.vector_store %arg7[%swap3A_2188, %swap3A_2189, %swap3A_2190], %gather3A_2184 {strides = array<i32>} : memref<8x8x128xf32, #tpu.memory_space<vmem>>, vector<16xf32>,
      %broadcast_in_dim3A_2192 = arith.constant 25 : i32
      %broadcast_in_dim3A_2193 = vector.broadcast %broadcast_in_dim3A_2192 : i32 to vector<16xi32>
      %add3A_2194 = vector.broadcast %mul3A_142 : i32 to vector<16xi32>
      %add3A_2195 = arith.addi %add3A_3, %add3A_2194 : vector<16xi32>
      %gather3A_2196 = tpu.vector_load_idx %arg6[%add3A_2195, %broadcast_in_dim3A_2193] : memref<256x32xf32, #tpu.memory_space<vmem>>[vector<16xi32>, vector<16xi32>], vector<16xf32>,
      %add3A_2197 = arith.constant 3 : i32
      %add3A_2198 = arith.addi %mul3A_144, %add3A_2197 : i32
      %swap3A_2199 = arith.constant 1 : i32
      %swap3A_2200 = arith.index_cast %add3A_2198 : i32 to index
      %swap3A_2201 = arith.index_cast %swap3A_2199 : i32 to index
      %swap3A_2202 = arith.constant 0 : index
      %swap3A_2203 = tpu.vector_load %arg7[%swap3A_2200, %swap3A_2201, %swap3A_2202] {strides = array<i32>} : memref<8x8x128xf32, #tpu.memory_space<vmem>>, vector<16xf32>,
      tpu.vector_store %arg7[%swap3A_2200, %swap3A_2201, %swap3A_2202], %gather3A_2196 {strides = array<i32>} : memref<8x8x128xf32, #tpu.memory_space<vmem>>, vector<16xf32>,
      %add3A_2204 = vector.broadcast %mul3A_142 : i32 to vector<16xi32>
      %add3A_2205 = arith.addi %add3A_7, %add3A_2204 : vector<16xi32>
      %gather3A_2206 = tpu.vector_load_idx %arg6[%add3A_2205, %broadcast_in_dim3A_2193] : memref<256x32xf32, #tpu.memory_space<vmem>>[vector<16xi32>, vector<16xi32>], vector<16xf32>,
      %add3A_2207 = arith.constant 3 : i32
      %add3A_2208 = arith.addi %mul3A_144, %add3A_2207 : i32
      %swap3A_2209 = arith.constant 1 : i32
      %swap3A_2210 = arith.index_cast %add3A_2208 : i32 to index
      %swap3A_2211 = arith.index_cast %swap3A_2209 : i32 to index
      %swap3A_2212 = arith.constant 16 : index
      %swap3A_2213 = tpu.vector_load %arg7[%swap3A_2210, %swap3A_2211, %swap3A_2212] {strides = array<i32>} : memref<8x8x128xf32, #tpu.memory_space<vmem>>, vector<16xf32>,
      tpu.vector_store %arg7[%swap3A_2210, %swap3A_2211, %swap3A_2212], %gather3A_2206 {strides = array<i32>} : memref<8x8x128xf32, #tpu.memory_space<vmem>>, vector<16xf32>,
      %add3A_2214 = vector.broadcast %mul3A_142 : i32 to vector<16xi32>
      %add3A_2215 = arith.addi %add3A_11, %add3A_2214 : vector<16xi32>
      %gather3A_2216 = tpu.vector_load_idx %arg6[%add3A_2215, %broadcast_in_dim3A_2193] : memref<256x32xf32, #tpu.memory_space<vmem>>[vector<16xi32>, vector<16xi32>], vector<16xf32>,
      %add3A_2217 = arith.constant 3 : i32
      %add3A_2218 = arith.addi %mul3A_144, %add3A_2217 : i32
      %swap3A_2219 = arith.constant 1 : i32
      %swap3A_2220 = arith.index_cast %add3A_2218 : i32 to index
      %swap3A_2221 = arith.index_cast %swap3A_2219 : i32 to index
      %swap3A_2222 = arith.constant 32 : index
      %swap3A_2223 = tpu.vector_load %arg7[%swap3A_2220, %swap3A_2221, %swap3A_2222] {strides = array<i32>} : memref<8x8x128xf32, #tpu.memory_space<vmem>>, vector<16xf32>,
      tpu.vector_store %arg7[%swap3A_2220, %swap3A_2221, %swap3A_2222], %gather3A_2216 {strides = array<i32>} : memref<8x8x128xf32, #tpu.memory_space<vmem>>, vector<16xf32>,
      %add3A_2224 = vector.broadcast %mul3A_142 : i32 to vector<16xi32>
      %add3A_2225 = arith.addi %add3A_15, %add3A_2224 : vector<16xi32>
      %gather3A_2226 = tpu.vector_load_idx %arg6[%add3A_2225, %broadcast_in_dim3A_2193] : memref<256x32xf32, #tpu.memory_space<vmem>>[vector<16xi32>, vector<16xi32>], vector<16xf32>,
      %add3A_2227 = arith.constant 3 : i32
      %add3A_2228 = arith.addi %mul3A_144, %add3A_2227 : i32
      %swap3A_2229 = arith.constant 1 : i32
      %swap3A_2230 = arith.index_cast %add3A_2228 : i32 to index
      %swap3A_2231 = arith.index_cast %swap3A_2229 : i32 to index
      %swap3A_2232 = arith.constant 48 : index
      %swap3A_2233 = tpu.vector_load %arg7[%swap3A_2230, %swap3A_2231, %swap3A_2232] {strides = array<i32>} : memref<8x8x128xf32, #tpu.memory_space<vmem>>, vector<16xf32>,
      tpu.vector_store %arg7[%swap3A_2230, %swap3A_2231, %swap3A_2232], %gather3A_2226 {strides = array<i32>} : memref<8x8x128xf32, #tpu.memory_space<vmem>>, vector<16xf32>,
      %add3A_2234 = vector.broadcast %mul3A_142 : i32 to vector<16xi32>
      %add3A_2235 = arith.addi %add3A_19, %add3A_2234 : vector<16xi32>
      %gather3A_2236 = tpu.vector_load_idx %arg6[%add3A_2235, %broadcast_in_dim3A_2193] : memref<256x32xf32, #tpu.memory_space<vmem>>[vector<16xi32>, vector<16xi32>], vector<16xf32>,
      %add3A_2237 = arith.constant 3 : i32
      %add3A_2238 = arith.addi %mul3A_144, %add3A_2237 : i32
      %swap3A_2239 = arith.constant 1 : i32
      %swap3A_2240 = arith.index_cast %add3A_2238 : i32 to index
      %swap3A_2241 = arith.index_cast %swap3A_2239 : i32 to index
      %swap3A_2242 = arith.constant 64 : index
      %swap3A_2243 = tpu.vector_load %arg7[%swap3A_2240, %swap3A_2241, %swap3A_2242] {strides = array<i32>} : memref<8x8x128xf32, #tpu.memory_space<vmem>>, vector<16xf32>,
      tpu.vector_store %arg7[%swap3A_2240, %swap3A_2241, %swap3A_2242], %gather3A_2236 {strides = array<i32>} : memref<8x8x128xf32, #tpu.memory_space<vmem>>, vector<16xf32>,
      %add3A_2244 = vector.broadcast %mul3A_142 : i32 to vector<16xi32>
      %add3A_2245 = arith.addi %add3A_23, %add3A_2244 : vector<16xi32>
      %gather3A_2246 = tpu.vector_load_idx %arg6[%add3A_2245, %broadcast_in_dim3A_2193] : memref<256x32xf32, #tpu.memory_space<vmem>>[vector<16xi32>, vector<16xi32>], vector<16xf32>,
      %add3A_2247 = arith.constant 3 : i32
      %add3A_2248 = arith.addi %mul3A_144, %add3A_2247 : i32
      %swap3A_2249 = arith.constant 1 : i32
      %swap3A_2250 = arith.index_cast %add3A_2248 : i32 to index
      %swap3A_2251 = arith.index_cast %swap3A_2249 : i32 to index
      %swap3A_2252 = arith.constant 80 : index
      %swap3A_2253 = tpu.vector_load %arg7[%swap3A_2250, %swap3A_2251, %swap3A_2252] {strides = array<i32>} : memref<8x8x128xf32, #tpu.memory_space<vmem>>, vector<16xf32>,
      tpu.vector_store %arg7[%swap3A_2250, %swap3A_2251, %swap3A_2252], %gather3A_2246 {strides = array<i32>} : memref<8x8x128xf32, #tpu.memory_space<vmem>>, vector<16xf32>,
      %add3A_2254 = vector.broadcast %mul3A_142 : i32 to vector<16xi32>
      %add3A_2255 = arith.addi %add3A_27, %add3A_2254 : vector<16xi32>
      %gather3A_2256 = tpu.vector_load_idx %arg6[%add3A_2255, %broadcast_in_dim3A_2193] : memref<256x32xf32, #tpu.memory_space<vmem>>[vector<16xi32>, vector<16xi32>], vector<16xf32>,
      %add3A_2257 = arith.constant 3 : i32
      %add3A_2258 = arith.addi %mul3A_144, %add3A_2257 : i32
      %swap3A_2259 = arith.constant 1 : i32
      %swap3A_2260 = arith.index_cast %add3A_2258 : i32 to index
      %swap3A_2261 = arith.index_cast %swap3A_2259 : i32 to index
      %swap3A_2262 = arith.constant 96 : index
      %swap3A_2263 = tpu.vector_load %arg7[%swap3A_2260, %swap3A_2261, %swap3A_2262] {strides = array<i32>} : memref<8x8x128xf32, #tpu.memory_space<vmem>>, vector<16xf32>,
      tpu.vector_store %arg7[%swap3A_2260, %swap3A_2261, %swap3A_2262], %gather3A_2256 {strides = array<i32>} : memref<8x8x128xf32, #tpu.memory_space<vmem>>, vector<16xf32>,
      %add3A_2264 = vector.broadcast %mul3A_142 : i32 to vector<16xi32>
      %add3A_2265 = arith.addi %add3A_31, %add3A_2264 : vector<16xi32>
      %gather3A_2266 = tpu.vector_load_idx %arg6[%add3A_2265, %broadcast_in_dim3A_2193] : memref<256x32xf32, #tpu.memory_space<vmem>>[vector<16xi32>, vector<16xi32>], vector<16xf32>,
      %add3A_2267 = arith.constant 3 : i32
      %add3A_2268 = arith.addi %mul3A_144, %add3A_2267 : i32
      %swap3A_2269 = arith.constant 1 : i32
      %swap3A_2270 = arith.index_cast %add3A_2268 : i32 to index
      %swap3A_2271 = arith.index_cast %swap3A_2269 : i32 to index
      %swap3A_2272 = arith.constant 112 : index
      %swap3A_2273 = tpu.vector_load %arg7[%swap3A_2270, %swap3A_2271, %swap3A_2272] {strides = array<i32>} : memref<8x8x128xf32, #tpu.memory_space<vmem>>, vector<16xf32>,
      tpu.vector_store %arg7[%swap3A_2270, %swap3A_2271, %swap3A_2272], %gather3A_2266 {strides = array<i32>} : memref<8x8x128xf32, #tpu.memory_space<vmem>>, vector<16xf32>,
      %broadcast_in_dim3A_2274 = arith.constant 26 : i32
      %broadcast_in_dim3A_2275 = vector.broadcast %broadcast_in_dim3A_2274 : i32 to vector<16xi32>
      %add3A_2276 = vector.broadcast %mul3A_142 : i32 to vector<16xi32>
      %add3A_2277 = arith.addi %add3A_3, %add3A_2276 : vector<16xi32>
      %gather3A_2278 = tpu.vector_load_idx %arg6[%add3A_2277, %broadcast_in_dim3A_2275] : memref<256x32xf32, #tpu.memory_space<vmem>>[vector<16xi32>, vector<16xi32>], vector<16xf32>,
      %add3A_2279 = arith.constant 3 : i32
      %add3A_2280 = arith.addi %mul3A_144, %add3A_2279 : i32
      %swap3A_2281 = arith.constant 2 : i32
      %swap3A_2282 = arith.index_cast %add3A_2280 : i32 to index
      %swap3A_2283 = arith.index_cast %swap3A_2281 : i32 to index
      %swap3A_2284 = arith.constant 0 : index
      %swap3A_2285 = tpu.vector_load %arg7[%swap3A_2282, %swap3A_2283, %swap3A_2284] {strides = array<i32>} : memref<8x8x128xf32, #tpu.memory_space<vmem>>, vector<16xf32>,
      tpu.vector_store %arg7[%swap3A_2282, %swap3A_2283, %swap3A_2284], %gather3A_2278 {strides = array<i32>} : memref<8x8x128xf32, #tpu.memory_space<vmem>>, vector<16xf32>,
      %add3A_2286 = vector.broadcast %mul3A_142 : i32 to vector<16xi32>
      %add3A_2287 = arith.addi %add3A_7, %add3A_2286 : vector<16xi32>
      %gather3A_2288 = tpu.vector_load_idx %arg6[%add3A_2287, %broadcast_in_dim3A_2275] : memref<256x32xf32, #tpu.memory_space<vmem>>[vector<16xi32>, vector<16xi32>], vector<16xf32>,
      %add3A_2289 = arith.constant 3 : i32
      %add3A_2290 = arith.addi %mul3A_144, %add3A_2289 : i32
      %swap3A_2291 = arith.constant 2 : i32
      %swap3A_2292 = arith.index_cast %add3A_2290 : i32 to index
      %swap3A_2293 = arith.index_cast %swap3A_2291 : i32 to index
      %swap3A_2294 = arith.constant 16 : index
      %swap3A_2295 = tpu.vector_load %arg7[%swap3A_2292, %swap3A_2293, %swap3A_2294] {strides = array<i32>} : memref<8x8x128xf32, #tpu.memory_space<vmem>>, vector<16xf32>,
      tpu.vector_store %arg7[%swap3A_2292, %swap3A_2293, %swap3A_2294], %gather3A_2288 {strides = array<i32>} : memref<8x8x128xf32, #tpu.memory_space<vmem>>, vector<16xf32>,
      %add3A_2296 = vector.broadcast %mul3A_142 : i32 to vector<16xi32>
      %add3A_2297 = arith.addi %add3A_11, %add3A_2296 : vector<16xi32>
      %gather3A_2298 = tpu.vector_load_idx %arg6[%add3A_2297, %broadcast_in_dim3A_2275] : memref<256x32xf32, #tpu.memory_space<vmem>>[vector<16xi32>, vector<16xi32>], vector<16xf32>,
      %add3A_2299 = arith.constant 3 : i32
      %add3A_2300 = arith.addi %mul3A_144, %add3A_2299 : i32
      %swap3A_2301 = arith.constant 2 : i32
      %swap3A_2302 = arith.index_cast %add3A_2300 : i32 to index
      %swap3A_2303 = arith.index_cast %swap3A_2301 : i32 to index
      %swap3A_2304 = arith.constant 32 : index
      %swap3A_2305 = tpu.vector_load %arg7[%swap3A_2302, %swap3A_2303, %swap3A_2304] {strides = array<i32>} : memref<8x8x128xf32, #tpu.memory_space<vmem>>, vector<16xf32>,
      tpu.vector_store %arg7[%swap3A_2302, %swap3A_2303, %swap3A_2304], %gather3A_2298 {strides = array<i32>} : memref<8x8x128xf32, #tpu.memory_space<vmem>>, vector<16xf32>,
      %add3A_2306 = vector.broadcast %mul3A_142 : i32 to vector<16xi32>
      %add3A_2307 = arith.addi %add3A_15, %add3A_2306 : vector<16xi32>
      %gather3A_2308 = tpu.vector_load_idx %arg6[%add3A_2307, %broadcast_in_dim3A_2275] : memref<256x32xf32, #tpu.memory_space<vmem>>[vector<16xi32>, vector<16xi32>], vector<16xf32>,
      %add3A_2309 = arith.constant 3 : i32
      %add3A_2310 = arith.addi %mul3A_144, %add3A_2309 : i32
      %swap3A_2311 = arith.constant 2 : i32
      %swap3A_2312 = arith.index_cast %add3A_2310 : i32 to index
      %swap3A_2313 = arith.index_cast %swap3A_2311 : i32 to index
      %swap3A_2314 = arith.constant 48 : index
      %swap3A_2315 = tpu.vector_load %arg7[%swap3A_2312, %swap3A_2313, %swap3A_2314] {strides = array<i32>} : memref<8x8x128xf32, #tpu.memory_space<vmem>>, vector<16xf32>,
      tpu.vector_store %arg7[%swap3A_2312, %swap3A_2313, %swap3A_2314], %gather3A_2308 {strides = array<i32>} : memref<8x8x128xf32, #tpu.memory_space<vmem>>, vector<16xf32>,
      %add3A_2316 = vector.broadcast %mul3A_142 : i32 to vector<16xi32>
      %add3A_2317 = arith.addi %add3A_19, %add3A_2316 : vector<16xi32>
      %gather3A_2318 = tpu.vector_load_idx %arg6[%add3A_2317, %broadcast_in_dim3A_2275] : memref<256x32xf32, #tpu.memory_space<vmem>>[vector<16xi32>, vector<16xi32>], vector<16xf32>,
      %add3A_2319 = arith.constant 3 : i32
      %add3A_2320 = arith.addi %mul3A_144, %add3A_2319 : i32
      %swap3A_2321 = arith.constant 2 : i32
      %swap3A_2322 = arith.index_cast %add3A_2320 : i32 to index
      %swap3A_2323 = arith.index_cast %swap3A_2321 : i32 to index
      %swap3A_2324 = arith.constant 64 : index
      %swap3A_2325 = tpu.vector_load %arg7[%swap3A_2322, %swap3A_2323, %swap3A_2324] {strides = array<i32>} : memref<8x8x128xf32, #tpu.memory_space<vmem>>, vector<16xf32>,
      tpu.vector_store %arg7[%swap3A_2322, %swap3A_2323, %swap3A_2324], %gather3A_2318 {strides = array<i32>} : memref<8x8x128xf32, #tpu.memory_space<vmem>>, vector<16xf32>,
      %add3A_2326 = vector.broadcast %mul3A_142 : i32 to vector<16xi32>
      %add3A_2327 = arith.addi %add3A_23, %add3A_2326 : vector<16xi32>
      %gather3A_2328 = tpu.vector_load_idx %arg6[%add3A_2327, %broadcast_in_dim3A_2275] : memref<256x32xf32, #tpu.memory_space<vmem>>[vector<16xi32>, vector<16xi32>], vector<16xf32>,
      %add3A_2329 = arith.constant 3 : i32
      %add3A_2330 = arith.addi %mul3A_144, %add3A_2329 : i32
      %swap3A_2331 = arith.constant 2 : i32
      %swap3A_2332 = arith.index_cast %add3A_2330 : i32 to index
      %swap3A_2333 = arith.index_cast %swap3A_2331 : i32 to index
      %swap3A_2334 = arith.constant 80 : index
      %swap3A_2335 = tpu.vector_load %arg7[%swap3A_2332, %swap3A_2333, %swap3A_2334] {strides = array<i32>} : memref<8x8x128xf32, #tpu.memory_space<vmem>>, vector<16xf32>,
      tpu.vector_store %arg7[%swap3A_2332, %swap3A_2333, %swap3A_2334], %gather3A_2328 {strides = array<i32>} : memref<8x8x128xf32, #tpu.memory_space<vmem>>, vector<16xf32>,
      %add3A_2336 = vector.broadcast %mul3A_142 : i32 to vector<16xi32>
      %add3A_2337 = arith.addi %add3A_27, %add3A_2336 : vector<16xi32>
      %gather3A_2338 = tpu.vector_load_idx %arg6[%add3A_2337, %broadcast_in_dim3A_2275] : memref<256x32xf32, #tpu.memory_space<vmem>>[vector<16xi32>, vector<16xi32>], vector<16xf32>,
      %add3A_2339 = arith.constant 3 : i32
      %add3A_2340 = arith.addi %mul3A_144, %add3A_2339 : i32
      %swap3A_2341 = arith.constant 2 : i32
      %swap3A_2342 = arith.index_cast %add3A_2340 : i32 to index
      %swap3A_2343 = arith.index_cast %swap3A_2341 : i32 to index
      %swap3A_2344 = arith.constant 96 : index
      %swap3A_2345 = tpu.vector_load %arg7[%swap3A_2342, %swap3A_2343, %swap3A_2344] {strides = array<i32>} : memref<8x8x128xf32, #tpu.memory_space<vmem>>, vector<16xf32>,
      tpu.vector_store %arg7[%swap3A_2342, %swap3A_2343, %swap3A_2344], %gather3A_2338 {strides = array<i32>} : memref<8x8x128xf32, #tpu.memory_space<vmem>>, vector<16xf32>,
      %add3A_2346 = vector.broadcast %mul3A_142 : i32 to vector<16xi32>
      %add3A_2347 = arith.addi %add3A_31, %add3A_2346 : vector<16xi32>
      %gather3A_2348 = tpu.vector_load_idx %arg6[%add3A_2347, %broadcast_in_dim3A_2275] : memref<256x32xf32, #tpu.memory_space<vmem>>[vector<16xi32>, vector<16xi32>], vector<16xf32>,
      %add3A_2349 = arith.constant 3 : i32
      %add3A_2350 = arith.addi %mul3A_144, %add3A_2349 : i32
      %swap3A_2351 = arith.constant 2 : i32
      %swap3A_2352 = arith.index_cast %add3A_2350 : i32 to index
      %swap3A_2353 = arith.index_cast %swap3A_2351 : i32 to index
      %swap3A_2354 = arith.constant 112 : index
      %swap3A_2355 = tpu.vector_load %arg7[%swap3A_2352, %swap3A_2353, %swap3A_2354] {strides = array<i32>} : memref<8x8x128xf32, #tpu.memory_space<vmem>>, vector<16xf32>,
      tpu.vector_store %arg7[%swap3A_2352, %swap3A_2353, %swap3A_2354], %gather3A_2348 {strides = array<i32>} : memref<8x8x128xf32, #tpu.memory_space<vmem>>, vector<16xf32>,
      %broadcast_in_dim3A_2356 = arith.constant 27 : i32
      %broadcast_in_dim3A_2357 = vector.broadcast %broadcast_in_dim3A_2356 : i32 to vector<16xi32>
      %add3A_2358 = vector.broadcast %mul3A_142 : i32 to vector<16xi32>
      %add3A_2359 = arith.addi %add3A_3, %add3A_2358 : vector<16xi32>
      %gather3A_2360 = tpu.vector_load_idx %arg6[%add3A_2359, %broadcast_in_dim3A_2357] : memref<256x32xf32, #tpu.memory_space<vmem>>[vector<16xi32>, vector<16xi32>], vector<16xf32>,
      %add3A_2361 = arith.constant 3 : i32
      %add3A_2362 = arith.addi %mul3A_144, %add3A_2361 : i32
      %swap3A_2363 = arith.constant 3 : i32
      %swap3A_2364 = arith.index_cast %add3A_2362 : i32 to index
      %swap3A_2365 = arith.index_cast %swap3A_2363 : i32 to index
      %swap3A_2366 = arith.constant 0 : index
      %swap3A_2367 = tpu.vector_load %arg7[%swap3A_2364, %swap3A_2365, %swap3A_2366] {strides = array<i32>} : memref<8x8x128xf32, #tpu.memory_space<vmem>>, vector<16xf32>,
      tpu.vector_store %arg7[%swap3A_2364, %swap3A_2365, %swap3A_2366], %gather3A_2360 {strides = array<i32>} : memref<8x8x128xf32, #tpu.memory_space<vmem>>, vector<16xf32>,
      %add3A_2368 = vector.broadcast %mul3A_142 : i32 to vector<16xi32>
      %add3A_2369 = arith.addi %add3A_7, %add3A_2368 : vector<16xi32>
      %gather3A_2370 = tpu.vector_load_idx %arg6[%add3A_2369, %broadcast_in_dim3A_2357] : memref<256x32xf32, #tpu.memory_space<vmem>>[vector<16xi32>, vector<16xi32>], vector<16xf32>,
      %add3A_2371 = arith.constant 3 : i32
      %add3A_2372 = arith.addi %mul3A_144, %add3A_2371 : i32
      %swap3A_2373 = arith.constant 3 : i32
      %swap3A_2374 = arith.index_cast %add3A_2372 : i32 to index
      %swap3A_2375 = arith.index_cast %swap3A_2373 : i32 to index
      %swap3A_2376 = arith.constant 16 : index
      %swap3A_2377 = tpu.vector_load %arg7[%swap3A_2374, %swap3A_2375, %swap3A_2376] {strides = array<i32>} : memref<8x8x128xf32, #tpu.memory_space<vmem>>, vector<16xf32>,
      tpu.vector_store %arg7[%swap3A_2374, %swap3A_2375, %swap3A_2376], %gather3A_2370 {strides = array<i32>} : memref<8x8x128xf32, #tpu.memory_space<vmem>>, vector<16xf32>,
      %add3A_2378 = vector.broadcast %mul3A_142 : i32 to vector<16xi32>
      %add3A_2379 = arith.addi %add3A_11, %add3A_2378 : vector<16xi32>
      %gather3A_2380 = tpu.vector_load_idx %arg6[%add3A_2379, %broadcast_in_dim3A_2357] : memref<256x32xf32, #tpu.memory_space<vmem>>[vector<16xi32>, vector<16xi32>], vector<16xf32>,
      %add3A_2381 = arith.constant 3 : i32
      %add3A_2382 = arith.addi %mul3A_144, %add3A_2381 : i32
      %swap3A_2383 = arith.constant 3 : i32
      %swap3A_2384 = arith.index_cast %add3A_2382 : i32 to index
      %swap3A_2385 = arith.index_cast %swap3A_2383 : i32 to index
      %swap3A_2386 = arith.constant 32 : index
      %swap3A_2387 = tpu.vector_load %arg7[%swap3A_2384, %swap3A_2385, %swap3A_2386] {strides = array<i32>} : memref<8x8x128xf32, #tpu.memory_space<vmem>>, vector<16xf32>,
      tpu.vector_store %arg7[%swap3A_2384, %swap3A_2385, %swap3A_2386], %gather3A_2380 {strides = array<i32>} : memref<8x8x128xf32, #tpu.memory_space<vmem>>, vector<16xf32>,
      %add3A_2388 = vector.broadcast %mul3A_142 : i32 to vector<16xi32>
      %add3A_2389 = arith.addi %add3A_15, %add3A_2388 : vector<16xi32>
      %gather3A_2390 = tpu.vector_load_idx %arg6[%add3A_2389, %broadcast_in_dim3A_2357] : memref<256x32xf32, #tpu.memory_space<vmem>>[vector<16xi32>, vector<16xi32>], vector<16xf32>,
      %add3A_2391 = arith.constant 3 : i32
      %add3A_2392 = arith.addi %mul3A_144, %add3A_2391 : i32
      %swap3A_2393 = arith.constant 3 : i32
      %swap3A_2394 = arith.index_cast %add3A_2392 : i32 to index
      %swap3A_2395 = arith.index_cast %swap3A_2393 : i32 to index
      %swap3A_2396 = arith.constant 48 : index
      %swap3A_2397 = tpu.vector_load %arg7[%swap3A_2394, %swap3A_2395, %swap3A_2396] {strides = array<i32>} : memref<8x8x128xf32, #tpu.memory_space<vmem>>, vector<16xf32>,
      tpu.vector_store %arg7[%swap3A_2394, %swap3A_2395, %swap3A_2396], %gather3A_2390 {strides = array<i32>} : memref<8x8x128xf32, #tpu.memory_space<vmem>>, vector<16xf32>,
      %add3A_2398 = vector.broadcast %mul3A_142 : i32 to vector<16xi32>
      %add3A_2399 = arith.addi %add3A_19, %add3A_2398 : vector<16xi32>
      %gather3A_2400 = tpu.vector_load_idx %arg6[%add3A_2399, %broadcast_in_dim3A_2357] : memref<256x32xf32, #tpu.memory_space<vmem>>[vector<16xi32>, vector<16xi32>], vector<16xf32>,
      %add3A_2401 = arith.constant 3 : i32
      %add3A_2402 = arith.addi %mul3A_144, %add3A_2401 : i32
      %swap3A_2403 = arith.constant 3 : i32
      %swap3A_2404 = arith.index_cast %add3A_2402 : i32 to index
      %swap3A_2405 = arith.index_cast %swap3A_2403 : i32 to index
      %swap3A_2406 = arith.constant 64 : index
      %swap3A_2407 = tpu.vector_load %arg7[%swap3A_2404, %swap3A_2405, %swap3A_2406] {strides = array<i32>} : memref<8x8x128xf32, #tpu.memory_space<vmem>>, vector<16xf32>,
      tpu.vector_store %arg7[%swap3A_2404, %swap3A_2405, %swap3A_2406], %gather3A_2400 {strides = array<i32>} : memref<8x8x128xf32, #tpu.memory_space<vmem>>, vector<16xf32>,
      %add3A_2408 = vector.broadcast %mul3A_142 : i32 to vector<16xi32>
      %add3A_2409 = arith.addi %add3A_23, %add3A_2408 : vector<16xi32>
      %gather3A_2410 = tpu.vector_load_idx %arg6[%add3A_2409, %broadcast_in_dim3A_2357] : memref<256x32xf32, #tpu.memory_space<vmem>>[vector<16xi32>, vector<16xi32>], vector<16xf32>,
      %add3A_2411 = arith.constant 3 : i32
      %add3A_2412 = arith.addi %mul3A_144, %add3A_2411 : i32
      %swap3A_2413 = arith.constant 3 : i32
      %swap3A_2414 = arith.index_cast %add3A_2412 : i32 to index
      %swap3A_2415 = arith.index_cast %swap3A_2413 : i32 to index
      %swap3A_2416 = arith.constant 80 : index
      %swap3A_2417 = tpu.vector_load %arg7[%swap3A_2414, %swap3A_2415, %swap3A_2416] {strides = array<i32>} : memref<8x8x128xf32, #tpu.memory_space<vmem>>, vector<16xf32>,
      tpu.vector_store %arg7[%swap3A_2414, %swap3A_2415, %swap3A_2416], %gather3A_2410 {strides = array<i32>} : memref<8x8x128xf32, #tpu.memory_space<vmem>>, vector<16xf32>,
      %add3A_2418 = vector.broadcast %mul3A_142 : i32 to vector<16xi32>
      %add3A_2419 = arith.addi %add3A_27, %add3A_2418 : vector<16xi32>
      %gather3A_2420 = tpu.vector_load_idx %arg6[%add3A_2419, %broadcast_in_dim3A_2357] : memref<256x32xf32, #tpu.memory_space<vmem>>[vector<16xi32>, vector<16xi32>], vector<16xf32>,
      %add3A_2421 = arith.constant 3 : i32
      %add3A_2422 = arith.addi %mul3A_144, %add3A_2421 : i32
      %swap3A_2423 = arith.constant 3 : i32
      %swap3A_2424 = arith.index_cast %add3A_2422 : i32 to index
      %swap3A_2425 = arith.index_cast %swap3A_2423 : i32 to index
      %swap3A_2426 = arith.constant 96 : index
      %swap3A_2427 = tpu.vector_load %arg7[%swap3A_2424, %swap3A_2425, %swap3A_2426] {strides = array<i32>} : memref<8x8x128xf32, #tpu.memory_space<vmem>>, vector<16xf32>,
      tpu.vector_store %arg7[%swap3A_2424, %swap3A_2425, %swap3A_2426], %gather3A_2420 {strides = array<i32>} : memref<8x8x128xf32, #tpu.memory_space<vmem>>, vector<16xf32>,
      %add3A_2428 = vector.broadcast %mul3A_142 : i32 to vector<16xi32>
      %add3A_2429 = arith.addi %add3A_31, %add3A_2428 : vector<16xi32>
      %gather3A_2430 = tpu.vector_load_idx %arg6[%add3A_2429, %broadcast_in_dim3A_2357] : memref<256x32xf32, #tpu.memory_space<vmem>>[vector<16xi32>, vector<16xi32>], vector<16xf32>,
      %add3A_2431 = arith.constant 3 : i32
      %add3A_2432 = arith.addi %mul3A_144, %add3A_2431 : i32
      %swap3A_2433 = arith.constant 3 : i32
      %swap3A_2434 = arith.index_cast %add3A_2432 : i32 to index
      %swap3A_2435 = arith.index_cast %swap3A_2433 : i32 to index
      %swap3A_2436 = arith.constant 112 : index
      %swap3A_2437 = tpu.vector_load %arg7[%swap3A_2434, %swap3A_2435, %swap3A_2436] {strides = array<i32>} : memref<8x8x128xf32, #tpu.memory_space<vmem>>, vector<16xf32>,
      tpu.vector_store %arg7[%swap3A_2434, %swap3A_2435, %swap3A_2436], %gather3A_2430 {strides = array<i32>} : memref<8x8x128xf32, #tpu.memory_space<vmem>>, vector<16xf32>,
      %broadcast_in_dim3A_2438 = arith.constant 28 : i32
      %broadcast_in_dim3A_2439 = vector.broadcast %broadcast_in_dim3A_2438 : i32 to vector<16xi32>
      %add3A_2440 = vector.broadcast %mul3A_142 : i32 to vector<16xi32>
      %add3A_2441 = arith.addi %add3A_3, %add3A_2440 : vector<16xi32>
      %gather3A_2442 = tpu.vector_load_idx %arg6[%add3A_2441, %broadcast_in_dim3A_2439] : memref<256x32xf32, #tpu.memory_space<vmem>>[vector<16xi32>, vector<16xi32>], vector<16xf32>,
      %add3A_2443 = arith.constant 3 : i32
      %add3A_2444 = arith.addi %mul3A_144, %add3A_2443 : i32
      %swap3A_2445 = arith.constant 4 : i32
      %swap3A_2446 = arith.index_cast %add3A_2444 : i32 to index
      %swap3A_2447 = arith.index_cast %swap3A_2445 : i32 to index
      %swap3A_2448 = arith.constant 0 : index
      %swap3A_2449 = tpu.vector_load %arg7[%swap3A_2446, %swap3A_2447, %swap3A_2448] {strides = array<i32>} : memref<8x8x128xf32, #tpu.memory_space<vmem>>, vector<16xf32>,
      tpu.vector_store %arg7[%swap3A_2446, %swap3A_2447, %swap3A_2448], %gather3A_2442 {strides = array<i32>} : memref<8x8x128xf32, #tpu.memory_space<vmem>>, vector<16xf32>,
      %add3A_2450 = vector.broadcast %mul3A_142 : i32 to vector<16xi32>
      %add3A_2451 = arith.addi %add3A_7, %add3A_2450 : vector<16xi32>
      %gather3A_2452 = tpu.vector_load_idx %arg6[%add3A_2451, %broadcast_in_dim3A_2439] : memref<256x32xf32, #tpu.memory_space<vmem>>[vector<16xi32>, vector<16xi32>], vector<16xf32>,
      %add3A_2453 = arith.constant 3 : i32
      %add3A_2454 = arith.addi %mul3A_144, %add3A_2453 : i32
      %swap3A_2455 = arith.constant 4 : i32
      %swap3A_2456 = arith.index_cast %add3A_2454 : i32 to index
      %swap3A_2457 = arith.index_cast %swap3A_2455 : i32 to index
      %swap3A_2458 = arith.constant 16 : index
      %swap3A_2459 = tpu.vector_load %arg7[%swap3A_2456, %swap3A_2457, %swap3A_2458] {strides = array<i32>} : memref<8x8x128xf32, #tpu.memory_space<vmem>>, vector<16xf32>,
      tpu.vector_store %arg7[%swap3A_2456, %swap3A_2457, %swap3A_2458], %gather3A_2452 {strides = array<i32>} : memref<8x8x128xf32, #tpu.memory_space<vmem>>, vector<16xf32>,
      %add3A_2460 = vector.broadcast %mul3A_142 : i32 to vector<16xi32>
      %add3A_2461 = arith.addi %add3A_11, %add3A_2460 : vector<16xi32>
      %gather3A_2462 = tpu.vector_load_idx %arg6[%add3A_2461, %broadcast_in_dim3A_2439] : memref<256x32xf32, #tpu.memory_space<vmem>>[vector<16xi32>, vector<16xi32>], vector<16xf32>,
      %add3A_2463 = arith.constant 3 : i32
      %add3A_2464 = arith.addi %mul3A_144, %add3A_2463 : i32
      %swap3A_2465 = arith.constant 4 : i32
      %swap3A_2466 = arith.index_cast %add3A_2464 : i32 to index
      %swap3A_2467 = arith.index_cast %swap3A_2465 : i32 to index
      %swap3A_2468 = arith.constant 32 : index
      %swap3A_2469 = tpu.vector_load %arg7[%swap3A_2466, %swap3A_2467, %swap3A_2468] {strides = array<i32>} : memref<8x8x128xf32, #tpu.memory_space<vmem>>, vector<16xf32>,
      tpu.vector_store %arg7[%swap3A_2466, %swap3A_2467, %swap3A_2468], %gather3A_2462 {strides = array<i32>} : memref<8x8x128xf32, #tpu.memory_space<vmem>>, vector<16xf32>,
      %add3A_2470 = vector.broadcast %mul3A_142 : i32 to vector<16xi32>
      %add3A_2471 = arith.addi %add3A_15, %add3A_2470 : vector<16xi32>
      %gather3A_2472 = tpu.vector_load_idx %arg6[%add3A_2471, %broadcast_in_dim3A_2439] : memref<256x32xf32, #tpu.memory_space<vmem>>[vector<16xi32>, vector<16xi32>], vector<16xf32>,
      %add3A_2473 = arith.constant 3 : i32
      %add3A_2474 = arith.addi %mul3A_144, %add3A_2473 : i32
      %swap3A_2475 = arith.constant 4 : i32
      %swap3A_2476 = arith.index_cast %add3A_2474 : i32 to index
      %swap3A_2477 = arith.index_cast %swap3A_2475 : i32 to index
      %swap3A_2478 = arith.constant 48 : index
      %swap3A_2479 = tpu.vector_load %arg7[%swap3A_2476, %swap3A_2477, %swap3A_2478] {strides = array<i32>} : memref<8x8x128xf32, #tpu.memory_space<vmem>>, vector<16xf32>,
      tpu.vector_store %arg7[%swap3A_2476, %swap3A_2477, %swap3A_2478], %gather3A_2472 {strides = array<i32>} : memref<8x8x128xf32, #tpu.memory_space<vmem>>, vector<16xf32>,
      %add3A_2480 = vector.broadcast %mul3A_142 : i32 to vector<16xi32>
      %add3A_2481 = arith.addi %add3A_19, %add3A_2480 : vector<16xi32>
      %gather3A_2482 = tpu.vector_load_idx %arg6[%add3A_2481, %broadcast_in_dim3A_2439] : memref<256x32xf32, #tpu.memory_space<vmem>>[vector<16xi32>, vector<16xi32>], vector<16xf32>,
      %add3A_2483 = arith.constant 3 : i32
      %add3A_2484 = arith.addi %mul3A_144, %add3A_2483 : i32
      %swap3A_2485 = arith.constant 4 : i32
      %swap3A_2486 = arith.index_cast %add3A_2484 : i32 to index
      %swap3A_2487 = arith.index_cast %swap3A_2485 : i32 to index
      %swap3A_2488 = arith.constant 64 : index
      %swap3A_2489 = tpu.vector_load %arg7[%swap3A_2486, %swap3A_2487, %swap3A_2488] {strides = array<i32>} : memref<8x8x128xf32, #tpu.memory_space<vmem>>, vector<16xf32>,
      tpu.vector_store %arg7[%swap3A_2486, %swap3A_2487, %swap3A_2488], %gather3A_2482 {strides = array<i32>} : memref<8x8x128xf32, #tpu.memory_space<vmem>>, vector<16xf32>,
      %add3A_2490 = vector.broadcast %mul3A_142 : i32 to vector<16xi32>
      %add3A_2491 = arith.addi %add3A_23, %add3A_2490 : vector<16xi32>
      %gather3A_2492 = tpu.vector_load_idx %arg6[%add3A_2491, %broadcast_in_dim3A_2439] : memref<256x32xf32, #tpu.memory_space<vmem>>[vector<16xi32>, vector<16xi32>], vector<16xf32>,
      %add3A_2493 = arith.constant 3 : i32
      %add3A_2494 = arith.addi %mul3A_144, %add3A_2493 : i32
      %swap3A_2495 = arith.constant 4 : i32
      %swap3A_2496 = arith.index_cast %add3A_2494 : i32 to index
      %swap3A_2497 = arith.index_cast %swap3A_2495 : i32 to index
      %swap3A_2498 = arith.constant 80 : index
      %swap3A_2499 = tpu.vector_load %arg7[%swap3A_2496, %swap3A_2497, %swap3A_2498] {strides = array<i32>} : memref<8x8x128xf32, #tpu.memory_space<vmem>>, vector<16xf32>,
      tpu.vector_store %arg7[%swap3A_2496, %swap3A_2497, %swap3A_2498], %gather3A_2492 {strides = array<i32>} : memref<8x8x128xf32, #tpu.memory_space<vmem>>, vector<16xf32>,
      %add3A_2500 = vector.broadcast %mul3A_142 : i32 to vector<16xi32>
      %add3A_2501 = arith.addi %add3A_27, %add3A_2500 : vector<16xi32>
      %gather3A_2502 = tpu.vector_load_idx %arg6[%add3A_2501, %broadcast_in_dim3A_2439] : memref<256x32xf32, #tpu.memory_space<vmem>>[vector<16xi32>, vector<16xi32>], vector<16xf32>,
      %add3A_2503 = arith.constant 3 : i32
      %add3A_2504 = arith.addi %mul3A_144, %add3A_2503 : i32
      %swap3A_2505 = arith.constant 4 : i32
      %swap3A_2506 = arith.index_cast %add3A_2504 : i32 to index
      %swap3A_2507 = arith.index_cast %swap3A_2505 : i32 to index
      %swap3A_2508 = arith.constant 96 : index
      %swap3A_2509 = tpu.vector_load %arg7[%swap3A_2506, %swap3A_2507, %swap3A_2508] {strides = array<i32>} : memref<8x8x128xf32, #tpu.memory_space<vmem>>, vector<16xf32>,
      tpu.vector_store %arg7[%swap3A_2506, %swap3A_2507, %swap3A_2508], %gather3A_2502 {strides = array<i32>} : memref<8x8x128xf32, #tpu.memory_space<vmem>>, vector<16xf32>,
      %add3A_2510 = vector.broadcast %mul3A_142 : i32 to vector<16xi32>
      %add3A_2511 = arith.addi %add3A_31, %add3A_2510 : vector<16xi32>
      %gather3A_2512 = tpu.vector_load_idx %arg6[%add3A_2511, %broadcast_in_dim3A_2439] : memref<256x32xf32, #tpu.memory_space<vmem>>[vector<16xi32>, vector<16xi32>], vector<16xf32>,
      %add3A_2513 = arith.constant 3 : i32
      %add3A_2514 = arith.addi %mul3A_144, %add3A_2513 : i32
      %swap3A_2515 = arith.constant 4 : i32
      %swap3A_2516 = arith.index_cast %add3A_2514 : i32 to index
      %swap3A_2517 = arith.index_cast %swap3A_2515 : i32 to index
      %swap3A_2518 = arith.constant 112 : index
      %swap3A_2519 = tpu.vector_load %arg7[%swap3A_2516, %swap3A_2517, %swap3A_2518] {strides = array<i32>} : memref<8x8x128xf32, #tpu.memory_space<vmem>>, vector<16xf32>,
      tpu.vector_store %arg7[%swap3A_2516, %swap3A_2517, %swap3A_2518], %gather3A_2512 {strides = array<i32>} : memref<8x8x128xf32, #tpu.memory_space<vmem>>, vector<16xf32>,
      %broadcast_in_dim3A_2520 = arith.constant 29 : i32
      %broadcast_in_dim3A_2521 = vector.broadcast %broadcast_in_dim3A_2520 : i32 to vector<16xi32>
      %add3A_2522 = vector.broadcast %mul3A_142 : i32 to vector<16xi32>
      %add3A_2523 = arith.addi %add3A_3, %add3A_2522 : vector<16xi32>
      %gather3A_2524 = tpu.vector_load_idx %arg6[%add3A_2523, %broadcast_in_dim3A_2521] : memref<256x32xf32, #tpu.memory_space<vmem>>[vector<16xi32>, vector<16xi32>], vector<16xf32>,
      %add3A_2525 = arith.constant 3 : i32
      %add3A_2526 = arith.addi %mul3A_144, %add3A_2525 : i32
      %swap3A_2527 = arith.constant 5 : i32
      %swap3A_2528 = arith.index_cast %add3A_2526 : i32 to index
      %swap3A_2529 = arith.index_cast %swap3A_2527 : i32 to index
      %swap3A_2530 = arith.constant 0 : index
      %swap3A_2531 = tpu.vector_load %arg7[%swap3A_2528, %swap3A_2529, %swap3A_2530] {strides = array<i32>} : memref<8x8x128xf32, #tpu.memory_space<vmem>>, vector<16xf32>,
      tpu.vector_store %arg7[%swap3A_2528, %swap3A_2529, %swap3A_2530], %gather3A_2524 {strides = array<i32>} : memref<8x8x128xf32, #tpu.memory_space<vmem>>, vector<16xf32>,
      %add3A_2532 = vector.broadcast %mul3A_142 : i32 to vector<16xi32>
      %add3A_2533 = arith.addi %add3A_7, %add3A_2532 : vector<16xi32>
      %gather3A_2534 = tpu.vector_load_idx %arg6[%add3A_2533, %broadcast_in_dim3A_2521] : memref<256x32xf32, #tpu.memory_space<vmem>>[vector<16xi32>, vector<16xi32>], vector<16xf32>,
      %add3A_2535 = arith.constant 3 : i32
      %add3A_2536 = arith.addi %mul3A_144, %add3A_2535 : i32
      %swap3A_2537 = arith.constant 5 : i32
      %swap3A_2538 = arith.index_cast %add3A_2536 : i32 to index
      %swap3A_2539 = arith.index_cast %swap3A_2537 : i32 to index
      %swap3A_2540 = arith.constant 16 : index
      %swap3A_2541 = tpu.vector_load %arg7[%swap3A_2538, %swap3A_2539, %swap3A_2540] {strides = array<i32>} : memref<8x8x128xf32, #tpu.memory_space<vmem>>, vector<16xf32>,
      tpu.vector_store %arg7[%swap3A_2538, %swap3A_2539, %swap3A_2540], %gather3A_2534 {strides = array<i32>} : memref<8x8x128xf32, #tpu.memory_space<vmem>>, vector<16xf32>,
      %add3A_2542 = vector.broadcast %mul3A_142 : i32 to vector<16xi32>
      %add3A_2543 = arith.addi %add3A_11, %add3A_2542 : vector<16xi32>
      %gather3A_2544 = tpu.vector_load_idx %arg6[%add3A_2543, %broadcast_in_dim3A_2521] : memref<256x32xf32, #tpu.memory_space<vmem>>[vector<16xi32>, vector<16xi32>], vector<16xf32>,
      %add3A_2545 = arith.constant 3 : i32
      %add3A_2546 = arith.addi %mul3A_144, %add3A_2545 : i32
      %swap3A_2547 = arith.constant 5 : i32
      %swap3A_2548 = arith.index_cast %add3A_2546 : i32 to index
      %swap3A_2549 = arith.index_cast %swap3A_2547 : i32 to index
      %swap3A_2550 = arith.constant 32 : index
      %swap3A_2551 = tpu.vector_load %arg7[%swap3A_2548, %swap3A_2549, %swap3A_2550] {strides = array<i32>} : memref<8x8x128xf32, #tpu.memory_space<vmem>>, vector<16xf32>,
      tpu.vector_store %arg7[%swap3A_2548, %swap3A_2549, %swap3A_2550], %gather3A_2544 {strides = array<i32>} : memref<8x8x128xf32, #tpu.memory_space<vmem>>, vector<16xf32>,
      %add3A_2552 = vector.broadcast %mul3A_142 : i32 to vector<16xi32>
      %add3A_2553 = arith.addi %add3A_15, %add3A_2552 : vector<16xi32>
      %gather3A_2554 = tpu.vector_load_idx %arg6[%add3A_2553, %broadcast_in_dim3A_2521] : memref<256x32xf32, #tpu.memory_space<vmem>>[vector<16xi32>, vector<16xi32>], vector<16xf32>,
      %add3A_2555 = arith.constant 3 : i32
      %add3A_2556 = arith.addi %mul3A_144, %add3A_2555 : i32
      %swap3A_2557 = arith.constant 5 : i32
      %swap3A_2558 = arith.index_cast %add3A_2556 : i32 to index
      %swap3A_2559 = arith.index_cast %swap3A_2557 : i32 to index
      %swap3A_2560 = arith.constant 48 : index
      %swap3A_2561 = tpu.vector_load %arg7[%swap3A_2558, %swap3A_2559, %swap3A_2560] {strides = array<i32>} : memref<8x8x128xf32, #tpu.memory_space<vmem>>, vector<16xf32>,
      tpu.vector_store %arg7[%swap3A_2558, %swap3A_2559, %swap3A_2560], %gather3A_2554 {strides = array<i32>} : memref<8x8x128xf32, #tpu.memory_space<vmem>>, vector<16xf32>,
      %add3A_2562 = vector.broadcast %mul3A_142 : i32 to vector<16xi32>
      %add3A_2563 = arith.addi %add3A_19, %add3A_2562 : vector<16xi32>
      %gather3A_2564 = tpu.vector_load_idx %arg6[%add3A_2563, %broadcast_in_dim3A_2521] : memref<256x32xf32, #tpu.memory_space<vmem>>[vector<16xi32>, vector<16xi32>], vector<16xf32>,
      %add3A_2565 = arith.constant 3 : i32
      %add3A_2566 = arith.addi %mul3A_144, %add3A_2565 : i32
      %swap3A_2567 = arith.constant 5 : i32
      %swap3A_2568 = arith.index_cast %add3A_2566 : i32 to index
      %swap3A_2569 = arith.index_cast %swap3A_2567 : i32 to index
      %swap3A_2570 = arith.constant 64 : index
      %swap3A_2571 = tpu.vector_load %arg7[%swap3A_2568, %swap3A_2569, %swap3A_2570] {strides = array<i32>} : memref<8x8x128xf32, #tpu.memory_space<vmem>>, vector<16xf32>,
      tpu.vector_store %arg7[%swap3A_2568, %swap3A_2569, %swap3A_2570], %gather3A_2564 {strides = array<i32>} : memref<8x8x128xf32, #tpu.memory_space<vmem>>, vector<16xf32>,
      %add3A_2572 = vector.broadcast %mul3A_142 : i32 to vector<16xi32>
      %add3A_2573 = arith.addi %add3A_23, %add3A_2572 : vector<16xi32>
      %gather3A_2574 = tpu.vector_load_idx %arg6[%add3A_2573, %broadcast_in_dim3A_2521] : memref<256x32xf32, #tpu.memory_space<vmem>>[vector<16xi32>, vector<16xi32>], vector<16xf32>,
      %add3A_2575 = arith.constant 3 : i32
      %add3A_2576 = arith.addi %mul3A_144, %add3A_2575 : i32
      %swap3A_2577 = arith.constant 5 : i32
      %swap3A_2578 = arith.index_cast %add3A_2576 : i32 to index
      %swap3A_2579 = arith.index_cast %swap3A_2577 : i32 to index
      %swap3A_2580 = arith.constant 80 : index
      %swap3A_2581 = tpu.vector_load %arg7[%swap3A_2578, %swap3A_2579, %swap3A_2580] {strides = array<i32>} : memref<8x8x128xf32, #tpu.memory_space<vmem>>, vector<16xf32>,
      tpu.vector_store %arg7[%swap3A_2578, %swap3A_2579, %swap3A_2580], %gather3A_2574 {strides = array<i32>} : memref<8x8x128xf32, #tpu.memory_space<vmem>>, vector<16xf32>,
      %add3A_2582 = vector.broadcast %mul3A_142 : i32 to vector<16xi32>
      %add3A_2583 = arith.addi %add3A_27, %add3A_2582 : vector<16xi32>
      %gather3A_2584 = tpu.vector_load_idx %arg6[%add3A_2583, %broadcast_in_dim3A_2521] : memref<256x32xf32, #tpu.memory_space<vmem>>[vector<16xi32>, vector<16xi32>], vector<16xf32>,
      %add3A_2585 = arith.constant 3 : i32
      %add3A_2586 = arith.addi %mul3A_144, %add3A_2585 : i32
      %swap3A_2587 = arith.constant 5 : i32
      %swap3A_2588 = arith.index_cast %add3A_2586 : i32 to index
      %swap3A_2589 = arith.index_cast %swap3A_2587 : i32 to index
      %swap3A_2590 = arith.constant 96 : index
      %swap3A_2591 = tpu.vector_load %arg7[%swap3A_2588, %swap3A_2589, %swap3A_2590] {strides = array<i32>} : memref<8x8x128xf32, #tpu.memory_space<vmem>>, vector<16xf32>,
      tpu.vector_store %arg7[%swap3A_2588, %swap3A_2589, %swap3A_2590], %gather3A_2584 {strides = array<i32>} : memref<8x8x128xf32, #tpu.memory_space<vmem>>, vector<16xf32>,
      %add3A_2592 = vector.broadcast %mul3A_142 : i32 to vector<16xi32>
      %add3A_2593 = arith.addi %add3A_31, %add3A_2592 : vector<16xi32>
      %gather3A_2594 = tpu.vector_load_idx %arg6[%add3A_2593, %broadcast_in_dim3A_2521] : memref<256x32xf32, #tpu.memory_space<vmem>>[vector<16xi32>, vector<16xi32>], vector<16xf32>,
      %add3A_2595 = arith.constant 3 : i32
      %add3A_2596 = arith.addi %mul3A_144, %add3A_2595 : i32
      %swap3A_2597 = arith.constant 5 : i32
      %swap3A_2598 = arith.index_cast %add3A_2596 : i32 to index
      %swap3A_2599 = arith.index_cast %swap3A_2597 : i32 to index
      %swap3A_2600 = arith.constant 112 : index
      %swap3A_2601 = tpu.vector_load %arg7[%swap3A_2598, %swap3A_2599, %swap3A_2600] {strides = array<i32>} : memref<8x8x128xf32, #tpu.memory_space<vmem>>, vector<16xf32>,
      tpu.vector_store %arg7[%swap3A_2598, %swap3A_2599, %swap3A_2600], %gather3A_2594 {strides = array<i32>} : memref<8x8x128xf32, #tpu.memory_space<vmem>>, vector<16xf32>,
      %broadcast_in_dim3A_2602 = arith.constant 30 : i32
      %broadcast_in_dim3A_2603 = vector.broadcast %broadcast_in_dim3A_2602 : i32 to vector<16xi32>
      %add3A_2604 = vector.broadcast %mul3A_142 : i32 to vector<16xi32>
      %add3A_2605 = arith.addi %add3A_3, %add3A_2604 : vector<16xi32>
      %gather3A_2606 = tpu.vector_load_idx %arg6[%add3A_2605, %broadcast_in_dim3A_2603] : memref<256x32xf32, #tpu.memory_space<vmem>>[vector<16xi32>, vector<16xi32>], vector<16xf32>,
      %add3A_2607 = arith.constant 3 : i32
      %add3A_2608 = arith.addi %mul3A_144, %add3A_2607 : i32
      %swap3A_2609 = arith.constant 6 : i32
      %swap3A_2610 = arith.index_cast %add3A_2608 : i32 to index
      %swap3A_2611 = arith.index_cast %swap3A_2609 : i32 to index
      %swap3A_2612 = arith.constant 0 : index
      %swap3A_2613 = tpu.vector_load %arg7[%swap3A_2610, %swap3A_2611, %swap3A_2612] {strides = array<i32>} : memref<8x8x128xf32, #tpu.memory_space<vmem>>, vector<16xf32>,
      tpu.vector_store %arg7[%swap3A_2610, %swap3A_2611, %swap3A_2612], %gather3A_2606 {strides = array<i32>} : memref<8x8x128xf32, #tpu.memory_space<vmem>>, vector<16xf32>,
      %add3A_2614 = vector.broadcast %mul3A_142 : i32 to vector<16xi32>
      %add3A_2615 = arith.addi %add3A_7, %add3A_2614 : vector<16xi32>
      %gather3A_2616 = tpu.vector_load_idx %arg6[%add3A_2615, %broadcast_in_dim3A_2603] : memref<256x32xf32, #tpu.memory_space<vmem>>[vector<16xi32>, vector<16xi32>], vector<16xf32>,
      %add3A_2617 = arith.constant 3 : i32
      %add3A_2618 = arith.addi %mul3A_144, %add3A_2617 : i32
      %swap3A_2619 = arith.constant 6 : i32
      %swap3A_2620 = arith.index_cast %add3A_2618 : i32 to index
      %swap3A_2621 = arith.index_cast %swap3A_2619 : i32 to index
      %swap3A_2622 = arith.constant 16 : index
      %swap3A_2623 = tpu.vector_load %arg7[%swap3A_2620, %swap3A_2621, %swap3A_2622] {strides = array<i32>} : memref<8x8x128xf32, #tpu.memory_space<vmem>>, vector<16xf32>,
      tpu.vector_store %arg7[%swap3A_2620, %swap3A_2621, %swap3A_2622], %gather3A_2616 {strides = array<i32>} : memref<8x8x128xf32, #tpu.memory_space<vmem>>, vector<16xf32>,
      %add3A_2624 = vector.broadcast %mul3A_142 : i32 to vector<16xi32>
      %add3A_2625 = arith.addi %add3A_11, %add3A_2624 : vector<16xi32>
      %gather3A_2626 = tpu.vector_load_idx %arg6[%add3A_2625, %broadcast_in_dim3A_2603] : memref<256x32xf32, #tpu.memory_space<vmem>>[vector<16xi32>, vector<16xi32>], vector<16xf32>,
      %add3A_2627 = arith.constant 3 : i32
      %add3A_2628 = arith.addi %mul3A_144, %add3A_2627 : i32
      %swap3A_2629 = arith.constant 6 : i32
      %swap3A_2630 = arith.index_cast %add3A_2628 : i32 to index
      %swap3A_2631 = arith.index_cast %swap3A_2629 : i32 to index
      %swap3A_2632 = arith.constant 32 : index
      %swap3A_2633 = tpu.vector_load %arg7[%swap3A_2630, %swap3A_2631, %swap3A_2632] {strides = array<i32>} : memref<8x8x128xf32, #tpu.memory_space<vmem>>, vector<16xf32>,
      tpu.vector_store %arg7[%swap3A_2630, %swap3A_2631, %swap3A_2632], %gather3A_2626 {strides = array<i32>} : memref<8x8x128xf32, #tpu.memory_space<vmem>>, vector<16xf32>,
      %add3A_2634 = vector.broadcast %mul3A_142 : i32 to vector<16xi32>
      %add3A_2635 = arith.addi %add3A_15, %add3A_2634 : vector<16xi32>
      %gather3A_2636 = tpu.vector_load_idx %arg6[%add3A_2635, %broadcast_in_dim3A_2603] : memref<256x32xf32, #tpu.memory_space<vmem>>[vector<16xi32>, vector<16xi32>], vector<16xf32>,
      %add3A_2637 = arith.constant 3 : i32
      %add3A_2638 = arith.addi %mul3A_144, %add3A_2637 : i32
      %swap3A_2639 = arith.constant 6 : i32
      %swap3A_2640 = arith.index_cast %add3A_2638 : i32 to index
      %swap3A_2641 = arith.index_cast %swap3A_2639 : i32 to index
      %swap3A_2642 = arith.constant 48 : index
      %swap3A_2643 = tpu.vector_load %arg7[%swap3A_2640, %swap3A_2641, %swap3A_2642] {strides = array<i32>} : memref<8x8x128xf32, #tpu.memory_space<vmem>>, vector<16xf32>,
      tpu.vector_store %arg7[%swap3A_2640, %swap3A_2641, %swap3A_2642], %gather3A_2636 {strides = array<i32>} : memref<8x8x128xf32, #tpu.memory_space<vmem>>, vector<16xf32>,
      %add3A_2644 = vector.broadcast %mul3A_142 : i32 to vector<16xi32>
      %add3A_2645 = arith.addi %add3A_19, %add3A_2644 : vector<16xi32>
      %gather3A_2646 = tpu.vector_load_idx %arg6[%add3A_2645, %broadcast_in_dim3A_2603] : memref<256x32xf32, #tpu.memory_space<vmem>>[vector<16xi32>, vector<16xi32>], vector<16xf32>,
      %add3A_2647 = arith.constant 3 : i32
      %add3A_2648 = arith.addi %mul3A_144, %add3A_2647 : i32
      %swap3A_2649 = arith.constant 6 : i32
      %swap3A_2650 = arith.index_cast %add3A_2648 : i32 to index
      %swap3A_2651 = arith.index_cast %swap3A_2649 : i32 to index
      %swap3A_2652 = arith.constant 64 : index
      %swap3A_2653 = tpu.vector_load %arg7[%swap3A_2650, %swap3A_2651, %swap3A_2652] {strides = array<i32>} : memref<8x8x128xf32, #tpu.memory_space<vmem>>, vector<16xf32>,
      tpu.vector_store %arg7[%swap3A_2650, %swap3A_2651, %swap3A_2652], %gather3A_2646 {strides = array<i32>} : memref<8x8x128xf32, #tpu.memory_space<vmem>>, vector<16xf32>,
      %add3A_2654 = vector.broadcast %mul3A_142 : i32 to vector<16xi32>
      %add3A_2655 = arith.addi %add3A_23, %add3A_2654 : vector<16xi32>
      %gather3A_2656 = tpu.vector_load_idx %arg6[%add3A_2655, %broadcast_in_dim3A_2603] : memref<256x32xf32, #tpu.memory_space<vmem>>[vector<16xi32>, vector<16xi32>], vector<16xf32>,
      %add3A_2657 = arith.constant 3 : i32
      %add3A_2658 = arith.addi %mul3A_144, %add3A_2657 : i32
      %swap3A_2659 = arith.constant 6 : i32
      %swap3A_2660 = arith.index_cast %add3A_2658 : i32 to index
      %swap3A_2661 = arith.index_cast %swap3A_2659 : i32 to index
      %swap3A_2662 = arith.constant 80 : index
      %swap3A_2663 = tpu.vector_load %arg7[%swap3A_2660, %swap3A_2661, %swap3A_2662] {strides = array<i32>} : memref<8x8x128xf32, #tpu.memory_space<vmem>>, vector<16xf32>,
      tpu.vector_store %arg7[%swap3A_2660, %swap3A_2661, %swap3A_2662], %gather3A_2656 {strides = array<i32>} : memref<8x8x128xf32, #tpu.memory_space<vmem>>, vector<16xf32>,
      %add3A_2664 = vector.broadcast %mul3A_142 : i32 to vector<16xi32>
      %add3A_2665 = arith.addi %add3A_27, %add3A_2664 : vector<16xi32>
      %gather3A_2666 = tpu.vector_load_idx %arg6[%add3A_2665, %broadcast_in_dim3A_2603] : memref<256x32xf32, #tpu.memory_space<vmem>>[vector<16xi32>, vector<16xi32>], vector<16xf32>,
      %add3A_2667 = arith.constant 3 : i32
      %add3A_2668 = arith.addi %mul3A_144, %add3A_2667 : i32
      %swap3A_2669 = arith.constant 6 : i32
      %swap3A_2670 = arith.index_cast %add3A_2668 : i32 to index
      %swap3A_2671 = arith.index_cast %swap3A_2669 : i32 to index
      %swap3A_2672 = arith.constant 96 : index
      %swap3A_2673 = tpu.vector_load %arg7[%swap3A_2670, %swap3A_2671, %swap3A_2672] {strides = array<i32>} : memref<8x8x128xf32, #tpu.memory_space<vmem>>, vector<16xf32>,
      tpu.vector_store %arg7[%swap3A_2670, %swap3A_2671, %swap3A_2672], %gather3A_2666 {strides = array<i32>} : memref<8x8x128xf32, #tpu.memory_space<vmem>>, vector<16xf32>,
      %add3A_2674 = vector.broadcast %mul3A_142 : i32 to vector<16xi32>
      %add3A_2675 = arith.addi %add3A_31, %add3A_2674 : vector<16xi32>
      %gather3A_2676 = tpu.vector_load_idx %arg6[%add3A_2675, %broadcast_in_dim3A_2603] : memref<256x32xf32, #tpu.memory_space<vmem>>[vector<16xi32>, vector<16xi32>], vector<16xf32>,
      %add3A_2677 = arith.constant 3 : i32
      %add3A_2678 = arith.addi %mul3A_144, %add3A_2677 : i32
      %swap3A_2679 = arith.constant 6 : i32
      %swap3A_2680 = arith.index_cast %add3A_2678 : i32 to index
      %swap3A_2681 = arith.index_cast %swap3A_2679 : i32 to index
      %swap3A_2682 = arith.constant 112 : index
      %swap3A_2683 = tpu.vector_load %arg7[%swap3A_2680, %swap3A_2681, %swap3A_2682] {strides = array<i32>} : memref<8x8x128xf32, #tpu.memory_space<vmem>>, vector<16xf32>,
      tpu.vector_store %arg7[%swap3A_2680, %swap3A_2681, %swap3A_2682], %gather3A_2676 {strides = array<i32>} : memref<8x8x128xf32, #tpu.memory_space<vmem>>, vector<16xf32>,
      %broadcast_in_dim3A_2684 = arith.constant 31 : i32
      %broadcast_in_dim3A_2685 = vector.broadcast %broadcast_in_dim3A_2684 : i32 to vector<16xi32>
      %add3A_2686 = vector.broadcast %mul3A_142 : i32 to vector<16xi32>
      %add3A_2687 = arith.addi %add3A_3, %add3A_2686 : vector<16xi32>
      %gather3A_2688 = tpu.vector_load_idx %arg6[%add3A_2687, %broadcast_in_dim3A_2685] : memref<256x32xf32, #tpu.memory_space<vmem>>[vector<16xi32>, vector<16xi32>], vector<16xf32>,
      %add3A_2689 = arith.constant 3 : i32
      %add3A_2690 = arith.addi %mul3A_144, %add3A_2689 : i32
      %swap3A_2691 = arith.constant 7 : i32
      %swap3A_2692 = arith.index_cast %add3A_2690 : i32 to index
      %swap3A_2693 = arith.index_cast %swap3A_2691 : i32 to index
      %swap3A_2694 = arith.constant 0 : index
      %swap3A_2695 = tpu.vector_load %arg7[%swap3A_2692, %swap3A_2693, %swap3A_2694] {strides = array<i32>} : memref<8x8x128xf32, #tpu.memory_space<vmem>>, vector<16xf32>,
      tpu.vector_store %arg7[%swap3A_2692, %swap3A_2693, %swap3A_2694], %gather3A_2688 {strides = array<i32>} : memref<8x8x128xf32, #tpu.memory_space<vmem>>, vector<16xf32>,
      %add3A_2696 = vector.broadcast %mul3A_142 : i32 to vector<16xi32>
      %add3A_2697 = arith.addi %add3A_7, %add3A_2696 : vector<16xi32>
      %gather3A_2698 = tpu.vector_load_idx %arg6[%add3A_2697, %broadcast_in_dim3A_2685] : memref<256x32xf32, #tpu.memory_space<vmem>>[vector<16xi32>, vector<16xi32>], vector<16xf32>,
      %add3A_2699 = arith.constant 3 : i32
      %add3A_2700 = arith.addi %mul3A_144, %add3A_2699 : i32
      %swap3A_2701 = arith.constant 7 : i32
      %swap3A_2702 = arith.index_cast %add3A_2700 : i32 to index
      %swap3A_2703 = arith.index_cast %swap3A_2701 : i32 to index
      %swap3A_2704 = arith.constant 16 : index
      %swap3A_2705 = tpu.vector_load %arg7[%swap3A_2702, %swap3A_2703, %swap3A_2704] {strides = array<i32>} : memref<8x8x128xf32, #tpu.memory_space<vmem>>, vector<16xf32>,
      tpu.vector_store %arg7[%swap3A_2702, %swap3A_2703, %swap3A_2704], %gather3A_2698 {strides = array<i32>} : memref<8x8x128xf32, #tpu.memory_space<vmem>>, vector<16xf32>,
      %add3A_2706 = vector.broadcast %mul3A_142 : i32 to vector<16xi32>
      %add3A_2707 = arith.addi %add3A_11, %add3A_2706 : vector<16xi32>
      %gather3A_2708 = tpu.vector_load_idx %arg6[%add3A_2707, %broadcast_in_dim3A_2685] : memref<256x32xf32, #tpu.memory_space<vmem>>[vector<16xi32>, vector<16xi32>], vector<16xf32>,
      %add3A_2709 = arith.constant 3 : i32
      %add3A_2710 = arith.addi %mul3A_144, %add3A_2709 : i32
      %swap3A_2711 = arith.constant 7 : i32
      %swap3A_2712 = arith.index_cast %add3A_2710 : i32 to index
      %swap3A_2713 = arith.index_cast %swap3A_2711 : i32 to index
      %swap3A_2714 = arith.constant 32 : index
      %swap3A_2715 = tpu.vector_load %arg7[%swap3A_2712, %swap3A_2713, %swap3A_2714] {strides = array<i32>} : memref<8x8x128xf32, #tpu.memory_space<vmem>>, vector<16xf32>,
      tpu.vector_store %arg7[%swap3A_2712, %swap3A_2713, %swap3A_2714], %gather3A_2708 {strides = array<i32>} : memref<8x8x128xf32, #tpu.memory_space<vmem>>, vector<16xf32>,
      %add3A_2716 = vector.broadcast %mul3A_142 : i32 to vector<16xi32>
      %add3A_2717 = arith.addi %add3A_15, %add3A_2716 : vector<16xi32>
      %gather3A_2718 = tpu.vector_load_idx %arg6[%add3A_2717, %broadcast_in_dim3A_2685] : memref<256x32xf32, #tpu.memory_space<vmem>>[vector<16xi32>, vector<16xi32>], vector<16xf32>,
      %add3A_2719 = arith.constant 3 : i32
      %add3A_2720 = arith.addi %mul3A_144, %add3A_2719 : i32
      %swap3A_2721 = arith.constant 7 : i32
      %swap3A_2722 = arith.index_cast %add3A_2720 : i32 to index
      %swap3A_2723 = arith.index_cast %swap3A_2721 : i32 to index
      %swap3A_2724 = arith.constant 48 : index
      %swap3A_2725 = tpu.vector_load %arg7[%swap3A_2722, %swap3A_2723, %swap3A_2724] {strides = array<i32>} : memref<8x8x128xf32, #tpu.memory_space<vmem>>, vector<16xf32>,
      tpu.vector_store %arg7[%swap3A_2722, %swap3A_2723, %swap3A_2724], %gather3A_2718 {strides = array<i32>} : memref<8x8x128xf32, #tpu.memory_space<vmem>>, vector<16xf32>,
      %add3A_2726 = vector.broadcast %mul3A_142 : i32 to vector<16xi32>
      %add3A_2727 = arith.addi %add3A_19, %add3A_2726 : vector<16xi32>
      %gather3A_2728 = tpu.vector_load_idx %arg6[%add3A_2727, %broadcast_in_dim3A_2685] : memref<256x32xf32, #tpu.memory_space<vmem>>[vector<16xi32>, vector<16xi32>], vector<16xf32>,
      %add3A_2729 = arith.constant 3 : i32
      %add3A_2730 = arith.addi %mul3A_144, %add3A_2729 : i32
      %swap3A_2731 = arith.constant 7 : i32
      %swap3A_2732 = arith.index_cast %add3A_2730 : i32 to index
      %swap3A_2733 = arith.index_cast %swap3A_2731 : i32 to index
      %swap3A_2734 = arith.constant 64 : index
      %swap3A_2735 = tpu.vector_load %arg7[%swap3A_2732, %swap3A_2733, %swap3A_2734] {strides = array<i32>} : memref<8x8x128xf32, #tpu.memory_space<vmem>>, vector<16xf32>,
      tpu.vector_store %arg7[%swap3A_2732, %swap3A_2733, %swap3A_2734], %gather3A_2728 {strides = array<i32>} : memref<8x8x128xf32, #tpu.memory_space<vmem>>, vector<16xf32>,
      %add3A_2736 = vector.broadcast %mul3A_142 : i32 to vector<16xi32>
      %add3A_2737 = arith.addi %add3A_23, %add3A_2736 : vector<16xi32>
      %gather3A_2738 = tpu.vector_load_idx %arg6[%add3A_2737, %broadcast_in_dim3A_2685] : memref<256x32xf32, #tpu.memory_space<vmem>>[vector<16xi32>, vector<16xi32>], vector<16xf32>,
      %add3A_2739 = arith.constant 3 : i32
      %add3A_2740 = arith.addi %mul3A_144, %add3A_2739 : i32
      %swap3A_2741 = arith.constant 7 : i32
      %swap3A_2742 = arith.index_cast %add3A_2740 : i32 to index
      %swap3A_2743 = arith.index_cast %swap3A_2741 : i32 to index
      %swap3A_2744 = arith.constant 80 : index
      %swap3A_2745 = tpu.vector_load %arg7[%swap3A_2742, %swap3A_2743, %swap3A_2744] {strides = array<i32>} : memref<8x8x128xf32, #tpu.memory_space<vmem>>, vector<16xf32>,
      tpu.vector_store %arg7[%swap3A_2742, %swap3A_2743, %swap3A_2744], %gather3A_2738 {strides = array<i32>} : memref<8x8x128xf32, #tpu.memory_space<vmem>>, vector<16xf32>,
      %add3A_2746 = vector.broadcast %mul3A_142 : i32 to vector<16xi32>
      %add3A_2747 = arith.addi %add3A_27, %add3A_2746 : vector<16xi32>
      %gather3A_2748 = tpu.vector_load_idx %arg6[%add3A_2747, %broadcast_in_dim3A_2685] : memref<256x32xf32, #tpu.memory_space<vmem>>[vector<16xi32>, vector<16xi32>], vector<16xf32>,
      %add3A_2749 = arith.constant 3 : i32
      %add3A_2750 = arith.addi %mul3A_144, %add3A_2749 : i32
      %swap3A_2751 = arith.constant 7 : i32
      %swap3A_2752 = arith.index_cast %add3A_2750 : i32 to index
      %swap3A_2753 = arith.index_cast %swap3A_2751 : i32 to index
      %swap3A_2754 = arith.constant 96 : index
      %swap3A_2755 = tpu.vector_load %arg7[%swap3A_2752, %swap3A_2753, %swap3A_2754] {strides = array<i32>} : memref<8x8x128xf32, #tpu.memory_space<vmem>>, vector<16xf32>,
      tpu.vector_store %arg7[%swap3A_2752, %swap3A_2753, %swap3A_2754], %gather3A_2748 {strides = array<i32>} : memref<8x8x128xf32, #tpu.memory_space<vmem>>, vector<16xf32>,
      %add3A_2756 = vector.broadcast %mul3A_142 : i32 to vector<16xi32>
      %add3A_2757 = arith.addi %add3A_31, %add3A_2756 : vector<16xi32>
      %gather3A_2758 = tpu.vector_load_idx %arg6[%add3A_2757, %broadcast_in_dim3A_2685] : memref<256x32xf32, #tpu.memory_space<vmem>>[vector<16xi32>, vector<16xi32>], vector<16xf32>,
      %add3A_2759 = arith.constant 3 : i32
      %add3A_2760 = arith.addi %mul3A_144, %add3A_2759 : i32
      %swap3A_2761 = arith.constant 7 : i32
      %swap3A_2762 = arith.index_cast %add3A_2760 : i32 to index
      %swap3A_2763 = arith.index_cast %swap3A_2761 : i32 to index
      %swap3A_2764 = arith.constant 112 : index
      %swap3A_2765 = tpu.vector_load %arg7[%swap3A_2762, %swap3A_2763, %swap3A_2764] {strides = array<i32>} : memref<8x8x128xf32, #tpu.memory_space<vmem>>, vector<16xf32>,
      tpu.vector_store %arg7[%swap3A_2762, %swap3A_2763, %swap3A_2764], %gather3A_2758 {strides = array<i32>} : memref<8x8x128xf32, #tpu.memory_space<vmem>>, vector<16xf32>,
      %dma_start3A_2766 = arith.constant 0 : i32
      %dma_start3A_2767 = arith.constant 0 : i32
      %dma_start3A_2768 = tpu.memref_slice %arg7[%mul3A_144, %dma_start3A_2766, %dma_start3A_2767] : memref<8x8x128xf32, #tpu.memory_space<vmem>> -> memref<4x8x128xf32, #tpu.memory_space<vmem>>
      %dma_start3A_2769 = arith.constant 0 : i32
      %dma_start3A_2770 = arith.constant 0 : i32
      %dma_start3A_2771 = arith.constant 0 : i32
      %dma_start3A_2772 = arith.constant 0 : i32
      %dma_start3A_2773 = tpu.memref_slice %arg4[%scan3A_110, %dma_start3A_2769, %dma_start3A_2770, %dma_start3A_2771, %dma_start3A_2772] : memref<200x4x32x8x128xf32, #tpu.memory_space<hbm>> -> memref<1x4x32x8x128xf32, #tpu.memory_space<hbm>>
      %dma_start3A_2774 = tpu.memref_squeeze %dma_start3A_2773 : memref<1x4x32x8x128xf32, #tpu.memory_space<hbm>> -> memref<4x32x8x128xf32, #tpu.memory_space<hbm>>
      %dma_start3A_2775 = arith.constant 0 : i32
      %dma_start3A_2776 = arith.constant 0 : i32
      %dma_start3A_2777 = arith.constant 0 : i32
      %dma_start3A_2778 = tpu.memref_slice %dma_start3A_2774[%dma_start3A_2775, %add3A, %dma_start3A_2776, %dma_start3A_2777] : memref<4x32x8x128xf32, #tpu.memory_space<hbm>> -> memref<4x1x8x128xf32, #tpu.memory_space<hbm>>
      %dma_start3A_2779 = tpu.memref_squeeze %dma_start3A_2778 : memref<4x1x8x128xf32, #tpu.memory_space<hbm>> -> memref<4x8x128xf32, #tpu.memory_space<hbm>>
      %dma_start3A_2780 = arith.constant 0 : i32
      %dma_start3A_2781 = arith.constant 0 : i32
      %dma_start3A_2782 = arith.constant 0 : i32
      %dma_start3A_2783 = arith.constant 0 : i32
      %dma_start3A_2784 = tpu.memref_slice %arg4[%scan3A_110, %dma_start3A_2780, %dma_start3A_2781, %dma_start3A_2782, %dma_start3A_2783] : memref<200x4x32x8x128xf32, #tpu.memory_space<hbm>> -> memref<1x4x32x8x128xf32, #tpu.memory_space<hbm>>
      %dma_start3A_2785 = tpu.memref_squeeze %dma_start3A_2784 : memref<1x4x32x8x128xf32, #tpu.memory_space<hbm>> -> memref<4x32x8x128xf32, #tpu.memory_space<hbm>>
      %dma_start3A_2786 = arith.constant 0 : i32
      %dma_start3A_2787 = arith.constant 0 : i32
      %dma_start3A_2788 = arith.constant 0 : i32
      %dma_start3A_2789 = tpu.memref_slice %dma_start3A_2785[%dma_start3A_2786, %add3A, %dma_start3A_2787, %dma_start3A_2788] : memref<4x32x8x128xf32, #tpu.memory_space<hbm>> -> memref<4x1x8x128xf32, #tpu.memory_space<hbm>>
      %dma_start3A_2790 = tpu.memref_squeeze %dma_start3A_2789 : memref<4x1x8x128xf32, #tpu.memory_space<hbm>> -> memref<4x8x128xf32, #tpu.memory_space<hbm>>
      %dma_start3A_2791 = arith.constant 0 : i32
      %dma_start3A_2792 = arith.constant 0 : i32
      %dma_start3A_2793 = tpu.memref_slice %arg7[%mul3A_144, %dma_start3A_2791, %dma_start3A_2792] : memref<8x8x128xf32, #tpu.memory_space<vmem>> -> memref<4x8x128xf32, #tpu.memory_space<vmem>>
      tpu.enqueue_dma source(%dma_start3A_2793 : memref<4x8x128xf32, #tpu.memory_space<vmem>>) target(%dma_start3A_2790 : memref<4x8x128xf32, #tpu.memory_space<hbm>>) target_semaphore(%arg9 : memref<!tpu.dma_semaphore, #tpu.memory_space<semaphore_mem>>)
    }
    %scan3A_46 = arith.constant 200 : i32
    %dma_wait3A = arith.constant 0 : i32
    %dma_wait3A_47 = arith.constant 0 : i32
    %dma_wait3A_48 = arith.constant 0 : i32
    %dma_wait3A_49 = arith.constant 0 : i32
    %dma_wait3A_50 = arith.constant 0 : i32
    %dma_wait3A_51 = tpu.memref_slice %arg7[%dma_wait3A_48, %dma_wait3A_49, %dma_wait3A_50] : memref<8x8x128xf32, #tpu.memory_space<vmem>> -> memref<4x8x128xf32, #tpu.memory_space<vmem>>
    %dma_wait3A_52 = arith.constant 0 : i32
    %dma_wait3A_53 = arith.constant 0 : i32
    %dma_wait3A_54 = arith.constant 0 : i32
    %dma_wait3A_55 = arith.constant 0 : i32
    %dma_wait3A_56 = tpu.memref_slice %arg4[%dma_wait3A, %dma_wait3A_52, %dma_wait3A_53, %dma_wait3A_54, %dma_wait3A_55] : memref<200x4x32x8x128xf32, #tpu.memory_space<hbm>> -> memref<1x4x32x8x128xf32, #tpu.memory_space<hbm>>
    %dma_wait3A_57 = tpu.memref_squeeze %dma_wait3A_56 : memref<1x4x32x8x128xf32, #tpu.memory_space<hbm>> -> memref<4x32x8x128xf32, #tpu.memory_space<hbm>>
    %dma_wait3A_58 = arith.constant 0 : i32
    %dma_wait3A_59 = arith.constant 0 : i32
    %dma_wait3A_60 = arith.constant 0 : i32
    %dma_wait3A_61 = tpu.memref_slice %dma_wait3A_57[%dma_wait3A_58, %dma_wait3A_47, %dma_wait3A_59, %dma_wait3A_60] : memref<4x32x8x128xf32, #tpu.memory_space<hbm>> -> memref<4x1x8x128xf32, #tpu.memory_space<hbm>>
    %dma_wait3A_62 = tpu.memref_squeeze %dma_wait3A_61 : memref<4x1x8x128xf32, #tpu.memory_space<hbm>> -> memref<4x8x128xf32, #tpu.memory_space<hbm>>
    %dma_wait3A_63 = arith.constant 0 : i32
    %dma_wait3A_64 = arith.constant 0 : i32
    %dma_wait3A_65 = arith.constant 0 : i32
    %dma_wait3A_66 = arith.constant 0 : i32
    %dma_wait3A_67 = tpu.memref_slice %arg4[%dma_wait3A, %dma_wait3A_63, %dma_wait3A_64, %dma_wait3A_65, %dma_wait3A_66] : memref<200x4x32x8x128xf32, #tpu.memory_space<hbm>> -> memref<1x4x32x8x128xf32, #tpu.memory_space<hbm>>
    %dma_wait3A_68 = tpu.memref_squeeze %dma_wait3A_67 : memref<1x4x32x8x128xf32, #tpu.memory_space<hbm>> -> memref<4x32x8x128xf32, #tpu.memory_space<hbm>>
    %dma_wait3A_69 = arith.constant 0 : i32
    %dma_wait3A_70 = arith.constant 0 : i32
    %dma_wait3A_71 = arith.constant 0 : i32
    %dma_wait3A_72 = tpu.memref_slice %dma_wait3A_68[%dma_wait3A_69, %dma_wait3A_47, %dma_wait3A_70, %dma_wait3A_71] : memref<4x32x8x128xf32, #tpu.memory_space<hbm>> -> memref<4x1x8x128xf32, #tpu.memory_space<hbm>>
    %dma_wait3A_73 = tpu.memref_squeeze %dma_wait3A_72 : memref<4x1x8x128xf32, #tpu.memory_space<hbm>> -> memref<4x8x128xf32, #tpu.memory_space<hbm>>
    %dma_wait3A_74 = arith.constant 0 : i32
    %dma_wait3A_75 = arith.constant 0 : i32
    %dma_wait3A_76 = arith.constant 0 : i32
    %dma_wait3A_77 = tpu.memref_slice %arg7[%dma_wait3A_74, %dma_wait3A_75, %dma_wait3A_76] : memref<8x8x128xf32, #tpu.memory_space<vmem>> -> memref<4x8x128xf32, #tpu.memory_space<vmem>>
    tpu.wait_dma2 semaphore(%arg9 : memref<!tpu.dma_semaphore, #tpu.memory_space<semaphore_mem>>) src(%dma_wait3A_77 : memref<4x8x128xf32, #tpu.memory_space<vmem>>) dst(%dma_wait3A_73 : memref<4x8x128xf32, #tpu.memory_space<hbm>>)
    %dma_wait3A_78 = arith.constant 0 : i32
    %dma_wait3A_79 = arith.constant 0 : i32
    %dma_wait3A_80 = arith.constant 0 : i32
    %dma_wait3A_81 = arith.constant 0 : i32
    %dma_wait3A_82 = arith.constant 0 : i32
    %dma_wait3A_83 = tpu.memref_slice %arg7[%dma_wait3A_80, %dma_wait3A_81, %dma_wait3A_82] : memref<8x8x128xf32, #tpu.memory_space<vmem>> -> memref<4x8x128xf32, #tpu.memory_space<vmem>>
    %dma_wait3A_84 = arith.constant 0 : i32
    %dma_wait3A_85 = arith.constant 0 : i32
    %dma_wait3A_86 = arith.constant 0 : i32
    %dma_wait3A_87 = arith.constant 0 : i32
    %dma_wait3A_88 = tpu.memref_slice %arg4[%dma_wait3A_78, %dma_wait3A_84, %dma_wait3A_85, %dma_wait3A_86, %dma_wait3A_87] : memref<200x4x32x8x128xf32, #tpu.memory_space<hbm>> -> memref<1x4x32x8x128xf32, #tpu.memory_space<hbm>>
    %dma_wait3A_89 = tpu.memref_squeeze %dma_wait3A_88 : memref<1x4x32x8x128xf32, #tpu.memory_space<hbm>> -> memref<4x32x8x128xf32, #tpu.memory_space<hbm>>
    %dma_wait3A_90 = arith.constant 0 : i32
    %dma_wait3A_91 = arith.constant 0 : i32
    %dma_wait3A_92 = arith.constant 0 : i32
    %dma_wait3A_93 = tpu.memref_slice %dma_wait3A_89[%dma_wait3A_90, %dma_wait3A_79, %dma_wait3A_91, %dma_wait3A_92] : memref<4x32x8x128xf32, #tpu.memory_space<hbm>> -> memref<4x1x8x128xf32, #tpu.memory_space<hbm>>
    %dma_wait3A_94 = tpu.memref_squeeze %dma_wait3A_93 : memref<4x1x8x128xf32, #tpu.memory_space<hbm>> -> memref<4x8x128xf32, #tpu.memory_space<hbm>>
    %dma_wait3A_95 = arith.constant 0 : i32
    %dma_wait3A_96 = arith.constant 0 : i32
    %dma_wait3A_97 = arith.constant 0 : i32
    %dma_wait3A_98 = arith.constant 0 : i32
    %dma_wait3A_99 = tpu.memref_slice %arg4[%dma_wait3A_78, %dma_wait3A_95, %dma_wait3A_96, %dma_wait3A_97, %dma_wait3A_98] : memref<200x4x32x8x128xf32, #tpu.memory_space<hbm>> -> memref<1x4x32x8x128xf32, #tpu.memory_space<hbm>>
    %dma_wait3A_100 = tpu.memref_squeeze %dma_wait3A_99 : memref<1x4x32x8x128xf32, #tpu.memory_space<hbm>> -> memref<4x32x8x128xf32, #tpu.memory_space<hbm>>
    %dma_wait3A_101 = arith.constant 0 : i32
    %dma_wait3A_102 = arith.constant 0 : i32
    %dma_wait3A_103 = arith.constant 0 : i32
    %dma_wait3A_104 = tpu.memref_slice %dma_wait3A_100[%dma_wait3A_101, %dma_wait3A_79, %dma_wait3A_102, %dma_wait3A_103] : memref<4x32x8x128xf32, #tpu.memory_space<hbm>> -> memref<4x1x8x128xf32, #tpu.memory_space<hbm>>
    %dma_wait3A_105 = tpu.memref_squeeze %dma_wait3A_104 : memref<4x1x8x128xf32, #tpu.memory_space<hbm>> -> memref<4x8x128xf32, #tpu.memory_space<hbm>>
    %dma_wait3A_106 = arith.constant 0 : i32
    %dma_wait3A_107 = arith.constant 0 : i32
    %dma_wait3A_108 = arith.constant 0 : i32
    %dma_wait3A_109 = tpu.memref_slice %arg7[%dma_wait3A_106, %dma_wait3A_107, %dma_wait3A_108] : memref<8x8x128xf32, #tpu.memory_space<vmem>> -> memref<4x8x128xf32, #tpu.memory_space<vmem>>
    tpu.wait_dma2 semaphore(%arg9 : memref<!tpu.dma_semaphore, #tpu.memory_space<semaphore_mem>>) src(%dma_wait3A_109 : memref<4x8x128xf32, #tpu.memory_space<vmem>>) dst(%dma_wait3A_105 : memref<4x8x128xf32, #tpu.memory_space<hbm>>)
    return
  }
}

</mosaic_0001>

<sc_bundles>
// kernel: kernel.3.cloned.1.call-start
scs
__scs_entry_jumppad:
0x0: {  	(pc) =	sbr.rel $0x88, $3  }
0x1: {  	(tag) =	ssettag $0x0;
	lr =	simm.s32 $0x1  }
0x2: {  	[smem:$0x3F9F] =	sst lr;
	_ =	strace $0xD0000000  }
0x3: {  	_ = 	snop  }
0x4: {  	_ = 	snop  }
0x5: {  	_ = 	snop  }
0x6: {  	_ = 	snop  }
0x7: {  	_ = 	snop  }
__scs_overlays_trampoline_lowered:
0x8: {  	[smem:$0x3FAE] =	sst s0  }
0x9: {  	[smem:$0x3FAF] =	sst s1  }
0xa: {  	[smem:$0x3FB0] =	sst s2  }
0xb: {  	[smem:$0x3FB1] =	sst s3  }
0xc: {  	[smem:$0x3FB2] =	sst s4  }
0xd: {  	[smem:$0x3FB3] =	sst s5  }
0xe: {  	[smem:$0x3FB4] =	sst s6  }
0xf: {  	[smem:$0x3FB5] =	sst s7  }
0x10: {  	[smem:$0x3FB6] =	sst s8  }
0x11: {  	[smem:$0x3FB7] =	sst s9;
	s0 =	simm.s32 @!p0 $0x0  }
0x12: {  	s1 =	sld [smem:$0x3F9D];
	s0 =	simm.s32 @p0 $0x1  }
0x13: {  	[smem:$0x3FB8] =	sst s0;
	s0 =	simm.s32 @!p1 $0x0  }
0x14: {  	s2 =	sld [smem:$0x3F9C];
	s0 =	simm.s32 @p1 $0x1  }
0x15: {  	[smem:$0x3FB9] =	sst s0;
	s0 =	simm.s32 @!p2 $0x0  }
0x16: {  	s3 =	sld [smem:$0x3FDB];
	s0 =	simm.s32 @p2 $0x1  }
0x17: {  	s4 =	simm.s32 $0x1BF5;
	[smem:$0x3FBB] =	sst s0  }
0x18: {  	s0 =	sld [smem:$0x3F9E];
	_ =	swait.ge [sflag:s4], $0x0  }
0x19: {  	s7 =	sld [smem:$0x3F9F]  }
0x1a: {  	s8 =	sadd.s32 $0xFFFFE003, lr  }
0x1b: {  	s9 =	sadd.s32 $0xFFFFFEF7, lr;
	s5 =	simm.s32 $0xFFFFFFFF;
	p2 =	slt.u32 s8, $0xFFFFF086  }
0x1c: {  	p1 =	slt.u32 s9, $0xF7A;
	s5 =	simm.s32 @!p2 $0x0  }
0x1d: {  	s5 =	simm.s32 @p1 $0x1;
	p0 =	seq.s32 s7, s2  }
0x1e: {  	s7 =	smul.u32 @!p0 $0xF7A, s2;
	p2 =	seq.s32 @!p0 s5, $0x0  }
0x1f: {  	s9 =	smul.u32 $0xF7A, s1;
	s8 =	simm.s32 @!p0 $0x1BF5;
	p2 =	por !p2, p0  }
0x20: {  	[sflag:s8] =	ssyncset.s32 @!p0 $0xFFFFF086;
	s6 =	sadd.s32 @!p0 s3, s7;
	s7 =	simm.s32 @!p0 $0x108  }
0x21: {  	s3 =	sadd.s32 s3, s9;
	s6 =	sadd.s32 @!p0 $0x88, s6;
	s7 =	simm.s32 @p2 $0x1082  }
0x22: {  	[simem:s7], [sflag:s8] =	dma.local @!p0 [hbm:s6], $0xF7A  }
0x23: {  	s9 =	sor.u32 $0xD0000000, s2;
	s6 =	simm.s32 $0x108;
	_ =	swait.ge @!p0 [sflag:s8], $0x0  }
0x24: {  	s3 =	sadd.s32 $0x88, s3;
	s6 =	simm.s32 @!p1 $0x1082;
	[sflag:s4] =	ssyncset.s32 $0xFFFFF086  }
0x25: {  	[simem:s6], [sflag:s4] =	dma.local [hbm:s3], $0xF7A  }
0x26: {  	[smem:$0x3F9F] =	sst s1;
	(tag) =	ssettag s2;
	_ =	strace s9  }
0x27: {  	s1 =	sld [smem:$0x3FAF]  }
0x28: {  	s2 =	sld [smem:$0x3FB0]  }
0x29: {  	s4 =	sld [smem:$0x3FB2]  }
0x2a: {  	p0 =	seq.s32 s5, $0x0;
	s5 =	sld [smem:$0x3FB3]  }
0x2b: {  	s6 =	sld [smem:$0x3FB4]  }
0x2c: {  	s7 =	sld [smem:$0x3FB5]  }
0x2d: {  	s3 =	simm.s32 $0x108;
	s8 =	sld [smem:$0x3FB6]  }
0x2e: {  	s3 =	simm.s32 @!p0 $0x1082;
	s9 =	sld [smem:$0x3FB7]  }
0x2f: {  	lr =	sadd.s32 s0, s3;
	s0 =	sld [smem:$0x3FAE]  }
0x30: {  	s3 =	sld [smem:$0x3FB1]  }
0x31: {  	[smem:$0x3FBA] =	sst s10  }
0x32: {  	s10 =	sld [smem:$0x3FB8];
	_ =	sdelay $0x3  }
0x33: {  	p0 =	seq.s32 s10, $0x1;
	s10 =	sld [smem:$0x3FBA];
	_ =	sdelay $0x3  }
0x34: {  	[smem:$0x3FBA] =	sst s10  }
0x35: {  	s10 =	sld [smem:$0x3FB9];
	_ =	sdelay $0x3  }
0x36: {  	p1 =	seq.s32 s10, $0x1;
	s10 =	sld [smem:$0x3FBA];
	_ =	sdelay $0x3  }
0x37: {  	[smem:$0x3FBA] =	sst s10  }
0x38: {  	s10 =	sld [smem:$0x3FBB]  }
0x39: {  	_ = 	snop;
	(pc) =	sbr.ind lr, $3  }
0x3a: {  	_ = 	snop  }
0x3b: {  	_ = 	snop  }
0x3c: {  	p2 =	seq.s32 s10, $0x1;
	s10 =	sld [smem:$0x3FBA]  }
0x3d: {  	_ =	shalt  }
0x3e: {  	_ =	shalt  }
0x3f: {  	_ =	shalt  }
0x40: {  	_ =	shalt  }
0x41: {  	_ =	shalt  }
0x42: {  	_ =	shalt  }
0x43: {  	_ =	shalt  }
0x44: {  	_ =	shalt  }
0x45: {  	_ =	shalt  }
0x46: {  	_ =	shalt  }
0x47: {  	_ =	shalt  }
0x48: {  	_ =	shalt  }
0x49: {  	_ =	shalt  }
0x4a: {  	_ =	shalt  }
0x4b: {  	_ =	shalt  }
0x4c: {  	_ =	shalt  }
0x4d: {  	_ =	shalt  }
0x4e: {  	_ =	shalt  }
0x4f: {  	_ =	shalt  }
0x50: {  	_ =	shalt  }
0x51: {  	_ =	shalt  }
0x52: {  	_ =	shalt  }
0x53: {  	_ =	shalt  }
0x54: {  	_ =	shalt  }
0x55: {  	_ =	shalt  }
0x56: {  	_ =	shalt  }
0x57: {  	_ =	shalt  }
0x58: {  	_ =	shalt  }
0x59: {  	_ =	shalt  }
0x5a: {  	_ =	shalt  }
0x5b: {  	_ =	shalt  }
0x5c: {  	_ =	shalt  }
0x5d: {  	_ =	shalt  }
0x5e: {  	_ =	shalt  }
0x5f: {  	_ =	shalt  }
0x60: {  	_ =	shalt  }
0x61: {  	_ =	shalt  }
0x62: {  	_ =	shalt  }
0x63: {  	_ =	shalt  }
0x64: {  	_ =	shalt  }
0x65: {  	_ =	shalt  }
0x66: {  	_ =	shalt  }
0x67: {  	_ =	shalt  }
0x68: {  	_ =	shalt  }
0x69: {  	_ =	shalt  }
0x6a: {  	_ =	shalt  }
0x6b: {  	_ =	shalt  }
0x6c: {  	_ =	shalt  }
0x6d: {  	_ =	shalt  }
0x6e: {  	_ =	shalt  }
0x6f: {  	_ =	shalt  }
0x70: {  	_ =	shalt  }
0x71: {  	_ =	shalt  }
0x72: {  	_ =	shalt  }
0x73: {  	_ =	shalt  }
0x74: {  	_ =	shalt  }
0x75: {  	_ =	shalt  }
0x76: {  	_ =	shalt  }
0x77: {  	_ =	shalt  }
0x78: {  	_ =	shalt  }
0x79: {  	_ =	shalt  }
0x7a: {  	_ =	shalt  }
0x7b: {  	_ =	shalt  }
0x7c: {  	_ =	shalt  }
0x7d: {  	_ =	shalt  }
0x7e: {  	_ =	shalt  }
0x7f: {  	_ =	shalt  }
0x80: {  	_ =	shalt  }
0x81: {  	_ =	shalt  }
0x82: {  	_ =	shalt  }
0x83: {  	_ =	shalt  }
0x84: {  	_ =	shalt  }
0x85: {  	_ =	shalt  }
0x86: {  	_ =	shalt  }
0x87: {  	_ =	shalt  }
.Lfunc_end0:
.L_simem_size_0:
called_computation_lowered:
.L_overlay_start_0:
0x88: {  	s2 =	sld [smem:$0x3FD9]  }
0x89: {  	s3 =	sld [smem:$0x3FFE];
	_ =	sdelay $0x1  }
0x8a: {  	s1 =	srdreg.scid  }
0x8b: {  	s0 =	sand.u32 $0x1, s1  }
0x8c: {  	s17 =	sshll.u32 s0, $0xA;
	s2 =	sadd.s32 s3, s2  }
0x8d: {  	s2 =	sadd.s32 s2, s17  }
0x8e: {  	[smem:$0x3FC6] =	sst s2  }
0x8f: {  	_ = 	snop  }
0x90: {  	s2 =	sld [smem:$0x3FC9]  }
0x91: {  	s18 =	sld [smem:$0x3FD0];
	(tm) =	ssettm $0x1  }
0x92: {  	s4 =	sld [smem:$0x3FFB];
	_ =	sdelay $0x3  }
0x93: {  	_ =	strace s4  }
0x94: {  	s4 =	sld [smem:$0x3FFC];
	_ =	sdelay $0x3  }
0x95: {  	_ =	strace s4  }
0x96: {  	s4 =	sld [smem:$0x3FFD];
	_ =	sdelay $0x3  }
0x97: {  	_ =	strace s4  }
0x98: {  	_ =	strace $0x8FFFFFFF  }
0x99: {  	s19 =	sld [smem:$0x3FDB];
	_ =	sdelay $0x1  }
0x9a: {  	s5 =	simm.s32 $_scs_section_size  }
0x9b: {  	s6 =	simm.s32 $_size__tile_overlayer_lowered;
	s7 =	simm.s32 $_tile_overlayer_lowered  }
0x9c: {  	s22 =	simm.s32 $0x1BFF;
	s21 =	sshll.u32 s7, $0x1;
	s4 =	sadd.s32 s5, s19  }
0x9d: {  	s8 =	simm.s32 $0x0;
	s20 =	sshll.u32 s6, $0x1;
	s6 =	sadd.s32 s21, s4  }
0x9e: {  	[timem:s8], [sflag:s22] =	dma.local [hbm:s6], s20  }
0x9f: {  	_ =	swait.ge [sflag:s22], s20  }
0xa0: {  	s5 =	ssub.s32 $0x0, s20;
	[sflag:s22] =	ssyncset.done $0x0  }
0xa1: {  	[sflag:s22] =	ssyncadd.s32 s5;
	_ =	sdelay $0x1  }
0xa2: {  	s23 =	simm.s32 $0x1B8B  }
0xa3: {  	_ =	swait.ge [sflag:s23], $0x1  }
0xa4: {  	[sflag:s23] =	ssyncset.done $0x0  }
0xa5: {  	s25 =	simm.s32 $0x1B8E;
	s24 =	sld [smem:$0x3FFE];
	[sflag:s23] =	ssyncadd.s32 $0xFFFFFFFF  }
0xa6: {  	s26 =	simm.s32 $execute0_lowered;
	[smem:$0x3FD2] =	sst s25  }
0xa7: {  	s6 =	sshll.u32 s26, $0x1;
	_ =	strace $0x80000046;
	[dreg:$0x1] =	wrdreg $0xFFFFFFFF  }
0xa8: {  	s28 =	simm.s32 $_size_execute0_lowered;
	s4 =	sadd.s32 s4, s6;
	[dreg:$0x0] =	wrdreg $0x0  }
0xa9: {  	s6 =	sshll.u32 s28, $0x1;
	[dreg:$0x2] =	wrdreg s4  }
0xaa: {  	[dreg:$0x3] =	wrdreg s6  }
0xab: {  	[dreg:$0x4] =	wrdreg $0xC0  }
0xac: {  	_ =	task [dreg:s8], $0x5FFFF  }
0xad: {  	[dreg:$0x1] =	wrdreg $0xFFFFFFFF  }
0xae: {  	[dreg:$0x0] =	wrdreg $0x60  }
0xaf: {  	[dreg:$0x2] =	wrdreg s2  }
0xb0: {  	[dreg:$0x3] =	wrdreg s24  }
0xb1: {  	[dreg:$0x4] =	wrdreg s18  }
0xb2: {  	[dreg:$0x5] =	wrdreg $0x9  }
0xb3: {  	_ =	task.clear_ibuf [dreg:s8], $0x6FFFF;
	_ =	strace $0x90000046  }
0xb4: {  	s29 =	simm.s32 $0x9;
	_ =	strace $0x80000048  }
0xb5: {  	_ =	swait.ge [sflag:s29], $0x1  }
0xb6: {  	[sflag:s29] =	ssyncadd.s32 $0xFFFFFFFF  }
0xb7: {  	_ =	strace $0x90000048  }
0xb8: {  	_ =	sfence  }
0xb9: {  	s30 =	sld [smem:$0x0];
	_ =	sdelay $0x2  }
0xba: {  	s31 =	sshll.u32 s1, $0xD;
	s1 =	sshrl.u32 s1, $0x2  }
0xbb: {  	s3 =	sand.u32 $0x4000, s31;
	s1 =	sadd.s32 s1, s30  }
0xbc: {  	s0 =	sor.u32 s3, s0;
	s1 =	sshll.u32 s1, $0x11  }
0xbd: {  	s0 =	sor.u32 s1, s0  }
0xbe: {  	s0 =	sadd.s32 $0x8F2B, s0  }
0xbf: {  	[sflag:s0] =	ssyncadd.remote.s32 $0x1  }
0xc0: {  	_ =	sfence.sel $0xFFFF  }
0xc1: {  	[dreg:$0x0] =	wrdreg $0xFFFFFFFF;
	(pc) =	sbr.abs _section_cstart, $3  }
0xc2: {  	[dreg:$0x1] =	wrdreg $0xFFFFFFFF  }
0xc3: {  	_ =	task.clear_ibuf [dreg:s8], $0x2FFFF;
	_ =	strace $0x9FFFFFFF  }
0xc4: {  	(tm) =	ssettm $0x7FFFFFFF  }
0xc5: {  	_ =	shalt  }
tec
execute0_lowered:
.L_overlay_start_1:
0x0: {  	(tag) =	ssettag $0x1  }
0x1: {  	s6 =	rddreg [dreg:$0x0]  }
0x2: {  	s4 =	rddreg [dreg:$0x1]  }
0x3: {  	s1 =	rddreg [dreg:$0x2]  }
0x4: {  	s0 =	rddreg [dreg:$0x3];
	s2 =	simm.s32 $0x0  }
0x5: {  	s3 =	srdreg.scid;
	s10 =	simm.s32 $0x3;
	s11 =	simm.s32 $0x6400  }
0x6: {  	v0 =	vlaneseq.u32;
	s12 =	simm.s32 $0x1;
	s13 =	simm.s32 $0x2;
	s14 =	simm.s32 $0x0  }
0x7: {  	[smem:$0x7FF] =	sst s2;
	s5 =	sand.u32 $0x1, s3;
	s3 =	stileid.u32;
	v0 =	vmul.u32 $0x20, v0  }
0x8: {  	s4 =	sadd.s32 $0x400, s4;
	_ =	strace $0x80000047;
	s7 =	ssub.s32 $0x2, s5  }
0x9: {  	s9 =	sshll.u32 s3, $0x8;
	s5 =	sshll.u32 s5, $0x7;
	s8 =	sshrl.u32 s7, $0x1;
	v1 =	vor.u32 $0xE00, v0  }
0xa: {  	s5 =	sor.u32 s5, s9;
	s9 =	simm.s32 $0x8000;
	v2 =	vor.u32 $0xC00, v0;
	v3 =	vor.u32 $0xA00, v0;
	v4 =	vor.u32 $0x800, v0;
	s7 =	ssub.s32 s7, s8  }
0xb: {  	v5 =	vor.u32 $0x600, v0;
	v6 =	vor.u32 $0x400, v0;
	v7 =	vor.u32 $0x200, v0;
	s6 =	sadd.s32 s6, s5;
	s8 =	simm.s32 $0x400;
	s7 =	smax.u32 s7, $0x1  }
.LBB2_1:
0xc: {  	[tilespmem:s2], [sflag:$0x3] =	stream.strided.gather [hbm4b:s6+s8], $0x6400, s9, s8, $0x38;
	[tilespmem:$0xA400] =	vst v63  }
0xd: {  	_ =	swait.ge [sflag:s10], $0x6400  }
0xe: {  	s15 =	simm.s32 $0x80;
	s16 =	simm.s32 $0x200;
	[sflag:s10] =	ssyncset.done $0x0  }
0xf: {  	s17 =	smov.u32 s1;
	s18 =	simm.s32 $0x0;
	[sflag:s10] =	ssyncadd.s32 $0xFFFF9C00  }
0x10: {  	[tilespmem:s11], [sflag:$0x1] =	stream.indirect.gather [hbm4b:s4+s15], $0x20, s2, s15, $0xb8;
	[tilespmem:$0xA400] =	vst v63  }
.LBB2_2:
0x11: {  	p0 =	slt.u32 s18, $0x2  }
0x12: {  	s20 =	sand.u32 $0x1, s18;
	s19 =	simm.s32 @!p0 $0x2  }
0x13: {  	s21 =	sshll.u32 s20, $0x7;
	_ =	swait.ge @!p0 [sflag:s19], $0x1000  }
0x14: {  	v8 =	vmov s21;
	[sflag:s19] =	ssyncset.done @!p0 $0x0  }
0x15: {  	v15 =	vshll.u32 v8, $0x5;
	[sflag:s19] =	ssyncadd.s32 @!p0 $0xFFFFF000;
	p0 =	seq.s32 s18, $0xC7  }
0x16: {  	v8 =	vor.u32 v0, v15;
	_ =	swait.ge [sflag:s12], $0x1000;
	s19 =	sshll.u32 @!p0 s20, $0xC  }
0x17: {  	s21 =	sand.u32 @!p0 $0x3F000, s16;
	s22 =	sand.u32 @!p0 $0x380, s15;
	[sflag:s12] =	ssyncset.done $0x0  }
0x18: {  	s19 =	sxor.u32 @!p0 $0x1000, s19;
	s21 =	sshrl.u32 @!p0 s21, $0x2;
	[sflag:s12] =	ssyncadd.s32 $0xFFFFF000  }
0x19: {  	s19 =	sor.u32 @!p0 $0x6400, s19;
	s21 =	sor.u32 @!p0 s22, s21;
	s22 =	simm.s32 @!p0 $0x80  }
0x1a: {  	[tilespmem:s19], [sflag:$0x1] =	stream.indirect.gather @!p0 [hbm4b:s4+s22], $0x20, s21, s22, $0xb8;
	[tilespmem:$0xA400] =	vst v63  }
0x1b: {  	v10 =	vld.idx.msk [tilespmem:v8+s11+$0x0], $0xffff  }
0x1c: {  	v9 =	vor.u32 v7, v15;
	_ =	sdelay $0x2  }
0x1d: {  	s30 =	sshll.u32 s20, $0xC  }
0x1e: {  	[tilespmem:s30+$0x8400] =	vst v10  }
0x1f: {  	v11 =	vld.idx.msk [tilespmem:v9+s11+$0x0], $0xffff  }
0x20: {  	v10 =	vor.u32 v6, v15;
	_ =	sdelay $0x3  }
0x21: {  	[tilespmem:s30+$0x8410] =	vst v11  }
0x22: {  	v12 =	vld.idx.msk [tilespmem:v10+s11+$0x0], $0xffff  }
0x23: {  	v11 =	vor.u32 v5, v15;
	_ =	sdelay $0x3  }
0x24: {  	[tilespmem:s30+$0x8420] =	vst v12  }
0x25: {  	v13 =	vld.idx.msk [tilespmem:v11+s11+$0x0], $0xffff  }
0x26: {  	v12 =	vor.u32 v4, v15;
	_ =	sdelay $0x3  }
0x27: {  	[tilespmem:s30+$0x8430] =	vst v13  }
0x28: {  	v14 =	vld.idx.msk [tilespmem:v12+s11+$0x0], $0xffff  }
0x29: {  	v13 =	vor.u32 v3, v15;
	_ =	sdelay $0x3  }
0x2a: {  	[tilespmem:s30+$0x8440] =	vst v14  }
0x2b: {  	v16 =	vld.idx.msk [tilespmem:v13+s11+$0x0], $0xffff  }
0x2c: {  	v14 =	vor.u32 v2, v15;
	_ =	sdelay $0x3  }
0x2d: {  	[tilespmem:s30+$0x8450] =	vst v16  }
0x2e: {  	v16 =	vld.idx.msk [tilespmem:v14+s11+$0x0], $0xffff  }
0x2f: {  	v15 =	vor.u32 v1, v15;
	_ =	sdelay $0x3  }
0x30: {  	[tilespmem:s30+$0x8460] =	vst v16  }
0x31: {  	v16 =	vld.idx.msk [tilespmem:v15+s11+$0x0], $0xffff  }
0x32: {  	v17 =	vor.u32 $0x1, v8;
	_ =	sdelay $0x3  }
0x33: {  	[tilespmem:s30+$0x8470] =	vst v16  }
0x34: {  	v16 =	vld.idx.msk [tilespmem:v17+s11+$0x0], $0xffff  }
0x35: {  	v39 =	vor.u32 $0x1, v9;
	_ =	sdelay $0x3  }
0x36: {  	[tilespmem:s30+$0x8480] =	vst v16  }
0x37: {  	v16 =	vld.idx.msk [tilespmem:v39+s11+$0x0], $0xffff  }
0x38: {  	v40 =	vor.u32 $0x1, v10;
	_ =	sdelay $0x3  }
0x39: {  	[tilespmem:s30+$0x8490] =	vst v16  }
0x3a: {  	v16 =	vld.idx.msk [tilespmem:v40+s11+$0x0], $0xffff  }
0x3b: {  	v41 =	vor.u32 $0x1, v11;
	_ =	sdelay $0x3  }
0x3c: {  	[tilespmem:s30+$0x84A0] =	vst v16  }
0x3d: {  	v16 =	vld.idx.msk [tilespmem:v41+s11+$0x0], $0xffff  }
0x3e: {  	v42 =	vor.u32 $0x1, v12;
	_ =	sdelay $0x3  }
0x3f: {  	[tilespmem:s30+$0x84B0] =	vst v16  }
0x40: {  	v16 =	vld.idx.msk [tilespmem:v42+s11+$0x0], $0xffff  }
0x41: {  	v43 =	vor.u32 $0x1, v13;
	_ =	sdelay $0x3  }
0x42: {  	[tilespmem:s30+$0x84C0] =	vst v16  }
0x43: {  	v16 =	vld.idx.msk [tilespmem:v43+s11+$0x0], $0xffff  }
0x44: {  	v44 =	vor.u32 $0x1, v14;
	_ =	sdelay $0x3  }
0x45: {  	[tilespmem:s30+$0x84D0] =	vst v16  }
0x46: {  	v16 =	vld.idx.msk [tilespmem:v44+s11+$0x0], $0xffff  }
0x47: {  	v45 =	vor.u32 $0x1, v15;
	_ =	sdelay $0x3  }
0x48: {  	[tilespmem:s30+$0x84E0] =	vst v16  }
0x49: {  	v16 =	vld.idx.msk [tilespmem:v45+s11+$0x0], $0xffff  }
0x4a: {  	v46 =	vor.u32 $0x2, v8;
	_ =	sdelay $0x3  }
0x4b: {  	[tilespmem:s30+$0x84F0] =	vst v16  }
0x4c: {  	v16 =	vld.idx.msk [tilespmem:v46+s11+$0x0], $0xffff  }
0x4d: {  	v47 =	vor.u32 $0x2, v9;
	_ =	sdelay $0x3  }
0x4e: {  	[tilespmem:s30+$0x8500] =	vst v16  }
0x4f: {  	v16 =	vld.idx.msk [tilespmem:v47+s11+$0x0], $0xffff  }
0x50: {  	v48 =	vor.u32 $0x2, v10;
	_ =	sdelay $0x3  }
0x51: {  	[tilespmem:s30+$0x8510] =	vst v16  }
0x52: {  	v16 =	vld.idx.msk [tilespmem:v48+s11+$0x0], $0xffff  }
0x53: {  	v49 =	vor.u32 $0x2, v11;
	_ =	sdelay $0x3  }
0x54: {  	[tilespmem:s30+$0x8520] =	vst v16  }
0x55: {  	v16 =	vld.idx.msk [tilespmem:v49+s11+$0x0], $0xffff  }
0x56: {  	v50 =	vor.u32 $0x2, v12;
	_ =	sdelay $0x3  }
0x57: {  	[tilespmem:s30+$0x8530] =	vst v16  }
0x58: {  	v16 =	vld.idx.msk [tilespmem:v50+s11+$0x0], $0xffff  }
0x59: {  	v51 =	vor.u32 $0x2, v13;
	_ =	sdelay $0x3  }
0x5a: {  	[tilespmem:s30+$0x8540] =	vst v16  }
0x5b: {  	v16 =	vld.idx.msk [tilespmem:v51+s11+$0x0], $0xffff  }
0x5c: {  	v52 =	vor.u32 $0x2, v14;
	_ =	sdelay $0x3  }
0x5d: {  	[tilespmem:s30+$0x8550] =	vst v16  }
0x5e: {  	v16 =	vld.idx.msk [tilespmem:v52+s11+$0x0], $0xffff  }
0x5f: {  	v53 =	vor.u32 $0x2, v15;
	_ =	sdelay $0x3  }
0x60: {  	[tilespmem:s30+$0x8560] =	vst v16  }
0x61: {  	v16 =	vld.idx.msk [tilespmem:v53+s11+$0x0], $0xffff  }
0x62: {  	v54 =	vor.u32 $0x3, v8;
	_ =	sdelay $0x3  }
0x63: {  	[tilespmem:s30+$0x8570] =	vst v16  }
0x64: {  	v16 =	vld.idx.msk [tilespmem:v54+s11+$0x0], $0xffff  }
0x65: {  	v55 =	vor.u32 $0x3, v9;
	_ =	sdelay $0x3  }
0x66: {  	[tilespmem:s30+$0x8580] =	vst v16  }
0x67: {  	v16 =	vld.idx.msk [tilespmem:v55+s11+$0x0], $0xffff  }
0x68: {  	v56 =	vor.u32 $0x3, v10;
	_ =	sdelay $0x3  }
0x69: {  	[tilespmem:s30+$0x8590] =	vst v16  }
0x6a: {  	v16 =	vld.idx.msk [tilespmem:v56+s11+$0x0], $0xffff  }
0x6b: {  	v57 =	vor.u32 $0x3, v11;
	_ =	sdelay $0x3  }
0x6c: {  	[tilespmem:s30+$0x85A0] =	vst v16  }
0x6d: {  	v16 =	vld.idx.msk [tilespmem:v57+s11+$0x0], $0xffff  }
0x6e: {  	v58 =	vor.u32 $0x3, v12;
	_ =	sdelay $0x3  }
0x6f: {  	[tilespmem:s30+$0x85B0] =	vst v16  }
0x70: {  	v16 =	vld.idx.msk [tilespmem:v58+s11+$0x0], $0xffff  }
0x71: {  	v59 =	vor.u32 $0x3, v13;
	_ =	sdelay $0x3  }
0x72: {  	[tilespmem:s30+$0x85C0] =	vst v16  }
0x73: {  	v16 =	vld.idx.msk [tilespmem:v59+s11+$0x0], $0xffff  }
0x74: {  	v60 =	vor.u32 $0x3, v14;
	_ =	sdelay $0x3  }
0x75: {  	[tilespmem:s30+$0x85D0] =	vst v16  }
0x76: {  	v16 =	vld.idx.msk [tilespmem:v60+s11+$0x0], $0xffff  }
0x77: {  	v61 =	vor.u32 $0x3, v15;
	_ =	sdelay $0x3  }
0x78: {  	[tilespmem:s30+$0x85E0] =	vst v16  }
0x79: {  	v16 =	vld.idx.msk [tilespmem:v61+s11+$0x0], $0xffff  }
0x7a: {  	v62 =	vor.u32 $0x4, v8;
	_ =	sdelay $0x3  }
0x7b: {  	[tilespmem:s30+$0x85F0] =	vst v16  }
0x7c: {  	v16 =	vld.idx.msk [tilespmem:v62+s11+$0x0], $0xffff  }
0x7d: {  	v63 =	vor.u32 $0x4, v9;
	_ =	sdelay $0x3  }
0x7e: {  	[tilespmem:s30+$0x8600] =	vst v16  }
0x7f: {  	v16 =	vld.idx.msk [tilespmem:v63+s11+$0x0], $0xffff  }
0x80: {  	v20 =	vor.u32 $0x4, v10;
	_ =	sdelay $0x3  }
0x81: {  	[tilespmem:s30+$0x8610] =	vst v16  }
0x82: {  	v16 =	vld.idx.msk [tilespmem:v20+s11+$0x0], $0xffff  }
0x83: {  	v21 =	vor.u32 $0x4, v11;
	_ =	sdelay $0x3  }
0x84: {  	[tilespmem:s30+$0x8620] =	vst v16  }
0x85: {  	v16 =	vld.idx.msk [tilespmem:v21+s11+$0x0], $0xffff  }
0x86: {  	v22 =	vor.u32 $0x4, v12;
	_ =	sdelay $0x3  }
0x87: {  	[tilespmem:s30+$0x8630] =	vst v16  }
0x88: {  	v16 =	vld.idx.msk [tilespmem:v22+s11+$0x0], $0xffff  }
0x89: {  	v23 =	vor.u32 $0x4, v13;
	_ =	sdelay $0x3  }
0x8a: {  	[tilespmem:s30+$0x8640] =	vst v16  }
0x8b: {  	v16 =	vld.idx.msk [tilespmem:v23+s11+$0x0], $0xffff  }
0x8c: {  	v24 =	vor.u32 $0x4, v14;
	_ =	sdelay $0x3  }
0x8d: {  	[tilespmem:s30+$0x8650] =	vst v16  }
0x8e: {  	v16 =	vld.idx.msk [tilespmem:v24+s11+$0x0], $0xffff  }
0x8f: {  	v25 =	vor.u32 $0x4, v15;
	_ =	sdelay $0x3  }
0x90: {  	[tilespmem:s30+$0x8660] =	vst v16  }
0x91: {  	v16 =	vld.idx.msk [tilespmem:v25+s11+$0x0], $0xffff  }
0x92: {  	v26 =	vor.u32 $0x5, v8;
	_ =	sdelay $0x3  }
0x93: {  	[tilespmem:s30+$0x8670] =	vst v16  }
0x94: {  	v16 =	vld.idx.msk [tilespmem:v26+s11+$0x0], $0xffff  }
0x95: {  	v27 =	vor.u32 $0x5, v9;
	_ =	sdelay $0x3  }
0x96: {  	[tilespmem:s30+$0x8680] =	vst v16  }
0x97: {  	v16 =	vld.idx.msk [tilespmem:v27+s11+$0x0], $0xffff  }
0x98: {  	v28 =	vor.u32 $0x5, v10;
	_ =	sdelay $0x3  }
0x99: {  	[tilespmem:s30+$0x8690] =	vst v16  }
0x9a: {  	v16 =	vld.idx.msk [tilespmem:v28+s11+$0x0], $0xffff  }
0x9b: {  	v29 =	vor.u32 $0x5, v11;
	_ =	sdelay $0x3  }
0x9c: {  	[tilespmem:s30+$0x86A0] =	vst v16  }
0x9d: {  	v16 =	vld.idx.msk [tilespmem:v29+s11+$0x0], $0xffff  }
0x9e: {  	v30 =	vor.u32 $0x5, v12;
	_ =	sdelay $0x3  }
0x9f: {  	[tilespmem:s30+$0x86B0] =	vst v16  }
0xa0: {  	v16 =	vld.idx.msk [tilespmem:v30+s11+$0x0], $0xffff  }
0xa1: {  	v31 =	vor.u32 $0x5, v13;
	_ =	sdelay $0x3  }
0xa2: {  	[tilespmem:s30+$0x86C0] =	vst v16  }
0xa3: {  	v16 =	vld.idx.msk [tilespmem:v31+s11+$0x0], $0xffff  }
0xa4: {  	v32 =	vor.u32 $0x5, v14;
	_ =	sdelay $0x3  }
0xa5: {  	[tilespmem:s30+$0x86D0] =	vst v16  }
0xa6: {  	v16 =	vld.idx.msk [tilespmem:v32+s11+$0x0], $0xffff  }
0xa7: {  	v33 =	vor.u32 $0x5, v15;
	_ =	sdelay $0x3  }
0xa8: {  	[tilespmem:s30+$0x86E0] =	vst v16  }
0xa9: {  	v16 =	vld.idx.msk [tilespmem:v33+s11+$0x0], $0xffff  }
0xaa: {  	v34 =	vor.u32 $0x6, v8;
	_ =	sdelay $0x3  }
0xab: {  	[tilespmem:s30+$0x86F0] =	vst v16  }
0xac: {  	v16 =	vld.idx.msk [tilespmem:v34+s11+$0x0], $0xffff  }
0xad: {  	v35 =	vor.u32 $0x6, v9;
	_ =	sdelay $0x3  }
0xae: {  	[tilespmem:s30+$0x8700] =	vst v16  }
0xaf: {  	v16 =	vld.idx.msk [tilespmem:v35+s11+$0x0], $0xffff  }
0xb0: {  	v36 =	vor.u32 $0x6, v10;
	_ =	sdelay $0x3  }
0xb1: {  	[tilespmem:s30+$0x8710] =	vst v16  }
0xb2: {  	v16 =	vld.idx.msk [tilespmem:v36+s11+$0x0], $0xffff  }
0xb3: {  	v37 =	vor.u32 $0x6, v11;
	_ =	sdelay $0x3  }
0xb4: {  	[tilespmem:s30+$0x8720] =	vst v16  }
0xb5: {  	v16 =	vld.idx.msk [tilespmem:v37+s11+$0x0], $0xffff  }
0xb6: {  	v38 =	vor.u32 $0x6, v12;
	_ =	sdelay $0x3  }
0xb7: {  	[tilespmem:s30+$0x8730] =	vst v16  }
0xb8: {  	v16 =	vld.idx.msk [tilespmem:v38+s11+$0x0], $0xffff  }
0xb9: {  	v39 =	vor.u32 $0x6, v13;
	_ =	sdelay $0x3  }
0xba: {  	[tilespmem:s30+$0x8740] =	vst v16  }
0xbb: {  	v16 =	vld.idx.msk [tilespmem:v39+s11+$0x0], $0xffff  }
0xbc: {  	v40 =	vor.u32 $0x6, v14;
	_ =	sdelay $0x3  }
0xbd: {  	[tilespmem:s30+$0x8750] =	vst v16  }
0xbe: {  	v16 =	vld.idx.msk [tilespmem:v40+s11+$0x0], $0xffff  }
0xbf: {  	v41 =	vor.u32 $0x6, v15;
	_ =	sdelay $0x3  }
0xc0: {  	[tilespmem:s30+$0x8760] =	vst v16  }
0xc1: {  	v16 =	vld.idx.msk [tilespmem:v41+s11+$0x0], $0xffff  }
0xc2: {  	v42 =	vor.u32 $0x7, v8;
	_ =	sdelay $0x3  }
0xc3: {  	[tilespmem:s30+$0x8770] =	vst v16  }
0xc4: {  	v16 =	vld.idx.msk [tilespmem:v42+s11+$0x0], $0xffff  }
0xc5: {  	v43 =	vor.u32 $0x7, v9;
	_ =	sdelay $0x3  }
0xc6: {  	[tilespmem:s30+$0x8780] =	vst v16  }
0xc7: {  	v16 =	vld.idx.msk [tilespmem:v43+s11+$0x0], $0xffff  }
0xc8: {  	v44 =	vor.u32 $0x7, v10;
	_ =	sdelay $0x3  }
0xc9: {  	[tilespmem:s30+$0x8790] =	vst v16  }
0xca: {  	v16 =	vld.idx.msk [tilespmem:v44+s11+$0x0], $0xffff  }
0xcb: {  	v45 =	vor.u32 $0x7, v11;
	_ =	sdelay $0x3  }
0xcc: {  	[tilespmem:s30+$0x87A0] =	vst v16  }
0xcd: {  	v16 =	vld.idx.msk [tilespmem:v45+s11+$0x0], $0xffff  }
0xce: {  	v46 =	vor.u32 $0x7, v12;
	_ =	sdelay $0x3  }
0xcf: {  	[tilespmem:s30+$0x87B0] =	vst v16  }
0xd0: {  	v16 =	vld.idx.msk [tilespmem:v46+s11+$0x0], $0xffff  }
0xd1: {  	v47 =	vor.u32 $0x7, v13;
	_ =	sdelay $0x3  }
0xd2: {  	[tilespmem:s30+$0x87C0] =	vst v16  }
0xd3: {  	v16 =	vld.idx.msk [tilespmem:v47+s11+$0x0], $0xffff  }
0xd4: {  	v48 =	vor.u32 $0x7, v14;
	_ =	sdelay $0x3  }
0xd5: {  	[tilespmem:s30+$0x87D0] =	vst v16  }
0xd6: {  	v16 =	vld.idx.msk [tilespmem:v48+s11+$0x0], $0xffff  }
0xd7: {  	v49 =	vor.u32 $0x7, v15;
	_ =	sdelay $0x3  }
0xd8: {  	[tilespmem:s30+$0x87E0] =	vst v16  }
0xd9: {  	v16 =	vld.idx.msk [tilespmem:v49+s11+$0x0], $0xffff  }
0xda: {  	v50 =	vor.u32 $0x8, v8;
	_ =	sdelay $0x3  }
0xdb: {  	[tilespmem:s30+$0x87F0] =	vst v16  }
0xdc: {  	v16 =	vld.idx.msk [tilespmem:v50+s11+$0x0], $0xffff  }
0xdd: {  	v51 =	vor.u32 $0x8, v9;
	_ =	sdelay $0x3  }
0xde: {  	[tilespmem:s30+$0x8800] =	vst v16  }
0xdf: {  	v16 =	vld.idx.msk [tilespmem:v51+s11+$0x0], $0xffff  }
0xe0: {  	v52 =	vor.u32 $0x8, v10;
	_ =	sdelay $0x3  }
0xe1: {  	[tilespmem:s30+$0x8810] =	vst v16  }
0xe2: {  	v16 =	vld.idx.msk [tilespmem:v52+s11+$0x0], $0xffff  }
0xe3: {  	v53 =	vor.u32 $0x8, v11;
	_ =	sdelay $0x3  }
0xe4: {  	[tilespmem:s30+$0x8820] =	vst v16  }
0xe5: {  	v16 =	vld.idx.msk [tilespmem:v53+s11+$0x0], $0xffff  }
0xe6: {  	v54 =	vor.u32 $0x8, v12;
	_ =	sdelay $0x3  }
0xe7: {  	[tilespmem:s30+$0x8830] =	vst v16  }
0xe8: {  	v16 =	vld.idx.msk [tilespmem:v54+s11+$0x0], $0xffff  }
0xe9: {  	v55 =	vor.u32 $0x8, v13;
	_ =	sdelay $0x3  }
0xea: {  	[tilespmem:s30+$0x8840] =	vst v16  }
0xeb: {  	v16 =	vld.idx.msk [tilespmem:v55+s11+$0x0], $0xffff  }
0xec: {  	v56 =	vor.u32 $0x8, v14;
	_ =	sdelay $0x3  }
0xed: {  	[tilespmem:s30+$0x8850] =	vst v16  }
0xee: {  	v16 =	vld.idx.msk [tilespmem:v56+s11+$0x0], $0xffff  }
0xef: {  	v57 =	vor.u32 $0x8, v15;
	_ =	sdelay $0x3  }
0xf0: {  	[tilespmem:s30+$0x8860] =	vst v16  }
0xf1: {  	v16 =	vld.idx.msk [tilespmem:v57+s11+$0x0], $0xffff  }
0xf2: {  	v58 =	vor.u32 $0x9, v8;
	_ =	sdelay $0x3  }
0xf3: {  	[tilespmem:s30+$0x8870] =	vst v16  }
0xf4: {  	v16 =	vld.idx.msk [tilespmem:v58+s11+$0x0], $0xffff  }
0xf5: {  	v59 =	vor.u32 $0x9, v9;
	_ =	sdelay $0x3  }
0xf6: {  	[tilespmem:s30+$0x8880] =	vst v16  }
0xf7: {  	v16 =	vld.idx.msk [tilespmem:v59+s11+$0x0], $0xffff  }
0xf8: {  	v60 =	vor.u32 $0x9, v10;
	_ =	sdelay $0x3  }
0xf9: {  	[tilespmem:s30+$0x8890] =	vst v16  }
0xfa: {  	v16 =	vld.idx.msk [tilespmem:v60+s11+$0x0], $0xffff  }
0xfb: {  	v61 =	vor.u32 $0x9, v11;
	_ =	sdelay $0x3  }
0xfc: {  	[tilespmem:s30+$0x88A0] =	vst v16  }
0xfd: {  	v16 =	vld.idx.msk [tilespmem:v61+s11+$0x0], $0xffff  }
0xfe: {  	v62 =	vor.u32 $0x9, v12;
	_ =	sdelay $0x3  }
0xff: {  	[tilespmem:s30+$0x88B0] =	vst v16  }
0x100: {  	v16 =	vld.idx.msk [tilespmem:v62+s11+$0x0], $0xffff  }
0x101: {  	v63 =	vor.u32 $0x9, v13;
	_ =	sdelay $0x3  }
0x102: {  	[tilespmem:s30+$0x88C0] =	vst v16  }
0x103: {  	v16 =	vld.idx.msk [tilespmem:v63+s11+$0x0], $0xffff  }
0x104: {  	v20 =	vor.u32 $0x9, v14;
	_ =	sdelay $0x3  }
0x105: {  	[tilespmem:s30+$0x88D0] =	vst v16  }
0x106: {  	v16 =	vld.idx.msk [tilespmem:v20+s11+$0x0], $0xffff  }
0x107: {  	v21 =	vor.u32 $0x9, v15;
	_ =	sdelay $0x3  }
0x108: {  	[tilespmem:s30+$0x88E0] =	vst v16  }
0x109: {  	v16 =	vld.idx.msk [tilespmem:v21+s11+$0x0], $0xffff  }
0x10a: {  	v22 =	vor.u32 $0xA, v8;
	_ =	sdelay $0x3  }
0x10b: {  	[tilespmem:s30+$0x88F0] =	vst v16  }
0x10c: {  	v16 =	vld.idx.msk [tilespmem:v22+s11+$0x0], $0xffff  }
0x10d: {  	v23 =	vor.u32 $0xA, v9;
	_ =	sdelay $0x3  }
0x10e: {  	[tilespmem:s30+$0x8900] =	vst v16  }
0x10f: {  	v16 =	vld.idx.msk [tilespmem:v23+s11+$0x0], $0xffff  }
0x110: {  	v24 =	vor.u32 $0xA, v10;
	_ =	sdelay $0x3  }
0x111: {  	[tilespmem:s30+$0x8910] =	vst v16  }
0x112: {  	v16 =	vld.idx.msk [tilespmem:v24+s11+$0x0], $0xffff  }
0x113: {  	v25 =	vor.u32 $0xA, v11;
	_ =	sdelay $0x3  }
0x114: {  	[tilespmem:s30+$0x8920] =	vst v16  }
0x115: {  	v16 =	vld.idx.msk [tilespmem:v25+s11+$0x0], $0xffff  }
0x116: {  	v26 =	vor.u32 $0xA, v12;
	_ =	sdelay $0x3  }
0x117: {  	[tilespmem:s30+$0x8930] =	vst v16  }
0x118: {  	v16 =	vld.idx.msk [tilespmem:v26+s11+$0x0], $0xffff  }
0x119: {  	v27 =	vor.u32 $0xA, v13;
	_ =	sdelay $0x3  }
0x11a: {  	[tilespmem:s30+$0x8940] =	vst v16  }
0x11b: {  	v16 =	vld.idx.msk [tilespmem:v27+s11+$0x0], $0xffff  }
0x11c: {  	v28 =	vor.u32 $0xA, v14;
	_ =	sdelay $0x3  }
0x11d: {  	[tilespmem:s30+$0x8950] =	vst v16  }
0x11e: {  	v16 =	vld.idx.msk [tilespmem:v28+s11+$0x0], $0xffff  }
0x11f: {  	v29 =	vor.u32 $0xA, v15;
	_ =	sdelay $0x3  }
0x120: {  	[tilespmem:s30+$0x8960] =	vst v16  }
0x121: {  	v16 =	vld.idx.msk [tilespmem:v29+s11+$0x0], $0xffff  }
0x122: {  	v30 =	vor.u32 $0xB, v8;
	_ =	sdelay $0x3  }
0x123: {  	[tilespmem:s30+$0x8970] =	vst v16  }
0x124: {  	v16 =	vld.idx.msk [tilespmem:v30+s11+$0x0], $0xffff  }
0x125: {  	v31 =	vor.u32 $0xB, v9;
	_ =	sdelay $0x3  }
0x126: {  	[tilespmem:s30+$0x8980] =	vst v16  }
0x127: {  	v16 =	vld.idx.msk [tilespmem:v31+s11+$0x0], $0xffff  }
0x128: {  	v32 =	vor.u32 $0xB, v10;
	_ =	sdelay $0x3  }
0x129: {  	[tilespmem:s30+$0x8990] =	vst v16  }
0x12a: {  	v16 =	vld.idx.msk [tilespmem:v32+s11+$0x0], $0xffff  }
0x12b: {  	v33 =	vor.u32 $0xB, v11;
	_ =	sdelay $0x3  }
0x12c: {  	[tilespmem:s30+$0x89A0] =	vst v16  }
0x12d: {  	v16 =	vld.idx.msk [tilespmem:v33+s11+$0x0], $0xffff  }
0x12e: {  	v34 =	vor.u32 $0xB, v12;
	_ =	sdelay $0x3  }
0x12f: {  	[tilespmem:s30+$0x89B0] =	vst v16  }
0x130: {  	v16 =	vld.idx.msk [tilespmem:v34+s11+$0x0], $0xffff  }
0x131: {  	v35 =	vor.u32 $0xB, v13;
	_ =	sdelay $0x3  }
0x132: {  	[tilespmem:s30+$0x89C0] =	vst v16  }
0x133: {  	v16 =	vld.idx.msk [tilespmem:v35+s11+$0x0], $0xffff  }
0x134: {  	v36 =	vor.u32 $0xB, v14;
	_ =	sdelay $0x3  }
0x135: {  	[tilespmem:s30+$0x89D0] =	vst v16  }
0x136: {  	v16 =	vld.idx.msk [tilespmem:v36+s11+$0x0], $0xffff  }
0x137: {  	v37 =	vor.u32 $0xB, v15;
	_ =	sdelay $0x3  }
0x138: {  	[tilespmem:s30+$0x89E0] =	vst v16  }
0x139: {  	v16 =	vld.idx.msk [tilespmem:v37+s11+$0x0], $0xffff  }
0x13a: {  	v38 =	vor.u32 $0xC, v8;
	_ =	sdelay $0x3  }
0x13b: {  	[tilespmem:s30+$0x89F0] =	vst v16  }
0x13c: {  	v16 =	vld.idx.msk [tilespmem:v38+s11+$0x0], $0xffff  }
0x13d: {  	v39 =	vor.u32 $0xC, v9;
	_ =	sdelay $0x3  }
0x13e: {  	[tilespmem:s30+$0x8A00] =	vst v16  }
0x13f: {  	v16 =	vld.idx.msk [tilespmem:v39+s11+$0x0], $0xffff  }
0x140: {  	v40 =	vor.u32 $0xC, v10;
	_ =	sdelay $0x3  }
0x141: {  	[tilespmem:s30+$0x8A10] =	vst v16  }
0x142: {  	v16 =	vld.idx.msk [tilespmem:v40+s11+$0x0], $0xffff  }
0x143: {  	v41 =	vor.u32 $0xC, v11;
	_ =	sdelay $0x3  }
0x144: {  	[tilespmem:s30+$0x8A20] =	vst v16  }
0x145: {  	v16 =	vld.idx.msk [tilespmem:v41+s11+$0x0], $0xffff  }
0x146: {  	v42 =	vor.u32 $0xC, v12;
	_ =	sdelay $0x3  }
0x147: {  	[tilespmem:s30+$0x8A30] =	vst v16  }
0x148: {  	v16 =	vld.idx.msk [tilespmem:v42+s11+$0x0], $0xffff  }
0x149: {  	v43 =	vor.u32 $0xC, v13;
	_ =	sdelay $0x3  }
0x14a: {  	[tilespmem:s30+$0x8A40] =	vst v16  }
0x14b: {  	v16 =	vld.idx.msk [tilespmem:v43+s11+$0x0], $0xffff  }
0x14c: {  	v44 =	vor.u32 $0xC, v14;
	_ =	sdelay $0x3  }
0x14d: {  	[tilespmem:s30+$0x8A50] =	vst v16  }
0x14e: {  	v16 =	vld.idx.msk [tilespmem:v44+s11+$0x0], $0xffff  }
0x14f: {  	v45 =	vor.u32 $0xC, v15;
	_ =	sdelay $0x3  }
0x150: {  	[tilespmem:s30+$0x8A60] =	vst v16  }
0x151: {  	v16 =	vld.idx.msk [tilespmem:v45+s11+$0x0], $0xffff  }
0x152: {  	v46 =	vor.u32 $0xD, v8;
	_ =	sdelay $0x3  }
0x153: {  	[tilespmem:s30+$0x8A70] =	vst v16  }
0x154: {  	v16 =	vld.idx.msk [tilespmem:v46+s11+$0x0], $0xffff  }
0x155: {  	v47 =	vor.u32 $0xD, v9;
	_ =	sdelay $0x3  }
0x156: {  	[tilespmem:s30+$0x8A80] =	vst v16  }
0x157: {  	v16 =	vld.idx.msk [tilespmem:v47+s11+$0x0], $0xffff  }
0x158: {  	v48 =	vor.u32 $0xD, v10;
	_ =	sdelay $0x3  }
0x159: {  	[tilespmem:s30+$0x8A90] =	vst v16  }
0x15a: {  	v16 =	vld.idx.msk [tilespmem:v48+s11+$0x0], $0xffff  }
0x15b: {  	v49 =	vor.u32 $0xD, v11;
	_ =	sdelay $0x3  }
0x15c: {  	[tilespmem:s30+$0x8AA0] =	vst v16  }
0x15d: {  	v16 =	vld.idx.msk [tilespmem:v49+s11+$0x0], $0xffff  }
0x15e: {  	v50 =	vor.u32 $0xD, v12;
	_ =	sdelay $0x3  }
0x15f: {  	[tilespmem:s30+$0x8AB0] =	vst v16  }
0x160: {  	v16 =	vld.idx.msk [tilespmem:v50+s11+$0x0], $0xffff  }
0x161: {  	v51 =	vor.u32 $0xD, v13;
	_ =	sdelay $0x3  }
0x162: {  	[tilespmem:s30+$0x8AC0] =	vst v16  }
0x163: {  	v16 =	vld.idx.msk [tilespmem:v51+s11+$0x0], $0xffff  }
0x164: {  	v52 =	vor.u32 $0xD, v14;
	_ =	sdelay $0x3  }
0x165: {  	[tilespmem:s30+$0x8AD0] =	vst v16  }
0x166: {  	v16 =	vld.idx.msk [tilespmem:v52+s11+$0x0], $0xffff  }
0x167: {  	v53 =	vor.u32 $0xD, v15;
	_ =	sdelay $0x3  }
0x168: {  	[tilespmem:s30+$0x8AE0] =	vst v16  }
0x169: {  	v16 =	vld.idx.msk [tilespmem:v53+s11+$0x0], $0xffff  }
0x16a: {  	v54 =	vor.u32 $0xE, v8;
	_ =	sdelay $0x3  }
0x16b: {  	[tilespmem:s30+$0x8AF0] =	vst v16  }
0x16c: {  	v16 =	vld.idx.msk [tilespmem:v54+s11+$0x0], $0xffff  }
0x16d: {  	v55 =	vor.u32 $0xE, v9;
	_ =	sdelay $0x3  }
0x16e: {  	[tilespmem:s30+$0x8B00] =	vst v16  }
0x16f: {  	v16 =	vld.idx.msk [tilespmem:v55+s11+$0x0], $0xffff  }
0x170: {  	v56 =	vor.u32 $0xE, v10;
	_ =	sdelay $0x3  }
0x171: {  	[tilespmem:s30+$0x8B10] =	vst v16  }
0x172: {  	v16 =	vld.idx.msk [tilespmem:v56+s11+$0x0], $0xffff  }
0x173: {  	v57 =	vor.u32 $0xE, v11;
	_ =	sdelay $0x3  }
0x174: {  	[tilespmem:s30+$0x8B20] =	vst v16  }
0x175: {  	v16 =	vld.idx.msk [tilespmem:v57+s11+$0x0], $0xffff  }
0x176: {  	v58 =	vor.u32 $0xE, v12;
	_ =	sdelay $0x3  }
0x177: {  	[tilespmem:s30+$0x8B30] =	vst v16  }
0x178: {  	v16 =	vld.idx.msk [tilespmem:v58+s11+$0x0], $0xffff  }
0x179: {  	v59 =	vor.u32 $0xE, v13;
	_ =	sdelay $0x3  }
0x17a: {  	[tilespmem:s30+$0x8B40] =	vst v16  }
0x17b: {  	v16 =	vld.idx.msk [tilespmem:v59+s11+$0x0], $0xffff  }
0x17c: {  	v60 =	vor.u32 $0xE, v14;
	_ =	sdelay $0x3  }
0x17d: {  	[tilespmem:s30+$0x8B50] =	vst v16  }
0x17e: {  	v16 =	vld.idx.msk [tilespmem:v60+s11+$0x0], $0xffff  }
0x17f: {  	v61 =	vor.u32 $0xE, v15;
	_ =	sdelay $0x3  }
0x180: {  	[tilespmem:s30+$0x8B60] =	vst v16  }
0x181: {  	v16 =	vld.idx.msk [tilespmem:v61+s11+$0x0], $0xffff  }
0x182: {  	v62 =	vor.u32 $0xF, v8;
	_ =	sdelay $0x3  }
0x183: {  	[tilespmem:s30+$0x8B70] =	vst v16  }
0x184: {  	v16 =	vld.idx.msk [tilespmem:v62+s11+$0x0], $0xffff  }
0x185: {  	v63 =	vor.u32 $0xF, v9;
	_ =	sdelay $0x3  }
0x186: {  	[tilespmem:s30+$0x8B80] =	vst v16  }
0x187: {  	v16 =	vld.idx.msk [tilespmem:v63+s11+$0x0], $0xffff  }
0x188: {  	v20 =	vor.u32 $0xF, v10;
	_ =	sdelay $0x3  }
0x189: {  	[tilespmem:s30+$0x8B90] =	vst v16  }
0x18a: {  	v16 =	vld.idx.msk [tilespmem:v20+s11+$0x0], $0xffff  }
0x18b: {  	v21 =	vor.u32 $0xF, v11;
	_ =	sdelay $0x3  }
0x18c: {  	[tilespmem:s30+$0x8BA0] =	vst v16  }
0x18d: {  	v16 =	vld.idx.msk [tilespmem:v21+s11+$0x0], $0xffff  }
0x18e: {  	v22 =	vor.u32 $0xF, v12;
	_ =	sdelay $0x3  }
0x18f: {  	[tilespmem:s30+$0x8BB0] =	vst v16  }
0x190: {  	v16 =	vld.idx.msk [tilespmem:v22+s11+$0x0], $0xffff  }
0x191: {  	v23 =	vor.u32 $0xF, v13;
	_ =	sdelay $0x3  }
0x192: {  	[tilespmem:s30+$0x8BC0] =	vst v16  }
0x193: {  	v16 =	vld.idx.msk [tilespmem:v23+s11+$0x0], $0xffff  }
0x194: {  	v24 =	vor.u32 $0xF, v14;
	_ =	sdelay $0x3  }
0x195: {  	[tilespmem:s30+$0x8BD0] =	vst v16  }
0x196: {  	v16 =	vld.idx.msk [tilespmem:v24+s11+$0x0], $0xffff  }
0x197: {  	v25 =	vor.u32 $0xF, v15;
	_ =	sdelay $0x3  }
0x198: {  	[tilespmem:s30+$0x8BE0] =	vst v16  }
0x199: {  	v16 =	vld.idx.msk [tilespmem:v25+s11+$0x0], $0xffff  }
0x19a: {  	v26 =	vor.u32 $0x10, v8;
	_ =	sdelay $0x3  }
0x19b: {  	[tilespmem:s30+$0x8BF0] =	vst v16  }
0x19c: {  	v16 =	vld.idx.msk [tilespmem:v26+s11+$0x0], $0xffff  }
0x19d: {  	v27 =	vor.u32 $0x10, v9;
	_ =	sdelay $0x3  }
0x19e: {  	[tilespmem:s30+$0x8C00] =	vst v16  }
0x19f: {  	v16 =	vld.idx.msk [tilespmem:v27+s11+$0x0], $0xffff  }
0x1a0: {  	v28 =	vor.u32 $0x10, v10;
	_ =	sdelay $0x3  }
0x1a1: {  	[tilespmem:s30+$0x8C10] =	vst v16  }
0x1a2: {  	v16 =	vld.idx.msk [tilespmem:v28+s11+$0x0], $0xffff  }
0x1a3: {  	v29 =	vor.u32 $0x10, v11;
	_ =	sdelay $0x3  }
0x1a4: {  	[tilespmem:s30+$0x8C20] =	vst v16  }
0x1a5: {  	v16 =	vld.idx.msk [tilespmem:v29+s11+$0x0], $0xffff  }
0x1a6: {  	v30 =	vor.u32 $0x10, v12;
	_ =	sdelay $0x3  }
0x1a7: {  	[tilespmem:s30+$0x8C30] =	vst v16  }
0x1a8: {  	v16 =	vld.idx.msk [tilespmem:v30+s11+$0x0], $0xffff  }
0x1a9: {  	v31 =	vor.u32 $0x10, v13;
	_ =	sdelay $0x3  }
0x1aa: {  	[tilespmem:s30+$0x8C40] =	vst v16  }
0x1ab: {  	v16 =	vld.idx.msk [tilespmem:v31+s11+$0x0], $0xffff  }
0x1ac: {  	v32 =	vor.u32 $0x10, v14;
	_ =	sdelay $0x3  }
0x1ad: {  	[tilespmem:s30+$0x8C50] =	vst v16  }
0x1ae: {  	v16 =	vld.idx.msk [tilespmem:v32+s11+$0x0], $0xffff  }
0x1af: {  	v33 =	vor.u32 $0x10, v15;
	_ =	sdelay $0x3  }
0x1b0: {  	[tilespmem:s30+$0x8C60] =	vst v16  }
0x1b1: {  	v16 =	vld.idx.msk [tilespmem:v33+s11+$0x0], $0xffff  }
0x1b2: {  	v34 =	vor.u32 $0x11, v8;
	_ =	sdelay $0x3  }
0x1b3: {  	[tilespmem:s30+$0x8C70] =	vst v16  }
0x1b4: {  	v16 =	vld.idx.msk [tilespmem:v34+s11+$0x0], $0xffff  }
0x1b5: {  	v35 =	vor.u32 $0x11, v9;
	_ =	sdelay $0x3  }
0x1b6: {  	[tilespmem:s30+$0x8C80] =	vst v16  }
0x1b7: {  	v16 =	vld.idx.msk [tilespmem:v35+s11+$0x0], $0xffff  }
0x1b8: {  	v36 =	vor.u32 $0x11, v10;
	_ =	sdelay $0x3  }
0x1b9: {  	[tilespmem:s30+$0x8C90] =	vst v16  }
0x1ba: {  	v16 =	vld.idx.msk [tilespmem:v36+s11+$0x0], $0xffff  }
0x1bb: {  	v37 =	vor.u32 $0x11, v11;
	_ =	sdelay $0x3  }
0x1bc: {  	[tilespmem:s30+$0x8CA0] =	vst v16  }
0x1bd: {  	v16 =	vld.idx.msk [tilespmem:v37+s11+$0x0], $0xffff  }
0x1be: {  	v38 =	vor.u32 $0x11, v12;
	_ =	sdelay $0x3  }
0x1bf: {  	[tilespmem:s30+$0x8CB0] =	vst v16  }
0x1c0: {  	v16 =	vld.idx.msk [tilespmem:v38+s11+$0x0], $0xffff  }
0x1c1: {  	v39 =	vor.u32 $0x11, v13;
	_ =	sdelay $0x3  }
0x1c2: {  	[tilespmem:s30+$0x8CC0] =	vst v16  }
0x1c3: {  	v16 =	vld.idx.msk [tilespmem:v39+s11+$0x0], $0xffff  }
0x1c4: {  	v40 =	vor.u32 $0x11, v14;
	_ =	sdelay $0x3  }
0x1c5: {  	[tilespmem:s30+$0x8CD0] =	vst v16  }
0x1c6: {  	v16 =	vld.idx.msk [tilespmem:v40+s11+$0x0], $0xffff  }
0x1c7: {  	v41 =	vor.u32 $0x11, v15;
	_ =	sdelay $0x3  }
0x1c8: {  	[tilespmem:s30+$0x8CE0] =	vst v16  }
0x1c9: {  	v16 =	vld.idx.msk [tilespmem:v41+s11+$0x0], $0xffff  }
0x1ca: {  	v42 =	vor.u32 $0x12, v8;
	_ =	sdelay $0x3  }
0x1cb: {  	[tilespmem:s30+$0x8CF0] =	vst v16  }
0x1cc: {  	v16 =	vld.idx.msk [tilespmem:v42+s11+$0x0], $0xffff  }
0x1cd: {  	v43 =	vor.u32 $0x12, v9;
	_ =	sdelay $0x3  }
0x1ce: {  	[tilespmem:s30+$0x8D00] =	vst v16  }
0x1cf: {  	v16 =	vld.idx.msk [tilespmem:v43+s11+$0x0], $0xffff  }
0x1d0: {  	v44 =	vor.u32 $0x12, v10;
	_ =	sdelay $0x3  }
0x1d1: {  	[tilespmem:s30+$0x8D10] =	vst v16  }
0x1d2: {  	v16 =	vld.idx.msk [tilespmem:v44+s11+$0x0], $0xffff  }
0x1d3: {  	v45 =	vor.u32 $0x12, v11;
	_ =	sdelay $0x3  }
0x1d4: {  	[tilespmem:s30+$0x8D20] =	vst v16  }
0x1d5: {  	v16 =	vld.idx.msk [tilespmem:v45+s11+$0x0], $0xffff  }
0x1d6: {  	v46 =	vor.u32 $0x12, v12;
	_ =	sdelay $0x3  }
0x1d7: {  	[tilespmem:s30+$0x8D30] =	vst v16  }
0x1d8: {  	v16 =	vld.idx.msk [tilespmem:v46+s11+$0x0], $0xffff  }
0x1d9: {  	v47 =	vor.u32 $0x12, v13;
	_ =	sdelay $0x3  }
0x1da: {  	[tilespmem:s30+$0x8D40] =	vst v16  }
0x1db: {  	v16 =	vld.idx.msk [tilespmem:v47+s11+$0x0], $0xffff  }
0x1dc: {  	v48 =	vor.u32 $0x12, v14;
	_ =	sdelay $0x3  }
0x1dd: {  	[tilespmem:s30+$0x8D50] =	vst v16  }
0x1de: {  	v16 =	vld.idx.msk [tilespmem:v48+s11+$0x0], $0xffff  }
0x1df: {  	v49 =	vor.u32 $0x12, v15;
	_ =	sdelay $0x3  }
0x1e0: {  	[tilespmem:s30+$0x8D60] =	vst v16  }
0x1e1: {  	v16 =	vld.idx.msk [tilespmem:v49+s11+$0x0], $0xffff  }
0x1e2: {  	v50 =	vor.u32 $0x13, v8;
	_ =	sdelay $0x3  }
0x1e3: {  	[tilespmem:s30+$0x8D70] =	vst v16  }
0x1e4: {  	v16 =	vld.idx.msk [tilespmem:v50+s11+$0x0], $0xffff  }
0x1e5: {  	v51 =	vor.u32 $0x13, v9;
	_ =	sdelay $0x3  }
0x1e6: {  	[tilespmem:s30+$0x8D80] =	vst v16  }
0x1e7: {  	v16 =	vld.idx.msk [tilespmem:v51+s11+$0x0], $0xffff  }
0x1e8: {  	v52 =	vor.u32 $0x13, v10;
	_ =	sdelay $0x3  }
0x1e9: {  	[tilespmem:s30+$0x8D90] =	vst v16  }
0x1ea: {  	v16 =	vld.idx.msk [tilespmem:v52+s11+$0x0], $0xffff  }
0x1eb: {  	v53 =	vor.u32 $0x13, v11;
	_ =	sdelay $0x3  }
0x1ec: {  	[tilespmem:s30+$0x8DA0] =	vst v16  }
0x1ed: {  	v16 =	vld.idx.msk [tilespmem:v53+s11+$0x0], $0xffff  }
0x1ee: {  	v54 =	vor.u32 $0x13, v12;
	_ =	sdelay $0x3  }
0x1ef: {  	[tilespmem:s30+$0x8DB0] =	vst v16  }
0x1f0: {  	v16 =	vld.idx.msk [tilespmem:v54+s11+$0x0], $0xffff  }
0x1f1: {  	v55 =	vor.u32 $0x13, v13;
	_ =	sdelay $0x3  }
0x1f2: {  	[tilespmem:s30+$0x8DC0] =	vst v16  }
0x1f3: {  	v16 =	vld.idx.msk [tilespmem:v55+s11+$0x0], $0xffff  }
0x1f4: {  	v56 =	vor.u32 $0x13, v14;
	_ =	sdelay $0x3  }
0x1f5: {  	[tilespmem:s30+$0x8DD0] =	vst v16  }
0x1f6: {  	v16 =	vld.idx.msk [tilespmem:v56+s11+$0x0], $0xffff  }
0x1f7: {  	v57 =	vor.u32 $0x13, v15;
	_ =	sdelay $0x3  }
0x1f8: {  	[tilespmem:s30+$0x8DE0] =	vst v16  }
0x1f9: {  	v16 =	vld.idx.msk [tilespmem:v57+s11+$0x0], $0xffff  }
0x1fa: {  	v58 =	vor.u32 $0x14, v8;
	_ =	sdelay $0x3  }
0x1fb: {  	[tilespmem:s30+$0x8DF0] =	vst v16  }
0x1fc: {  	v16 =	vld.idx.msk [tilespmem:v58+s11+$0x0], $0xffff  }
0x1fd: {  	v59 =	vor.u32 $0x14, v9;
	_ =	sdelay $0x3  }
0x1fe: {  	[tilespmem:s30+$0x8E00] =	vst v16  }
0x1ff: {  	v16 =	vld.idx.msk [tilespmem:v59+s11+$0x0], $0xffff  }
0x200: {  	v60 =	vor.u32 $0x14, v10;
	_ =	sdelay $0x3  }
0x201: {  	[tilespmem:s30+$0x8E10] =	vst v16  }
0x202: {  	v16 =	vld.idx.msk [tilespmem:v60+s11+$0x0], $0xffff  }
0x203: {  	v61 =	vor.u32 $0x14, v11;
	_ =	sdelay $0x3  }
0x204: {  	[tilespmem:s30+$0x8E20] =	vst v16  }
0x205: {  	v16 =	vld.idx.msk [tilespmem:v61+s11+$0x0], $0xffff  }
0x206: {  	v62 =	vor.u32 $0x14, v12;
	_ =	sdelay $0x3  }
0x207: {  	[tilespmem:s30+$0x8E30] =	vst v16  }
0x208: {  	v16 =	vld.idx.msk [tilespmem:v62+s11+$0x0], $0xffff  }
0x209: {  	v63 =	vor.u32 $0x14, v13;
	_ =	sdelay $0x3  }
0x20a: {  	[tilespmem:s30+$0x8E40] =	vst v16  }
0x20b: {  	v16 =	vld.idx.msk [tilespmem:v63+s11+$0x0], $0xffff  }
0x20c: {  	v20 =	vor.u32 $0x14, v14;
	_ =	sdelay $0x3  }
0x20d: {  	[tilespmem:s30+$0x8E50] =	vst v16  }
0x20e: {  	v16 =	vld.idx.msk [tilespmem:v20+s11+$0x0], $0xffff  }
0x20f: {  	v21 =	vor.u32 $0x14, v15;
	_ =	sdelay $0x3  }
0x210: {  	[tilespmem:s30+$0x8E60] =	vst v16  }
0x211: {  	v16 =	vld.idx.msk [tilespmem:v21+s11+$0x0], $0xffff  }
0x212: {  	v22 =	vor.u32 $0x15, v8;
	_ =	sdelay $0x3  }
0x213: {  	[tilespmem:s30+$0x8E70] =	vst v16  }
0x214: {  	v16 =	vld.idx.msk [tilespmem:v22+s11+$0x0], $0xffff  }
0x215: {  	v23 =	vor.u32 $0x15, v9;
	_ =	sdelay $0x3  }
0x216: {  	[tilespmem:s30+$0x8E80] =	vst v16  }
0x217: {  	v16 =	vld.idx.msk [tilespmem:v23+s11+$0x0], $0xffff  }
0x218: {  	v24 =	vor.u32 $0x15, v10;
	_ =	sdelay $0x3  }
0x219: {  	[tilespmem:s30+$0x8E90] =	vst v16  }
0x21a: {  	v16 =	vld.idx.msk [tilespmem:v24+s11+$0x0], $0xffff  }
0x21b: {  	v25 =	vor.u32 $0x15, v11;
	_ =	sdelay $0x3  }
0x21c: {  	[tilespmem:s30+$0x8EA0] =	vst v16  }
0x21d: {  	v16 =	vld.idx.msk [tilespmem:v25+s11+$0x0], $0xffff  }
0x21e: {  	v26 =	vor.u32 $0x15, v12;
	_ =	sdelay $0x3  }
0x21f: {  	[tilespmem:s30+$0x8EB0] =	vst v16  }
0x220: {  	v16 =	vld.idx.msk [tilespmem:v26+s11+$0x0], $0xffff  }
0x221: {  	v27 =	vor.u32 $0x15, v13;
	_ =	sdelay $0x3  }
0x222: {  	[tilespmem:s30+$0x8EC0] =	vst v16  }
0x223: {  	v16 =	vld.idx.msk [tilespmem:v27+s11+$0x0], $0xffff  }
0x224: {  	v28 =	vor.u32 $0x15, v14;
	_ =	sdelay $0x3  }
0x225: {  	[tilespmem:s30+$0x8ED0] =	vst v16  }
0x226: {  	v16 =	vld.idx.msk [tilespmem:v28+s11+$0x0], $0xffff  }
0x227: {  	v29 =	vor.u32 $0x15, v15;
	_ =	sdelay $0x3  }
0x228: {  	[tilespmem:s30+$0x8EE0] =	vst v16  }
0x229: {  	v16 =	vld.idx.msk [tilespmem:v29+s11+$0x0], $0xffff  }
0x22a: {  	v30 =	vor.u32 $0x16, v8;
	_ =	sdelay $0x3  }
0x22b: {  	[tilespmem:s30+$0x8EF0] =	vst v16  }
0x22c: {  	v16 =	vld.idx.msk [tilespmem:v30+s11+$0x0], $0xffff  }
0x22d: {  	v31 =	vor.u32 $0x16, v9;
	_ =	sdelay $0x3  }
0x22e: {  	[tilespmem:s30+$0x8F00] =	vst v16  }
0x22f: {  	v16 =	vld.idx.msk [tilespmem:v31+s11+$0x0], $0xffff  }
0x230: {  	v32 =	vor.u32 $0x16, v10;
	_ =	sdelay $0x3  }
0x231: {  	[tilespmem:s30+$0x8F10] =	vst v16  }
0x232: {  	v16 =	vld.idx.msk [tilespmem:v32+s11+$0x0], $0xffff  }
0x233: {  	v33 =	vor.u32 $0x16, v11;
	_ =	sdelay $0x3  }
0x234: {  	[tilespmem:s30+$0x8F20] =	vst v16  }
0x235: {  	v16 =	vld.idx.msk [tilespmem:v33+s11+$0x0], $0xffff  }
0x236: {  	v34 =	vor.u32 $0x16, v12;
	_ =	sdelay $0x3  }
0x237: {  	[tilespmem:s30+$0x8F30] =	vst v16  }
0x238: {  	v16 =	vld.idx.msk [tilespmem:v34+s11+$0x0], $0xffff  }
0x239: {  	v35 =	vor.u32 $0x16, v13;
	_ =	sdelay $0x3  }
0x23a: {  	[tilespmem:s30+$0x8F40] =	vst v16  }
0x23b: {  	v16 =	vld.idx.msk [tilespmem:v35+s11+$0x0], $0xffff  }
0x23c: {  	v36 =	vor.u32 $0x16, v14;
	_ =	sdelay $0x3  }
0x23d: {  	[tilespmem:s30+$0x8F50] =	vst v16  }
0x23e: {  	v16 =	vld.idx.msk [tilespmem:v36+s11+$0x0], $0xffff  }
0x23f: {  	v37 =	vor.u32 $0x16, v15;
	_ =	sdelay $0x3  }
0x240: {  	[tilespmem:s30+$0x8F60] =	vst v16  }
0x241: {  	v16 =	vld.idx.msk [tilespmem:v37+s11+$0x0], $0xffff  }
0x242: {  	v38 =	vor.u32 $0x17, v8;
	_ =	sdelay $0x3  }
0x243: {  	[tilespmem:s30+$0x8F70] =	vst v16  }
0x244: {  	v16 =	vld.idx.msk [tilespmem:v38+s11+$0x0], $0xffff  }
0x245: {  	v39 =	vor.u32 $0x17, v9;
	_ =	sdelay $0x3  }
0x246: {  	[tilespmem:s30+$0x8F80] =	vst v16  }
0x247: {  	v16 =	vld.idx.msk [tilespmem:v39+s11+$0x0], $0xffff  }
0x248: {  	v40 =	vor.u32 $0x17, v10;
	_ =	sdelay $0x3  }
0x249: {  	[tilespmem:s30+$0x8F90] =	vst v16  }
0x24a: {  	v16 =	vld.idx.msk [tilespmem:v40+s11+$0x0], $0xffff  }
0x24b: {  	v41 =	vor.u32 $0x17, v11;
	_ =	sdelay $0x3  }
0x24c: {  	[tilespmem:s30+$0x8FA0] =	vst v16  }
0x24d: {  	v16 =	vld.idx.msk [tilespmem:v41+s11+$0x0], $0xffff  }
0x24e: {  	v42 =	vor.u32 $0x17, v12;
	_ =	sdelay $0x3  }
0x24f: {  	[tilespmem:s30+$0x8FB0] =	vst v16  }
0x250: {  	v16 =	vld.idx.msk [tilespmem:v42+s11+$0x0], $0xffff  }
0x251: {  	v43 =	vor.u32 $0x17, v13;
	_ =	sdelay $0x3  }
0x252: {  	[tilespmem:s30+$0x8FC0] =	vst v16  }
0x253: {  	v16 =	vld.idx.msk [tilespmem:v43+s11+$0x0], $0xffff  }
0x254: {  	v44 =	vor.u32 $0x17, v14;
	_ =	sdelay $0x3  }
0x255: {  	[tilespmem:s30+$0x8FD0] =	vst v16  }
0x256: {  	v16 =	vld.idx.msk [tilespmem:v44+s11+$0x0], $0xffff  }
0x257: {  	v45 =	vor.u32 $0x17, v15;
	_ =	sdelay $0x3  }
0x258: {  	[tilespmem:s30+$0x8FE0] =	vst v16  }
0x259: {  	v16 =	vld.idx.msk [tilespmem:v45+s11+$0x0], $0xffff  }
0x25a: {  	v46 =	vor.u32 $0x18, v8;
	_ =	sdelay $0x3  }
0x25b: {  	[tilespmem:s30+$0x8FF0] =	vst v16  }
0x25c: {  	v16 =	vld.idx.msk [tilespmem:v46+s11+$0x0], $0xffff  }
0x25d: {  	v47 =	vor.u32 $0x18, v9;
	_ =	sdelay $0x3  }
0x25e: {  	[tilespmem:s30+$0x9000] =	vst v16  }
0x25f: {  	v16 =	vld.idx.msk [tilespmem:v47+s11+$0x0], $0xffff  }
0x260: {  	v48 =	vor.u32 $0x18, v10;
	_ =	sdelay $0x3  }
0x261: {  	[tilespmem:s30+$0x9010] =	vst v16  }
0x262: {  	v16 =	vld.idx.msk [tilespmem:v48+s11+$0x0], $0xffff  }
0x263: {  	v49 =	vor.u32 $0x18, v11;
	_ =	sdelay $0x3  }
0x264: {  	[tilespmem:s30+$0x9020] =	vst v16  }
0x265: {  	v16 =	vld.idx.msk [tilespmem:v49+s11+$0x0], $0xffff  }
0x266: {  	v50 =	vor.u32 $0x18, v12;
	_ =	sdelay $0x3  }
0x267: {  	[tilespmem:s30+$0x9030] =	vst v16  }
0x268: {  	v16 =	vld.idx.msk [tilespmem:v50+s11+$0x0], $0xffff  }
0x269: {  	v51 =	vor.u32 $0x18, v13;
	_ =	sdelay $0x3  }
0x26a: {  	[tilespmem:s30+$0x9040] =	vst v16  }
0x26b: {  	v16 =	vld.idx.msk [tilespmem:v51+s11+$0x0], $0xffff  }
0x26c: {  	v52 =	vor.u32 $0x18, v14;
	_ =	sdelay $0x3  }
0x26d: {  	[tilespmem:s30+$0x9050] =	vst v16  }
0x26e: {  	v16 =	vld.idx.msk [tilespmem:v52+s11+$0x0], $0xffff  }
0x26f: {  	v53 =	vor.u32 $0x18, v15;
	_ =	sdelay $0x3  }
0x270: {  	[tilespmem:s30+$0x9060] =	vst v16  }
0x271: {  	v16 =	vld.idx.msk [tilespmem:v53+s11+$0x0], $0xffff  }
0x272: {  	v54 =	vor.u32 $0x19, v8;
	_ =	sdelay $0x3  }
0x273: {  	[tilespmem:s30+$0x9070] =	vst v16  }
0x274: {  	v16 =	vld.idx.msk [tilespmem:v54+s11+$0x0], $0xffff  }
0x275: {  	v55 =	vor.u32 $0x19, v9;
	_ =	sdelay $0x3  }
0x276: {  	[tilespmem:s30+$0x9080] =	vst v16  }
0x277: {  	v16 =	vld.idx.msk [tilespmem:v55+s11+$0x0], $0xffff  }
0x278: {  	v56 =	vor.u32 $0x19, v10;
	_ =	sdelay $0x3  }
0x279: {  	[tilespmem:s30+$0x9090] =	vst v16  }
0x27a: {  	v16 =	vld.idx.msk [tilespmem:v56+s11+$0x0], $0xffff  }
0x27b: {  	v57 =	vor.u32 $0x19, v11;
	_ =	sdelay $0x3  }
0x27c: {  	[tilespmem:s30+$0x90A0] =	vst v16  }
0x27d: {  	v16 =	vld.idx.msk [tilespmem:v57+s11+$0x0], $0xffff  }
0x27e: {  	v58 =	vor.u32 $0x19, v12;
	_ =	sdelay $0x3  }
0x27f: {  	[tilespmem:s30+$0x90B0] =	vst v16  }
0x280: {  	v16 =	vld.idx.msk [tilespmem:v58+s11+$0x0], $0xffff  }
0x281: {  	v59 =	vor.u32 $0x19, v13;
	_ =	sdelay $0x3  }
0x282: {  	[tilespmem:s30+$0x90C0] =	vst v16  }
0x283: {  	v16 =	vld.idx.msk [tilespmem:v59+s11+$0x0], $0xffff  }
0x284: {  	v60 =	vor.u32 $0x19, v14;
	_ =	sdelay $0x3  }
0x285: {  	[tilespmem:s30+$0x90D0] =	vst v16  }
0x286: {  	v16 =	vld.idx.msk [tilespmem:v60+s11+$0x0], $0xffff  }
0x287: {  	v61 =	vor.u32 $0x19, v15;
	_ =	sdelay $0x3  }
0x288: {  	[tilespmem:s30+$0x90E0] =	vst v16  }
0x289: {  	v16 =	vld.idx.msk [tilespmem:v61+s11+$0x0], $0xffff  }
0x28a: {  	v62 =	vor.u32 $0x1A, v8;
	_ =	sdelay $0x3  }
0x28b: {  	[tilespmem:s30+$0x90F0] =	vst v16  }
0x28c: {  	v16 =	vld.idx.msk [tilespmem:v62+s11+$0x0], $0xffff  }
0x28d: {  	v63 =	vor.u32 $0x1A, v9;
	_ =	sdelay $0x3  }
0x28e: {  	[tilespmem:s30+$0x9100] =	vst v16  }
0x28f: {  	v16 =	vld.idx.msk [tilespmem:v63+s11+$0x0], $0xffff  }
0x290: {  	v20 =	vor.u32 $0x1A, v10;
	_ =	sdelay $0x3  }
0x291: {  	[tilespmem:s30+$0x9110] =	vst v16  }
0x292: {  	v16 =	vld.idx.msk [tilespmem:v20+s11+$0x0], $0xffff  }
0x293: {  	v21 =	vor.u32 $0x1A, v11;
	_ =	sdelay $0x3  }
0x294: {  	[tilespmem:s30+$0x9120] =	vst v16  }
0x295: {  	v16 =	vld.idx.msk [tilespmem:v21+s11+$0x0], $0xffff  }
0x296: {  	v22 =	vor.u32 $0x1A, v12;
	_ =	sdelay $0x3  }
0x297: {  	[tilespmem:s30+$0x9130] =	vst v16  }
0x298: {  	v16 =	vld.idx.msk [tilespmem:v22+s11+$0x0], $0xffff  }
0x299: {  	v23 =	vor.u32 $0x1A, v13;
	_ =	sdelay $0x3  }
0x29a: {  	[tilespmem:s30+$0x9140] =	vst v16  }
0x29b: {  	v16 =	vld.idx.msk [tilespmem:v23+s11+$0x0], $0xffff  }
0x29c: {  	v24 =	vor.u32 $0x1A, v14;
	_ =	sdelay $0x3  }
0x29d: {  	[tilespmem:s30+$0x9150] =	vst v16  }
0x29e: {  	v16 =	vld.idx.msk [tilespmem:v24+s11+$0x0], $0xffff  }
0x29f: {  	v25 =	vor.u32 $0x1A, v15;
	_ =	sdelay $0x3  }
0x2a0: {  	[tilespmem:s30+$0x9160] =	vst v16  }
0x2a1: {  	v16 =	vld.idx.msk [tilespmem:v25+s11+$0x0], $0xffff  }
0x2a2: {  	v26 =	vor.u32 $0x1B, v8;
	_ =	sdelay $0x3  }
0x2a3: {  	[tilespmem:s30+$0x9170] =	vst v16  }
0x2a4: {  	v16 =	vld.idx.msk [tilespmem:v26+s11+$0x0], $0xffff  }
0x2a5: {  	v27 =	vor.u32 $0x1B, v9;
	_ =	sdelay $0x3  }
0x2a6: {  	[tilespmem:s30+$0x9180] =	vst v16  }
0x2a7: {  	v16 =	vld.idx.msk [tilespmem:v27+s11+$0x0], $0xffff  }
0x2a8: {  	v28 =	vor.u32 $0x1B, v10;
	_ =	sdelay $0x3  }
0x2a9: {  	[tilespmem:s30+$0x9190] =	vst v16  }
0x2aa: {  	v16 =	vld.idx.msk [tilespmem:v28+s11+$0x0], $0xffff  }
0x2ab: {  	v29 =	vor.u32 $0x1B, v11;
	_ =	sdelay $0x3  }
0x2ac: {  	[tilespmem:s30+$0x91A0] =	vst v16  }
0x2ad: {  	v16 =	vld.idx.msk [tilespmem:v29+s11+$0x0], $0xffff  }
0x2ae: {  	v30 =	vor.u32 $0x1B, v12;
	_ =	sdelay $0x3  }
0x2af: {  	[tilespmem:s30+$0x91B0] =	vst v16  }
0x2b0: {  	v16 =	vld.idx.msk [tilespmem:v30+s11+$0x0], $0xffff  }
0x2b1: {  	v31 =	vor.u32 $0x1B, v13;
	_ =	sdelay $0x3  }
0x2b2: {  	[tilespmem:s30+$0x91C0] =	vst v16  }
0x2b3: {  	v16 =	vld.idx.msk [tilespmem:v31+s11+$0x0], $0xffff  }
0x2b4: {  	v32 =	vor.u32 $0x1B, v14;
	_ =	sdelay $0x3  }
0x2b5: {  	[tilespmem:s30+$0x91D0] =	vst v16  }
0x2b6: {  	v16 =	vld.idx.msk [tilespmem:v32+s11+$0x0], $0xffff  }
0x2b7: {  	v33 =	vor.u32 $0x1B, v15;
	_ =	sdelay $0x3  }
0x2b8: {  	[tilespmem:s30+$0x91E0] =	vst v16  }
0x2b9: {  	v16 =	vld.idx.msk [tilespmem:v33+s11+$0x0], $0xffff  }
0x2ba: {  	v34 =	vor.u32 $0x1C, v8;
	_ =	sdelay $0x3  }
0x2bb: {  	[tilespmem:s30+$0x91F0] =	vst v16  }
0x2bc: {  	v16 =	vld.idx.msk [tilespmem:v34+s11+$0x0], $0xffff  }
0x2bd: {  	v35 =	vor.u32 $0x1C, v9;
	_ =	sdelay $0x3  }
0x2be: {  	[tilespmem:s30+$0x9200] =	vst v16  }
0x2bf: {  	v16 =	vld.idx.msk [tilespmem:v35+s11+$0x0], $0xffff  }
0x2c0: {  	v36 =	vor.u32 $0x1C, v10;
	_ =	sdelay $0x3  }
0x2c1: {  	[tilespmem:s30+$0x9210] =	vst v16  }
0x2c2: {  	v16 =	vld.idx.msk [tilespmem:v36+s11+$0x0], $0xffff  }
0x2c3: {  	v37 =	vor.u32 $0x1C, v11;
	_ =	sdelay $0x3  }
0x2c4: {  	[tilespmem:s30+$0x9220] =	vst v16  }
0x2c5: {  	v16 =	vld.idx.msk [tilespmem:v37+s11+$0x0], $0xffff  }
0x2c6: {  	v38 =	vor.u32 $0x1C, v12;
	_ =	sdelay $0x3  }
0x2c7: {  	[tilespmem:s30+$0x9230] =	vst v16  }
0x2c8: {  	v16 =	vld.idx.msk [tilespmem:v38+s11+$0x0], $0xffff  }
0x2c9: {  	v39 =	vor.u32 $0x1C, v13;
	_ =	sdelay $0x3  }
0x2ca: {  	[tilespmem:s30+$0x9240] =	vst v16  }
0x2cb: {  	v16 =	vld.idx.msk [tilespmem:v39+s11+$0x0], $0xffff  }
0x2cc: {  	v40 =	vor.u32 $0x1C, v14;
	_ =	sdelay $0x3  }
0x2cd: {  	[tilespmem:s30+$0x9250] =	vst v16  }
0x2ce: {  	v16 =	vld.idx.msk [tilespmem:v40+s11+$0x0], $0xffff  }
0x2cf: {  	v41 =	vor.u32 $0x1C, v15;
	_ =	sdelay $0x3  }
0x2d0: {  	[tilespmem:s30+$0x9260] =	vst v16  }
0x2d1: {  	v16 =	vld.idx.msk [tilespmem:v41+s11+$0x0], $0xffff  }
0x2d2: {  	v42 =	vor.u32 $0x1D, v8;
	_ =	sdelay $0x3  }
0x2d3: {  	[tilespmem:s30+$0x9270] =	vst v16  }
0x2d4: {  	v16 =	vld.idx.msk [tilespmem:v42+s11+$0x0], $0xffff  }
0x2d5: {  	v43 =	vor.u32 $0x1D, v9;
	_ =	sdelay $0x3  }
0x2d6: {  	[tilespmem:s30+$0x9280] =	vst v16  }
0x2d7: {  	v16 =	vld.idx.msk [tilespmem:v43+s11+$0x0], $0xffff  }
0x2d8: {  	v44 =	vor.u32 $0x1D, v10;
	_ =	sdelay $0x3  }
0x2d9: {  	[tilespmem:s30+$0x9290] =	vst v16  }
0x2da: {  	v16 =	vld.idx.msk [tilespmem:v44+s11+$0x0], $0xffff  }
0x2db: {  	v45 =	vor.u32 $0x1D, v11;
	_ =	sdelay $0x3  }
0x2dc: {  	[tilespmem:s30+$0x92A0] =	vst v16  }
0x2dd: {  	v16 =	vld.idx.msk [tilespmem:v45+s11+$0x0], $0xffff  }
0x2de: {  	v46 =	vor.u32 $0x1D, v12;
	_ =	sdelay $0x3  }
0x2df: {  	[tilespmem:s30+$0x92B0] =	vst v16  }
0x2e0: {  	v16 =	vld.idx.msk [tilespmem:v46+s11+$0x0], $0xffff  }
0x2e1: {  	v47 =	vor.u32 $0x1D, v13;
	_ =	sdelay $0x3  }
0x2e2: {  	[tilespmem:s30+$0x92C0] =	vst v16  }
0x2e3: {  	v16 =	vld.idx.msk [tilespmem:v47+s11+$0x0], $0xffff  }
0x2e4: {  	v48 =	vor.u32 $0x1D, v14;
	_ =	sdelay $0x3  }
0x2e5: {  	[tilespmem:s30+$0x92D0] =	vst v16  }
0x2e6: {  	v16 =	vld.idx.msk [tilespmem:v48+s11+$0x0], $0xffff  }
0x2e7: {  	v49 =	vor.u32 $0x1D, v15;
	_ =	sdelay $0x3  }
0x2e8: {  	[tilespmem:s30+$0x92E0] =	vst v16  }
0x2e9: {  	v16 =	vld.idx.msk [tilespmem:v49+s11+$0x0], $0xffff  }
0x2ea: {  	v50 =	vor.u32 $0x1E, v8;
	_ =	sdelay $0x3  }
0x2eb: {  	[tilespmem:s30+$0x92F0] =	vst v16  }
0x2ec: {  	v16 =	vld.idx.msk [tilespmem:v50+s11+$0x0], $0xffff  }
0x2ed: {  	v51 =	vor.u32 $0x1E, v9;
	_ =	sdelay $0x3  }
0x2ee: {  	[tilespmem:s30+$0x9300] =	vst v16  }
0x2ef: {  	v16 =	vld.idx.msk [tilespmem:v51+s11+$0x0], $0xffff  }
0x2f0: {  	v52 =	vor.u32 $0x1E, v10;
	_ =	sdelay $0x3  }
0x2f1: {  	[tilespmem:s30+$0x9310] =	vst v16  }
0x2f2: {  	v16 =	vld.idx.msk [tilespmem:v52+s11+$0x0], $0xffff  }
0x2f3: {  	v53 =	vor.u32 $0x1E, v11;
	_ =	sdelay $0x3  }
0x2f4: {  	[tilespmem:s30+$0x9320] =	vst v16  }
0x2f5: {  	v16 =	vld.idx.msk [tilespmem:v53+s11+$0x0], $0xffff  }
0x2f6: {  	v54 =	vor.u32 $0x1E, v12;
	_ =	sdelay $0x3  }
0x2f7: {  	[tilespmem:s30+$0x9330] =	vst v16  }
0x2f8: {  	v16 =	vld.idx.msk [tilespmem:v54+s11+$0x0], $0xffff  }
0x2f9: {  	v55 =	vor.u32 $0x1E, v13;
	_ =	sdelay $0x3  }
0x2fa: {  	[tilespmem:s30+$0x9340] =	vst v16  }
0x2fb: {  	v16 =	vld.idx.msk [tilespmem:v55+s11+$0x0], $0xffff  }
0x2fc: {  	v56 =	vor.u32 $0x1E, v14;
	_ =	sdelay $0x3  }
0x2fd: {  	[tilespmem:s30+$0x9350] =	vst v16  }
0x2fe: {  	v16 =	vld.idx.msk [tilespmem:v56+s11+$0x0], $0xffff  }
0x2ff: {  	v57 =	vor.u32 $0x1E, v15;
	_ =	sdelay $0x3  }
0x300: {  	[tilespmem:s30+$0x9360] =	vst v16  }
0x301: {  	v16 =	vld.idx.msk [tilespmem:v57+s11+$0x0], $0xffff  }
0x302: {  	v8 =	vor.u32 $0x1F, v8;
	_ =	sdelay $0x3  }
0x303: {  	[tilespmem:s30+$0x9370] =	vst v16  }
0x304: {  	v8 =	vld.idx.msk [tilespmem:v8+s11+$0x0], $0xffff  }
0x305: {  	v9 =	vor.u32 $0x1F, v9;
	_ =	sdelay $0x3  }
0x306: {  	[tilespmem:s30+$0x9380] =	vst v8  }
0x307: {  	v8 =	vld.idx.msk [tilespmem:v9+s11+$0x0], $0xffff  }
0x308: {  	v58 =	vor.u32 $0x1F, v10;
	_ =	sdelay $0x3  }
0x309: {  	[tilespmem:s30+$0x9390] =	vst v8  }
0x30a: {  	v8 =	vld.idx.msk [tilespmem:v58+s11+$0x0], $0xffff  }
0x30b: {  	v59 =	vor.u32 $0x1F, v11;
	_ =	sdelay $0x3  }
0x30c: {  	[tilespmem:s30+$0x93A0] =	vst v8  }
0x30d: {  	v8 =	vld.idx.msk [tilespmem:v59+s11+$0x0], $0xffff  }
0x30e: {  	v60 =	vor.u32 $0x1F, v12;
	_ =	sdelay $0x3  }
0x30f: {  	[tilespmem:s30+$0x93B0] =	vst v8  }
0x310: {  	v8 =	vld.idx.msk [tilespmem:v60+s11+$0x0], $0xffff  }
0x311: {  	v61 =	vor.u32 $0x1F, v13;
	_ =	sdelay $0x3  }
0x312: {  	[tilespmem:s30+$0x93C0] =	vst v8  }
0x313: {  	v8 =	vld.idx.msk [tilespmem:v61+s11+$0x0], $0xffff  }
0x314: {  	v62 =	vor.u32 $0x1F, v14;
	_ =	sdelay $0x3  }
0x315: {  	[tilespmem:s30+$0x93D0] =	vst v8  }
0x316: {  	v8 =	vld.idx.msk [tilespmem:v62+s11+$0x0], $0xffff  }
0x317: {  	v63 =	vor.u32 $0x1F, v15;
	_ =	sdelay $0x3  }
0x318: {  	[tilespmem:s30+$0x93E0] =	vst v8  }
0x319: {  	s18 =	sadd.s32 $0x1, s18;
	v8 =	vld.idx.msk [tilespmem:v63+s11+$0x0], $0xffff  }
0x31a: {  	p0 =	sne.s32 s18, $0xC8  }
.Ltmp0:
0x31b: {  	_ = 	snop;
	(pc) =	sbr.rel @p0 .LBB2_2-.Ltmp0, $4  }
0x31c: {  	_ = 	snop  }
0x31d: {  	s31 =	sadd.s32 s5, s17;
	s17 =	sadd.s32 $0x4000, s17  }
0x31e: {  	s20 =	sor.u32 $0x8400, s30;
	s16 =	sadd.s32 $0x200, s16;
	s15 =	sadd.s32 $0x80, s15;
	[tilespmem:s30+$0x93F0] =	vst v8  }
0x31f: {  	[hbm4b:s31+s8] =	stream.strided.scatter [tilespmem:s20], [sflag:$0x2], $0x1000, s9, s8, $0x38;
	[tilespmem:$0xA400] =	vst v63  }
0x320: {  	s14 =	sadd.s32 $0x1, s14  }
0x321: {  	_ =	swait.ge [sflag:s13], $0x1000;
	p0 =	sne.s32 s14, s7  }
.Ltmp1:
0x322: {  	[sflag:s13] =	ssyncset.done $0x0;
	(pc) =	sbr.rel @p0 .LBB2_1-.Ltmp1, $4  }
0x323: {  	[sflag:s13] =	ssyncadd.s32 $0xFFFFF000  }
0x324: {  	_ =	swait.ge [sflag:s13], $0x1000  }
0x325: {  	[sflag:s13] =	ssyncset.done $0x0  }
0x326: {  	[sflag:s13] =	ssyncadd.s32 $0xFFFFF000  }
0x327: {  	_ =	sfence.sel $0x180000  }
0x328: {  	[bflag:$0x0] =	sbarrier.arrive $0xFFFF  }
0x329: {  	p0 =	sne.s32 s3, $0x0;
	_ =	strace $0x90000047  }
0x32a: {  	s0 =	sadd.s32 @!p0 $0x100000, s0;
	[bflag:$0x2] =	sbarrier.arrive $0xFFFF  }
0x32b: {  	[sflag:s0] =	ssyncadd.tile.s32 @!p0 $0x1;
	_ =	shalt  }
.Lfunc_end2:
_tile_overlayer_lowered:
.L_overlay_start_2:
0x32c: {  	(tag) =	ssettag $0x2  }
0x32d: {  	s0 =	rddreg [dreg:$0x0];
	s2 =	stileid.u32  }
0x32e: {  	s1 =	rddreg [dreg:$0x1];
	p0 =	sne.s32 s2, $0x0  }
0x32f: {  	s3 =	rddreg [dreg:$0x2];
	[bflag:$0x3] =	sbarrier.arrive $0xFFFF;
	s2 =	simm.s32 @!p0 $0x1C03  }
0x330: {  	[timem:s3], [sflag:s2] =	dma.local @!p0 [hbm:s0], s1  }
0x331: {  	s0 =	simm.s32 @!p0 $0x3  }
0x332: {  	_ =	swait.ge @!p0 [sflag:s0], s1  }
0x333: {  	s1 =	ssub.s32 @!p0 $0x0, s1;
	[sflag:s0] =	ssyncset.done @!p0 $0x0  }
0x334: {  	[sflag:s0] =	ssyncadd.s32 @!p0 s1  }
0x335: {  	[bflag:$0x3] =	sbarrier.arrive $0xFFFF  }
0x336: {  	_ =	shalt  }

</sc_bundles>
